<compile_context>
chip_gen: v7x
topology: tpu7x:2x2x1
jax: 0.10.2.dev20260603
libtpu: 0.0.44.dev20260713+nightly
codegen_flags: <defaults>
</compile_context>

<pallas_src>
import functools

import jax
import jax.numpy as jnp
from jax import lax
from jax.experimental import pallas as pl
from jax.experimental.pallas import tpu as pltpu
from jax.experimental.pallas import tpu_sc as plsc

B = 16384
EMB = 32
CHUNK = 256

_info = plsc.get_sparse_core_info()
_NC, _NS = _info.num_cores, _info.num_subcores
_NW = _NC * _NS
_BPW = B // _NW
_NCHUNK = _BPW // CHUNK


def _sc_gather3(user_table, item_table, idx3):
    mesh = plsc.VectorSubcoreMesh(core_axis_name="c", subcore_axis_name="s")
    out_t = jax.ShapeDtypeStruct((B, EMB), jnp.float32)

    @functools.partial(
        pl.kernel,
        mesh=mesh,
        out_type=[out_t, out_t, out_t],
        scratch_types=[
            pltpu.VMEM((3, _BPW), jnp.int32),
            pltpu.VMEM((CHUNK, EMB), jnp.float32),
            pltpu.VMEM((CHUNK, EMB), jnp.float32),
            pltpu.SemaphoreType.DMA,
            pltpu.SemaphoreType.DMA,
            pltpu.SemaphoreType.DMA,
        ],
    )
    def gather_kernel(ut_hbm, it_hbm, idx_hbm,
                      out_u, out_p, out_n,
                      iv, buf0, buf1, sem0, sem1, semw):
        wid = lax.axis_index("s") * _NC + lax.axis_index("c")
        base = wid * _BPW
        pltpu.sync_copy(idx_hbm.at[wid], iv)
        bufs = (buf0, buf1)
        sems = (sem0, sem1)

        def fire_chunk(tab, t, c, sbuf, sem):
            def blk_body(blk, carry):
                ivv = iv[t, pl.ds(c * CHUNK + blk * 16, 16)]
                for i in range(16):
                    pltpu.make_async_copy(
                        tab.at[pl.ds(ivv[i], 1)],
                        sbuf.at[pl.ds(blk * 16 + i, 1)],
                        sem).start()
                return carry
            lax.fori_loop(0, CHUNK // 16, blk_body, 0)

        def drain_chunk(tab, sbuf, sem):
            def blk_body(blk, carry):
                for i in range(16):
                    pltpu.make_async_copy(
                        tab.at[pl.ds(0, 1)],
                        sbuf.at[pl.ds(blk * 16 + i, 1)],
                        sem).wait()
                return carry
            lax.fori_loop(0, CHUNK // 16, blk_body, 0)

        tabs = (ut_hbm, it_hbm, it_hbm)
        outs = (out_u, out_p, out_n)
        steps = [(t, c) for t in range(3) for c in range(_NCHUNK)]
        fire_chunk(tabs[0], 0, 0, bufs[0], sems[0])
        for s, (t, c) in enumerate(steps):
            sbuf = bufs[s % 2]
            if s + 1 < len(steps):
                tn, cn = steps[s + 1]
                fire_chunk(tabs[tn], tn, cn, bufs[(s + 1) % 2],
                           sems[(s + 1) % 2])
            drain_chunk(tabs[t], sbuf, sems[s % 2])
            copy_out = pltpu.make_async_copy(
                sbuf, outs[t].at[pl.ds(base + c * CHUNK, CHUNK)], semw)
            copy_out.start()
            copy_out.wait()

    return gather_kernel(user_table, item_table, idx3)


def _tc_body(side_ref, w_ref, b_ref, ur_ref, pr_ref, nr_ref, pos_out, neg_out):
    us = jnp.dot(side_ref[...], w_ref[...], preferred_element_type=jnp.float32)
    us = jnp.maximum(us + b_ref[...], 0.0)
    ue = ur_ref[...] + us
    pos_out[...] = jnp.sum(ue * pr_ref[...], axis=1)
    neg_out[...] = jnp.sum(ue * nr_ref[...], axis=1)


def _tc_combine(side, W, b2d, u_rows, p_rows, n_rows):
    score_t = jax.ShapeDtypeStruct((B,), jnp.float32)
    return pl.pallas_call(
        _tc_body,
        out_shape=[score_t, score_t],
    )(side, W, b2d, u_rows, p_rows, n_rows)


def kernel(u, pos, neg, side, user_table, item_table, W, b):
    ui = u.reshape(-1).astype(jnp.int32)
    pi = pos.reshape(-1).astype(jnp.int32)
    ni = neg.reshape(-1).astype(jnp.int32)
    idx3 = jnp.stack([ui, pi, ni]).reshape(3, _NW, _BPW).transpose(1, 0, 2)

    u_rows, p_rows, n_rows = _sc_gather3(user_table, item_table, idx3)
    pos_s, neg_s = _tc_combine(side, W, b.reshape(1, EMB),
                               u_rows, p_rows, n_rows)
    return (pos_s, neg_s)

# --- scband reference (transcript-rebuilt; emitter-appended) ---
"""Pipeline reference for scband-two-tower-side-32014686224594 (READ-ONLY COPY).

The authoritative reference and input builder live on the scoring server;
editing this copy changes nothing except your own understanding.
"""

import jax, jax.numpy as jnp
import numpy as np

N_USERS = 1000000
N_ITEMS = 1000000
SIDE_DIM = 64
EMB_DIM = 32
BATCH = 16384


def setup_inputs(seed: int = 0) -> dict:
    key = jax.random.key(seed)
    k_u, k_p, k_n, k_s, k_ue, k_ie, k_w, k_b = jax.random.split(key, 8)
    u = jax.random.randint(k_u, (BATCH, 1), 0, N_USERS, dtype=jnp.int64) if jax.config.jax_enable_x64 else jax.random.randint(k_u, (BATCH, 1), 0, N_USERS).astype(jnp.int32)
    pos = jax.random.randint(k_p, (BATCH, 1), 0, N_ITEMS).astype(u.dtype)
    neg = jax.random.randint(k_n, (BATCH, 1), 0, N_ITEMS).astype(u.dtype)
    side = jax.random.normal(k_s, (BATCH, SIDE_DIM), dtype=jnp.float32)
    user_table = jax.random.normal(k_ue, (N_USERS, EMB_DIM), dtype=jnp.float32) * 0.01
    item_table = jax.random.normal(k_ie, (N_ITEMS, EMB_DIM), dtype=jnp.float32) * 0.01
    W = jax.random.normal(k_w, (SIDE_DIM, EMB_DIM), dtype=jnp.float32) * (1.0 / np.sqrt(SIDE_DIM))
    b = jnp.zeros((EMB_DIM,), dtype=jnp.float32)
    return {"u": u, "pos": pos, "neg": neg, "side": side,
            "user_table": user_table, "item_table": item_table, "W": W, "b": b}


def reference(u, pos, neg, side, user_table, item_table, W, b):
    # Embedding lookups (gather) followed by squeeze(1), matching torch
    u_id = jnp.take(user_table, u, axis=0).squeeze(1)      # [B, emb]
    pos_e = jnp.take(item_table, pos, axis=0).squeeze(1)   # [B, emb]
    neg_e = jnp.take(item_table, neg, axis=0).squeeze(1)   # [B, emb]
    # side MLP: Linear + ReLU
    u_side = jax.nn.relu(side @ W + b)                     # [B, emb]
    u_e = u_id + u_side
    pos_score = jnp.sum(u_e * pos_e, axis=1)               # [B]
    neg_score = jnp.sum(u_e * neg_e, axis=1)               # [B]
    return (pos_score, neg_score)

if __name__ == "__main__":
    import jax
    _d = setup_inputs()
    print(jax.jit(kernel)(*tuple(_d.values())))

</pallas_src>

<mosaic_0001>
#map = affine_map<(d0, d1) -> (0, 0)>
#map1 = affine_map<(d0, d1) -> (0, 0, 0)>
module attributes {stable_mosaic.version = 14 : i64} {
  func.func @gather_kernel(%arg0: i32, %arg1: i32, %arg2: memref<1000000x32xf32, #tpu.memory_space<hbm>>, %arg3: memref<1000000x32xf32, #tpu.memory_space<hbm>>, %arg4: memref<32x3x512xi32, #tpu.memory_space<hbm>>, %arg5: memref<16384x32xf32, #tpu.memory_space<hbm>>, %arg6: memref<16384x32xf32, #tpu.memory_space<hbm>>, %arg7: memref<16384x32xf32, #tpu.memory_space<hbm>>, %arg8: memref<3x512xi32, #tpu.memory_space<vmem>>, %arg9: memref<256x32xf32, #tpu.memory_space<vmem>>, %arg10: memref<256x32xf32, #tpu.memory_space<vmem>>, %arg11: memref<!tpu.dma_semaphore, #tpu.memory_space<semaphore_mem>>, %arg12: memref<!tpu.dma_semaphore, #tpu.memory_space<semaphore_mem>>, %arg13: memref<!tpu.dma_semaphore, #tpu.memory_space<semaphore_mem>>) attributes {dimension_semantics = [#tpu.dimension_semantics<core_parallel>, #tpu.dimension_semantics<subcore_parallel>], iteration_bounds = array<i64: 2, 16>, scalar_prefetch = 0 : i64, scratch_operands = 6 : i64, tpu.core_type = #tpu.core_type<sc_vector_subcore>, window_params = [{transform_indices = #map}, {transform_indices = #map}, {transform_indices = #map1}, {transform_indices = #map}, {transform_indices = #map}, {transform_indices = #map}]} {
    %mul3A = arith.constant 2 : i32
    %mul3A_0 = arith.muli %arg1, %mul3A : i32
    %add3A = arith.addi %mul3A_0, %arg0 : i32
    %mul3A_1 = arith.constant 512 : i32
    %mul3A_2 = arith.muli %add3A, %mul3A_1 : i32
    "tpu.region"() ({
      %run_scoped3A = tpu.sem_alloc : memref<!tpu.dma_semaphore, #tpu.memory_space<semaphore_mem>>
      %dma_start3A_132 = arith.constant 0 : i32
      %dma_start3A_133 = arith.constant 0 : i32
      %dma_start3A_134 = tpu.memref_slice %arg4[%add3A, %dma_start3A_132, %dma_start3A_133] : memref<32x3x512xi32, #tpu.memory_space<hbm>> -> memref<1x3x512xi32, #tpu.memory_space<hbm>>
      %dma_start3A_135 = tpu.memref_squeeze %dma_start3A_134 : memref<1x3x512xi32, #tpu.memory_space<hbm>> -> memref<3x512xi32, #tpu.memory_space<hbm>>
      %dma_start3A_136 = arith.constant 0 : i32
      %dma_start3A_137 = arith.constant 0 : i32
      %dma_start3A_138 = tpu.memref_slice %arg4[%add3A, %dma_start3A_136, %dma_start3A_137] : memref<32x3x512xi32, #tpu.memory_space<hbm>> -> memref<1x3x512xi32, #tpu.memory_space<hbm>>
      %dma_start3A_139 = tpu.memref_squeeze %dma_start3A_138 : memref<1x3x512xi32, #tpu.memory_space<hbm>> -> memref<3x512xi32, #tpu.memory_space<hbm>>
      tpu.enqueue_dma source(%dma_start3A_139 : memref<3x512xi32, #tpu.memory_space<hbm>>) target(%arg8 : memref<3x512xi32, #tpu.memory_space<vmem>>) target_semaphore(%run_scoped3A : memref<!tpu.dma_semaphore, #tpu.memory_space<semaphore_mem>>)
      %dma_wait3A_140 = arith.constant 0 : i32
      %dma_wait3A_141 = arith.constant 0 : i32
      %dma_wait3A_142 = tpu.memref_slice %arg4[%add3A, %dma_wait3A_140, %dma_wait3A_141] : memref<32x3x512xi32, #tpu.memory_space<hbm>> -> memref<1x3x512xi32, #tpu.memory_space<hbm>>
      %dma_wait3A_143 = tpu.memref_squeeze %dma_wait3A_142 : memref<1x3x512xi32, #tpu.memory_space<hbm>> -> memref<3x512xi32, #tpu.memory_space<hbm>>
      %dma_wait3A_144 = arith.constant 0 : i32
      %dma_wait3A_145 = arith.constant 0 : i32
      %dma_wait3A_146 = tpu.memref_slice %arg4[%add3A, %dma_wait3A_144, %dma_wait3A_145] : memref<32x3x512xi32, #tpu.memory_space<hbm>> -> memref<1x3x512xi32, #tpu.memory_space<hbm>>
      %dma_wait3A_147 = tpu.memref_squeeze %dma_wait3A_146 : memref<1x3x512xi32, #tpu.memory_space<hbm>> -> memref<3x512xi32, #tpu.memory_space<hbm>>
      tpu.wait_dma2 semaphore(%run_scoped3A : memref<!tpu.dma_semaphore, #tpu.memory_space<semaphore_mem>>) src(%dma_wait3A_147 : memref<3x512xi32, #tpu.memory_space<hbm>>) dst(%arg8 : memref<3x512xi32, #tpu.memory_space<vmem>>)
      tpu.yield
    }) : () -> ()
    %scan3A = arith.constant 0 : i32
    %scan3A_3 = arith.constant 0 : i32
    %scan3A_4 = arith.constant 16 : i32
    %scan3A_5 = arith.addi %scan3A_3, %scan3A_4 : i32
    %scan3A_6 = arith.constant 1 : i32
    scf.for %scan3A_132 = %scan3A_3 to %scan3A_5 step %scan3A_6  : i32 {
      %mul3A_133 = arith.constant 16 : i32
      %mul3A_134 = arith.muli %scan3A_132, %mul3A_133 : i32
      %add3A_135 = arith.constant 0 : i32
      %add3A_136 = arith.addi %add3A_135, %mul3A_134 : i32
      %get3A = arith.constant 0 : i32
      %get3A_137 = arith.index_cast %get3A : i32 to index
      %get3A_138 = arith.index_cast %add3A_136 : i32 to index
      %get3A_139 = tpu.vector_load %arg8[%get3A_137, %get3A_138] {strides = array<i32>} : memref<3x512xi32, #tpu.memory_space<vmem>>, vector<1x16xi32>,
      %get3A_140 = vector.shape_cast %get3A_139 : vector<1x16xi32> to vector<16xi32>
      %slice3A = vector.extract_strided_slice %get3A_140 {offsets = [0], sizes = [1], strides = [1]} : vector<16xi32> to vector<1xi32>
      %squeeze3A = vector.extract %slice3A[0] : i32 from vector<1xi32>
      %mul3A_141 = arith.constant 16 : i32
      %mul3A_142 = arith.muli %scan3A_132, %mul3A_141 : i32
      %add3A_143 = arith.constant 0 : i32
      %add3A_144 = arith.addi %mul3A_142, %add3A_143 : i32
      %dma_start3A_145 = arith.constant 0 : i32
      %dma_start3A_146 = tpu.memref_slice %arg9[%add3A_144, %dma_start3A_145] : memref<256x32xf32, #tpu.memory_space<vmem>> -> memref<1x32xf32, #tpu.memory_space<vmem>>
      %dma_start3A_147 = arith.constant 0 : i32
      %dma_start3A_148 = tpu.memref_slice %arg2[%squeeze3A, %dma_start3A_147] : memref<1000000x32xf32, #tpu.memory_space<hbm>> -> memref<1x32xf32, #tpu.memory_space<hbm>>
      %dma_start3A_149 = arith.constant 0 : i32
      %dma_start3A_150 = tpu.memref_slice %arg9[%add3A_144, %dma_start3A_149] : memref<256x32xf32, #tpu.memory_space<vmem>> -> memref<1x32xf32, #tpu.memory_space<vmem>>
      %dma_start3A_151 = arith.constant 0 : i32
      %dma_start3A_152 = tpu.memref_slice %arg2[%squeeze3A, %dma_start3A_151] : memref<1000000x32xf32, #tpu.memory_space<hbm>> -> memref<1x32xf32, #tpu.memory_space<hbm>>
      tpu.enqueue_dma source(%dma_start3A_152 : memref<1x32xf32, #tpu.memory_space<hbm>>) target(%dma_start3A_150 : memref<1x32xf32, #tpu.memory_space<vmem>>) target_semaphore(%arg11 : memref<!tpu.dma_semaphore, #tpu.memory_space<semaphore_mem>>)
      %slice3A_153 = vector.extract_strided_slice %get3A_140 {offsets = [1], sizes = [1], strides = [1]} : vector<16xi32> to vector<1xi32>
      %squeeze3A_154 = vector.extract %slice3A_153[0] : i32 from vector<1xi32>
      %mul3A_155 = arith.constant 16 : i32
      %mul3A_156 = arith.muli %scan3A_132, %mul3A_155 : i32
      %add3A_157 = arith.constant 1 : i32
      %add3A_158 = arith.addi %mul3A_156, %add3A_157 : i32
      %dma_start3A_159 = arith.constant 0 : i32
      %dma_start3A_160 = tpu.memref_slice %arg9[%add3A_158, %dma_start3A_159] : memref<256x32xf32, #tpu.memory_space<vmem>> -> memref<1x32xf32, #tpu.memory_space<vmem>>
      %dma_start3A_161 = arith.constant 0 : i32
      %dma_start3A_162 = tpu.memref_slice %arg2[%squeeze3A_154, %dma_start3A_161] : memref<1000000x32xf32, #tpu.memory_space<hbm>> -> memref<1x32xf32, #tpu.memory_space<hbm>>
      %dma_start3A_163 = arith.constant 0 : i32
      %dma_start3A_164 = tpu.memref_slice %arg9[%add3A_158, %dma_start3A_163] : memref<256x32xf32, #tpu.memory_space<vmem>> -> memref<1x32xf32, #tpu.memory_space<vmem>>
      %dma_start3A_165 = arith.constant 0 : i32
      %dma_start3A_166 = tpu.memref_slice %arg2[%squeeze3A_154, %dma_start3A_165] : memref<1000000x32xf32, #tpu.memory_space<hbm>> -> memref<1x32xf32, #tpu.memory_space<hbm>>
      tpu.enqueue_dma source(%dma_start3A_166 : memref<1x32xf32, #tpu.memory_space<hbm>>) target(%dma_start3A_164 : memref<1x32xf32, #tpu.memory_space<vmem>>) target_semaphore(%arg11 : memref<!tpu.dma_semaphore, #tpu.memory_space<semaphore_mem>>)
      %slice3A_167 = vector.extract_strided_slice %get3A_140 {offsets = [2], sizes = [1], strides = [1]} : vector<16xi32> to vector<1xi32>
      %squeeze3A_168 = vector.extract %slice3A_167[0] : i32 from vector<1xi32>
      %mul3A_169 = arith.constant 16 : i32
      %mul3A_170 = arith.muli %scan3A_132, %mul3A_169 : i32
      %add3A_171 = arith.constant 2 : i32
      %add3A_172 = arith.addi %mul3A_170, %add3A_171 : i32
      %dma_start3A_173 = arith.constant 0 : i32
      %dma_start3A_174 = tpu.memref_slice %arg9[%add3A_172, %dma_start3A_173] : memref<256x32xf32, #tpu.memory_space<vmem>> -> memref<1x32xf32, #tpu.memory_space<vmem>>
      %dma_start3A_175 = arith.constant 0 : i32
      %dma_start3A_176 = tpu.memref_slice %arg2[%squeeze3A_168, %dma_start3A_175] : memref<1000000x32xf32, #tpu.memory_space<hbm>> -> memref<1x32xf32, #tpu.memory_space<hbm>>
      %dma_start3A_177 = arith.constant 0 : i32
      %dma_start3A_178 = tpu.memref_slice %arg9[%add3A_172, %dma_start3A_177] : memref<256x32xf32, #tpu.memory_space<vmem>> -> memref<1x32xf32, #tpu.memory_space<vmem>>
      %dma_start3A_179 = arith.constant 0 : i32
      %dma_start3A_180 = tpu.memref_slice %arg2[%squeeze3A_168, %dma_start3A_179] : memref<1000000x32xf32, #tpu.memory_space<hbm>> -> memref<1x32xf32, #tpu.memory_space<hbm>>
      tpu.enqueue_dma source(%dma_start3A_180 : memref<1x32xf32, #tpu.memory_space<hbm>>) target(%dma_start3A_178 : memref<1x32xf32, #tpu.memory_space<vmem>>) target_semaphore(%arg11 : memref<!tpu.dma_semaphore, #tpu.memory_space<semaphore_mem>>)
      %slice3A_181 = vector.extract_strided_slice %get3A_140 {offsets = [3], sizes = [1], strides = [1]} : vector<16xi32> to vector<1xi32>
      %squeeze3A_182 = vector.extract %slice3A_181[0] : i32 from vector<1xi32>
      %mul3A_183 = arith.constant 16 : i32
      %mul3A_184 = arith.muli %scan3A_132, %mul3A_183 : i32
      %add3A_185 = arith.constant 3 : i32
      %add3A_186 = arith.addi %mul3A_184, %add3A_185 : i32
      %dma_start3A_187 = arith.constant 0 : i32
      %dma_start3A_188 = tpu.memref_slice %arg9[%add3A_186, %dma_start3A_187] : memref<256x32xf32, #tpu.memory_space<vmem>> -> memref<1x32xf32, #tpu.memory_space<vmem>>
      %dma_start3A_189 = arith.constant 0 : i32
      %dma_start3A_190 = tpu.memref_slice %arg2[%squeeze3A_182, %dma_start3A_189] : memref<1000000x32xf32, #tpu.memory_space<hbm>> -> memref<1x32xf32, #tpu.memory_space<hbm>>
      %dma_start3A_191 = arith.constant 0 : i32
      %dma_start3A_192 = tpu.memref_slice %arg9[%add3A_186, %dma_start3A_191] : memref<256x32xf32, #tpu.memory_space<vmem>> -> memref<1x32xf32, #tpu.memory_space<vmem>>
      %dma_start3A_193 = arith.constant 0 : i32
      %dma_start3A_194 = tpu.memref_slice %arg2[%squeeze3A_182, %dma_start3A_193] : memref<1000000x32xf32, #tpu.memory_space<hbm>> -> memref<1x32xf32, #tpu.memory_space<hbm>>
      tpu.enqueue_dma source(%dma_start3A_194 : memref<1x32xf32, #tpu.memory_space<hbm>>) target(%dma_start3A_192 : memref<1x32xf32, #tpu.memory_space<vmem>>) target_semaphore(%arg11 : memref<!tpu.dma_semaphore, #tpu.memory_space<semaphore_mem>>)
      %slice3A_195 = vector.extract_strided_slice %get3A_140 {offsets = [4], sizes = [1], strides = [1]} : vector<16xi32> to vector<1xi32>
      %squeeze3A_196 = vector.extract %slice3A_195[0] : i32 from vector<1xi32>
      %mul3A_197 = arith.constant 16 : i32
      %mul3A_198 = arith.muli %scan3A_132, %mul3A_197 : i32
      %add3A_199 = arith.constant 4 : i32
      %add3A_200 = arith.addi %mul3A_198, %add3A_199 : i32
      %dma_start3A_201 = arith.constant 0 : i32
      %dma_start3A_202 = tpu.memref_slice %arg9[%add3A_200, %dma_start3A_201] : memref<256x32xf32, #tpu.memory_space<vmem>> -> memref<1x32xf32, #tpu.memory_space<vmem>>
      %dma_start3A_203 = arith.constant 0 : i32
      %dma_start3A_204 = tpu.memref_slice %arg2[%squeeze3A_196, %dma_start3A_203] : memref<1000000x32xf32, #tpu.memory_space<hbm>> -> memref<1x32xf32, #tpu.memory_space<hbm>>
      %dma_start3A_205 = arith.constant 0 : i32
      %dma_start3A_206 = tpu.memref_slice %arg9[%add3A_200, %dma_start3A_205] : memref<256x32xf32, #tpu.memory_space<vmem>> -> memref<1x32xf32, #tpu.memory_space<vmem>>
      %dma_start3A_207 = arith.constant 0 : i32
      %dma_start3A_208 = tpu.memref_slice %arg2[%squeeze3A_196, %dma_start3A_207] : memref<1000000x32xf32, #tpu.memory_space<hbm>> -> memref<1x32xf32, #tpu.memory_space<hbm>>
      tpu.enqueue_dma source(%dma_start3A_208 : memref<1x32xf32, #tpu.memory_space<hbm>>) target(%dma_start3A_206 : memref<1x32xf32, #tpu.memory_space<vmem>>) target_semaphore(%arg11 : memref<!tpu.dma_semaphore, #tpu.memory_space<semaphore_mem>>)
      %slice3A_209 = vector.extract_strided_slice %get3A_140 {offsets = [5], sizes = [1], strides = [1]} : vector<16xi32> to vector<1xi32>
      %squeeze3A_210 = vector.extract %slice3A_209[0] : i32 from vector<1xi32>
      %mul3A_211 = arith.constant 16 : i32
      %mul3A_212 = arith.muli %scan3A_132, %mul3A_211 : i32
      %add3A_213 = arith.constant 5 : i32
      %add3A_214 = arith.addi %mul3A_212, %add3A_213 : i32
      %dma_start3A_215 = arith.constant 0 : i32
      %dma_start3A_216 = tpu.memref_slice %arg9[%add3A_214, %dma_start3A_215] : memref<256x32xf32, #tpu.memory_space<vmem>> -> memref<1x32xf32, #tpu.memory_space<vmem>>
      %dma_start3A_217 = arith.constant 0 : i32
      %dma_start3A_218 = tpu.memref_slice %arg2[%squeeze3A_210, %dma_start3A_217] : memref<1000000x32xf32, #tpu.memory_space<hbm>> -> memref<1x32xf32, #tpu.memory_space<hbm>>
      %dma_start3A_219 = arith.constant 0 : i32
      %dma_start3A_220 = tpu.memref_slice %arg9[%add3A_214, %dma_start3A_219] : memref<256x32xf32, #tpu.memory_space<vmem>> -> memref<1x32xf32, #tpu.memory_space<vmem>>
      %dma_start3A_221 = arith.constant 0 : i32
      %dma_start3A_222 = tpu.memref_slice %arg2[%squeeze3A_210, %dma_start3A_221] : memref<1000000x32xf32, #tpu.memory_space<hbm>> -> memref<1x32xf32, #tpu.memory_space<hbm>>
      tpu.enqueue_dma source(%dma_start3A_222 : memref<1x32xf32, #tpu.memory_space<hbm>>) target(%dma_start3A_220 : memref<1x32xf32, #tpu.memory_space<vmem>>) target_semaphore(%arg11 : memref<!tpu.dma_semaphore, #tpu.memory_space<semaphore_mem>>)
      %slice3A_223 = vector.extract_strided_slice %get3A_140 {offsets = [6], sizes = [1], strides = [1]} : vector<16xi32> to vector<1xi32>
      %squeeze3A_224 = vector.extract %slice3A_223[0] : i32 from vector<1xi32>
      %mul3A_225 = arith.constant 16 : i32
      %mul3A_226 = arith.muli %scan3A_132, %mul3A_225 : i32
      %add3A_227 = arith.constant 6 : i32
      %add3A_228 = arith.addi %mul3A_226, %add3A_227 : i32
      %dma_start3A_229 = arith.constant 0 : i32
      %dma_start3A_230 = tpu.memref_slice %arg9[%add3A_228, %dma_start3A_229] : memref<256x32xf32, #tpu.memory_space<vmem>> -> memref<1x32xf32, #tpu.memory_space<vmem>>
      %dma_start3A_231 = arith.constant 0 : i32
      %dma_start3A_232 = tpu.memref_slice %arg2[%squeeze3A_224, %dma_start3A_231] : memref<1000000x32xf32, #tpu.memory_space<hbm>> -> memref<1x32xf32, #tpu.memory_space<hbm>>
      %dma_start3A_233 = arith.constant 0 : i32
      %dma_start3A_234 = tpu.memref_slice %arg9[%add3A_228, %dma_start3A_233] : memref<256x32xf32, #tpu.memory_space<vmem>> -> memref<1x32xf32, #tpu.memory_space<vmem>>
      %dma_start3A_235 = arith.constant 0 : i32
      %dma_start3A_236 = tpu.memref_slice %arg2[%squeeze3A_224, %dma_start3A_235] : memref<1000000x32xf32, #tpu.memory_space<hbm>> -> memref<1x32xf32, #tpu.memory_space<hbm>>
      tpu.enqueue_dma source(%dma_start3A_236 : memref<1x32xf32, #tpu.memory_space<hbm>>) target(%dma_start3A_234 : memref<1x32xf32, #tpu.memory_space<vmem>>) target_semaphore(%arg11 : memref<!tpu.dma_semaphore, #tpu.memory_space<semaphore_mem>>)
      %slice3A_237 = vector.extract_strided_slice %get3A_140 {offsets = [7], sizes = [1], strides = [1]} : vector<16xi32> to vector<1xi32>
      %squeeze3A_238 = vector.extract %slice3A_237[0] : i32 from vector<1xi32>
      %mul3A_239 = arith.constant 16 : i32
      %mul3A_240 = arith.muli %scan3A_132, %mul3A_239 : i32
      %add3A_241 = arith.constant 7 : i32
      %add3A_242 = arith.addi %mul3A_240, %add3A_241 : i32
      %dma_start3A_243 = arith.constant 0 : i32
      %dma_start3A_244 = tpu.memref_slice %arg9[%add3A_242, %dma_start3A_243] : memref<256x32xf32, #tpu.memory_space<vmem>> -> memref<1x32xf32, #tpu.memory_space<vmem>>
      %dma_start3A_245 = arith.constant 0 : i32
      %dma_start3A_246 = tpu.memref_slice %arg2[%squeeze3A_238, %dma_start3A_245] : memref<1000000x32xf32, #tpu.memory_space<hbm>> -> memref<1x32xf32, #tpu.memory_space<hbm>>
      %dma_start3A_247 = arith.constant 0 : i32
      %dma_start3A_248 = tpu.memref_slice %arg9[%add3A_242, %dma_start3A_247] : memref<256x32xf32, #tpu.memory_space<vmem>> -> memref<1x32xf32, #tpu.memory_space<vmem>>
      %dma_start3A_249 = arith.constant 0 : i32
      %dma_start3A_250 = tpu.memref_slice %arg2[%squeeze3A_238, %dma_start3A_249] : memref<1000000x32xf32, #tpu.memory_space<hbm>> -> memref<1x32xf32, #tpu.memory_space<hbm>>
      tpu.enqueue_dma source(%dma_start3A_250 : memref<1x32xf32, #tpu.memory_space<hbm>>) target(%dma_start3A_248 : memref<1x32xf32, #tpu.memory_space<vmem>>) target_semaphore(%arg11 : memref<!tpu.dma_semaphore, #tpu.memory_space<semaphore_mem>>)
      %slice3A_251 = vector.extract_strided_slice %get3A_140 {offsets = [8], sizes = [1], strides = [1]} : vector<16xi32> to vector<1xi32>
      %squeeze3A_252 = vector.extract %slice3A_251[0] : i32 from vector<1xi32>
      %mul3A_253 = arith.constant 16 : i32
      %mul3A_254 = arith.muli %scan3A_132, %mul3A_253 : i32
      %add3A_255 = arith.constant 8 : i32
      %add3A_256 = arith.addi %mul3A_254, %add3A_255 : i32
      %dma_start3A_257 = arith.constant 0 : i32
      %dma_start3A_258 = tpu.memref_slice %arg9[%add3A_256, %dma_start3A_257] : memref<256x32xf32, #tpu.memory_space<vmem>> -> memref<1x32xf32, #tpu.memory_space<vmem>>
      %dma_start3A_259 = arith.constant 0 : i32
      %dma_start3A_260 = tpu.memref_slice %arg2[%squeeze3A_252, %dma_start3A_259] : memref<1000000x32xf32, #tpu.memory_space<hbm>> -> memref<1x32xf32, #tpu.memory_space<hbm>>
      %dma_start3A_261 = arith.constant 0 : i32
      %dma_start3A_262 = tpu.memref_slice %arg9[%add3A_256, %dma_start3A_261] : memref<256x32xf32, #tpu.memory_space<vmem>> -> memref<1x32xf32, #tpu.memory_space<vmem>>
      %dma_start3A_263 = arith.constant 0 : i32
      %dma_start3A_264 = tpu.memref_slice %arg2[%squeeze3A_252, %dma_start3A_263] : memref<1000000x32xf32, #tpu.memory_space<hbm>> -> memref<1x32xf32, #tpu.memory_space<hbm>>
      tpu.enqueue_dma source(%dma_start3A_264 : memref<1x32xf32, #tpu.memory_space<hbm>>) target(%dma_start3A_262 : memref<1x32xf32, #tpu.memory_space<vmem>>) target_semaphore(%arg11 : memref<!tpu.dma_semaphore, #tpu.memory_space<semaphore_mem>>)
      %slice3A_265 = vector.extract_strided_slice %get3A_140 {offsets = [9], sizes = [1], strides = [1]} : vector<16xi32> to vector<1xi32>
      %squeeze3A_266 = vector.extract %slice3A_265[0] : i32 from vector<1xi32>
      %mul3A_267 = arith.constant 16 : i32
      %mul3A_268 = arith.muli %scan3A_132, %mul3A_267 : i32
      %add3A_269 = arith.constant 9 : i32
      %add3A_270 = arith.addi %mul3A_268, %add3A_269 : i32
      %dma_start3A_271 = arith.constant 0 : i32
      %dma_start3A_272 = tpu.memref_slice %arg9[%add3A_270, %dma_start3A_271] : memref<256x32xf32, #tpu.memory_space<vmem>> -> memref<1x32xf32, #tpu.memory_space<vmem>>
      %dma_start3A_273 = arith.constant 0 : i32
      %dma_start3A_274 = tpu.memref_slice %arg2[%squeeze3A_266, %dma_start3A_273] : memref<1000000x32xf32, #tpu.memory_space<hbm>> -> memref<1x32xf32, #tpu.memory_space<hbm>>
      %dma_start3A_275 = arith.constant 0 : i32
      %dma_start3A_276 = tpu.memref_slice %arg9[%add3A_270, %dma_start3A_275] : memref<256x32xf32, #tpu.memory_space<vmem>> -> memref<1x32xf32, #tpu.memory_space<vmem>>
      %dma_start3A_277 = arith.constant 0 : i32
      %dma_start3A_278 = tpu.memref_slice %arg2[%squeeze3A_266, %dma_start3A_277] : memref<1000000x32xf32, #tpu.memory_space<hbm>> -> memref<1x32xf32, #tpu.memory_space<hbm>>
      tpu.enqueue_dma source(%dma_start3A_278 : memref<1x32xf32, #tpu.memory_space<hbm>>) target(%dma_start3A_276 : memref<1x32xf32, #tpu.memory_space<vmem>>) target_semaphore(%arg11 : memref<!tpu.dma_semaphore, #tpu.memory_space<semaphore_mem>>)
      %slice3A_279 = vector.extract_strided_slice %get3A_140 {offsets = [10], sizes = [1], strides = [1]} : vector<16xi32> to vector<1xi32>
      %squeeze3A_280 = vector.extract %slice3A_279[0] : i32 from vector<1xi32>
      %mul3A_281 = arith.constant 16 : i32
      %mul3A_282 = arith.muli %scan3A_132, %mul3A_281 : i32
      %add3A_283 = arith.constant 10 : i32
      %add3A_284 = arith.addi %mul3A_282, %add3A_283 : i32
      %dma_start3A_285 = arith.constant 0 : i32
      %dma_start3A_286 = tpu.memref_slice %arg9[%add3A_284, %dma_start3A_285] : memref<256x32xf32, #tpu.memory_space<vmem>> -> memref<1x32xf32, #tpu.memory_space<vmem>>
      %dma_start3A_287 = arith.constant 0 : i32
      %dma_start3A_288 = tpu.memref_slice %arg2[%squeeze3A_280, %dma_start3A_287] : memref<1000000x32xf32, #tpu.memory_space<hbm>> -> memref<1x32xf32, #tpu.memory_space<hbm>>
      %dma_start3A_289 = arith.constant 0 : i32
      %dma_start3A_290 = tpu.memref_slice %arg9[%add3A_284, %dma_start3A_289] : memref<256x32xf32, #tpu.memory_space<vmem>> -> memref<1x32xf32, #tpu.memory_space<vmem>>
      %dma_start3A_291 = arith.constant 0 : i32
      %dma_start3A_292 = tpu.memref_slice %arg2[%squeeze3A_280, %dma_start3A_291] : memref<1000000x32xf32, #tpu.memory_space<hbm>> -> memref<1x32xf32, #tpu.memory_space<hbm>>
      tpu.enqueue_dma source(%dma_start3A_292 : memref<1x32xf32, #tpu.memory_space<hbm>>) target(%dma_start3A_290 : memref<1x32xf32, #tpu.memory_space<vmem>>) target_semaphore(%arg11 : memref<!tpu.dma_semaphore, #tpu.memory_space<semaphore_mem>>)
      %slice3A_293 = vector.extract_strided_slice %get3A_140 {offsets = [11], sizes = [1], strides = [1]} : vector<16xi32> to vector<1xi32>
      %squeeze3A_294 = vector.extract %slice3A_293[0] : i32 from vector<1xi32>
      %mul3A_295 = arith.constant 16 : i32
      %mul3A_296 = arith.muli %scan3A_132, %mul3A_295 : i32
      %add3A_297 = arith.constant 11 : i32
      %add3A_298 = arith.addi %mul3A_296, %add3A_297 : i32
      %dma_start3A_299 = arith.constant 0 : i32
      %dma_start3A_300 = tpu.memref_slice %arg9[%add3A_298, %dma_start3A_299] : memref<256x32xf32, #tpu.memory_space<vmem>> -> memref<1x32xf32, #tpu.memory_space<vmem>>
      %dma_start3A_301 = arith.constant 0 : i32
      %dma_start3A_302 = tpu.memref_slice %arg2[%squeeze3A_294, %dma_start3A_301] : memref<1000000x32xf32, #tpu.memory_space<hbm>> -> memref<1x32xf32, #tpu.memory_space<hbm>>
      %dma_start3A_303 = arith.constant 0 : i32
      %dma_start3A_304 = tpu.memref_slice %arg9[%add3A_298, %dma_start3A_303] : memref<256x32xf32, #tpu.memory_space<vmem>> -> memref<1x32xf32, #tpu.memory_space<vmem>>
      %dma_start3A_305 = arith.constant 0 : i32
      %dma_start3A_306 = tpu.memref_slice %arg2[%squeeze3A_294, %dma_start3A_305] : memref<1000000x32xf32, #tpu.memory_space<hbm>> -> memref<1x32xf32, #tpu.memory_space<hbm>>
      tpu.enqueue_dma source(%dma_start3A_306 : memref<1x32xf32, #tpu.memory_space<hbm>>) target(%dma_start3A_304 : memref<1x32xf32, #tpu.memory_space<vmem>>) target_semaphore(%arg11 : memref<!tpu.dma_semaphore, #tpu.memory_space<semaphore_mem>>)
      %slice3A_307 = vector.extract_strided_slice %get3A_140 {offsets = [12], sizes = [1], strides = [1]} : vector<16xi32> to vector<1xi32>
      %squeeze3A_308 = vector.extract %slice3A_307[0] : i32 from vector<1xi32>
      %mul3A_309 = arith.constant 16 : i32
      %mul3A_310 = arith.muli %scan3A_132, %mul3A_309 : i32
      %add3A_311 = arith.constant 12 : i32
      %add3A_312 = arith.addi %mul3A_310, %add3A_311 : i32
      %dma_start3A_313 = arith.constant 0 : i32
      %dma_start3A_314 = tpu.memref_slice %arg9[%add3A_312, %dma_start3A_313] : memref<256x32xf32, #tpu.memory_space<vmem>> -> memref<1x32xf32, #tpu.memory_space<vmem>>
      %dma_start3A_315 = arith.constant 0 : i32
      %dma_start3A_316 = tpu.memref_slice %arg2[%squeeze3A_308, %dma_start3A_315] : memref<1000000x32xf32, #tpu.memory_space<hbm>> -> memref<1x32xf32, #tpu.memory_space<hbm>>
      %dma_start3A_317 = arith.constant 0 : i32
      %dma_start3A_318 = tpu.memref_slice %arg9[%add3A_312, %dma_start3A_317] : memref<256x32xf32, #tpu.memory_space<vmem>> -> memref<1x32xf32, #tpu.memory_space<vmem>>
      %dma_start3A_319 = arith.constant 0 : i32
      %dma_start3A_320 = tpu.memref_slice %arg2[%squeeze3A_308, %dma_start3A_319] : memref<1000000x32xf32, #tpu.memory_space<hbm>> -> memref<1x32xf32, #tpu.memory_space<hbm>>
      tpu.enqueue_dma source(%dma_start3A_320 : memref<1x32xf32, #tpu.memory_space<hbm>>) target(%dma_start3A_318 : memref<1x32xf32, #tpu.memory_space<vmem>>) target_semaphore(%arg11 : memref<!tpu.dma_semaphore, #tpu.memory_space<semaphore_mem>>)
      %slice3A_321 = vector.extract_strided_slice %get3A_140 {offsets = [13], sizes = [1], strides = [1]} : vector<16xi32> to vector<1xi32>
      %squeeze3A_322 = vector.extract %slice3A_321[0] : i32 from vector<1xi32>
      %mul3A_323 = arith.constant 16 : i32
      %mul3A_324 = arith.muli %scan3A_132, %mul3A_323 : i32
      %add3A_325 = arith.constant 13 : i32
      %add3A_326 = arith.addi %mul3A_324, %add3A_325 : i32
      %dma_start3A_327 = arith.constant 0 : i32
      %dma_start3A_328 = tpu.memref_slice %arg9[%add3A_326, %dma_start3A_327] : memref<256x32xf32, #tpu.memory_space<vmem>> -> memref<1x32xf32, #tpu.memory_space<vmem>>
      %dma_start3A_329 = arith.constant 0 : i32
      %dma_start3A_330 = tpu.memref_slice %arg2[%squeeze3A_322, %dma_start3A_329] : memref<1000000x32xf32, #tpu.memory_space<hbm>> -> memref<1x32xf32, #tpu.memory_space<hbm>>
      %dma_start3A_331 = arith.constant 0 : i32
      %dma_start3A_332 = tpu.memref_slice %arg9[%add3A_326, %dma_start3A_331] : memref<256x32xf32, #tpu.memory_space<vmem>> -> memref<1x32xf32, #tpu.memory_space<vmem>>
      %dma_start3A_333 = arith.constant 0 : i32
      %dma_start3A_334 = tpu.memref_slice %arg2[%squeeze3A_322, %dma_start3A_333] : memref<1000000x32xf32, #tpu.memory_space<hbm>> -> memref<1x32xf32, #tpu.memory_space<hbm>>
      tpu.enqueue_dma source(%dma_start3A_334 : memref<1x32xf32, #tpu.memory_space<hbm>>) target(%dma_start3A_332 : memref<1x32xf32, #tpu.memory_space<vmem>>) target_semaphore(%arg11 : memref<!tpu.dma_semaphore, #tpu.memory_space<semaphore_mem>>)
      %slice3A_335 = vector.extract_strided_slice %get3A_140 {offsets = [14], sizes = [1], strides = [1]} : vector<16xi32> to vector<1xi32>
      %squeeze3A_336 = vector.extract %slice3A_335[0] : i32 from vector<1xi32>
      %mul3A_337 = arith.constant 16 : i32
      %mul3A_338 = arith.muli %scan3A_132, %mul3A_337 : i32
      %add3A_339 = arith.constant 14 : i32
      %add3A_340 = arith.addi %mul3A_338, %add3A_339 : i32
      %dma_start3A_341 = arith.constant 0 : i32
      %dma_start3A_342 = tpu.memref_slice %arg9[%add3A_340, %dma_start3A_341] : memref<256x32xf32, #tpu.memory_space<vmem>> -> memref<1x32xf32, #tpu.memory_space<vmem>>
      %dma_start3A_343 = arith.constant 0 : i32
      %dma_start3A_344 = tpu.memref_slice %arg2[%squeeze3A_336, %dma_start3A_343] : memref<1000000x32xf32, #tpu.memory_space<hbm>> -> memref<1x32xf32, #tpu.memory_space<hbm>>
      %dma_start3A_345 = arith.constant 0 : i32
      %dma_start3A_346 = tpu.memref_slice %arg9[%add3A_340, %dma_start3A_345] : memref<256x32xf32, #tpu.memory_space<vmem>> -> memref<1x32xf32, #tpu.memory_space<vmem>>
      %dma_start3A_347 = arith.constant 0 : i32
      %dma_start3A_348 = tpu.memref_slice %arg2[%squeeze3A_336, %dma_start3A_347] : memref<1000000x32xf32, #tpu.memory_space<hbm>> -> memref<1x32xf32, #tpu.memory_space<hbm>>
      tpu.enqueue_dma source(%dma_start3A_348 : memref<1x32xf32, #tpu.memory_space<hbm>>) target(%dma_start3A_346 : memref<1x32xf32, #tpu.memory_space<vmem>>) target_semaphore(%arg11 : memref<!tpu.dma_semaphore, #tpu.memory_space<semaphore_mem>>)
      %slice3A_349 = vector.extract_strided_slice %get3A_140 {offsets = [15], sizes = [1], strides = [1]} : vector<16xi32> to vector<1xi32>
      %squeeze3A_350 = vector.extract %slice3A_349[0] : i32 from vector<1xi32>
      %mul3A_351 = arith.constant 16 : i32
      %mul3A_352 = arith.muli %scan3A_132, %mul3A_351 : i32
      %add3A_353 = arith.constant 15 : i32
      %add3A_354 = arith.addi %mul3A_352, %add3A_353 : i32
      %dma_start3A_355 = arith.constant 0 : i32
      %dma_start3A_356 = tpu.memref_slice %arg9[%add3A_354, %dma_start3A_355] : memref<256x32xf32, #tpu.memory_space<vmem>> -> memref<1x32xf32, #tpu.memory_space<vmem>>
      %dma_start3A_357 = arith.constant 0 : i32
      %dma_start3A_358 = tpu.memref_slice %arg2[%squeeze3A_350, %dma_start3A_357] : memref<1000000x32xf32, #tpu.memory_space<hbm>> -> memref<1x32xf32, #tpu.memory_space<hbm>>
      %dma_start3A_359 = arith.constant 0 : i32
      %dma_start3A_360 = tpu.memref_slice %arg9[%add3A_354, %dma_start3A_359] : memref<256x32xf32, #tpu.memory_space<vmem>> -> memref<1x32xf32, #tpu.memory_space<vmem>>
      %dma_start3A_361 = arith.constant 0 : i32
      %dma_start3A_362 = tpu.memref_slice %arg2[%squeeze3A_350, %dma_start3A_361] : memref<1000000x32xf32, #tpu.memory_space<hbm>> -> memref<1x32xf32, #tpu.memory_space<hbm>>
      tpu.enqueue_dma source(%dma_start3A_362 : memref<1x32xf32, #tpu.memory_space<hbm>>) target(%dma_start3A_360 : memref<1x32xf32, #tpu.memory_space<vmem>>) target_semaphore(%arg11 : memref<!tpu.dma_semaphore, #tpu.memory_space<semaphore_mem>>)
    }
    %scan3A_7 = arith.constant 16 : i32
    %scan3A_8 = arith.constant 0 : i32
    %scan3A_9 = arith.constant 0 : i32
    %scan3A_10 = arith.constant 16 : i32
    %scan3A_11 = arith.addi %scan3A_9, %scan3A_10 : i32
    %scan3A_12 = arith.constant 1 : i32
    scf.for %scan3A_132 = %scan3A_9 to %scan3A_11 step %scan3A_12  : i32 {
      %mul3A_133 = arith.constant 16 : i32
      %mul3A_134 = arith.muli %scan3A_132, %mul3A_133 : i32
      %add3A_135 = arith.constant 256 : i32
      %add3A_136 = arith.addi %add3A_135, %mul3A_134 : i32
      %get3A = arith.constant 0 : i32
      %get3A_137 = arith.index_cast %get3A : i32 to index
      %get3A_138 = arith.index_cast %add3A_136 : i32 to index
      %get3A_139 = tpu.vector_load %arg8[%get3A_137, %get3A_138] {strides = array<i32>} : memref<3x512xi32, #tpu.memory_space<vmem>>, vector<1x16xi32>,
      %get3A_140 = vector.shape_cast %get3A_139 : vector<1x16xi32> to vector<16xi32>
      %slice3A = vector.extract_strided_slice %get3A_140 {offsets = [0], sizes = [1], strides = [1]} : vector<16xi32> to vector<1xi32>
      %squeeze3A = vector.extract %slice3A[0] : i32 from vector<1xi32>
      %mul3A_141 = arith.constant 16 : i32
      %mul3A_142 = arith.muli %scan3A_132, %mul3A_141 : i32
      %add3A_143 = arith.constant 0 : i32
      %add3A_144 = arith.addi %mul3A_142, %add3A_143 : i32
      %dma_start3A_145 = arith.constant 0 : i32
      %dma_start3A_146 = tpu.memref_slice %arg10[%add3A_144, %dma_start3A_145] : memref<256x32xf32, #tpu.memory_space<vmem>> -> memref<1x32xf32, #tpu.memory_space<vmem>>
      %dma_start3A_147 = arith.constant 0 : i32
      %dma_start3A_148 = tpu.memref_slice %arg2[%squeeze3A, %dma_start3A_147] : memref<1000000x32xf32, #tpu.memory_space<hbm>> -> memref<1x32xf32, #tpu.memory_space<hbm>>
      %dma_start3A_149 = arith.constant 0 : i32
      %dma_start3A_150 = tpu.memref_slice %arg10[%add3A_144, %dma_start3A_149] : memref<256x32xf32, #tpu.memory_space<vmem>> -> memref<1x32xf32, #tpu.memory_space<vmem>>
      %dma_start3A_151 = arith.constant 0 : i32
      %dma_start3A_152 = tpu.memref_slice %arg2[%squeeze3A, %dma_start3A_151] : memref<1000000x32xf32, #tpu.memory_space<hbm>> -> memref<1x32xf32, #tpu.memory_space<hbm>>
      tpu.enqueue_dma source(%dma_start3A_152 : memref<1x32xf32, #tpu.memory_space<hbm>>) target(%dma_start3A_150 : memref<1x32xf32, #tpu.memory_space<vmem>>) target_semaphore(%arg12 : memref<!tpu.dma_semaphore, #tpu.memory_space<semaphore_mem>>)
      %slice3A_153 = vector.extract_strided_slice %get3A_140 {offsets = [1], sizes = [1], strides = [1]} : vector<16xi32> to vector<1xi32>
      %squeeze3A_154 = vector.extract %slice3A_153[0] : i32 from vector<1xi32>
      %mul3A_155 = arith.constant 16 : i32
      %mul3A_156 = arith.muli %scan3A_132, %mul3A_155 : i32
      %add3A_157 = arith.constant 1 : i32
      %add3A_158 = arith.addi %mul3A_156, %add3A_157 : i32
      %dma_start3A_159 = arith.constant 0 : i32
      %dma_start3A_160 = tpu.memref_slice %arg10[%add3A_158, %dma_start3A_159] : memref<256x32xf32, #tpu.memory_space<vmem>> -> memref<1x32xf32, #tpu.memory_space<vmem>>
      %dma_start3A_161 = arith.constant 0 : i32
      %dma_start3A_162 = tpu.memref_slice %arg2[%squeeze3A_154, %dma_start3A_161] : memref<1000000x32xf32, #tpu.memory_space<hbm>> -> memref<1x32xf32, #tpu.memory_space<hbm>>
      %dma_start3A_163 = arith.constant 0 : i32
      %dma_start3A_164 = tpu.memref_slice %arg10[%add3A_158, %dma_start3A_163] : memref<256x32xf32, #tpu.memory_space<vmem>> -> memref<1x32xf32, #tpu.memory_space<vmem>>
      %dma_start3A_165 = arith.constant 0 : i32
      %dma_start3A_166 = tpu.memref_slice %arg2[%squeeze3A_154, %dma_start3A_165] : memref<1000000x32xf32, #tpu.memory_space<hbm>> -> memref<1x32xf32, #tpu.memory_space<hbm>>
      tpu.enqueue_dma source(%dma_start3A_166 : memref<1x32xf32, #tpu.memory_space<hbm>>) target(%dma_start3A_164 : memref<1x32xf32, #tpu.memory_space<vmem>>) target_semaphore(%arg12 : memref<!tpu.dma_semaphore, #tpu.memory_space<semaphore_mem>>)
      %slice3A_167 = vector.extract_strided_slice %get3A_140 {offsets = [2], sizes = [1], strides = [1]} : vector<16xi32> to vector<1xi32>
      %squeeze3A_168 = vector.extract %slice3A_167[0] : i32 from vector<1xi32>
      %mul3A_169 = arith.constant 16 : i32
      %mul3A_170 = arith.muli %scan3A_132, %mul3A_169 : i32
      %add3A_171 = arith.constant 2 : i32
      %add3A_172 = arith.addi %mul3A_170, %add3A_171 : i32
      %dma_start3A_173 = arith.constant 0 : i32
      %dma_start3A_174 = tpu.memref_slice %arg10[%add3A_172, %dma_start3A_173] : memref<256x32xf32, #tpu.memory_space<vmem>> -> memref<1x32xf32, #tpu.memory_space<vmem>>
      %dma_start3A_175 = arith.constant 0 : i32
      %dma_start3A_176 = tpu.memref_slice %arg2[%squeeze3A_168, %dma_start3A_175] : memref<1000000x32xf32, #tpu.memory_space<hbm>> -> memref<1x32xf32, #tpu.memory_space<hbm>>
      %dma_start3A_177 = arith.constant 0 : i32
      %dma_start3A_178 = tpu.memref_slice %arg10[%add3A_172, %dma_start3A_177] : memref<256x32xf32, #tpu.memory_space<vmem>> -> memref<1x32xf32, #tpu.memory_space<vmem>>
      %dma_start3A_179 = arith.constant 0 : i32
      %dma_start3A_180 = tpu.memref_slice %arg2[%squeeze3A_168, %dma_start3A_179] : memref<1000000x32xf32, #tpu.memory_space<hbm>> -> memref<1x32xf32, #tpu.memory_space<hbm>>
      tpu.enqueue_dma source(%dma_start3A_180 : memref<1x32xf32, #tpu.memory_space<hbm>>) target(%dma_start3A_178 : memref<1x32xf32, #tpu.memory_space<vmem>>) target_semaphore(%arg12 : memref<!tpu.dma_semaphore, #tpu.memory_space<semaphore_mem>>)
      %slice3A_181 = vector.extract_strided_slice %get3A_140 {offsets = [3], sizes = [1], strides = [1]} : vector<16xi32> to vector<1xi32>
      %squeeze3A_182 = vector.extract %slice3A_181[0] : i32 from vector<1xi32>
      %mul3A_183 = arith.constant 16 : i32
      %mul3A_184 = arith.muli %scan3A_132, %mul3A_183 : i32
      %add3A_185 = arith.constant 3 : i32
      %add3A_186 = arith.addi %mul3A_184, %add3A_185 : i32
      %dma_start3A_187 = arith.constant 0 : i32
      %dma_start3A_188 = tpu.memref_slice %arg10[%add3A_186, %dma_start3A_187] : memref<256x32xf32, #tpu.memory_space<vmem>> -> memref<1x32xf32, #tpu.memory_space<vmem>>
      %dma_start3A_189 = arith.constant 0 : i32
      %dma_start3A_190 = tpu.memref_slice %arg2[%squeeze3A_182, %dma_start3A_189] : memref<1000000x32xf32, #tpu.memory_space<hbm>> -> memref<1x32xf32, #tpu.memory_space<hbm>>
      %dma_start3A_191 = arith.constant 0 : i32
      %dma_start3A_192 = tpu.memref_slice %arg10[%add3A_186, %dma_start3A_191] : memref<256x32xf32, #tpu.memory_space<vmem>> -> memref<1x32xf32, #tpu.memory_space<vmem>>
      %dma_start3A_193 = arith.constant 0 : i32
      %dma_start3A_194 = tpu.memref_slice %arg2[%squeeze3A_182, %dma_start3A_193] : memref<1000000x32xf32, #tpu.memory_space<hbm>> -> memref<1x32xf32, #tpu.memory_space<hbm>>
      tpu.enqueue_dma source(%dma_start3A_194 : memref<1x32xf32, #tpu.memory_space<hbm>>) target(%dma_start3A_192 : memref<1x32xf32, #tpu.memory_space<vmem>>) target_semaphore(%arg12 : memref<!tpu.dma_semaphore, #tpu.memory_space<semaphore_mem>>)
      %slice3A_195 = vector.extract_strided_slice %get3A_140 {offsets = [4], sizes = [1], strides = [1]} : vector<16xi32> to vector<1xi32>
      %squeeze3A_196 = vector.extract %slice3A_195[0] : i32 from vector<1xi32>
      %mul3A_197 = arith.constant 16 : i32
      %mul3A_198 = arith.muli %scan3A_132, %mul3A_197 : i32
      %add3A_199 = arith.constant 4 : i32
      %add3A_200 = arith.addi %mul3A_198, %add3A_199 : i32
      %dma_start3A_201 = arith.constant 0 : i32
      %dma_start3A_202 = tpu.memref_slice %arg10[%add3A_200, %dma_start3A_201] : memref<256x32xf32, #tpu.memory_space<vmem>> -> memref<1x32xf32, #tpu.memory_space<vmem>>
      %dma_start3A_203 = arith.constant 0 : i32
      %dma_start3A_204 = tpu.memref_slice %arg2[%squeeze3A_196, %dma_start3A_203] : memref<1000000x32xf32, #tpu.memory_space<hbm>> -> memref<1x32xf32, #tpu.memory_space<hbm>>
      %dma_start3A_205 = arith.constant 0 : i32
      %dma_start3A_206 = tpu.memref_slice %arg10[%add3A_200, %dma_start3A_205] : memref<256x32xf32, #tpu.memory_space<vmem>> -> memref<1x32xf32, #tpu.memory_space<vmem>>
      %dma_start3A_207 = arith.constant 0 : i32
      %dma_start3A_208 = tpu.memref_slice %arg2[%squeeze3A_196, %dma_start3A_207] : memref<1000000x32xf32, #tpu.memory_space<hbm>> -> memref<1x32xf32, #tpu.memory_space<hbm>>
      tpu.enqueue_dma source(%dma_start3A_208 : memref<1x32xf32, #tpu.memory_space<hbm>>) target(%dma_start3A_206 : memref<1x32xf32, #tpu.memory_space<vmem>>) target_semaphore(%arg12 : memref<!tpu.dma_semaphore, #tpu.memory_space<semaphore_mem>>)
      %slice3A_209 = vector.extract_strided_slice %get3A_140 {offsets = [5], sizes = [1], strides = [1]} : vector<16xi32> to vector<1xi32>
      %squeeze3A_210 = vector.extract %slice3A_209[0] : i32 from vector<1xi32>
      %mul3A_211 = arith.constant 16 : i32
      %mul3A_212 = arith.muli %scan3A_132, %mul3A_211 : i32
      %add3A_213 = arith.constant 5 : i32
      %add3A_214 = arith.addi %mul3A_212, %add3A_213 : i32
      %dma_start3A_215 = arith.constant 0 : i32
      %dma_start3A_216 = tpu.memref_slice %arg10[%add3A_214, %dma_start3A_215] : memref<256x32xf32, #tpu.memory_space<vmem>> -> memref<1x32xf32, #tpu.memory_space<vmem>>
      %dma_start3A_217 = arith.constant 0 : i32
      %dma_start3A_218 = tpu.memref_slice %arg2[%squeeze3A_210, %dma_start3A_217] : memref<1000000x32xf32, #tpu.memory_space<hbm>> -> memref<1x32xf32, #tpu.memory_space<hbm>>
      %dma_start3A_219 = arith.constant 0 : i32
      %dma_start3A_220 = tpu.memref_slice %arg10[%add3A_214, %dma_start3A_219] : memref<256x32xf32, #tpu.memory_space<vmem>> -> memref<1x32xf32, #tpu.memory_space<vmem>>
      %dma_start3A_221 = arith.constant 0 : i32
      %dma_start3A_222 = tpu.memref_slice %arg2[%squeeze3A_210, %dma_start3A_221] : memref<1000000x32xf32, #tpu.memory_space<hbm>> -> memref<1x32xf32, #tpu.memory_space<hbm>>
      tpu.enqueue_dma source(%dma_start3A_222 : memref<1x32xf32, #tpu.memory_space<hbm>>) target(%dma_start3A_220 : memref<1x32xf32, #tpu.memory_space<vmem>>) target_semaphore(%arg12 : memref<!tpu.dma_semaphore, #tpu.memory_space<semaphore_mem>>)
      %slice3A_223 = vector.extract_strided_slice %get3A_140 {offsets = [6], sizes = [1], strides = [1]} : vector<16xi32> to vector<1xi32>
      %squeeze3A_224 = vector.extract %slice3A_223[0] : i32 from vector<1xi32>
      %mul3A_225 = arith.constant 16 : i32
      %mul3A_226 = arith.muli %scan3A_132, %mul3A_225 : i32
      %add3A_227 = arith.constant 6 : i32
      %add3A_228 = arith.addi %mul3A_226, %add3A_227 : i32
      %dma_start3A_229 = arith.constant 0 : i32
      %dma_start3A_230 = tpu.memref_slice %arg10[%add3A_228, %dma_start3A_229] : memref<256x32xf32, #tpu.memory_space<vmem>> -> memref<1x32xf32, #tpu.memory_space<vmem>>
      %dma_start3A_231 = arith.constant 0 : i32
      %dma_start3A_232 = tpu.memref_slice %arg2[%squeeze3A_224, %dma_start3A_231] : memref<1000000x32xf32, #tpu.memory_space<hbm>> -> memref<1x32xf32, #tpu.memory_space<hbm>>
      %dma_start3A_233 = arith.constant 0 : i32
      %dma_start3A_234 = tpu.memref_slice %arg10[%add3A_228, %dma_start3A_233] : memref<256x32xf32, #tpu.memory_space<vmem>> -> memref<1x32xf32, #tpu.memory_space<vmem>>
      %dma_start3A_235 = arith.constant 0 : i32
      %dma_start3A_236 = tpu.memref_slice %arg2[%squeeze3A_224, %dma_start3A_235] : memref<1000000x32xf32, #tpu.memory_space<hbm>> -> memref<1x32xf32, #tpu.memory_space<hbm>>
      tpu.enqueue_dma source(%dma_start3A_236 : memref<1x32xf32, #tpu.memory_space<hbm>>) target(%dma_start3A_234 : memref<1x32xf32, #tpu.memory_space<vmem>>) target_semaphore(%arg12 : memref<!tpu.dma_semaphore, #tpu.memory_space<semaphore_mem>>)
      %slice3A_237 = vector.extract_strided_slice %get3A_140 {offsets = [7], sizes = [1], strides = [1]} : vector<16xi32> to vector<1xi32>
      %squeeze3A_238 = vector.extract %slice3A_237[0] : i32 from vector<1xi32>
      %mul3A_239 = arith.constant 16 : i32
      %mul3A_240 = arith.muli %scan3A_132, %mul3A_239 : i32
      %add3A_241 = arith.constant 7 : i32
      %add3A_242 = arith.addi %mul3A_240, %add3A_241 : i32
      %dma_start3A_243 = arith.constant 0 : i32
      %dma_start3A_244 = tpu.memref_slice %arg10[%add3A_242, %dma_start3A_243] : memref<256x32xf32, #tpu.memory_space<vmem>> -> memref<1x32xf32, #tpu.memory_space<vmem>>
      %dma_start3A_245 = arith.constant 0 : i32
      %dma_start3A_246 = tpu.memref_slice %arg2[%squeeze3A_238, %dma_start3A_245] : memref<1000000x32xf32, #tpu.memory_space<hbm>> -> memref<1x32xf32, #tpu.memory_space<hbm>>
      %dma_start3A_247 = arith.constant 0 : i32
      %dma_start3A_248 = tpu.memref_slice %arg10[%add3A_242, %dma_start3A_247] : memref<256x32xf32, #tpu.memory_space<vmem>> -> memref<1x32xf32, #tpu.memory_space<vmem>>
      %dma_start3A_249 = arith.constant 0 : i32
      %dma_start3A_250 = tpu.memref_slice %arg2[%squeeze3A_238, %dma_start3A_249] : memref<1000000x32xf32, #tpu.memory_space<hbm>> -> memref<1x32xf32, #tpu.memory_space<hbm>>
      tpu.enqueue_dma source(%dma_start3A_250 : memref<1x32xf32, #tpu.memory_space<hbm>>) target(%dma_start3A_248 : memref<1x32xf32, #tpu.memory_space<vmem>>) target_semaphore(%arg12 : memref<!tpu.dma_semaphore, #tpu.memory_space<semaphore_mem>>)
      %slice3A_251 = vector.extract_strided_slice %get3A_140 {offsets = [8], sizes = [1], strides = [1]} : vector<16xi32> to vector<1xi32>
      %squeeze3A_252 = vector.extract %slice3A_251[0] : i32 from vector<1xi32>
      %mul3A_253 = arith.constant 16 : i32
      %mul3A_254 = arith.muli %scan3A_132, %mul3A_253 : i32
      %add3A_255 = arith.constant 8 : i32
      %add3A_256 = arith.addi %mul3A_254, %add3A_255 : i32
      %dma_start3A_257 = arith.constant 0 : i32
      %dma_start3A_258 = tpu.memref_slice %arg10[%add3A_256, %dma_start3A_257] : memref<256x32xf32, #tpu.memory_space<vmem>> -> memref<1x32xf32, #tpu.memory_space<vmem>>
      %dma_start3A_259 = arith.constant 0 : i32
      %dma_start3A_260 = tpu.memref_slice %arg2[%squeeze3A_252, %dma_start3A_259] : memref<1000000x32xf32, #tpu.memory_space<hbm>> -> memref<1x32xf32, #tpu.memory_space<hbm>>
      %dma_start3A_261 = arith.constant 0 : i32
      %dma_start3A_262 = tpu.memref_slice %arg10[%add3A_256, %dma_start3A_261] : memref<256x32xf32, #tpu.memory_space<vmem>> -> memref<1x32xf32, #tpu.memory_space<vmem>>
      %dma_start3A_263 = arith.constant 0 : i32
      %dma_start3A_264 = tpu.memref_slice %arg2[%squeeze3A_252, %dma_start3A_263] : memref<1000000x32xf32, #tpu.memory_space<hbm>> -> memref<1x32xf32, #tpu.memory_space<hbm>>
      tpu.enqueue_dma source(%dma_start3A_264 : memref<1x32xf32, #tpu.memory_space<hbm>>) target(%dma_start3A_262 : memref<1x32xf32, #tpu.memory_space<vmem>>) target_semaphore(%arg12 : memref<!tpu.dma_semaphore, #tpu.memory_space<semaphore_mem>>)
      %slice3A_265 = vector.extract_strided_slice %get3A_140 {offsets = [9], sizes = [1], strides = [1]} : vector<16xi32> to vector<1xi32>
      %squeeze3A_266 = vector.extract %slice3A_265[0] : i32 from vector<1xi32>
      %mul3A_267 = arith.constant 16 : i32
      %mul3A_268 = arith.muli %scan3A_132, %mul3A_267 : i32
      %add3A_269 = arith.constant 9 : i32
      %add3A_270 = arith.addi %mul3A_268, %add3A_269 : i32
      %dma_start3A_271 = arith.constant 0 : i32
      %dma_start3A_272 = tpu.memref_slice %arg10[%add3A_270, %dma_start3A_271] : memref<256x32xf32, #tpu.memory_space<vmem>> -> memref<1x32xf32, #tpu.memory_space<vmem>>
      %dma_start3A_273 = arith.constant 0 : i32
      %dma_start3A_274 = tpu.memref_slice %arg2[%squeeze3A_266, %dma_start3A_273] : memref<1000000x32xf32, #tpu.memory_space<hbm>> -> memref<1x32xf32, #tpu.memory_space<hbm>>
      %dma_start3A_275 = arith.constant 0 : i32
      %dma_start3A_276 = tpu.memref_slice %arg10[%add3A_270, %dma_start3A_275] : memref<256x32xf32, #tpu.memory_space<vmem>> -> memref<1x32xf32, #tpu.memory_space<vmem>>
      %dma_start3A_277 = arith.constant 0 : i32
      %dma_start3A_278 = tpu.memref_slice %arg2[%squeeze3A_266, %dma_start3A_277] : memref<1000000x32xf32, #tpu.memory_space<hbm>> -> memref<1x32xf32, #tpu.memory_space<hbm>>
      tpu.enqueue_dma source(%dma_start3A_278 : memref<1x32xf32, #tpu.memory_space<hbm>>) target(%dma_start3A_276 : memref<1x32xf32, #tpu.memory_space<vmem>>) target_semaphore(%arg12 : memref<!tpu.dma_semaphore, #tpu.memory_space<semaphore_mem>>)
      %slice3A_279 = vector.extract_strided_slice %get3A_140 {offsets = [10], sizes = [1], strides = [1]} : vector<16xi32> to vector<1xi32>
      %squeeze3A_280 = vector.extract %slice3A_279[0] : i32 from vector<1xi32>
      %mul3A_281 = arith.constant 16 : i32
      %mul3A_282 = arith.muli %scan3A_132, %mul3A_281 : i32
      %add3A_283 = arith.constant 10 : i32
      %add3A_284 = arith.addi %mul3A_282, %add3A_283 : i32
      %dma_start3A_285 = arith.constant 0 : i32
      %dma_start3A_286 = tpu.memref_slice %arg10[%add3A_284, %dma_start3A_285] : memref<256x32xf32, #tpu.memory_space<vmem>> -> memref<1x32xf32, #tpu.memory_space<vmem>>
      %dma_start3A_287 = arith.constant 0 : i32
      %dma_start3A_288 = tpu.memref_slice %arg2[%squeeze3A_280, %dma_start3A_287] : memref<1000000x32xf32, #tpu.memory_space<hbm>> -> memref<1x32xf32, #tpu.memory_space<hbm>>
      %dma_start3A_289 = arith.constant 0 : i32
      %dma_start3A_290 = tpu.memref_slice %arg10[%add3A_284, %dma_start3A_289] : memref<256x32xf32, #tpu.memory_space<vmem>> -> memref<1x32xf32, #tpu.memory_space<vmem>>
      %dma_start3A_291 = arith.constant 0 : i32
      %dma_start3A_292 = tpu.memref_slice %arg2[%squeeze3A_280, %dma_start3A_291] : memref<1000000x32xf32, #tpu.memory_space<hbm>> -> memref<1x32xf32, #tpu.memory_space<hbm>>
      tpu.enqueue_dma source(%dma_start3A_292 : memref<1x32xf32, #tpu.memory_space<hbm>>) target(%dma_start3A_290 : memref<1x32xf32, #tpu.memory_space<vmem>>) target_semaphore(%arg12 : memref<!tpu.dma_semaphore, #tpu.memory_space<semaphore_mem>>)
      %slice3A_293 = vector.extract_strided_slice %get3A_140 {offsets = [11], sizes = [1], strides = [1]} : vector<16xi32> to vector<1xi32>
      %squeeze3A_294 = vector.extract %slice3A_293[0] : i32 from vector<1xi32>
      %mul3A_295 = arith.constant 16 : i32
      %mul3A_296 = arith.muli %scan3A_132, %mul3A_295 : i32
      %add3A_297 = arith.constant 11 : i32
      %add3A_298 = arith.addi %mul3A_296, %add3A_297 : i32
      %dma_start3A_299 = arith.constant 0 : i32
      %dma_start3A_300 = tpu.memref_slice %arg10[%add3A_298, %dma_start3A_299] : memref<256x32xf32, #tpu.memory_space<vmem>> -> memref<1x32xf32, #tpu.memory_space<vmem>>
      %dma_start3A_301 = arith.constant 0 : i32
      %dma_start3A_302 = tpu.memref_slice %arg2[%squeeze3A_294, %dma_start3A_301] : memref<1000000x32xf32, #tpu.memory_space<hbm>> -> memref<1x32xf32, #tpu.memory_space<hbm>>
      %dma_start3A_303 = arith.constant 0 : i32
      %dma_start3A_304 = tpu.memref_slice %arg10[%add3A_298, %dma_start3A_303] : memref<256x32xf32, #tpu.memory_space<vmem>> -> memref<1x32xf32, #tpu.memory_space<vmem>>
      %dma_start3A_305 = arith.constant 0 : i32
      %dma_start3A_306 = tpu.memref_slice %arg2[%squeeze3A_294, %dma_start3A_305] : memref<1000000x32xf32, #tpu.memory_space<hbm>> -> memref<1x32xf32, #tpu.memory_space<hbm>>
      tpu.enqueue_dma source(%dma_start3A_306 : memref<1x32xf32, #tpu.memory_space<hbm>>) target(%dma_start3A_304 : memref<1x32xf32, #tpu.memory_space<vmem>>) target_semaphore(%arg12 : memref<!tpu.dma_semaphore, #tpu.memory_space<semaphore_mem>>)
      %slice3A_307 = vector.extract_strided_slice %get3A_140 {offsets = [12], sizes = [1], strides = [1]} : vector<16xi32> to vector<1xi32>
      %squeeze3A_308 = vector.extract %slice3A_307[0] : i32 from vector<1xi32>
      %mul3A_309 = arith.constant 16 : i32
      %mul3A_310 = arith.muli %scan3A_132, %mul3A_309 : i32
      %add3A_311 = arith.constant 12 : i32
      %add3A_312 = arith.addi %mul3A_310, %add3A_311 : i32
      %dma_start3A_313 = arith.constant 0 : i32
      %dma_start3A_314 = tpu.memref_slice %arg10[%add3A_312, %dma_start3A_313] : memref<256x32xf32, #tpu.memory_space<vmem>> -> memref<1x32xf32, #tpu.memory_space<vmem>>
      %dma_start3A_315 = arith.constant 0 : i32
      %dma_start3A_316 = tpu.memref_slice %arg2[%squeeze3A_308, %dma_start3A_315] : memref<1000000x32xf32, #tpu.memory_space<hbm>> -> memref<1x32xf32, #tpu.memory_space<hbm>>
      %dma_start3A_317 = arith.constant 0 : i32
      %dma_start3A_318 = tpu.memref_slice %arg10[%add3A_312, %dma_start3A_317] : memref<256x32xf32, #tpu.memory_space<vmem>> -> memref<1x32xf32, #tpu.memory_space<vmem>>
      %dma_start3A_319 = arith.constant 0 : i32
      %dma_start3A_320 = tpu.memref_slice %arg2[%squeeze3A_308, %dma_start3A_319] : memref<1000000x32xf32, #tpu.memory_space<hbm>> -> memref<1x32xf32, #tpu.memory_space<hbm>>
      tpu.enqueue_dma source(%dma_start3A_320 : memref<1x32xf32, #tpu.memory_space<hbm>>) target(%dma_start3A_318 : memref<1x32xf32, #tpu.memory_space<vmem>>) target_semaphore(%arg12 : memref<!tpu.dma_semaphore, #tpu.memory_space<semaphore_mem>>)
      %slice3A_321 = vector.extract_strided_slice %get3A_140 {offsets = [13], sizes = [1], strides = [1]} : vector<16xi32> to vector<1xi32>
      %squeeze3A_322 = vector.extract %slice3A_321[0] : i32 from vector<1xi32>
      %mul3A_323 = arith.constant 16 : i32
      %mul3A_324 = arith.muli %scan3A_132, %mul3A_323 : i32
      %add3A_325 = arith.constant 13 : i32
      %add3A_326 = arith.addi %mul3A_324, %add3A_325 : i32
      %dma_start3A_327 = arith.constant 0 : i32
      %dma_start3A_328 = tpu.memref_slice %arg10[%add3A_326, %dma_start3A_327] : memref<256x32xf32, #tpu.memory_space<vmem>> -> memref<1x32xf32, #tpu.memory_space<vmem>>
      %dma_start3A_329 = arith.constant 0 : i32
      %dma_start3A_330 = tpu.memref_slice %arg2[%squeeze3A_322, %dma_start3A_329] : memref<1000000x32xf32, #tpu.memory_space<hbm>> -> memref<1x32xf32, #tpu.memory_space<hbm>>
      %dma_start3A_331 = arith.constant 0 : i32
      %dma_start3A_332 = tpu.memref_slice %arg10[%add3A_326, %dma_start3A_331] : memref<256x32xf32, #tpu.memory_space<vmem>> -> memref<1x32xf32, #tpu.memory_space<vmem>>
      %dma_start3A_333 = arith.constant 0 : i32
      %dma_start3A_334 = tpu.memref_slice %arg2[%squeeze3A_322, %dma_start3A_333] : memref<1000000x32xf32, #tpu.memory_space<hbm>> -> memref<1x32xf32, #tpu.memory_space<hbm>>
      tpu.enqueue_dma source(%dma_start3A_334 : memref<1x32xf32, #tpu.memory_space<hbm>>) target(%dma_start3A_332 : memref<1x32xf32, #tpu.memory_space<vmem>>) target_semaphore(%arg12 : memref<!tpu.dma_semaphore, #tpu.memory_space<semaphore_mem>>)
      %slice3A_335 = vector.extract_strided_slice %get3A_140 {offsets = [14], sizes = [1], strides = [1]} : vector<16xi32> to vector<1xi32>
      %squeeze3A_336 = vector.extract %slice3A_335[0] : i32 from vector<1xi32>
      %mul3A_337 = arith.constant 16 : i32
      %mul3A_338 = arith.muli %scan3A_132, %mul3A_337 : i32
      %add3A_339 = arith.constant 14 : i32
      %add3A_340 = arith.addi %mul3A_338, %add3A_339 : i32
      %dma_start3A_341 = arith.constant 0 : i32
      %dma_start3A_342 = tpu.memref_slice %arg10[%add3A_340, %dma_start3A_341] : memref<256x32xf32, #tpu.memory_space<vmem>> -> memref<1x32xf32, #tpu.memory_space<vmem>>
      %dma_start3A_343 = arith.constant 0 : i32
      %dma_start3A_344 = tpu.memref_slice %arg2[%squeeze3A_336, %dma_start3A_343] : memref<1000000x32xf32, #tpu.memory_space<hbm>> -> memref<1x32xf32, #tpu.memory_space<hbm>>
      %dma_start3A_345 = arith.constant 0 : i32
      %dma_start3A_346 = tpu.memref_slice %arg10[%add3A_340, %dma_start3A_345] : memref<256x32xf32, #tpu.memory_space<vmem>> -> memref<1x32xf32, #tpu.memory_space<vmem>>
      %dma_start3A_347 = arith.constant 0 : i32
      %dma_start3A_348 = tpu.memref_slice %arg2[%squeeze3A_336, %dma_start3A_347] : memref<1000000x32xf32, #tpu.memory_space<hbm>> -> memref<1x32xf32, #tpu.memory_space<hbm>>
      tpu.enqueue_dma source(%dma_start3A_348 : memref<1x32xf32, #tpu.memory_space<hbm>>) target(%dma_start3A_346 : memref<1x32xf32, #tpu.memory_space<vmem>>) target_semaphore(%arg12 : memref<!tpu.dma_semaphore, #tpu.memory_space<semaphore_mem>>)
      %slice3A_349 = vector.extract_strided_slice %get3A_140 {offsets = [15], sizes = [1], strides = [1]} : vector<16xi32> to vector<1xi32>
      %squeeze3A_350 = vector.extract %slice3A_349[0] : i32 from vector<1xi32>
      %mul3A_351 = arith.constant 16 : i32
      %mul3A_352 = arith.muli %scan3A_132, %mul3A_351 : i32
      %add3A_353 = arith.constant 15 : i32
      %add3A_354 = arith.addi %mul3A_352, %add3A_353 : i32
      %dma_start3A_355 = arith.constant 0 : i32
      %dma_start3A_356 = tpu.memref_slice %arg10[%add3A_354, %dma_start3A_355] : memref<256x32xf32, #tpu.memory_space<vmem>> -> memref<1x32xf32, #tpu.memory_space<vmem>>
      %dma_start3A_357 = arith.constant 0 : i32
      %dma_start3A_358 = tpu.memref_slice %arg2[%squeeze3A_350, %dma_start3A_357] : memref<1000000x32xf32, #tpu.memory_space<hbm>> -> memref<1x32xf32, #tpu.memory_space<hbm>>
      %dma_start3A_359 = arith.constant 0 : i32
      %dma_start3A_360 = tpu.memref_slice %arg10[%add3A_354, %dma_start3A_359] : memref<256x32xf32, #tpu.memory_space<vmem>> -> memref<1x32xf32, #tpu.memory_space<vmem>>
      %dma_start3A_361 = arith.constant 0 : i32
      %dma_start3A_362 = tpu.memref_slice %arg2[%squeeze3A_350, %dma_start3A_361] : memref<1000000x32xf32, #tpu.memory_space<hbm>> -> memref<1x32xf32, #tpu.memory_space<hbm>>
      tpu.enqueue_dma source(%dma_start3A_362 : memref<1x32xf32, #tpu.memory_space<hbm>>) target(%dma_start3A_360 : memref<1x32xf32, #tpu.memory_space<vmem>>) target_semaphore(%arg12 : memref<!tpu.dma_semaphore, #tpu.memory_space<semaphore_mem>>)
    }
    %scan3A_13 = arith.constant 16 : i32
    %scan3A_14 = arith.constant 0 : i32
    %scan3A_15 = arith.constant 0 : i32
    %scan3A_16 = arith.constant 16 : i32
    %scan3A_17 = arith.addi %scan3A_15, %scan3A_16 : i32
    %scan3A_18 = arith.constant 1 : i32
    scf.for %scan3A_132 = %scan3A_15 to %scan3A_17 step %scan3A_18  : i32 {
      %mul3A_133 = arith.constant 16 : i32
      %mul3A_134 = arith.muli %scan3A_132, %mul3A_133 : i32
      %add3A_135 = arith.constant 0 : i32
      %add3A_136 = arith.addi %mul3A_134, %add3A_135 : i32
      %dma_wait3A_137 = arith.constant 0 : i32
      %dma_wait3A_138 = tpu.memref_slice %arg9[%add3A_136, %dma_wait3A_137] : memref<256x32xf32, #tpu.memory_space<vmem>> -> memref<1x32xf32, #tpu.memory_space<vmem>>
      %dma_wait3A_139 = arith.constant 0 : i32
      %dma_wait3A_140 = arith.constant 0 : i32
      %dma_wait3A_141 = tpu.memref_slice %arg2[%dma_wait3A_139, %dma_wait3A_140] : memref<1000000x32xf32, #tpu.memory_space<hbm>> -> memref<1x32xf32, #tpu.memory_space<hbm>>
      %dma_wait3A_142 = arith.constant 0 : i32
      %dma_wait3A_143 = tpu.memref_slice %arg9[%add3A_136, %dma_wait3A_142] : memref<256x32xf32, #tpu.memory_space<vmem>> -> memref<1x32xf32, #tpu.memory_space<vmem>>
      %dma_wait3A_144 = arith.constant 0 : i32
      %dma_wait3A_145 = arith.constant 0 : i32
      %dma_wait3A_146 = tpu.memref_slice %arg2[%dma_wait3A_144, %dma_wait3A_145] : memref<1000000x32xf32, #tpu.memory_space<hbm>> -> memref<1x32xf32, #tpu.memory_space<hbm>>
      tpu.wait_dma2 semaphore(%arg11 : memref<!tpu.dma_semaphore, #tpu.memory_space<semaphore_mem>>) src(%dma_wait3A_146 : memref<1x32xf32, #tpu.memory_space<hbm>>) dst(%dma_wait3A_143 : memref<1x32xf32, #tpu.memory_space<vmem>>)
      %mul3A_147 = arith.constant 16 : i32
      %mul3A_148 = arith.muli %scan3A_132, %mul3A_147 : i32
      %add3A_149 = arith.constant 1 : i32
      %add3A_150 = arith.addi %mul3A_148, %add3A_149 : i32
      %dma_wait3A_151 = arith.constant 0 : i32
      %dma_wait3A_152 = tpu.memref_slice %arg9[%add3A_150, %dma_wait3A_151] : memref<256x32xf32, #tpu.memory_space<vmem>> -> memref<1x32xf32, #tpu.memory_space<vmem>>
      %dma_wait3A_153 = arith.constant 0 : i32
      %dma_wait3A_154 = arith.constant 0 : i32
      %dma_wait3A_155 = tpu.memref_slice %arg2[%dma_wait3A_153, %dma_wait3A_154] : memref<1000000x32xf32, #tpu.memory_space<hbm>> -> memref<1x32xf32, #tpu.memory_space<hbm>>
      %dma_wait3A_156 = arith.constant 0 : i32
      %dma_wait3A_157 = tpu.memref_slice %arg9[%add3A_150, %dma_wait3A_156] : memref<256x32xf32, #tpu.memory_space<vmem>> -> memref<1x32xf32, #tpu.memory_space<vmem>>
      %dma_wait3A_158 = arith.constant 0 : i32
      %dma_wait3A_159 = arith.constant 0 : i32
      %dma_wait3A_160 = tpu.memref_slice %arg2[%dma_wait3A_158, %dma_wait3A_159] : memref<1000000x32xf32, #tpu.memory_space<hbm>> -> memref<1x32xf32, #tpu.memory_space<hbm>>
      tpu.wait_dma2 semaphore(%arg11 : memref<!tpu.dma_semaphore, #tpu.memory_space<semaphore_mem>>) src(%dma_wait3A_160 : memref<1x32xf32, #tpu.memory_space<hbm>>) dst(%dma_wait3A_157 : memref<1x32xf32, #tpu.memory_space<vmem>>)
      %mul3A_161 = arith.constant 16 : i32
      %mul3A_162 = arith.muli %scan3A_132, %mul3A_161 : i32
      %add3A_163 = arith.constant 2 : i32
      %add3A_164 = arith.addi %mul3A_162, %add3A_163 : i32
      %dma_wait3A_165 = arith.constant 0 : i32
      %dma_wait3A_166 = tpu.memref_slice %arg9[%add3A_164, %dma_wait3A_165] : memref<256x32xf32, #tpu.memory_space<vmem>> -> memref<1x32xf32, #tpu.memory_space<vmem>>
      %dma_wait3A_167 = arith.constant 0 : i32
      %dma_wait3A_168 = arith.constant 0 : i32
      %dma_wait3A_169 = tpu.memref_slice %arg2[%dma_wait3A_167, %dma_wait3A_168] : memref<1000000x32xf32, #tpu.memory_space<hbm>> -> memref<1x32xf32, #tpu.memory_space<hbm>>
      %dma_wait3A_170 = arith.constant 0 : i32
      %dma_wait3A_171 = tpu.memref_slice %arg9[%add3A_164, %dma_wait3A_170] : memref<256x32xf32, #tpu.memory_space<vmem>> -> memref<1x32xf32, #tpu.memory_space<vmem>>
      %dma_wait3A_172 = arith.constant 0 : i32
      %dma_wait3A_173 = arith.constant 0 : i32
      %dma_wait3A_174 = tpu.memref_slice %arg2[%dma_wait3A_172, %dma_wait3A_173] : memref<1000000x32xf32, #tpu.memory_space<hbm>> -> memref<1x32xf32, #tpu.memory_space<hbm>>
      tpu.wait_dma2 semaphore(%arg11 : memref<!tpu.dma_semaphore, #tpu.memory_space<semaphore_mem>>) src(%dma_wait3A_174 : memref<1x32xf32, #tpu.memory_space<hbm>>) dst(%dma_wait3A_171 : memref<1x32xf32, #tpu.memory_space<vmem>>)
      %mul3A_175 = arith.constant 16 : i32
      %mul3A_176 = arith.muli %scan3A_132, %mul3A_175 : i32
      %add3A_177 = arith.constant 3 : i32
      %add3A_178 = arith.addi %mul3A_176, %add3A_177 : i32
      %dma_wait3A_179 = arith.constant 0 : i32
      %dma_wait3A_180 = tpu.memref_slice %arg9[%add3A_178, %dma_wait3A_179] : memref<256x32xf32, #tpu.memory_space<vmem>> -> memref<1x32xf32, #tpu.memory_space<vmem>>
      %dma_wait3A_181 = arith.constant 0 : i32
      %dma_wait3A_182 = arith.constant 0 : i32
      %dma_wait3A_183 = tpu.memref_slice %arg2[%dma_wait3A_181, %dma_wait3A_182] : memref<1000000x32xf32, #tpu.memory_space<hbm>> -> memref<1x32xf32, #tpu.memory_space<hbm>>
      %dma_wait3A_184 = arith.constant 0 : i32
      %dma_wait3A_185 = tpu.memref_slice %arg9[%add3A_178, %dma_wait3A_184] : memref<256x32xf32, #tpu.memory_space<vmem>> -> memref<1x32xf32, #tpu.memory_space<vmem>>
      %dma_wait3A_186 = arith.constant 0 : i32
      %dma_wait3A_187 = arith.constant 0 : i32
      %dma_wait3A_188 = tpu.memref_slice %arg2[%dma_wait3A_186, %dma_wait3A_187] : memref<1000000x32xf32, #tpu.memory_space<hbm>> -> memref<1x32xf32, #tpu.memory_space<hbm>>
      tpu.wait_dma2 semaphore(%arg11 : memref<!tpu.dma_semaphore, #tpu.memory_space<semaphore_mem>>) src(%dma_wait3A_188 : memref<1x32xf32, #tpu.memory_space<hbm>>) dst(%dma_wait3A_185 : memref<1x32xf32, #tpu.memory_space<vmem>>)
      %mul3A_189 = arith.constant 16 : i32
      %mul3A_190 = arith.muli %scan3A_132, %mul3A_189 : i32
      %add3A_191 = arith.constant 4 : i32
      %add3A_192 = arith.addi %mul3A_190, %add3A_191 : i32
      %dma_wait3A_193 = arith.constant 0 : i32
      %dma_wait3A_194 = tpu.memref_slice %arg9[%add3A_192, %dma_wait3A_193] : memref<256x32xf32, #tpu.memory_space<vmem>> -> memref<1x32xf32, #tpu.memory_space<vmem>>
      %dma_wait3A_195 = arith.constant 0 : i32
      %dma_wait3A_196 = arith.constant 0 : i32
      %dma_wait3A_197 = tpu.memref_slice %arg2[%dma_wait3A_195, %dma_wait3A_196] : memref<1000000x32xf32, #tpu.memory_space<hbm>> -> memref<1x32xf32, #tpu.memory_space<hbm>>
      %dma_wait3A_198 = arith.constant 0 : i32
      %dma_wait3A_199 = tpu.memref_slice %arg9[%add3A_192, %dma_wait3A_198] : memref<256x32xf32, #tpu.memory_space<vmem>> -> memref<1x32xf32, #tpu.memory_space<vmem>>
      %dma_wait3A_200 = arith.constant 0 : i32
      %dma_wait3A_201 = arith.constant 0 : i32
      %dma_wait3A_202 = tpu.memref_slice %arg2[%dma_wait3A_200, %dma_wait3A_201] : memref<1000000x32xf32, #tpu.memory_space<hbm>> -> memref<1x32xf32, #tpu.memory_space<hbm>>
      tpu.wait_dma2 semaphore(%arg11 : memref<!tpu.dma_semaphore, #tpu.memory_space<semaphore_mem>>) src(%dma_wait3A_202 : memref<1x32xf32, #tpu.memory_space<hbm>>) dst(%dma_wait3A_199 : memref<1x32xf32, #tpu.memory_space<vmem>>)
      %mul3A_203 = arith.constant 16 : i32
      %mul3A_204 = arith.muli %scan3A_132, %mul3A_203 : i32
      %add3A_205 = arith.constant 5 : i32
      %add3A_206 = arith.addi %mul3A_204, %add3A_205 : i32
      %dma_wait3A_207 = arith.constant 0 : i32
      %dma_wait3A_208 = tpu.memref_slice %arg9[%add3A_206, %dma_wait3A_207] : memref<256x32xf32, #tpu.memory_space<vmem>> -> memref<1x32xf32, #tpu.memory_space<vmem>>
      %dma_wait3A_209 = arith.constant 0 : i32
      %dma_wait3A_210 = arith.constant 0 : i32
      %dma_wait3A_211 = tpu.memref_slice %arg2[%dma_wait3A_209, %dma_wait3A_210] : memref<1000000x32xf32, #tpu.memory_space<hbm>> -> memref<1x32xf32, #tpu.memory_space<hbm>>
      %dma_wait3A_212 = arith.constant 0 : i32
      %dma_wait3A_213 = tpu.memref_slice %arg9[%add3A_206, %dma_wait3A_212] : memref<256x32xf32, #tpu.memory_space<vmem>> -> memref<1x32xf32, #tpu.memory_space<vmem>>
      %dma_wait3A_214 = arith.constant 0 : i32
      %dma_wait3A_215 = arith.constant 0 : i32
      %dma_wait3A_216 = tpu.memref_slice %arg2[%dma_wait3A_214, %dma_wait3A_215] : memref<1000000x32xf32, #tpu.memory_space<hbm>> -> memref<1x32xf32, #tpu.memory_space<hbm>>
      tpu.wait_dma2 semaphore(%arg11 : memref<!tpu.dma_semaphore, #tpu.memory_space<semaphore_mem>>) src(%dma_wait3A_216 : memref<1x32xf32, #tpu.memory_space<hbm>>) dst(%dma_wait3A_213 : memref<1x32xf32, #tpu.memory_space<vmem>>)
      %mul3A_217 = arith.constant 16 : i32
      %mul3A_218 = arith.muli %scan3A_132, %mul3A_217 : i32
      %add3A_219 = arith.constant 6 : i32
      %add3A_220 = arith.addi %mul3A_218, %add3A_219 : i32
      %dma_wait3A_221 = arith.constant 0 : i32
      %dma_wait3A_222 = tpu.memref_slice %arg9[%add3A_220, %dma_wait3A_221] : memref<256x32xf32, #tpu.memory_space<vmem>> -> memref<1x32xf32, #tpu.memory_space<vmem>>
      %dma_wait3A_223 = arith.constant 0 : i32
      %dma_wait3A_224 = arith.constant 0 : i32
      %dma_wait3A_225 = tpu.memref_slice %arg2[%dma_wait3A_223, %dma_wait3A_224] : memref<1000000x32xf32, #tpu.memory_space<hbm>> -> memref<1x32xf32, #tpu.memory_space<hbm>>
      %dma_wait3A_226 = arith.constant 0 : i32
      %dma_wait3A_227 = tpu.memref_slice %arg9[%add3A_220, %dma_wait3A_226] : memref<256x32xf32, #tpu.memory_space<vmem>> -> memref<1x32xf32, #tpu.memory_space<vmem>>
      %dma_wait3A_228 = arith.constant 0 : i32
      %dma_wait3A_229 = arith.constant 0 : i32
      %dma_wait3A_230 = tpu.memref_slice %arg2[%dma_wait3A_228, %dma_wait3A_229] : memref<1000000x32xf32, #tpu.memory_space<hbm>> -> memref<1x32xf32, #tpu.memory_space<hbm>>
      tpu.wait_dma2 semaphore(%arg11 : memref<!tpu.dma_semaphore, #tpu.memory_space<semaphore_mem>>) src(%dma_wait3A_230 : memref<1x32xf32, #tpu.memory_space<hbm>>) dst(%dma_wait3A_227 : memref<1x32xf32, #tpu.memory_space<vmem>>)
      %mul3A_231 = arith.constant 16 : i32
      %mul3A_232 = arith.muli %scan3A_132, %mul3A_231 : i32
      %add3A_233 = arith.constant 7 : i32
      %add3A_234 = arith.addi %mul3A_232, %add3A_233 : i32
      %dma_wait3A_235 = arith.constant 0 : i32
      %dma_wait3A_236 = tpu.memref_slice %arg9[%add3A_234, %dma_wait3A_235] : memref<256x32xf32, #tpu.memory_space<vmem>> -> memref<1x32xf32, #tpu.memory_space<vmem>>
      %dma_wait3A_237 = arith.constant 0 : i32
      %dma_wait3A_238 = arith.constant 0 : i32
      %dma_wait3A_239 = tpu.memref_slice %arg2[%dma_wait3A_237, %dma_wait3A_238] : memref<1000000x32xf32, #tpu.memory_space<hbm>> -> memref<1x32xf32, #tpu.memory_space<hbm>>
      %dma_wait3A_240 = arith.constant 0 : i32
      %dma_wait3A_241 = tpu.memref_slice %arg9[%add3A_234, %dma_wait3A_240] : memref<256x32xf32, #tpu.memory_space<vmem>> -> memref<1x32xf32, #tpu.memory_space<vmem>>
      %dma_wait3A_242 = arith.constant 0 : i32
      %dma_wait3A_243 = arith.constant 0 : i32
      %dma_wait3A_244 = tpu.memref_slice %arg2[%dma_wait3A_242, %dma_wait3A_243] : memref<1000000x32xf32, #tpu.memory_space<hbm>> -> memref<1x32xf32, #tpu.memory_space<hbm>>
      tpu.wait_dma2 semaphore(%arg11 : memref<!tpu.dma_semaphore, #tpu.memory_space<semaphore_mem>>) src(%dma_wait3A_244 : memref<1x32xf32, #tpu.memory_space<hbm>>) dst(%dma_wait3A_241 : memref<1x32xf32, #tpu.memory_space<vmem>>)
      %mul3A_245 = arith.constant 16 : i32
      %mul3A_246 = arith.muli %scan3A_132, %mul3A_245 : i32
      %add3A_247 = arith.constant 8 : i32
      %add3A_248 = arith.addi %mul3A_246, %add3A_247 : i32
      %dma_wait3A_249 = arith.constant 0 : i32
      %dma_wait3A_250 = tpu.memref_slice %arg9[%add3A_248, %dma_wait3A_249] : memref<256x32xf32, #tpu.memory_space<vmem>> -> memref<1x32xf32, #tpu.memory_space<vmem>>
      %dma_wait3A_251 = arith.constant 0 : i32
      %dma_wait3A_252 = arith.constant 0 : i32
      %dma_wait3A_253 = tpu.memref_slice %arg2[%dma_wait3A_251, %dma_wait3A_252] : memref<1000000x32xf32, #tpu.memory_space<hbm>> -> memref<1x32xf32, #tpu.memory_space<hbm>>
      %dma_wait3A_254 = arith.constant 0 : i32
      %dma_wait3A_255 = tpu.memref_slice %arg9[%add3A_248, %dma_wait3A_254] : memref<256x32xf32, #tpu.memory_space<vmem>> -> memref<1x32xf32, #tpu.memory_space<vmem>>
      %dma_wait3A_256 = arith.constant 0 : i32
      %dma_wait3A_257 = arith.constant 0 : i32
      %dma_wait3A_258 = tpu.memref_slice %arg2[%dma_wait3A_256, %dma_wait3A_257] : memref<1000000x32xf32, #tpu.memory_space<hbm>> -> memref<1x32xf32, #tpu.memory_space<hbm>>
      tpu.wait_dma2 semaphore(%arg11 : memref<!tpu.dma_semaphore, #tpu.memory_space<semaphore_mem>>) src(%dma_wait3A_258 : memref<1x32xf32, #tpu.memory_space<hbm>>) dst(%dma_wait3A_255 : memref<1x32xf32, #tpu.memory_space<vmem>>)
      %mul3A_259 = arith.constant 16 : i32
      %mul3A_260 = arith.muli %scan3A_132, %mul3A_259 : i32
      %add3A_261 = arith.constant 9 : i32
      %add3A_262 = arith.addi %mul3A_260, %add3A_261 : i32
      %dma_wait3A_263 = arith.constant 0 : i32
      %dma_wait3A_264 = tpu.memref_slice %arg9[%add3A_262, %dma_wait3A_263] : memref<256x32xf32, #tpu.memory_space<vmem>> -> memref<1x32xf32, #tpu.memory_space<vmem>>
      %dma_wait3A_265 = arith.constant 0 : i32
      %dma_wait3A_266 = arith.constant 0 : i32
      %dma_wait3A_267 = tpu.memref_slice %arg2[%dma_wait3A_265, %dma_wait3A_266] : memref<1000000x32xf32, #tpu.memory_space<hbm>> -> memref<1x32xf32, #tpu.memory_space<hbm>>
      %dma_wait3A_268 = arith.constant 0 : i32
      %dma_wait3A_269 = tpu.memref_slice %arg9[%add3A_262, %dma_wait3A_268] : memref<256x32xf32, #tpu.memory_space<vmem>> -> memref<1x32xf32, #tpu.memory_space<vmem>>
      %dma_wait3A_270 = arith.constant 0 : i32
      %dma_wait3A_271 = arith.constant 0 : i32
      %dma_wait3A_272 = tpu.memref_slice %arg2[%dma_wait3A_270, %dma_wait3A_271] : memref<1000000x32xf32, #tpu.memory_space<hbm>> -> memref<1x32xf32, #tpu.memory_space<hbm>>
      tpu.wait_dma2 semaphore(%arg11 : memref<!tpu.dma_semaphore, #tpu.memory_space<semaphore_mem>>) src(%dma_wait3A_272 : memref<1x32xf32, #tpu.memory_space<hbm>>) dst(%dma_wait3A_269 : memref<1x32xf32, #tpu.memory_space<vmem>>)
      %mul3A_273 = arith.constant 16 : i32
      %mul3A_274 = arith.muli %scan3A_132, %mul3A_273 : i32
      %add3A_275 = arith.constant 10 : i32
      %add3A_276 = arith.addi %mul3A_274, %add3A_275 : i32
      %dma_wait3A_277 = arith.constant 0 : i32
      %dma_wait3A_278 = tpu.memref_slice %arg9[%add3A_276, %dma_wait3A_277] : memref<256x32xf32, #tpu.memory_space<vmem>> -> memref<1x32xf32, #tpu.memory_space<vmem>>
      %dma_wait3A_279 = arith.constant 0 : i32
      %dma_wait3A_280 = arith.constant 0 : i32
      %dma_wait3A_281 = tpu.memref_slice %arg2[%dma_wait3A_279, %dma_wait3A_280] : memref<1000000x32xf32, #tpu.memory_space<hbm>> -> memref<1x32xf32, #tpu.memory_space<hbm>>
      %dma_wait3A_282 = arith.constant 0 : i32
      %dma_wait3A_283 = tpu.memref_slice %arg9[%add3A_276, %dma_wait3A_282] : memref<256x32xf32, #tpu.memory_space<vmem>> -> memref<1x32xf32, #tpu.memory_space<vmem>>
      %dma_wait3A_284 = arith.constant 0 : i32
      %dma_wait3A_285 = arith.constant 0 : i32
      %dma_wait3A_286 = tpu.memref_slice %arg2[%dma_wait3A_284, %dma_wait3A_285] : memref<1000000x32xf32, #tpu.memory_space<hbm>> -> memref<1x32xf32, #tpu.memory_space<hbm>>
      tpu.wait_dma2 semaphore(%arg11 : memref<!tpu.dma_semaphore, #tpu.memory_space<semaphore_mem>>) src(%dma_wait3A_286 : memref<1x32xf32, #tpu.memory_space<hbm>>) dst(%dma_wait3A_283 : memref<1x32xf32, #tpu.memory_space<vmem>>)
      %mul3A_287 = arith.constant 16 : i32
      %mul3A_288 = arith.muli %scan3A_132, %mul3A_287 : i32
      %add3A_289 = arith.constant 11 : i32
      %add3A_290 = arith.addi %mul3A_288, %add3A_289 : i32
      %dma_wait3A_291 = arith.constant 0 : i32
      %dma_wait3A_292 = tpu.memref_slice %arg9[%add3A_290, %dma_wait3A_291] : memref<256x32xf32, #tpu.memory_space<vmem>> -> memref<1x32xf32, #tpu.memory_space<vmem>>
      %dma_wait3A_293 = arith.constant 0 : i32
      %dma_wait3A_294 = arith.constant 0 : i32
      %dma_wait3A_295 = tpu.memref_slice %arg2[%dma_wait3A_293, %dma_wait3A_294] : memref<1000000x32xf32, #tpu.memory_space<hbm>> -> memref<1x32xf32, #tpu.memory_space<hbm>>
      %dma_wait3A_296 = arith.constant 0 : i32
      %dma_wait3A_297 = tpu.memref_slice %arg9[%add3A_290, %dma_wait3A_296] : memref<256x32xf32, #tpu.memory_space<vmem>> -> memref<1x32xf32, #tpu.memory_space<vmem>>
      %dma_wait3A_298 = arith.constant 0 : i32
      %dma_wait3A_299 = arith.constant 0 : i32
      %dma_wait3A_300 = tpu.memref_slice %arg2[%dma_wait3A_298, %dma_wait3A_299] : memref<1000000x32xf32, #tpu.memory_space<hbm>> -> memref<1x32xf32, #tpu.memory_space<hbm>>
      tpu.wait_dma2 semaphore(%arg11 : memref<!tpu.dma_semaphore, #tpu.memory_space<semaphore_mem>>) src(%dma_wait3A_300 : memref<1x32xf32, #tpu.memory_space<hbm>>) dst(%dma_wait3A_297 : memref<1x32xf32, #tpu.memory_space<vmem>>)
      %mul3A_301 = arith.constant 16 : i32
      %mul3A_302 = arith.muli %scan3A_132, %mul3A_301 : i32
      %add3A_303 = arith.constant 12 : i32
      %add3A_304 = arith.addi %mul3A_302, %add3A_303 : i32
      %dma_wait3A_305 = arith.constant 0 : i32
      %dma_wait3A_306 = tpu.memref_slice %arg9[%add3A_304, %dma_wait3A_305] : memref<256x32xf32, #tpu.memory_space<vmem>> -> memref<1x32xf32, #tpu.memory_space<vmem>>
      %dma_wait3A_307 = arith.constant 0 : i32
      %dma_wait3A_308 = arith.constant 0 : i32
      %dma_wait3A_309 = tpu.memref_slice %arg2[%dma_wait3A_307, %dma_wait3A_308] : memref<1000000x32xf32, #tpu.memory_space<hbm>> -> memref<1x32xf32, #tpu.memory_space<hbm>>
      %dma_wait3A_310 = arith.constant 0 : i32
      %dma_wait3A_311 = tpu.memref_slice %arg9[%add3A_304, %dma_wait3A_310] : memref<256x32xf32, #tpu.memory_space<vmem>> -> memref<1x32xf32, #tpu.memory_space<vmem>>
      %dma_wait3A_312 = arith.constant 0 : i32
      %dma_wait3A_313 = arith.constant 0 : i32
      %dma_wait3A_314 = tpu.memref_slice %arg2[%dma_wait3A_312, %dma_wait3A_313] : memref<1000000x32xf32, #tpu.memory_space<hbm>> -> memref<1x32xf32, #tpu.memory_space<hbm>>
      tpu.wait_dma2 semaphore(%arg11 : memref<!tpu.dma_semaphore, #tpu.memory_space<semaphore_mem>>) src(%dma_wait3A_314 : memref<1x32xf32, #tpu.memory_space<hbm>>) dst(%dma_wait3A_311 : memref<1x32xf32, #tpu.memory_space<vmem>>)
      %mul3A_315 = arith.constant 16 : i32
      %mul3A_316 = arith.muli %scan3A_132, %mul3A_315 : i32
      %add3A_317 = arith.constant 13 : i32
      %add3A_318 = arith.addi %mul3A_316, %add3A_317 : i32
      %dma_wait3A_319 = arith.constant 0 : i32
      %dma_wait3A_320 = tpu.memref_slice %arg9[%add3A_318, %dma_wait3A_319] : memref<256x32xf32, #tpu.memory_space<vmem>> -> memref<1x32xf32, #tpu.memory_space<vmem>>
      %dma_wait3A_321 = arith.constant 0 : i32
      %dma_wait3A_322 = arith.constant 0 : i32
      %dma_wait3A_323 = tpu.memref_slice %arg2[%dma_wait3A_321, %dma_wait3A_322] : memref<1000000x32xf32, #tpu.memory_space<hbm>> -> memref<1x32xf32, #tpu.memory_space<hbm>>
      %dma_wait3A_324 = arith.constant 0 : i32
      %dma_wait3A_325 = tpu.memref_slice %arg9[%add3A_318, %dma_wait3A_324] : memref<256x32xf32, #tpu.memory_space<vmem>> -> memref<1x32xf32, #tpu.memory_space<vmem>>
      %dma_wait3A_326 = arith.constant 0 : i32
      %dma_wait3A_327 = arith.constant 0 : i32
      %dma_wait3A_328 = tpu.memref_slice %arg2[%dma_wait3A_326, %dma_wait3A_327] : memref<1000000x32xf32, #tpu.memory_space<hbm>> -> memref<1x32xf32, #tpu.memory_space<hbm>>
      tpu.wait_dma2 semaphore(%arg11 : memref<!tpu.dma_semaphore, #tpu.memory_space<semaphore_mem>>) src(%dma_wait3A_328 : memref<1x32xf32, #tpu.memory_space<hbm>>) dst(%dma_wait3A_325 : memref<1x32xf32, #tpu.memory_space<vmem>>)
      %mul3A_329 = arith.constant 16 : i32
      %mul3A_330 = arith.muli %scan3A_132, %mul3A_329 : i32
      %add3A_331 = arith.constant 14 : i32
      %add3A_332 = arith.addi %mul3A_330, %add3A_331 : i32
      %dma_wait3A_333 = arith.constant 0 : i32
      %dma_wait3A_334 = tpu.memref_slice %arg9[%add3A_332, %dma_wait3A_333] : memref<256x32xf32, #tpu.memory_space<vmem>> -> memref<1x32xf32, #tpu.memory_space<vmem>>
      %dma_wait3A_335 = arith.constant 0 : i32
      %dma_wait3A_336 = arith.constant 0 : i32
      %dma_wait3A_337 = tpu.memref_slice %arg2[%dma_wait3A_335, %dma_wait3A_336] : memref<1000000x32xf32, #tpu.memory_space<hbm>> -> memref<1x32xf32, #tpu.memory_space<hbm>>
      %dma_wait3A_338 = arith.constant 0 : i32
      %dma_wait3A_339 = tpu.memref_slice %arg9[%add3A_332, %dma_wait3A_338] : memref<256x32xf32, #tpu.memory_space<vmem>> -> memref<1x32xf32, #tpu.memory_space<vmem>>
      %dma_wait3A_340 = arith.constant 0 : i32
      %dma_wait3A_341 = arith.constant 0 : i32
      %dma_wait3A_342 = tpu.memref_slice %arg2[%dma_wait3A_340, %dma_wait3A_341] : memref<1000000x32xf32, #tpu.memory_space<hbm>> -> memref<1x32xf32, #tpu.memory_space<hbm>>
      tpu.wait_dma2 semaphore(%arg11 : memref<!tpu.dma_semaphore, #tpu.memory_space<semaphore_mem>>) src(%dma_wait3A_342 : memref<1x32xf32, #tpu.memory_space<hbm>>) dst(%dma_wait3A_339 : memref<1x32xf32, #tpu.memory_space<vmem>>)
      %mul3A_343 = arith.constant 16 : i32
      %mul3A_344 = arith.muli %scan3A_132, %mul3A_343 : i32
      %add3A_345 = arith.constant 15 : i32
      %add3A_346 = arith.addi %mul3A_344, %add3A_345 : i32
      %dma_wait3A_347 = arith.constant 0 : i32
      %dma_wait3A_348 = tpu.memref_slice %arg9[%add3A_346, %dma_wait3A_347] : memref<256x32xf32, #tpu.memory_space<vmem>> -> memref<1x32xf32, #tpu.memory_space<vmem>>
      %dma_wait3A_349 = arith.constant 0 : i32
      %dma_wait3A_350 = arith.constant 0 : i32
      %dma_wait3A_351 = tpu.memref_slice %arg2[%dma_wait3A_349, %dma_wait3A_350] : memref<1000000x32xf32, #tpu.memory_space<hbm>> -> memref<1x32xf32, #tpu.memory_space<hbm>>
      %dma_wait3A_352 = arith.constant 0 : i32
      %dma_wait3A_353 = tpu.memref_slice %arg9[%add3A_346, %dma_wait3A_352] : memref<256x32xf32, #tpu.memory_space<vmem>> -> memref<1x32xf32, #tpu.memory_space<vmem>>
      %dma_wait3A_354 = arith.constant 0 : i32
      %dma_wait3A_355 = arith.constant 0 : i32
      %dma_wait3A_356 = tpu.memref_slice %arg2[%dma_wait3A_354, %dma_wait3A_355] : memref<1000000x32xf32, #tpu.memory_space<hbm>> -> memref<1x32xf32, #tpu.memory_space<hbm>>
      tpu.wait_dma2 semaphore(%arg11 : memref<!tpu.dma_semaphore, #tpu.memory_space<semaphore_mem>>) src(%dma_wait3A_356 : memref<1x32xf32, #tpu.memory_space<hbm>>) dst(%dma_wait3A_353 : memref<1x32xf32, #tpu.memory_space<vmem>>)
    }
    %scan3A_19 = arith.constant 16 : i32
    %add3A_20 = arith.constant 0 : i32
    %add3A_21 = arith.addi %mul3A_2, %add3A_20 : i32
    %dma_start3A = arith.constant 0 : i32
    %dma_start3A_22 = tpu.memref_slice %arg5[%add3A_21, %dma_start3A] : memref<16384x32xf32, #tpu.memory_space<hbm>> -> memref<256x32xf32, #tpu.memory_space<hbm>>
    %dma_start3A_23 = arith.constant 0 : i32
    %dma_start3A_24 = tpu.memref_slice %arg5[%add3A_21, %dma_start3A_23] : memref<16384x32xf32, #tpu.memory_space<hbm>> -> memref<256x32xf32, #tpu.memory_space<hbm>>
    tpu.enqueue_dma source(%arg9 : memref<256x32xf32, #tpu.memory_space<vmem>>) target(%dma_start3A_24 : memref<256x32xf32, #tpu.memory_space<hbm>>) target_semaphore(%arg13 : memref<!tpu.dma_semaphore, #tpu.memory_space<semaphore_mem>>)
    %dma_wait3A = arith.constant 0 : i32
    %dma_wait3A_25 = tpu.memref_slice %arg5[%add3A_21, %dma_wait3A] : memref<16384x32xf32, #tpu.memory_space<hbm>> -> memref<256x32xf32, #tpu.memory_space<hbm>>
    %dma_wait3A_26 = arith.constant 0 : i32
    %dma_wait3A_27 = tpu.memref_slice %arg5[%add3A_21, %dma_wait3A_26] : memref<16384x32xf32, #tpu.memory_space<hbm>> -> memref<256x32xf32, #tpu.memory_space<hbm>>
    tpu.wait_dma2 semaphore(%arg13 : memref<!tpu.dma_semaphore, #tpu.memory_space<semaphore_mem>>) src(%arg9 : memref<256x32xf32, #tpu.memory_space<vmem>>) dst(%dma_wait3A_27 : memref<256x32xf32, #tpu.memory_space<hbm>>)
    %scan3A_28 = arith.constant 0 : i32
    %scan3A_29 = arith.constant 0 : i32
    %scan3A_30 = arith.constant 16 : i32
    %scan3A_31 = arith.addi %scan3A_29, %scan3A_30 : i32
    %scan3A_32 = arith.constant 1 : i32
    scf.for %scan3A_132 = %scan3A_29 to %scan3A_31 step %scan3A_32  : i32 {
      %mul3A_133 = arith.constant 16 : i32
      %mul3A_134 = arith.muli %scan3A_132, %mul3A_133 : i32
      %add3A_135 = arith.constant 0 : i32
      %add3A_136 = arith.addi %add3A_135, %mul3A_134 : i32
      %get3A = arith.constant 1 : i32
      %get3A_137 = arith.index_cast %get3A : i32 to index
      %get3A_138 = arith.index_cast %add3A_136 : i32 to index
      %get3A_139 = tpu.vector_load %arg8[%get3A_137, %get3A_138] {strides = array<i32>} : memref<3x512xi32, #tpu.memory_space<vmem>>, vector<1x16xi32>,
      %get3A_140 = vector.shape_cast %get3A_139 : vector<1x16xi32> to vector<16xi32>
      %slice3A = vector.extract_strided_slice %get3A_140 {offsets = [0], sizes = [1], strides = [1]} : vector<16xi32> to vector<1xi32>
      %squeeze3A = vector.extract %slice3A[0] : i32 from vector<1xi32>
      %mul3A_141 = arith.constant 16 : i32
      %mul3A_142 = arith.muli %scan3A_132, %mul3A_141 : i32
      %add3A_143 = arith.constant 0 : i32
      %add3A_144 = arith.addi %mul3A_142, %add3A_143 : i32
      %dma_start3A_145 = arith.constant 0 : i32
      %dma_start3A_146 = tpu.memref_slice %arg9[%add3A_144, %dma_start3A_145] : memref<256x32xf32, #tpu.memory_space<vmem>> -> memref<1x32xf32, #tpu.memory_space<vmem>>
      %dma_start3A_147 = arith.constant 0 : i32
      %dma_start3A_148 = tpu.memref_slice %arg3[%squeeze3A, %dma_start3A_147] : memref<1000000x32xf32, #tpu.memory_space<hbm>> -> memref<1x32xf32, #tpu.memory_space<hbm>>
      %dma_start3A_149 = arith.constant 0 : i32
      %dma_start3A_150 = tpu.memref_slice %arg9[%add3A_144, %dma_start3A_149] : memref<256x32xf32, #tpu.memory_space<vmem>> -> memref<1x32xf32, #tpu.memory_space<vmem>>
      %dma_start3A_151 = arith.constant 0 : i32
      %dma_start3A_152 = tpu.memref_slice %arg3[%squeeze3A, %dma_start3A_151] : memref<1000000x32xf32, #tpu.memory_space<hbm>> -> memref<1x32xf32, #tpu.memory_space<hbm>>
      tpu.enqueue_dma source(%dma_start3A_152 : memref<1x32xf32, #tpu.memory_space<hbm>>) target(%dma_start3A_150 : memref<1x32xf32, #tpu.memory_space<vmem>>) target_semaphore(%arg11 : memref<!tpu.dma_semaphore, #tpu.memory_space<semaphore_mem>>)
      %slice3A_153 = vector.extract_strided_slice %get3A_140 {offsets = [1], sizes = [1], strides = [1]} : vector<16xi32> to vector<1xi32>
      %squeeze3A_154 = vector.extract %slice3A_153[0] : i32 from vector<1xi32>
      %mul3A_155 = arith.constant 16 : i32
      %mul3A_156 = arith.muli %scan3A_132, %mul3A_155 : i32
      %add3A_157 = arith.constant 1 : i32
      %add3A_158 = arith.addi %mul3A_156, %add3A_157 : i32
      %dma_start3A_159 = arith.constant 0 : i32
      %dma_start3A_160 = tpu.memref_slice %arg9[%add3A_158, %dma_start3A_159] : memref<256x32xf32, #tpu.memory_space<vmem>> -> memref<1x32xf32, #tpu.memory_space<vmem>>
      %dma_start3A_161 = arith.constant 0 : i32
      %dma_start3A_162 = tpu.memref_slice %arg3[%squeeze3A_154, %dma_start3A_161] : memref<1000000x32xf32, #tpu.memory_space<hbm>> -> memref<1x32xf32, #tpu.memory_space<hbm>>
      %dma_start3A_163 = arith.constant 0 : i32
      %dma_start3A_164 = tpu.memref_slice %arg9[%add3A_158, %dma_start3A_163] : memref<256x32xf32, #tpu.memory_space<vmem>> -> memref<1x32xf32, #tpu.memory_space<vmem>>
      %dma_start3A_165 = arith.constant 0 : i32
      %dma_start3A_166 = tpu.memref_slice %arg3[%squeeze3A_154, %dma_start3A_165] : memref<1000000x32xf32, #tpu.memory_space<hbm>> -> memref<1x32xf32, #tpu.memory_space<hbm>>
      tpu.enqueue_dma source(%dma_start3A_166 : memref<1x32xf32, #tpu.memory_space<hbm>>) target(%dma_start3A_164 : memref<1x32xf32, #tpu.memory_space<vmem>>) target_semaphore(%arg11 : memref<!tpu.dma_semaphore, #tpu.memory_space<semaphore_mem>>)
      %slice3A_167 = vector.extract_strided_slice %get3A_140 {offsets = [2], sizes = [1], strides = [1]} : vector<16xi32> to vector<1xi32>
      %squeeze3A_168 = vector.extract %slice3A_167[0] : i32 from vector<1xi32>
      %mul3A_169 = arith.constant 16 : i32
      %mul3A_170 = arith.muli %scan3A_132, %mul3A_169 : i32
      %add3A_171 = arith.constant 2 : i32
      %add3A_172 = arith.addi %mul3A_170, %add3A_171 : i32
      %dma_start3A_173 = arith.constant 0 : i32
      %dma_start3A_174 = tpu.memref_slice %arg9[%add3A_172, %dma_start3A_173] : memref<256x32xf32, #tpu.memory_space<vmem>> -> memref<1x32xf32, #tpu.memory_space<vmem>>
      %dma_start3A_175 = arith.constant 0 : i32
      %dma_start3A_176 = tpu.memref_slice %arg3[%squeeze3A_168, %dma_start3A_175] : memref<1000000x32xf32, #tpu.memory_space<hbm>> -> memref<1x32xf32, #tpu.memory_space<hbm>>
      %dma_start3A_177 = arith.constant 0 : i32
      %dma_start3A_178 = tpu.memref_slice %arg9[%add3A_172, %dma_start3A_177] : memref<256x32xf32, #tpu.memory_space<vmem>> -> memref<1x32xf32, #tpu.memory_space<vmem>>
      %dma_start3A_179 = arith.constant 0 : i32
      %dma_start3A_180 = tpu.memref_slice %arg3[%squeeze3A_168, %dma_start3A_179] : memref<1000000x32xf32, #tpu.memory_space<hbm>> -> memref<1x32xf32, #tpu.memory_space<hbm>>
      tpu.enqueue_dma source(%dma_start3A_180 : memref<1x32xf32, #tpu.memory_space<hbm>>) target(%dma_start3A_178 : memref<1x32xf32, #tpu.memory_space<vmem>>) target_semaphore(%arg11 : memref<!tpu.dma_semaphore, #tpu.memory_space<semaphore_mem>>)
      %slice3A_181 = vector.extract_strided_slice %get3A_140 {offsets = [3], sizes = [1], strides = [1]} : vector<16xi32> to vector<1xi32>
      %squeeze3A_182 = vector.extract %slice3A_181[0] : i32 from vector<1xi32>
      %mul3A_183 = arith.constant 16 : i32
      %mul3A_184 = arith.muli %scan3A_132, %mul3A_183 : i32
      %add3A_185 = arith.constant 3 : i32
      %add3A_186 = arith.addi %mul3A_184, %add3A_185 : i32
      %dma_start3A_187 = arith.constant 0 : i32
      %dma_start3A_188 = tpu.memref_slice %arg9[%add3A_186, %dma_start3A_187] : memref<256x32xf32, #tpu.memory_space<vmem>> -> memref<1x32xf32, #tpu.memory_space<vmem>>
      %dma_start3A_189 = arith.constant 0 : i32
      %dma_start3A_190 = tpu.memref_slice %arg3[%squeeze3A_182, %dma_start3A_189] : memref<1000000x32xf32, #tpu.memory_space<hbm>> -> memref<1x32xf32, #tpu.memory_space<hbm>>
      %dma_start3A_191 = arith.constant 0 : i32
      %dma_start3A_192 = tpu.memref_slice %arg9[%add3A_186, %dma_start3A_191] : memref<256x32xf32, #tpu.memory_space<vmem>> -> memref<1x32xf32, #tpu.memory_space<vmem>>
      %dma_start3A_193 = arith.constant 0 : i32
      %dma_start3A_194 = tpu.memref_slice %arg3[%squeeze3A_182, %dma_start3A_193] : memref<1000000x32xf32, #tpu.memory_space<hbm>> -> memref<1x32xf32, #tpu.memory_space<hbm>>
      tpu.enqueue_dma source(%dma_start3A_194 : memref<1x32xf32, #tpu.memory_space<hbm>>) target(%dma_start3A_192 : memref<1x32xf32, #tpu.memory_space<vmem>>) target_semaphore(%arg11 : memref<!tpu.dma_semaphore, #tpu.memory_space<semaphore_mem>>)
      %slice3A_195 = vector.extract_strided_slice %get3A_140 {offsets = [4], sizes = [1], strides = [1]} : vector<16xi32> to vector<1xi32>
      %squeeze3A_196 = vector.extract %slice3A_195[0] : i32 from vector<1xi32>
      %mul3A_197 = arith.constant 16 : i32
      %mul3A_198 = arith.muli %scan3A_132, %mul3A_197 : i32
      %add3A_199 = arith.constant 4 : i32
      %add3A_200 = arith.addi %mul3A_198, %add3A_199 : i32
      %dma_start3A_201 = arith.constant 0 : i32
      %dma_start3A_202 = tpu.memref_slice %arg9[%add3A_200, %dma_start3A_201] : memref<256x32xf32, #tpu.memory_space<vmem>> -> memref<1x32xf32, #tpu.memory_space<vmem>>
      %dma_start3A_203 = arith.constant 0 : i32
      %dma_start3A_204 = tpu.memref_slice %arg3[%squeeze3A_196, %dma_start3A_203] : memref<1000000x32xf32, #tpu.memory_space<hbm>> -> memref<1x32xf32, #tpu.memory_space<hbm>>
      %dma_start3A_205 = arith.constant 0 : i32
      %dma_start3A_206 = tpu.memref_slice %arg9[%add3A_200, %dma_start3A_205] : memref<256x32xf32, #tpu.memory_space<vmem>> -> memref<1x32xf32, #tpu.memory_space<vmem>>
      %dma_start3A_207 = arith.constant 0 : i32
      %dma_start3A_208 = tpu.memref_slice %arg3[%squeeze3A_196, %dma_start3A_207] : memref<1000000x32xf32, #tpu.memory_space<hbm>> -> memref<1x32xf32, #tpu.memory_space<hbm>>
      tpu.enqueue_dma source(%dma_start3A_208 : memref<1x32xf32, #tpu.memory_space<hbm>>) target(%dma_start3A_206 : memref<1x32xf32, #tpu.memory_space<vmem>>) target_semaphore(%arg11 : memref<!tpu.dma_semaphore, #tpu.memory_space<semaphore_mem>>)
      %slice3A_209 = vector.extract_strided_slice %get3A_140 {offsets = [5], sizes = [1], strides = [1]} : vector<16xi32> to vector<1xi32>
      %squeeze3A_210 = vector.extract %slice3A_209[0] : i32 from vector<1xi32>
      %mul3A_211 = arith.constant 16 : i32
      %mul3A_212 = arith.muli %scan3A_132, %mul3A_211 : i32
      %add3A_213 = arith.constant 5 : i32
      %add3A_214 = arith.addi %mul3A_212, %add3A_213 : i32
      %dma_start3A_215 = arith.constant 0 : i32
      %dma_start3A_216 = tpu.memref_slice %arg9[%add3A_214, %dma_start3A_215] : memref<256x32xf32, #tpu.memory_space<vmem>> -> memref<1x32xf32, #tpu.memory_space<vmem>>
      %dma_start3A_217 = arith.constant 0 : i32
      %dma_start3A_218 = tpu.memref_slice %arg3[%squeeze3A_210, %dma_start3A_217] : memref<1000000x32xf32, #tpu.memory_space<hbm>> -> memref<1x32xf32, #tpu.memory_space<hbm>>
      %dma_start3A_219 = arith.constant 0 : i32
      %dma_start3A_220 = tpu.memref_slice %arg9[%add3A_214, %dma_start3A_219] : memref<256x32xf32, #tpu.memory_space<vmem>> -> memref<1x32xf32, #tpu.memory_space<vmem>>
      %dma_start3A_221 = arith.constant 0 : i32
      %dma_start3A_222 = tpu.memref_slice %arg3[%squeeze3A_210, %dma_start3A_221] : memref<1000000x32xf32, #tpu.memory_space<hbm>> -> memref<1x32xf32, #tpu.memory_space<hbm>>
      tpu.enqueue_dma source(%dma_start3A_222 : memref<1x32xf32, #tpu.memory_space<hbm>>) target(%dma_start3A_220 : memref<1x32xf32, #tpu.memory_space<vmem>>) target_semaphore(%arg11 : memref<!tpu.dma_semaphore, #tpu.memory_space<semaphore_mem>>)
      %slice3A_223 = vector.extract_strided_slice %get3A_140 {offsets = [6], sizes = [1], strides = [1]} : vector<16xi32> to vector<1xi32>
      %squeeze3A_224 = vector.extract %slice3A_223[0] : i32 from vector<1xi32>
      %mul3A_225 = arith.constant 16 : i32
      %mul3A_226 = arith.muli %scan3A_132, %mul3A_225 : i32
      %add3A_227 = arith.constant 6 : i32
      %add3A_228 = arith.addi %mul3A_226, %add3A_227 : i32
      %dma_start3A_229 = arith.constant 0 : i32
      %dma_start3A_230 = tpu.memref_slice %arg9[%add3A_228, %dma_start3A_229] : memref<256x32xf32, #tpu.memory_space<vmem>> -> memref<1x32xf32, #tpu.memory_space<vmem>>
      %dma_start3A_231 = arith.constant 0 : i32
      %dma_start3A_232 = tpu.memref_slice %arg3[%squeeze3A_224, %dma_start3A_231] : memref<1000000x32xf32, #tpu.memory_space<hbm>> -> memref<1x32xf32, #tpu.memory_space<hbm>>
      %dma_start3A_233 = arith.constant 0 : i32
      %dma_start3A_234 = tpu.memref_slice %arg9[%add3A_228, %dma_start3A_233] : memref<256x32xf32, #tpu.memory_space<vmem>> -> memref<1x32xf32, #tpu.memory_space<vmem>>
      %dma_start3A_235 = arith.constant 0 : i32
      %dma_start3A_236 = tpu.memref_slice %arg3[%squeeze3A_224, %dma_start3A_235] : memref<1000000x32xf32, #tpu.memory_space<hbm>> -> memref<1x32xf32, #tpu.memory_space<hbm>>
      tpu.enqueue_dma source(%dma_start3A_236 : memref<1x32xf32, #tpu.memory_space<hbm>>) target(%dma_start3A_234 : memref<1x32xf32, #tpu.memory_space<vmem>>) target_semaphore(%arg11 : memref<!tpu.dma_semaphore, #tpu.memory_space<semaphore_mem>>)
      %slice3A_237 = vector.extract_strided_slice %get3A_140 {offsets = [7], sizes = [1], strides = [1]} : vector<16xi32> to vector<1xi32>
      %squeeze3A_238 = vector.extract %slice3A_237[0] : i32 from vector<1xi32>
      %mul3A_239 = arith.constant 16 : i32
      %mul3A_240 = arith.muli %scan3A_132, %mul3A_239 : i32
      %add3A_241 = arith.constant 7 : i32
      %add3A_242 = arith.addi %mul3A_240, %add3A_241 : i32
      %dma_start3A_243 = arith.constant 0 : i32
      %dma_start3A_244 = tpu.memref_slice %arg9[%add3A_242, %dma_start3A_243] : memref<256x32xf32, #tpu.memory_space<vmem>> -> memref<1x32xf32, #tpu.memory_space<vmem>>
      %dma_start3A_245 = arith.constant 0 : i32
      %dma_start3A_246 = tpu.memref_slice %arg3[%squeeze3A_238, %dma_start3A_245] : memref<1000000x32xf32, #tpu.memory_space<hbm>> -> memref<1x32xf32, #tpu.memory_space<hbm>>
      %dma_start3A_247 = arith.constant 0 : i32
      %dma_start3A_248 = tpu.memref_slice %arg9[%add3A_242, %dma_start3A_247] : memref<256x32xf32, #tpu.memory_space<vmem>> -> memref<1x32xf32, #tpu.memory_space<vmem>>
      %dma_start3A_249 = arith.constant 0 : i32
      %dma_start3A_250 = tpu.memref_slice %arg3[%squeeze3A_238, %dma_start3A_249] : memref<1000000x32xf32, #tpu.memory_space<hbm>> -> memref<1x32xf32, #tpu.memory_space<hbm>>
      tpu.enqueue_dma source(%dma_start3A_250 : memref<1x32xf32, #tpu.memory_space<hbm>>) target(%dma_start3A_248 : memref<1x32xf32, #tpu.memory_space<vmem>>) target_semaphore(%arg11 : memref<!tpu.dma_semaphore, #tpu.memory_space<semaphore_mem>>)
      %slice3A_251 = vector.extract_strided_slice %get3A_140 {offsets = [8], sizes = [1], strides = [1]} : vector<16xi32> to vector<1xi32>
      %squeeze3A_252 = vector.extract %slice3A_251[0] : i32 from vector<1xi32>
      %mul3A_253 = arith.constant 16 : i32
      %mul3A_254 = arith.muli %scan3A_132, %mul3A_253 : i32
      %add3A_255 = arith.constant 8 : i32
      %add3A_256 = arith.addi %mul3A_254, %add3A_255 : i32
      %dma_start3A_257 = arith.constant 0 : i32
      %dma_start3A_258 = tpu.memref_slice %arg9[%add3A_256, %dma_start3A_257] : memref<256x32xf32, #tpu.memory_space<vmem>> -> memref<1x32xf32, #tpu.memory_space<vmem>>
      %dma_start3A_259 = arith.constant 0 : i32
      %dma_start3A_260 = tpu.memref_slice %arg3[%squeeze3A_252, %dma_start3A_259] : memref<1000000x32xf32, #tpu.memory_space<hbm>> -> memref<1x32xf32, #tpu.memory_space<hbm>>
      %dma_start3A_261 = arith.constant 0 : i32
      %dma_start3A_262 = tpu.memref_slice %arg9[%add3A_256, %dma_start3A_261] : memref<256x32xf32, #tpu.memory_space<vmem>> -> memref<1x32xf32, #tpu.memory_space<vmem>>
      %dma_start3A_263 = arith.constant 0 : i32
      %dma_start3A_264 = tpu.memref_slice %arg3[%squeeze3A_252, %dma_start3A_263] : memref<1000000x32xf32, #tpu.memory_space<hbm>> -> memref<1x32xf32, #tpu.memory_space<hbm>>
      tpu.enqueue_dma source(%dma_start3A_264 : memref<1x32xf32, #tpu.memory_space<hbm>>) target(%dma_start3A_262 : memref<1x32xf32, #tpu.memory_space<vmem>>) target_semaphore(%arg11 : memref<!tpu.dma_semaphore, #tpu.memory_space<semaphore_mem>>)
      %slice3A_265 = vector.extract_strided_slice %get3A_140 {offsets = [9], sizes = [1], strides = [1]} : vector<16xi32> to vector<1xi32>
      %squeeze3A_266 = vector.extract %slice3A_265[0] : i32 from vector<1xi32>
      %mul3A_267 = arith.constant 16 : i32
      %mul3A_268 = arith.muli %scan3A_132, %mul3A_267 : i32
      %add3A_269 = arith.constant 9 : i32
      %add3A_270 = arith.addi %mul3A_268, %add3A_269 : i32
      %dma_start3A_271 = arith.constant 0 : i32
      %dma_start3A_272 = tpu.memref_slice %arg9[%add3A_270, %dma_start3A_271] : memref<256x32xf32, #tpu.memory_space<vmem>> -> memref<1x32xf32, #tpu.memory_space<vmem>>
      %dma_start3A_273 = arith.constant 0 : i32
      %dma_start3A_274 = tpu.memref_slice %arg3[%squeeze3A_266, %dma_start3A_273] : memref<1000000x32xf32, #tpu.memory_space<hbm>> -> memref<1x32xf32, #tpu.memory_space<hbm>>
      %dma_start3A_275 = arith.constant 0 : i32
      %dma_start3A_276 = tpu.memref_slice %arg9[%add3A_270, %dma_start3A_275] : memref<256x32xf32, #tpu.memory_space<vmem>> -> memref<1x32xf32, #tpu.memory_space<vmem>>
      %dma_start3A_277 = arith.constant 0 : i32
      %dma_start3A_278 = tpu.memref_slice %arg3[%squeeze3A_266, %dma_start3A_277] : memref<1000000x32xf32, #tpu.memory_space<hbm>> -> memref<1x32xf32, #tpu.memory_space<hbm>>
      tpu.enqueue_dma source(%dma_start3A_278 : memref<1x32xf32, #tpu.memory_space<hbm>>) target(%dma_start3A_276 : memref<1x32xf32, #tpu.memory_space<vmem>>) target_semaphore(%arg11 : memref<!tpu.dma_semaphore, #tpu.memory_space<semaphore_mem>>)
      %slice3A_279 = vector.extract_strided_slice %get3A_140 {offsets = [10], sizes = [1], strides = [1]} : vector<16xi32> to vector<1xi32>
      %squeeze3A_280 = vector.extract %slice3A_279[0] : i32 from vector<1xi32>
      %mul3A_281 = arith.constant 16 : i32
      %mul3A_282 = arith.muli %scan3A_132, %mul3A_281 : i32
      %add3A_283 = arith.constant 10 : i32
      %add3A_284 = arith.addi %mul3A_282, %add3A_283 : i32
      %dma_start3A_285 = arith.constant 0 : i32
      %dma_start3A_286 = tpu.memref_slice %arg9[%add3A_284, %dma_start3A_285] : memref<256x32xf32, #tpu.memory_space<vmem>> -> memref<1x32xf32, #tpu.memory_space<vmem>>
      %dma_start3A_287 = arith.constant 0 : i32
      %dma_start3A_288 = tpu.memref_slice %arg3[%squeeze3A_280, %dma_start3A_287] : memref<1000000x32xf32, #tpu.memory_space<hbm>> -> memref<1x32xf32, #tpu.memory_space<hbm>>
      %dma_start3A_289 = arith.constant 0 : i32
      %dma_start3A_290 = tpu.memref_slice %arg9[%add3A_284, %dma_start3A_289] : memref<256x32xf32, #tpu.memory_space<vmem>> -> memref<1x32xf32, #tpu.memory_space<vmem>>
      %dma_start3A_291 = arith.constant 0 : i32
      %dma_start3A_292 = tpu.memref_slice %arg3[%squeeze3A_280, %dma_start3A_291] : memref<1000000x32xf32, #tpu.memory_space<hbm>> -> memref<1x32xf32, #tpu.memory_space<hbm>>
      tpu.enqueue_dma source(%dma_start3A_292 : memref<1x32xf32, #tpu.memory_space<hbm>>) target(%dma_start3A_290 : memref<1x32xf32, #tpu.memory_space<vmem>>) target_semaphore(%arg11 : memref<!tpu.dma_semaphore, #tpu.memory_space<semaphore_mem>>)
      %slice3A_293 = vector.extract_strided_slice %get3A_140 {offsets = [11], sizes = [1], strides = [1]} : vector<16xi32> to vector<1xi32>
      %squeeze3A_294 = vector.extract %slice3A_293[0] : i32 from vector<1xi32>
      %mul3A_295 = arith.constant 16 : i32
      %mul3A_296 = arith.muli %scan3A_132, %mul3A_295 : i32
      %add3A_297 = arith.constant 11 : i32
      %add3A_298 = arith.addi %mul3A_296, %add3A_297 : i32
      %dma_start3A_299 = arith.constant 0 : i32
      %dma_start3A_300 = tpu.memref_slice %arg9[%add3A_298, %dma_start3A_299] : memref<256x32xf32, #tpu.memory_space<vmem>> -> memref<1x32xf32, #tpu.memory_space<vmem>>
      %dma_start3A_301 = arith.constant 0 : i32
      %dma_start3A_302 = tpu.memref_slice %arg3[%squeeze3A_294, %dma_start3A_301] : memref<1000000x32xf32, #tpu.memory_space<hbm>> -> memref<1x32xf32, #tpu.memory_space<hbm>>
      %dma_start3A_303 = arith.constant 0 : i32
      %dma_start3A_304 = tpu.memref_slice %arg9[%add3A_298, %dma_start3A_303] : memref<256x32xf32, #tpu.memory_space<vmem>> -> memref<1x32xf32, #tpu.memory_space<vmem>>
      %dma_start3A_305 = arith.constant 0 : i32
      %dma_start3A_306 = tpu.memref_slice %arg3[%squeeze3A_294, %dma_start3A_305] : memref<1000000x32xf32, #tpu.memory_space<hbm>> -> memref<1x32xf32, #tpu.memory_space<hbm>>
      tpu.enqueue_dma source(%dma_start3A_306 : memref<1x32xf32, #tpu.memory_space<hbm>>) target(%dma_start3A_304 : memref<1x32xf32, #tpu.memory_space<vmem>>) target_semaphore(%arg11 : memref<!tpu.dma_semaphore, #tpu.memory_space<semaphore_mem>>)
      %slice3A_307 = vector.extract_strided_slice %get3A_140 {offsets = [12], sizes = [1], strides = [1]} : vector<16xi32> to vector<1xi32>
      %squeeze3A_308 = vector.extract %slice3A_307[0] : i32 from vector<1xi32>
      %mul3A_309 = arith.constant 16 : i32
      %mul3A_310 = arith.muli %scan3A_132, %mul3A_309 : i32
      %add3A_311 = arith.constant 12 : i32
      %add3A_312 = arith.addi %mul3A_310, %add3A_311 : i32
      %dma_start3A_313 = arith.constant 0 : i32
      %dma_start3A_314 = tpu.memref_slice %arg9[%add3A_312, %dma_start3A_313] : memref<256x32xf32, #tpu.memory_space<vmem>> -> memref<1x32xf32, #tpu.memory_space<vmem>>
      %dma_start3A_315 = arith.constant 0 : i32
      %dma_start3A_316 = tpu.memref_slice %arg3[%squeeze3A_308, %dma_start3A_315] : memref<1000000x32xf32, #tpu.memory_space<hbm>> -> memref<1x32xf32, #tpu.memory_space<hbm>>
      %dma_start3A_317 = arith.constant 0 : i32
      %dma_start3A_318 = tpu.memref_slice %arg9[%add3A_312, %dma_start3A_317] : memref<256x32xf32, #tpu.memory_space<vmem>> -> memref<1x32xf32, #tpu.memory_space<vmem>>
      %dma_start3A_319 = arith.constant 0 : i32
      %dma_start3A_320 = tpu.memref_slice %arg3[%squeeze3A_308, %dma_start3A_319] : memref<1000000x32xf32, #tpu.memory_space<hbm>> -> memref<1x32xf32, #tpu.memory_space<hbm>>
      tpu.enqueue_dma source(%dma_start3A_320 : memref<1x32xf32, #tpu.memory_space<hbm>>) target(%dma_start3A_318 : memref<1x32xf32, #tpu.memory_space<vmem>>) target_semaphore(%arg11 : memref<!tpu.dma_semaphore, #tpu.memory_space<semaphore_mem>>)
      %slice3A_321 = vector.extract_strided_slice %get3A_140 {offsets = [13], sizes = [1], strides = [1]} : vector<16xi32> to vector<1xi32>
      %squeeze3A_322 = vector.extract %slice3A_321[0] : i32 from vector<1xi32>
      %mul3A_323 = arith.constant 16 : i32
      %mul3A_324 = arith.muli %scan3A_132, %mul3A_323 : i32
      %add3A_325 = arith.constant 13 : i32
      %add3A_326 = arith.addi %mul3A_324, %add3A_325 : i32
      %dma_start3A_327 = arith.constant 0 : i32
      %dma_start3A_328 = tpu.memref_slice %arg9[%add3A_326, %dma_start3A_327] : memref<256x32xf32, #tpu.memory_space<vmem>> -> memref<1x32xf32, #tpu.memory_space<vmem>>
      %dma_start3A_329 = arith.constant 0 : i32
      %dma_start3A_330 = tpu.memref_slice %arg3[%squeeze3A_322, %dma_start3A_329] : memref<1000000x32xf32, #tpu.memory_space<hbm>> -> memref<1x32xf32, #tpu.memory_space<hbm>>
      %dma_start3A_331 = arith.constant 0 : i32
      %dma_start3A_332 = tpu.memref_slice %arg9[%add3A_326, %dma_start3A_331] : memref<256x32xf32, #tpu.memory_space<vmem>> -> memref<1x32xf32, #tpu.memory_space<vmem>>
      %dma_start3A_333 = arith.constant 0 : i32
      %dma_start3A_334 = tpu.memref_slice %arg3[%squeeze3A_322, %dma_start3A_333] : memref<1000000x32xf32, #tpu.memory_space<hbm>> -> memref<1x32xf32, #tpu.memory_space<hbm>>
      tpu.enqueue_dma source(%dma_start3A_334 : memref<1x32xf32, #tpu.memory_space<hbm>>) target(%dma_start3A_332 : memref<1x32xf32, #tpu.memory_space<vmem>>) target_semaphore(%arg11 : memref<!tpu.dma_semaphore, #tpu.memory_space<semaphore_mem>>)
      %slice3A_335 = vector.extract_strided_slice %get3A_140 {offsets = [14], sizes = [1], strides = [1]} : vector<16xi32> to vector<1xi32>
      %squeeze3A_336 = vector.extract %slice3A_335[0] : i32 from vector<1xi32>
      %mul3A_337 = arith.constant 16 : i32
      %mul3A_338 = arith.muli %scan3A_132, %mul3A_337 : i32
      %add3A_339 = arith.constant 14 : i32
      %add3A_340 = arith.addi %mul3A_338, %add3A_339 : i32
      %dma_start3A_341 = arith.constant 0 : i32
      %dma_start3A_342 = tpu.memref_slice %arg9[%add3A_340, %dma_start3A_341] : memref<256x32xf32, #tpu.memory_space<vmem>> -> memref<1x32xf32, #tpu.memory_space<vmem>>
      %dma_start3A_343 = arith.constant 0 : i32
      %dma_start3A_344 = tpu.memref_slice %arg3[%squeeze3A_336, %dma_start3A_343] : memref<1000000x32xf32, #tpu.memory_space<hbm>> -> memref<1x32xf32, #tpu.memory_space<hbm>>
      %dma_start3A_345 = arith.constant 0 : i32
      %dma_start3A_346 = tpu.memref_slice %arg9[%add3A_340, %dma_start3A_345] : memref<256x32xf32, #tpu.memory_space<vmem>> -> memref<1x32xf32, #tpu.memory_space<vmem>>
      %dma_start3A_347 = arith.constant 0 : i32
      %dma_start3A_348 = tpu.memref_slice %arg3[%squeeze3A_336, %dma_start3A_347] : memref<1000000x32xf32, #tpu.memory_space<hbm>> -> memref<1x32xf32, #tpu.memory_space<hbm>>
      tpu.enqueue_dma source(%dma_start3A_348 : memref<1x32xf32, #tpu.memory_space<hbm>>) target(%dma_start3A_346 : memref<1x32xf32, #tpu.memory_space<vmem>>) target_semaphore(%arg11 : memref<!tpu.dma_semaphore, #tpu.memory_space<semaphore_mem>>)
      %slice3A_349 = vector.extract_strided_slice %get3A_140 {offsets = [15], sizes = [1], strides = [1]} : vector<16xi32> to vector<1xi32>
      %squeeze3A_350 = vector.extract %slice3A_349[0] : i32 from vector<1xi32>
      %mul3A_351 = arith.constant 16 : i32
      %mul3A_352 = arith.muli %scan3A_132, %mul3A_351 : i32
      %add3A_353 = arith.constant 15 : i32
      %add3A_354 = arith.addi %mul3A_352, %add3A_353 : i32
      %dma_start3A_355 = arith.constant 0 : i32
      %dma_start3A_356 = tpu.memref_slice %arg9[%add3A_354, %dma_start3A_355] : memref<256x32xf32, #tpu.memory_space<vmem>> -> memref<1x32xf32, #tpu.memory_space<vmem>>
      %dma_start3A_357 = arith.constant 0 : i32
      %dma_start3A_358 = tpu.memref_slice %arg3[%squeeze3A_350, %dma_start3A_357] : memref<1000000x32xf32, #tpu.memory_space<hbm>> -> memref<1x32xf32, #tpu.memory_space<hbm>>
      %dma_start3A_359 = arith.constant 0 : i32
      %dma_start3A_360 = tpu.memref_slice %arg9[%add3A_354, %dma_start3A_359] : memref<256x32xf32, #tpu.memory_space<vmem>> -> memref<1x32xf32, #tpu.memory_space<vmem>>
      %dma_start3A_361 = arith.constant 0 : i32
      %dma_start3A_362 = tpu.memref_slice %arg3[%squeeze3A_350, %dma_start3A_361] : memref<1000000x32xf32, #tpu.memory_space<hbm>> -> memref<1x32xf32, #tpu.memory_space<hbm>>
      tpu.enqueue_dma source(%dma_start3A_362 : memref<1x32xf32, #tpu.memory_space<hbm>>) target(%dma_start3A_360 : memref<1x32xf32, #tpu.memory_space<vmem>>) target_semaphore(%arg11 : memref<!tpu.dma_semaphore, #tpu.memory_space<semaphore_mem>>)
    }
    %scan3A_33 = arith.constant 16 : i32
    %scan3A_34 = arith.constant 0 : i32
    %scan3A_35 = arith.constant 0 : i32
    %scan3A_36 = arith.constant 16 : i32
    %scan3A_37 = arith.addi %scan3A_35, %scan3A_36 : i32
    %scan3A_38 = arith.constant 1 : i32
    scf.for %scan3A_132 = %scan3A_35 to %scan3A_37 step %scan3A_38  : i32 {
      %mul3A_133 = arith.constant 16 : i32
      %mul3A_134 = arith.muli %scan3A_132, %mul3A_133 : i32
      %add3A_135 = arith.constant 0 : i32
      %add3A_136 = arith.addi %mul3A_134, %add3A_135 : i32
      %dma_wait3A_137 = arith.constant 0 : i32
      %dma_wait3A_138 = tpu.memref_slice %arg10[%add3A_136, %dma_wait3A_137] : memref<256x32xf32, #tpu.memory_space<vmem>> -> memref<1x32xf32, #tpu.memory_space<vmem>>
      %dma_wait3A_139 = arith.constant 0 : i32
      %dma_wait3A_140 = arith.constant 0 : i32
      %dma_wait3A_141 = tpu.memref_slice %arg2[%dma_wait3A_139, %dma_wait3A_140] : memref<1000000x32xf32, #tpu.memory_space<hbm>> -> memref<1x32xf32, #tpu.memory_space<hbm>>
      %dma_wait3A_142 = arith.constant 0 : i32
      %dma_wait3A_143 = tpu.memref_slice %arg10[%add3A_136, %dma_wait3A_142] : memref<256x32xf32, #tpu.memory_space<vmem>> -> memref<1x32xf32, #tpu.memory_space<vmem>>
      %dma_wait3A_144 = arith.constant 0 : i32
      %dma_wait3A_145 = arith.constant 0 : i32
      %dma_wait3A_146 = tpu.memref_slice %arg2[%dma_wait3A_144, %dma_wait3A_145] : memref<1000000x32xf32, #tpu.memory_space<hbm>> -> memref<1x32xf32, #tpu.memory_space<hbm>>
      tpu.wait_dma2 semaphore(%arg12 : memref<!tpu.dma_semaphore, #tpu.memory_space<semaphore_mem>>) src(%dma_wait3A_146 : memref<1x32xf32, #tpu.memory_space<hbm>>) dst(%dma_wait3A_143 : memref<1x32xf32, #tpu.memory_space<vmem>>)
      %mul3A_147 = arith.constant 16 : i32
      %mul3A_148 = arith.muli %scan3A_132, %mul3A_147 : i32
      %add3A_149 = arith.constant 1 : i32
      %add3A_150 = arith.addi %mul3A_148, %add3A_149 : i32
      %dma_wait3A_151 = arith.constant 0 : i32
      %dma_wait3A_152 = tpu.memref_slice %arg10[%add3A_150, %dma_wait3A_151] : memref<256x32xf32, #tpu.memory_space<vmem>> -> memref<1x32xf32, #tpu.memory_space<vmem>>
      %dma_wait3A_153 = arith.constant 0 : i32
      %dma_wait3A_154 = arith.constant 0 : i32
      %dma_wait3A_155 = tpu.memref_slice %arg2[%dma_wait3A_153, %dma_wait3A_154] : memref<1000000x32xf32, #tpu.memory_space<hbm>> -> memref<1x32xf32, #tpu.memory_space<hbm>>
      %dma_wait3A_156 = arith.constant 0 : i32
      %dma_wait3A_157 = tpu.memref_slice %arg10[%add3A_150, %dma_wait3A_156] : memref<256x32xf32, #tpu.memory_space<vmem>> -> memref<1x32xf32, #tpu.memory_space<vmem>>
      %dma_wait3A_158 = arith.constant 0 : i32
      %dma_wait3A_159 = arith.constant 0 : i32
      %dma_wait3A_160 = tpu.memref_slice %arg2[%dma_wait3A_158, %dma_wait3A_159] : memref<1000000x32xf32, #tpu.memory_space<hbm>> -> memref<1x32xf32, #tpu.memory_space<hbm>>
      tpu.wait_dma2 semaphore(%arg12 : memref<!tpu.dma_semaphore, #tpu.memory_space<semaphore_mem>>) src(%dma_wait3A_160 : memref<1x32xf32, #tpu.memory_space<hbm>>) dst(%dma_wait3A_157 : memref<1x32xf32, #tpu.memory_space<vmem>>)
      %mul3A_161 = arith.constant 16 : i32
      %mul3A_162 = arith.muli %scan3A_132, %mul3A_161 : i32
      %add3A_163 = arith.constant 2 : i32
      %add3A_164 = arith.addi %mul3A_162, %add3A_163 : i32
      %dma_wait3A_165 = arith.constant 0 : i32
      %dma_wait3A_166 = tpu.memref_slice %arg10[%add3A_164, %dma_wait3A_165] : memref<256x32xf32, #tpu.memory_space<vmem>> -> memref<1x32xf32, #tpu.memory_space<vmem>>
      %dma_wait3A_167 = arith.constant 0 : i32
      %dma_wait3A_168 = arith.constant 0 : i32
      %dma_wait3A_169 = tpu.memref_slice %arg2[%dma_wait3A_167, %dma_wait3A_168] : memref<1000000x32xf32, #tpu.memory_space<hbm>> -> memref<1x32xf32, #tpu.memory_space<hbm>>
      %dma_wait3A_170 = arith.constant 0 : i32
      %dma_wait3A_171 = tpu.memref_slice %arg10[%add3A_164, %dma_wait3A_170] : memref<256x32xf32, #tpu.memory_space<vmem>> -> memref<1x32xf32, #tpu.memory_space<vmem>>
      %dma_wait3A_172 = arith.constant 0 : i32
      %dma_wait3A_173 = arith.constant 0 : i32
      %dma_wait3A_174 = tpu.memref_slice %arg2[%dma_wait3A_172, %dma_wait3A_173] : memref<1000000x32xf32, #tpu.memory_space<hbm>> -> memref<1x32xf32, #tpu.memory_space<hbm>>
      tpu.wait_dma2 semaphore(%arg12 : memref<!tpu.dma_semaphore, #tpu.memory_space<semaphore_mem>>) src(%dma_wait3A_174 : memref<1x32xf32, #tpu.memory_space<hbm>>) dst(%dma_wait3A_171 : memref<1x32xf32, #tpu.memory_space<vmem>>)
      %mul3A_175 = arith.constant 16 : i32
      %mul3A_176 = arith.muli %scan3A_132, %mul3A_175 : i32
      %add3A_177 = arith.constant 3 : i32
      %add3A_178 = arith.addi %mul3A_176, %add3A_177 : i32
      %dma_wait3A_179 = arith.constant 0 : i32
      %dma_wait3A_180 = tpu.memref_slice %arg10[%add3A_178, %dma_wait3A_179] : memref<256x32xf32, #tpu.memory_space<vmem>> -> memref<1x32xf32, #tpu.memory_space<vmem>>
      %dma_wait3A_181 = arith.constant 0 : i32
      %dma_wait3A_182 = arith.constant 0 : i32
      %dma_wait3A_183 = tpu.memref_slice %arg2[%dma_wait3A_181, %dma_wait3A_182] : memref<1000000x32xf32, #tpu.memory_space<hbm>> -> memref<1x32xf32, #tpu.memory_space<hbm>>
      %dma_wait3A_184 = arith.constant 0 : i32
      %dma_wait3A_185 = tpu.memref_slice %arg10[%add3A_178, %dma_wait3A_184] : memref<256x32xf32, #tpu.memory_space<vmem>> -> memref<1x32xf32, #tpu.memory_space<vmem>>
      %dma_wait3A_186 = arith.constant 0 : i32
      %dma_wait3A_187 = arith.constant 0 : i32
      %dma_wait3A_188 = tpu.memref_slice %arg2[%dma_wait3A_186, %dma_wait3A_187] : memref<1000000x32xf32, #tpu.memory_space<hbm>> -> memref<1x32xf32, #tpu.memory_space<hbm>>
      tpu.wait_dma2 semaphore(%arg12 : memref<!tpu.dma_semaphore, #tpu.memory_space<semaphore_mem>>) src(%dma_wait3A_188 : memref<1x32xf32, #tpu.memory_space<hbm>>) dst(%dma_wait3A_185 : memref<1x32xf32, #tpu.memory_space<vmem>>)
      %mul3A_189 = arith.constant 16 : i32
      %mul3A_190 = arith.muli %scan3A_132, %mul3A_189 : i32
      %add3A_191 = arith.constant 4 : i32
      %add3A_192 = arith.addi %mul3A_190, %add3A_191 : i32
      %dma_wait3A_193 = arith.constant 0 : i32
      %dma_wait3A_194 = tpu.memref_slice %arg10[%add3A_192, %dma_wait3A_193] : memref<256x32xf32, #tpu.memory_space<vmem>> -> memref<1x32xf32, #tpu.memory_space<vmem>>
      %dma_wait3A_195 = arith.constant 0 : i32
      %dma_wait3A_196 = arith.constant 0 : i32
      %dma_wait3A_197 = tpu.memref_slice %arg2[%dma_wait3A_195, %dma_wait3A_196] : memref<1000000x32xf32, #tpu.memory_space<hbm>> -> memref<1x32xf32, #tpu.memory_space<hbm>>
      %dma_wait3A_198 = arith.constant 0 : i32
      %dma_wait3A_199 = tpu.memref_slice %arg10[%add3A_192, %dma_wait3A_198] : memref<256x32xf32, #tpu.memory_space<vmem>> -> memref<1x32xf32, #tpu.memory_space<vmem>>
      %dma_wait3A_200 = arith.constant 0 : i32
      %dma_wait3A_201 = arith.constant 0 : i32
      %dma_wait3A_202 = tpu.memref_slice %arg2[%dma_wait3A_200, %dma_wait3A_201] : memref<1000000x32xf32, #tpu.memory_space<hbm>> -> memref<1x32xf32, #tpu.memory_space<hbm>>
      tpu.wait_dma2 semaphore(%arg12 : memref<!tpu.dma_semaphore, #tpu.memory_space<semaphore_mem>>) src(%dma_wait3A_202 : memref<1x32xf32, #tpu.memory_space<hbm>>) dst(%dma_wait3A_199 : memref<1x32xf32, #tpu.memory_space<vmem>>)
      %mul3A_203 = arith.constant 16 : i32
      %mul3A_204 = arith.muli %scan3A_132, %mul3A_203 : i32
      %add3A_205 = arith.constant 5 : i32
      %add3A_206 = arith.addi %mul3A_204, %add3A_205 : i32
      %dma_wait3A_207 = arith.constant 0 : i32
      %dma_wait3A_208 = tpu.memref_slice %arg10[%add3A_206, %dma_wait3A_207] : memref<256x32xf32, #tpu.memory_space<vmem>> -> memref<1x32xf32, #tpu.memory_space<vmem>>
      %dma_wait3A_209 = arith.constant 0 : i32
      %dma_wait3A_210 = arith.constant 0 : i32
      %dma_wait3A_211 = tpu.memref_slice %arg2[%dma_wait3A_209, %dma_wait3A_210] : memref<1000000x32xf32, #tpu.memory_space<hbm>> -> memref<1x32xf32, #tpu.memory_space<hbm>>
      %dma_wait3A_212 = arith.constant 0 : i32
      %dma_wait3A_213 = tpu.memref_slice %arg10[%add3A_206, %dma_wait3A_212] : memref<256x32xf32, #tpu.memory_space<vmem>> -> memref<1x32xf32, #tpu.memory_space<vmem>>
      %dma_wait3A_214 = arith.constant 0 : i32
      %dma_wait3A_215 = arith.constant 0 : i32
      %dma_wait3A_216 = tpu.memref_slice %arg2[%dma_wait3A_214, %dma_wait3A_215] : memref<1000000x32xf32, #tpu.memory_space<hbm>> -> memref<1x32xf32, #tpu.memory_space<hbm>>
      tpu.wait_dma2 semaphore(%arg12 : memref<!tpu.dma_semaphore, #tpu.memory_space<semaphore_mem>>) src(%dma_wait3A_216 : memref<1x32xf32, #tpu.memory_space<hbm>>) dst(%dma_wait3A_213 : memref<1x32xf32, #tpu.memory_space<vmem>>)
      %mul3A_217 = arith.constant 16 : i32
      %mul3A_218 = arith.muli %scan3A_132, %mul3A_217 : i32
      %add3A_219 = arith.constant 6 : i32
      %add3A_220 = arith.addi %mul3A_218, %add3A_219 : i32
      %dma_wait3A_221 = arith.constant 0 : i32
      %dma_wait3A_222 = tpu.memref_slice %arg10[%add3A_220, %dma_wait3A_221] : memref<256x32xf32, #tpu.memory_space<vmem>> -> memref<1x32xf32, #tpu.memory_space<vmem>>
      %dma_wait3A_223 = arith.constant 0 : i32
      %dma_wait3A_224 = arith.constant 0 : i32
      %dma_wait3A_225 = tpu.memref_slice %arg2[%dma_wait3A_223, %dma_wait3A_224] : memref<1000000x32xf32, #tpu.memory_space<hbm>> -> memref<1x32xf32, #tpu.memory_space<hbm>>
      %dma_wait3A_226 = arith.constant 0 : i32
      %dma_wait3A_227 = tpu.memref_slice %arg10[%add3A_220, %dma_wait3A_226] : memref<256x32xf32, #tpu.memory_space<vmem>> -> memref<1x32xf32, #tpu.memory_space<vmem>>
      %dma_wait3A_228 = arith.constant 0 : i32
      %dma_wait3A_229 = arith.constant 0 : i32
      %dma_wait3A_230 = tpu.memref_slice %arg2[%dma_wait3A_228, %dma_wait3A_229] : memref<1000000x32xf32, #tpu.memory_space<hbm>> -> memref<1x32xf32, #tpu.memory_space<hbm>>
      tpu.wait_dma2 semaphore(%arg12 : memref<!tpu.dma_semaphore, #tpu.memory_space<semaphore_mem>>) src(%dma_wait3A_230 : memref<1x32xf32, #tpu.memory_space<hbm>>) dst(%dma_wait3A_227 : memref<1x32xf32, #tpu.memory_space<vmem>>)
      %mul3A_231 = arith.constant 16 : i32
      %mul3A_232 = arith.muli %scan3A_132, %mul3A_231 : i32
      %add3A_233 = arith.constant 7 : i32
      %add3A_234 = arith.addi %mul3A_232, %add3A_233 : i32
      %dma_wait3A_235 = arith.constant 0 : i32
      %dma_wait3A_236 = tpu.memref_slice %arg10[%add3A_234, %dma_wait3A_235] : memref<256x32xf32, #tpu.memory_space<vmem>> -> memref<1x32xf32, #tpu.memory_space<vmem>>
      %dma_wait3A_237 = arith.constant 0 : i32
      %dma_wait3A_238 = arith.constant 0 : i32
      %dma_wait3A_239 = tpu.memref_slice %arg2[%dma_wait3A_237, %dma_wait3A_238] : memref<1000000x32xf32, #tpu.memory_space<hbm>> -> memref<1x32xf32, #tpu.memory_space<hbm>>
      %dma_wait3A_240 = arith.constant 0 : i32
      %dma_wait3A_241 = tpu.memref_slice %arg10[%add3A_234, %dma_wait3A_240] : memref<256x32xf32, #tpu.memory_space<vmem>> -> memref<1x32xf32, #tpu.memory_space<vmem>>
      %dma_wait3A_242 = arith.constant 0 : i32
      %dma_wait3A_243 = arith.constant 0 : i32
      %dma_wait3A_244 = tpu.memref_slice %arg2[%dma_wait3A_242, %dma_wait3A_243] : memref<1000000x32xf32, #tpu.memory_space<hbm>> -> memref<1x32xf32, #tpu.memory_space<hbm>>
      tpu.wait_dma2 semaphore(%arg12 : memref<!tpu.dma_semaphore, #tpu.memory_space<semaphore_mem>>) src(%dma_wait3A_244 : memref<1x32xf32, #tpu.memory_space<hbm>>) dst(%dma_wait3A_241 : memref<1x32xf32, #tpu.memory_space<vmem>>)
      %mul3A_245 = arith.constant 16 : i32
      %mul3A_246 = arith.muli %scan3A_132, %mul3A_245 : i32
      %add3A_247 = arith.constant 8 : i32
      %add3A_248 = arith.addi %mul3A_246, %add3A_247 : i32
      %dma_wait3A_249 = arith.constant 0 : i32
      %dma_wait3A_250 = tpu.memref_slice %arg10[%add3A_248, %dma_wait3A_249] : memref<256x32xf32, #tpu.memory_space<vmem>> -> memref<1x32xf32, #tpu.memory_space<vmem>>
      %dma_wait3A_251 = arith.constant 0 : i32
      %dma_wait3A_252 = arith.constant 0 : i32
      %dma_wait3A_253 = tpu.memref_slice %arg2[%dma_wait3A_251, %dma_wait3A_252] : memref<1000000x32xf32, #tpu.memory_space<hbm>> -> memref<1x32xf32, #tpu.memory_space<hbm>>
      %dma_wait3A_254 = arith.constant 0 : i32
      %dma_wait3A_255 = tpu.memref_slice %arg10[%add3A_248, %dma_wait3A_254] : memref<256x32xf32, #tpu.memory_space<vmem>> -> memref<1x32xf32, #tpu.memory_space<vmem>>
      %dma_wait3A_256 = arith.constant 0 : i32
      %dma_wait3A_257 = arith.constant 0 : i32
      %dma_wait3A_258 = tpu.memref_slice %arg2[%dma_wait3A_256, %dma_wait3A_257] : memref<1000000x32xf32, #tpu.memory_space<hbm>> -> memref<1x32xf32, #tpu.memory_space<hbm>>
      tpu.wait_dma2 semaphore(%arg12 : memref<!tpu.dma_semaphore, #tpu.memory_space<semaphore_mem>>) src(%dma_wait3A_258 : memref<1x32xf32, #tpu.memory_space<hbm>>) dst(%dma_wait3A_255 : memref<1x32xf32, #tpu.memory_space<vmem>>)
      %mul3A_259 = arith.constant 16 : i32
      %mul3A_260 = arith.muli %scan3A_132, %mul3A_259 : i32
      %add3A_261 = arith.constant 9 : i32
      %add3A_262 = arith.addi %mul3A_260, %add3A_261 : i32
      %dma_wait3A_263 = arith.constant 0 : i32
      %dma_wait3A_264 = tpu.memref_slice %arg10[%add3A_262, %dma_wait3A_263] : memref<256x32xf32, #tpu.memory_space<vmem>> -> memref<1x32xf32, #tpu.memory_space<vmem>>
      %dma_wait3A_265 = arith.constant 0 : i32
      %dma_wait3A_266 = arith.constant 0 : i32
      %dma_wait3A_267 = tpu.memref_slice %arg2[%dma_wait3A_265, %dma_wait3A_266] : memref<1000000x32xf32, #tpu.memory_space<hbm>> -> memref<1x32xf32, #tpu.memory_space<hbm>>
      %dma_wait3A_268 = arith.constant 0 : i32
      %dma_wait3A_269 = tpu.memref_slice %arg10[%add3A_262, %dma_wait3A_268] : memref<256x32xf32, #tpu.memory_space<vmem>> -> memref<1x32xf32, #tpu.memory_space<vmem>>
      %dma_wait3A_270 = arith.constant 0 : i32
      %dma_wait3A_271 = arith.constant 0 : i32
      %dma_wait3A_272 = tpu.memref_slice %arg2[%dma_wait3A_270, %dma_wait3A_271] : memref<1000000x32xf32, #tpu.memory_space<hbm>> -> memref<1x32xf32, #tpu.memory_space<hbm>>
      tpu.wait_dma2 semaphore(%arg12 : memref<!tpu.dma_semaphore, #tpu.memory_space<semaphore_mem>>) src(%dma_wait3A_272 : memref<1x32xf32, #tpu.memory_space<hbm>>) dst(%dma_wait3A_269 : memref<1x32xf32, #tpu.memory_space<vmem>>)
      %mul3A_273 = arith.constant 16 : i32
      %mul3A_274 = arith.muli %scan3A_132, %mul3A_273 : i32
      %add3A_275 = arith.constant 10 : i32
      %add3A_276 = arith.addi %mul3A_274, %add3A_275 : i32
      %dma_wait3A_277 = arith.constant 0 : i32
      %dma_wait3A_278 = tpu.memref_slice %arg10[%add3A_276, %dma_wait3A_277] : memref<256x32xf32, #tpu.memory_space<vmem>> -> memref<1x32xf32, #tpu.memory_space<vmem>>
      %dma_wait3A_279 = arith.constant 0 : i32
      %dma_wait3A_280 = arith.constant 0 : i32
      %dma_wait3A_281 = tpu.memref_slice %arg2[%dma_wait3A_279, %dma_wait3A_280] : memref<1000000x32xf32, #tpu.memory_space<hbm>> -> memref<1x32xf32, #tpu.memory_space<hbm>>
      %dma_wait3A_282 = arith.constant 0 : i32
      %dma_wait3A_283 = tpu.memref_slice %arg10[%add3A_276, %dma_wait3A_282] : memref<256x32xf32, #tpu.memory_space<vmem>> -> memref<1x32xf32, #tpu.memory_space<vmem>>
      %dma_wait3A_284 = arith.constant 0 : i32
      %dma_wait3A_285 = arith.constant 0 : i32
      %dma_wait3A_286 = tpu.memref_slice %arg2[%dma_wait3A_284, %dma_wait3A_285] : memref<1000000x32xf32, #tpu.memory_space<hbm>> -> memref<1x32xf32, #tpu.memory_space<hbm>>
      tpu.wait_dma2 semaphore(%arg12 : memref<!tpu.dma_semaphore, #tpu.memory_space<semaphore_mem>>) src(%dma_wait3A_286 : memref<1x32xf32, #tpu.memory_space<hbm>>) dst(%dma_wait3A_283 : memref<1x32xf32, #tpu.memory_space<vmem>>)
      %mul3A_287 = arith.constant 16 : i32
      %mul3A_288 = arith.muli %scan3A_132, %mul3A_287 : i32
      %add3A_289 = arith.constant 11 : i32
      %add3A_290 = arith.addi %mul3A_288, %add3A_289 : i32
      %dma_wait3A_291 = arith.constant 0 : i32
      %dma_wait3A_292 = tpu.memref_slice %arg10[%add3A_290, %dma_wait3A_291] : memref<256x32xf32, #tpu.memory_space<vmem>> -> memref<1x32xf32, #tpu.memory_space<vmem>>
      %dma_wait3A_293 = arith.constant 0 : i32
      %dma_wait3A_294 = arith.constant 0 : i32
      %dma_wait3A_295 = tpu.memref_slice %arg2[%dma_wait3A_293, %dma_wait3A_294] : memref<1000000x32xf32, #tpu.memory_space<hbm>> -> memref<1x32xf32, #tpu.memory_space<hbm>>
      %dma_wait3A_296 = arith.constant 0 : i32
      %dma_wait3A_297 = tpu.memref_slice %arg10[%add3A_290, %dma_wait3A_296] : memref<256x32xf32, #tpu.memory_space<vmem>> -> memref<1x32xf32, #tpu.memory_space<vmem>>
      %dma_wait3A_298 = arith.constant 0 : i32
      %dma_wait3A_299 = arith.constant 0 : i32
      %dma_wait3A_300 = tpu.memref_slice %arg2[%dma_wait3A_298, %dma_wait3A_299] : memref<1000000x32xf32, #tpu.memory_space<hbm>> -> memref<1x32xf32, #tpu.memory_space<hbm>>
      tpu.wait_dma2 semaphore(%arg12 : memref<!tpu.dma_semaphore, #tpu.memory_space<semaphore_mem>>) src(%dma_wait3A_300 : memref<1x32xf32, #tpu.memory_space<hbm>>) dst(%dma_wait3A_297 : memref<1x32xf32, #tpu.memory_space<vmem>>)
      %mul3A_301 = arith.constant 16 : i32
      %mul3A_302 = arith.muli %scan3A_132, %mul3A_301 : i32
      %add3A_303 = arith.constant 12 : i32
      %add3A_304 = arith.addi %mul3A_302, %add3A_303 : i32
      %dma_wait3A_305 = arith.constant 0 : i32
      %dma_wait3A_306 = tpu.memref_slice %arg10[%add3A_304, %dma_wait3A_305] : memref<256x32xf32, #tpu.memory_space<vmem>> -> memref<1x32xf32, #tpu.memory_space<vmem>>
      %dma_wait3A_307 = arith.constant 0 : i32
      %dma_wait3A_308 = arith.constant 0 : i32
      %dma_wait3A_309 = tpu.memref_slice %arg2[%dma_wait3A_307, %dma_wait3A_308] : memref<1000000x32xf32, #tpu.memory_space<hbm>> -> memref<1x32xf32, #tpu.memory_space<hbm>>
      %dma_wait3A_310 = arith.constant 0 : i32
      %dma_wait3A_311 = tpu.memref_slice %arg10[%add3A_304, %dma_wait3A_310] : memref<256x32xf32, #tpu.memory_space<vmem>> -> memref<1x32xf32, #tpu.memory_space<vmem>>
      %dma_wait3A_312 = arith.constant 0 : i32
      %dma_wait3A_313 = arith.constant 0 : i32
      %dma_wait3A_314 = tpu.memref_slice %arg2[%dma_wait3A_312, %dma_wait3A_313] : memref<1000000x32xf32, #tpu.memory_space<hbm>> -> memref<1x32xf32, #tpu.memory_space<hbm>>
      tpu.wait_dma2 semaphore(%arg12 : memref<!tpu.dma_semaphore, #tpu.memory_space<semaphore_mem>>) src(%dma_wait3A_314 : memref<1x32xf32, #tpu.memory_space<hbm>>) dst(%dma_wait3A_311 : memref<1x32xf32, #tpu.memory_space<vmem>>)
      %mul3A_315 = arith.constant 16 : i32
      %mul3A_316 = arith.muli %scan3A_132, %mul3A_315 : i32
      %add3A_317 = arith.constant 13 : i32
      %add3A_318 = arith.addi %mul3A_316, %add3A_317 : i32
      %dma_wait3A_319 = arith.constant 0 : i32
      %dma_wait3A_320 = tpu.memref_slice %arg10[%add3A_318, %dma_wait3A_319] : memref<256x32xf32, #tpu.memory_space<vmem>> -> memref<1x32xf32, #tpu.memory_space<vmem>>
      %dma_wait3A_321 = arith.constant 0 : i32
      %dma_wait3A_322 = arith.constant 0 : i32
      %dma_wait3A_323 = tpu.memref_slice %arg2[%dma_wait3A_321, %dma_wait3A_322] : memref<1000000x32xf32, #tpu.memory_space<hbm>> -> memref<1x32xf32, #tpu.memory_space<hbm>>
      %dma_wait3A_324 = arith.constant 0 : i32
      %dma_wait3A_325 = tpu.memref_slice %arg10[%add3A_318, %dma_wait3A_324] : memref<256x32xf32, #tpu.memory_space<vmem>> -> memref<1x32xf32, #tpu.memory_space<vmem>>
      %dma_wait3A_326 = arith.constant 0 : i32
      %dma_wait3A_327 = arith.constant 0 : i32
      %dma_wait3A_328 = tpu.memref_slice %arg2[%dma_wait3A_326, %dma_wait3A_327] : memref<1000000x32xf32, #tpu.memory_space<hbm>> -> memref<1x32xf32, #tpu.memory_space<hbm>>
      tpu.wait_dma2 semaphore(%arg12 : memref<!tpu.dma_semaphore, #tpu.memory_space<semaphore_mem>>) src(%dma_wait3A_328 : memref<1x32xf32, #tpu.memory_space<hbm>>) dst(%dma_wait3A_325 : memref<1x32xf32, #tpu.memory_space<vmem>>)
      %mul3A_329 = arith.constant 16 : i32
      %mul3A_330 = arith.muli %scan3A_132, %mul3A_329 : i32
      %add3A_331 = arith.constant 14 : i32
      %add3A_332 = arith.addi %mul3A_330, %add3A_331 : i32
      %dma_wait3A_333 = arith.constant 0 : i32
      %dma_wait3A_334 = tpu.memref_slice %arg10[%add3A_332, %dma_wait3A_333] : memref<256x32xf32, #tpu.memory_space<vmem>> -> memref<1x32xf32, #tpu.memory_space<vmem>>
      %dma_wait3A_335 = arith.constant 0 : i32
      %dma_wait3A_336 = arith.constant 0 : i32
      %dma_wait3A_337 = tpu.memref_slice %arg2[%dma_wait3A_335, %dma_wait3A_336] : memref<1000000x32xf32, #tpu.memory_space<hbm>> -> memref<1x32xf32, #tpu.memory_space<hbm>>
      %dma_wait3A_338 = arith.constant 0 : i32
      %dma_wait3A_339 = tpu.memref_slice %arg10[%add3A_332, %dma_wait3A_338] : memref<256x32xf32, #tpu.memory_space<vmem>> -> memref<1x32xf32, #tpu.memory_space<vmem>>
      %dma_wait3A_340 = arith.constant 0 : i32
      %dma_wait3A_341 = arith.constant 0 : i32
      %dma_wait3A_342 = tpu.memref_slice %arg2[%dma_wait3A_340, %dma_wait3A_341] : memref<1000000x32xf32, #tpu.memory_space<hbm>> -> memref<1x32xf32, #tpu.memory_space<hbm>>
      tpu.wait_dma2 semaphore(%arg12 : memref<!tpu.dma_semaphore, #tpu.memory_space<semaphore_mem>>) src(%dma_wait3A_342 : memref<1x32xf32, #tpu.memory_space<hbm>>) dst(%dma_wait3A_339 : memref<1x32xf32, #tpu.memory_space<vmem>>)
      %mul3A_343 = arith.constant 16 : i32
      %mul3A_344 = arith.muli %scan3A_132, %mul3A_343 : i32
      %add3A_345 = arith.constant 15 : i32
      %add3A_346 = arith.addi %mul3A_344, %add3A_345 : i32
      %dma_wait3A_347 = arith.constant 0 : i32
      %dma_wait3A_348 = tpu.memref_slice %arg10[%add3A_346, %dma_wait3A_347] : memref<256x32xf32, #tpu.memory_space<vmem>> -> memref<1x32xf32, #tpu.memory_space<vmem>>
      %dma_wait3A_349 = arith.constant 0 : i32
      %dma_wait3A_350 = arith.constant 0 : i32
      %dma_wait3A_351 = tpu.memref_slice %arg2[%dma_wait3A_349, %dma_wait3A_350] : memref<1000000x32xf32, #tpu.memory_space<hbm>> -> memref<1x32xf32, #tpu.memory_space<hbm>>
      %dma_wait3A_352 = arith.constant 0 : i32
      %dma_wait3A_353 = tpu.memref_slice %arg10[%add3A_346, %dma_wait3A_352] : memref<256x32xf32, #tpu.memory_space<vmem>> -> memref<1x32xf32, #tpu.memory_space<vmem>>
      %dma_wait3A_354 = arith.constant 0 : i32
      %dma_wait3A_355 = arith.constant 0 : i32
      %dma_wait3A_356 = tpu.memref_slice %arg2[%dma_wait3A_354, %dma_wait3A_355] : memref<1000000x32xf32, #tpu.memory_space<hbm>> -> memref<1x32xf32, #tpu.memory_space<hbm>>
      tpu.wait_dma2 semaphore(%arg12 : memref<!tpu.dma_semaphore, #tpu.memory_space<semaphore_mem>>) src(%dma_wait3A_356 : memref<1x32xf32, #tpu.memory_space<hbm>>) dst(%dma_wait3A_353 : memref<1x32xf32, #tpu.memory_space<vmem>>)
    }
    %scan3A_39 = arith.constant 16 : i32
    %add3A_40 = arith.constant 256 : i32
    %add3A_41 = arith.addi %mul3A_2, %add3A_40 : i32
    %dma_start3A_42 = arith.constant 0 : i32
    %dma_start3A_43 = tpu.memref_slice %arg5[%add3A_41, %dma_start3A_42] : memref<16384x32xf32, #tpu.memory_space<hbm>> -> memref<256x32xf32, #tpu.memory_space<hbm>>
    %dma_start3A_44 = arith.constant 0 : i32
    %dma_start3A_45 = tpu.memref_slice %arg5[%add3A_41, %dma_start3A_44] : memref<16384x32xf32, #tpu.memory_space<hbm>> -> memref<256x32xf32, #tpu.memory_space<hbm>>
    tpu.enqueue_dma source(%arg10 : memref<256x32xf32, #tpu.memory_space<vmem>>) target(%dma_start3A_45 : memref<256x32xf32, #tpu.memory_space<hbm>>) target_semaphore(%arg13 : memref<!tpu.dma_semaphore, #tpu.memory_space<semaphore_mem>>)
    %dma_wait3A_46 = arith.constant 0 : i32
    %dma_wait3A_47 = tpu.memref_slice %arg5[%add3A_41, %dma_wait3A_46] : memref<16384x32xf32, #tpu.memory_space<hbm>> -> memref<256x32xf32, #tpu.memory_space<hbm>>
    %dma_wait3A_48 = arith.constant 0 : i32
    %dma_wait3A_49 = tpu.memref_slice %arg5[%add3A_41, %dma_wait3A_48] : memref<16384x32xf32, #tpu.memory_space<hbm>> -> memref<256x32xf32, #tpu.memory_space<hbm>>
    tpu.wait_dma2 semaphore(%arg13 : memref<!tpu.dma_semaphore, #tpu.memory_space<semaphore_mem>>) src(%arg10 : memref<256x32xf32, #tpu.memory_space<vmem>>) dst(%dma_wait3A_49 : memref<256x32xf32, #tpu.memory_space<hbm>>)
    %scan3A_50 = arith.constant 0 : i32
    %scan3A_51 = arith.constant 0 : i32
    %scan3A_52 = arith.constant 16 : i32
    %scan3A_53 = arith.addi %scan3A_51, %scan3A_52 : i32
    %scan3A_54 = arith.constant 1 : i32
    scf.for %scan3A_132 = %scan3A_51 to %scan3A_53 step %scan3A_54  : i32 {
      %mul3A_133 = arith.constant 16 : i32
      %mul3A_134 = arith.muli %scan3A_132, %mul3A_133 : i32
      %add3A_135 = arith.constant 256 : i32
      %add3A_136 = arith.addi %add3A_135, %mul3A_134 : i32
      %get3A = arith.constant 1 : i32
      %get3A_137 = arith.index_cast %get3A : i32 to index
      %get3A_138 = arith.index_cast %add3A_136 : i32 to index
      %get3A_139 = tpu.vector_load %arg8[%get3A_137, %get3A_138] {strides = array<i32>} : memref<3x512xi32, #tpu.memory_space<vmem>>, vector<1x16xi32>,
      %get3A_140 = vector.shape_cast %get3A_139 : vector<1x16xi32> to vector<16xi32>
      %slice3A = vector.extract_strided_slice %get3A_140 {offsets = [0], sizes = [1], strides = [1]} : vector<16xi32> to vector<1xi32>
      %squeeze3A = vector.extract %slice3A[0] : i32 from vector<1xi32>
      %mul3A_141 = arith.constant 16 : i32
      %mul3A_142 = arith.muli %scan3A_132, %mul3A_141 : i32
      %add3A_143 = arith.constant 0 : i32
      %add3A_144 = arith.addi %mul3A_142, %add3A_143 : i32
      %dma_start3A_145 = arith.constant 0 : i32
      %dma_start3A_146 = tpu.memref_slice %arg10[%add3A_144, %dma_start3A_145] : memref<256x32xf32, #tpu.memory_space<vmem>> -> memref<1x32xf32, #tpu.memory_space<vmem>>
      %dma_start3A_147 = arith.constant 0 : i32
      %dma_start3A_148 = tpu.memref_slice %arg3[%squeeze3A, %dma_start3A_147] : memref<1000000x32xf32, #tpu.memory_space<hbm>> -> memref<1x32xf32, #tpu.memory_space<hbm>>
      %dma_start3A_149 = arith.constant 0 : i32
      %dma_start3A_150 = tpu.memref_slice %arg10[%add3A_144, %dma_start3A_149] : memref<256x32xf32, #tpu.memory_space<vmem>> -> memref<1x32xf32, #tpu.memory_space<vmem>>
      %dma_start3A_151 = arith.constant 0 : i32
      %dma_start3A_152 = tpu.memref_slice %arg3[%squeeze3A, %dma_start3A_151] : memref<1000000x32xf32, #tpu.memory_space<hbm>> -> memref<1x32xf32, #tpu.memory_space<hbm>>
      tpu.enqueue_dma source(%dma_start3A_152 : memref<1x32xf32, #tpu.memory_space<hbm>>) target(%dma_start3A_150 : memref<1x32xf32, #tpu.memory_space<vmem>>) target_semaphore(%arg12 : memref<!tpu.dma_semaphore, #tpu.memory_space<semaphore_mem>>)
      %slice3A_153 = vector.extract_strided_slice %get3A_140 {offsets = [1], sizes = [1], strides = [1]} : vector<16xi32> to vector<1xi32>
      %squeeze3A_154 = vector.extract %slice3A_153[0] : i32 from vector<1xi32>
      %mul3A_155 = arith.constant 16 : i32
      %mul3A_156 = arith.muli %scan3A_132, %mul3A_155 : i32
      %add3A_157 = arith.constant 1 : i32
      %add3A_158 = arith.addi %mul3A_156, %add3A_157 : i32
      %dma_start3A_159 = arith.constant 0 : i32
      %dma_start3A_160 = tpu.memref_slice %arg10[%add3A_158, %dma_start3A_159] : memref<256x32xf32, #tpu.memory_space<vmem>> -> memref<1x32xf32, #tpu.memory_space<vmem>>
      %dma_start3A_161 = arith.constant 0 : i32
      %dma_start3A_162 = tpu.memref_slice %arg3[%squeeze3A_154, %dma_start3A_161] : memref<1000000x32xf32, #tpu.memory_space<hbm>> -> memref<1x32xf32, #tpu.memory_space<hbm>>
      %dma_start3A_163 = arith.constant 0 : i32
      %dma_start3A_164 = tpu.memref_slice %arg10[%add3A_158, %dma_start3A_163] : memref<256x32xf32, #tpu.memory_space<vmem>> -> memref<1x32xf32, #tpu.memory_space<vmem>>
      %dma_start3A_165 = arith.constant 0 : i32
      %dma_start3A_166 = tpu.memref_slice %arg3[%squeeze3A_154, %dma_start3A_165] : memref<1000000x32xf32, #tpu.memory_space<hbm>> -> memref<1x32xf32, #tpu.memory_space<hbm>>
      tpu.enqueue_dma source(%dma_start3A_166 : memref<1x32xf32, #tpu.memory_space<hbm>>) target(%dma_start3A_164 : memref<1x32xf32, #tpu.memory_space<vmem>>) target_semaphore(%arg12 : memref<!tpu.dma_semaphore, #tpu.memory_space<semaphore_mem>>)
      %slice3A_167 = vector.extract_strided_slice %get3A_140 {offsets = [2], sizes = [1], strides = [1]} : vector<16xi32> to vector<1xi32>
      %squeeze3A_168 = vector.extract %slice3A_167[0] : i32 from vector<1xi32>
      %mul3A_169 = arith.constant 16 : i32
      %mul3A_170 = arith.muli %scan3A_132, %mul3A_169 : i32
      %add3A_171 = arith.constant 2 : i32
      %add3A_172 = arith.addi %mul3A_170, %add3A_171 : i32
      %dma_start3A_173 = arith.constant 0 : i32
      %dma_start3A_174 = tpu.memref_slice %arg10[%add3A_172, %dma_start3A_173] : memref<256x32xf32, #tpu.memory_space<vmem>> -> memref<1x32xf32, #tpu.memory_space<vmem>>
      %dma_start3A_175 = arith.constant 0 : i32
      %dma_start3A_176 = tpu.memref_slice %arg3[%squeeze3A_168, %dma_start3A_175] : memref<1000000x32xf32, #tpu.memory_space<hbm>> -> memref<1x32xf32, #tpu.memory_space<hbm>>
      %dma_start3A_177 = arith.constant 0 : i32
      %dma_start3A_178 = tpu.memref_slice %arg10[%add3A_172, %dma_start3A_177] : memref<256x32xf32, #tpu.memory_space<vmem>> -> memref<1x32xf32, #tpu.memory_space<vmem>>
      %dma_start3A_179 = arith.constant 0 : i32
      %dma_start3A_180 = tpu.memref_slice %arg3[%squeeze3A_168, %dma_start3A_179] : memref<1000000x32xf32, #tpu.memory_space<hbm>> -> memref<1x32xf32, #tpu.memory_space<hbm>>
      tpu.enqueue_dma source(%dma_start3A_180 : memref<1x32xf32, #tpu.memory_space<hbm>>) target(%dma_start3A_178 : memref<1x32xf32, #tpu.memory_space<vmem>>) target_semaphore(%arg12 : memref<!tpu.dma_semaphore, #tpu.memory_space<semaphore_mem>>)
      %slice3A_181 = vector.extract_strided_slice %get3A_140 {offsets = [3], sizes = [1], strides = [1]} : vector<16xi32> to vector<1xi32>
      %squeeze3A_182 = vector.extract %slice3A_181[0] : i32 from vector<1xi32>
      %mul3A_183 = arith.constant 16 : i32
      %mul3A_184 = arith.muli %scan3A_132, %mul3A_183 : i32
      %add3A_185 = arith.constant 3 : i32
      %add3A_186 = arith.addi %mul3A_184, %add3A_185 : i32
      %dma_start3A_187 = arith.constant 0 : i32
      %dma_start3A_188 = tpu.memref_slice %arg10[%add3A_186, %dma_start3A_187] : memref<256x32xf32, #tpu.memory_space<vmem>> -> memref<1x32xf32, #tpu.memory_space<vmem>>
      %dma_start3A_189 = arith.constant 0 : i32
      %dma_start3A_190 = tpu.memref_slice %arg3[%squeeze3A_182, %dma_start3A_189] : memref<1000000x32xf32, #tpu.memory_space<hbm>> -> memref<1x32xf32, #tpu.memory_space<hbm>>
      %dma_start3A_191 = arith.constant 0 : i32
      %dma_start3A_192 = tpu.memref_slice %arg10[%add3A_186, %dma_start3A_191] : memref<256x32xf32, #tpu.memory_space<vmem>> -> memref<1x32xf32, #tpu.memory_space<vmem>>
      %dma_start3A_193 = arith.constant 0 : i32
      %dma_start3A_194 = tpu.memref_slice %arg3[%squeeze3A_182, %dma_start3A_193] : memref<1000000x32xf32, #tpu.memory_space<hbm>> -> memref<1x32xf32, #tpu.memory_space<hbm>>
      tpu.enqueue_dma source(%dma_start3A_194 : memref<1x32xf32, #tpu.memory_space<hbm>>) target(%dma_start3A_192 : memref<1x32xf32, #tpu.memory_space<vmem>>) target_semaphore(%arg12 : memref<!tpu.dma_semaphore, #tpu.memory_space<semaphore_mem>>)
      %slice3A_195 = vector.extract_strided_slice %get3A_140 {offsets = [4], sizes = [1], strides = [1]} : vector<16xi32> to vector<1xi32>
      %squeeze3A_196 = vector.extract %slice3A_195[0] : i32 from vector<1xi32>
      %mul3A_197 = arith.constant 16 : i32
      %mul3A_198 = arith.muli %scan3A_132, %mul3A_197 : i32
      %add3A_199 = arith.constant 4 : i32
      %add3A_200 = arith.addi %mul3A_198, %add3A_199 : i32
      %dma_start3A_201 = arith.constant 0 : i32
      %dma_start3A_202 = tpu.memref_slice %arg10[%add3A_200, %dma_start3A_201] : memref<256x32xf32, #tpu.memory_space<vmem>> -> memref<1x32xf32, #tpu.memory_space<vmem>>
      %dma_start3A_203 = arith.constant 0 : i32
      %dma_start3A_204 = tpu.memref_slice %arg3[%squeeze3A_196, %dma_start3A_203] : memref<1000000x32xf32, #tpu.memory_space<hbm>> -> memref<1x32xf32, #tpu.memory_space<hbm>>
      %dma_start3A_205 = arith.constant 0 : i32
      %dma_start3A_206 = tpu.memref_slice %arg10[%add3A_200, %dma_start3A_205] : memref<256x32xf32, #tpu.memory_space<vmem>> -> memref<1x32xf32, #tpu.memory_space<vmem>>
      %dma_start3A_207 = arith.constant 0 : i32
      %dma_start3A_208 = tpu.memref_slice %arg3[%squeeze3A_196, %dma_start3A_207] : memref<1000000x32xf32, #tpu.memory_space<hbm>> -> memref<1x32xf32, #tpu.memory_space<hbm>>
      tpu.enqueue_dma source(%dma_start3A_208 : memref<1x32xf32, #tpu.memory_space<hbm>>) target(%dma_start3A_206 : memref<1x32xf32, #tpu.memory_space<vmem>>) target_semaphore(%arg12 : memref<!tpu.dma_semaphore, #tpu.memory_space<semaphore_mem>>)
      %slice3A_209 = vector.extract_strided_slice %get3A_140 {offsets = [5], sizes = [1], strides = [1]} : vector<16xi32> to vector<1xi32>
      %squeeze3A_210 = vector.extract %slice3A_209[0] : i32 from vector<1xi32>
      %mul3A_211 = arith.constant 16 : i32
      %mul3A_212 = arith.muli %scan3A_132, %mul3A_211 : i32
      %add3A_213 = arith.constant 5 : i32
      %add3A_214 = arith.addi %mul3A_212, %add3A_213 : i32
      %dma_start3A_215 = arith.constant 0 : i32
      %dma_start3A_216 = tpu.memref_slice %arg10[%add3A_214, %dma_start3A_215] : memref<256x32xf32, #tpu.memory_space<vmem>> -> memref<1x32xf32, #tpu.memory_space<vmem>>
      %dma_start3A_217 = arith.constant 0 : i32
      %dma_start3A_218 = tpu.memref_slice %arg3[%squeeze3A_210, %dma_start3A_217] : memref<1000000x32xf32, #tpu.memory_space<hbm>> -> memref<1x32xf32, #tpu.memory_space<hbm>>
      %dma_start3A_219 = arith.constant 0 : i32
      %dma_start3A_220 = tpu.memref_slice %arg10[%add3A_214, %dma_start3A_219] : memref<256x32xf32, #tpu.memory_space<vmem>> -> memref<1x32xf32, #tpu.memory_space<vmem>>
      %dma_start3A_221 = arith.constant 0 : i32
      %dma_start3A_222 = tpu.memref_slice %arg3[%squeeze3A_210, %dma_start3A_221] : memref<1000000x32xf32, #tpu.memory_space<hbm>> -> memref<1x32xf32, #tpu.memory_space<hbm>>
      tpu.enqueue_dma source(%dma_start3A_222 : memref<1x32xf32, #tpu.memory_space<hbm>>) target(%dma_start3A_220 : memref<1x32xf32, #tpu.memory_space<vmem>>) target_semaphore(%arg12 : memref<!tpu.dma_semaphore, #tpu.memory_space<semaphore_mem>>)
      %slice3A_223 = vector.extract_strided_slice %get3A_140 {offsets = [6], sizes = [1], strides = [1]} : vector<16xi32> to vector<1xi32>
      %squeeze3A_224 = vector.extract %slice3A_223[0] : i32 from vector<1xi32>
      %mul3A_225 = arith.constant 16 : i32
      %mul3A_226 = arith.muli %scan3A_132, %mul3A_225 : i32
      %add3A_227 = arith.constant 6 : i32
      %add3A_228 = arith.addi %mul3A_226, %add3A_227 : i32
      %dma_start3A_229 = arith.constant 0 : i32
      %dma_start3A_230 = tpu.memref_slice %arg10[%add3A_228, %dma_start3A_229] : memref<256x32xf32, #tpu.memory_space<vmem>> -> memref<1x32xf32, #tpu.memory_space<vmem>>
      %dma_start3A_231 = arith.constant 0 : i32
      %dma_start3A_232 = tpu.memref_slice %arg3[%squeeze3A_224, %dma_start3A_231] : memref<1000000x32xf32, #tpu.memory_space<hbm>> -> memref<1x32xf32, #tpu.memory_space<hbm>>
      %dma_start3A_233 = arith.constant 0 : i32
      %dma_start3A_234 = tpu.memref_slice %arg10[%add3A_228, %dma_start3A_233] : memref<256x32xf32, #tpu.memory_space<vmem>> -> memref<1x32xf32, #tpu.memory_space<vmem>>
      %dma_start3A_235 = arith.constant 0 : i32
      %dma_start3A_236 = tpu.memref_slice %arg3[%squeeze3A_224, %dma_start3A_235] : memref<1000000x32xf32, #tpu.memory_space<hbm>> -> memref<1x32xf32, #tpu.memory_space<hbm>>
      tpu.enqueue_dma source(%dma_start3A_236 : memref<1x32xf32, #tpu.memory_space<hbm>>) target(%dma_start3A_234 : memref<1x32xf32, #tpu.memory_space<vmem>>) target_semaphore(%arg12 : memref<!tpu.dma_semaphore, #tpu.memory_space<semaphore_mem>>)
      %slice3A_237 = vector.extract_strided_slice %get3A_140 {offsets = [7], sizes = [1], strides = [1]} : vector<16xi32> to vector<1xi32>
      %squeeze3A_238 = vector.extract %slice3A_237[0] : i32 from vector<1xi32>
      %mul3A_239 = arith.constant 16 : i32
      %mul3A_240 = arith.muli %scan3A_132, %mul3A_239 : i32
      %add3A_241 = arith.constant 7 : i32
      %add3A_242 = arith.addi %mul3A_240, %add3A_241 : i32
      %dma_start3A_243 = arith.constant 0 : i32
      %dma_start3A_244 = tpu.memref_slice %arg10[%add3A_242, %dma_start3A_243] : memref<256x32xf32, #tpu.memory_space<vmem>> -> memref<1x32xf32, #tpu.memory_space<vmem>>
      %dma_start3A_245 = arith.constant 0 : i32
      %dma_start3A_246 = tpu.memref_slice %arg3[%squeeze3A_238, %dma_start3A_245] : memref<1000000x32xf32, #tpu.memory_space<hbm>> -> memref<1x32xf32, #tpu.memory_space<hbm>>
      %dma_start3A_247 = arith.constant 0 : i32
      %dma_start3A_248 = tpu.memref_slice %arg10[%add3A_242, %dma_start3A_247] : memref<256x32xf32, #tpu.memory_space<vmem>> -> memref<1x32xf32, #tpu.memory_space<vmem>>
      %dma_start3A_249 = arith.constant 0 : i32
      %dma_start3A_250 = tpu.memref_slice %arg3[%squeeze3A_238, %dma_start3A_249] : memref<1000000x32xf32, #tpu.memory_space<hbm>> -> memref<1x32xf32, #tpu.memory_space<hbm>>
      tpu.enqueue_dma source(%dma_start3A_250 : memref<1x32xf32, #tpu.memory_space<hbm>>) target(%dma_start3A_248 : memref<1x32xf32, #tpu.memory_space<vmem>>) target_semaphore(%arg12 : memref<!tpu.dma_semaphore, #tpu.memory_space<semaphore_mem>>)
      %slice3A_251 = vector.extract_strided_slice %get3A_140 {offsets = [8], sizes = [1], strides = [1]} : vector<16xi32> to vector<1xi32>
      %squeeze3A_252 = vector.extract %slice3A_251[0] : i32 from vector<1xi32>
      %mul3A_253 = arith.constant 16 : i32
      %mul3A_254 = arith.muli %scan3A_132, %mul3A_253 : i32
      %add3A_255 = arith.constant 8 : i32
      %add3A_256 = arith.addi %mul3A_254, %add3A_255 : i32
      %dma_start3A_257 = arith.constant 0 : i32
      %dma_start3A_258 = tpu.memref_slice %arg10[%add3A_256, %dma_start3A_257] : memref<256x32xf32, #tpu.memory_space<vmem>> -> memref<1x32xf32, #tpu.memory_space<vmem>>
      %dma_start3A_259 = arith.constant 0 : i32
      %dma_start3A_260 = tpu.memref_slice %arg3[%squeeze3A_252, %dma_start3A_259] : memref<1000000x32xf32, #tpu.memory_space<hbm>> -> memref<1x32xf32, #tpu.memory_space<hbm>>
      %dma_start3A_261 = arith.constant 0 : i32
      %dma_start3A_262 = tpu.memref_slice %arg10[%add3A_256, %dma_start3A_261] : memref<256x32xf32, #tpu.memory_space<vmem>> -> memref<1x32xf32, #tpu.memory_space<vmem>>
      %dma_start3A_263 = arith.constant 0 : i32
      %dma_start3A_264 = tpu.memref_slice %arg3[%squeeze3A_252, %dma_start3A_263] : memref<1000000x32xf32, #tpu.memory_space<hbm>> -> memref<1x32xf32, #tpu.memory_space<hbm>>
      tpu.enqueue_dma source(%dma_start3A_264 : memref<1x32xf32, #tpu.memory_space<hbm>>) target(%dma_start3A_262 : memref<1x32xf32, #tpu.memory_space<vmem>>) target_semaphore(%arg12 : memref<!tpu.dma_semaphore, #tpu.memory_space<semaphore_mem>>)
      %slice3A_265 = vector.extract_strided_slice %get3A_140 {offsets = [9], sizes = [1], strides = [1]} : vector<16xi32> to vector<1xi32>
      %squeeze3A_266 = vector.extract %slice3A_265[0] : i32 from vector<1xi32>
      %mul3A_267 = arith.constant 16 : i32
      %mul3A_268 = arith.muli %scan3A_132, %mul3A_267 : i32
      %add3A_269 = arith.constant 9 : i32
      %add3A_270 = arith.addi %mul3A_268, %add3A_269 : i32
      %dma_start3A_271 = arith.constant 0 : i32
      %dma_start3A_272 = tpu.memref_slice %arg10[%add3A_270, %dma_start3A_271] : memref<256x32xf32, #tpu.memory_space<vmem>> -> memref<1x32xf32, #tpu.memory_space<vmem>>
      %dma_start3A_273 = arith.constant 0 : i32
      %dma_start3A_274 = tpu.memref_slice %arg3[%squeeze3A_266, %dma_start3A_273] : memref<1000000x32xf32, #tpu.memory_space<hbm>> -> memref<1x32xf32, #tpu.memory_space<hbm>>
      %dma_start3A_275 = arith.constant 0 : i32
      %dma_start3A_276 = tpu.memref_slice %arg10[%add3A_270, %dma_start3A_275] : memref<256x32xf32, #tpu.memory_space<vmem>> -> memref<1x32xf32, #tpu.memory_space<vmem>>
      %dma_start3A_277 = arith.constant 0 : i32
      %dma_start3A_278 = tpu.memref_slice %arg3[%squeeze3A_266, %dma_start3A_277] : memref<1000000x32xf32, #tpu.memory_space<hbm>> -> memref<1x32xf32, #tpu.memory_space<hbm>>
      tpu.enqueue_dma source(%dma_start3A_278 : memref<1x32xf32, #tpu.memory_space<hbm>>) target(%dma_start3A_276 : memref<1x32xf32, #tpu.memory_space<vmem>>) target_semaphore(%arg12 : memref<!tpu.dma_semaphore, #tpu.memory_space<semaphore_mem>>)
      %slice3A_279 = vector.extract_strided_slice %get3A_140 {offsets = [10], sizes = [1], strides = [1]} : vector<16xi32> to vector<1xi32>
      %squeeze3A_280 = vector.extract %slice3A_279[0] : i32 from vector<1xi32>
      %mul3A_281 = arith.constant 16 : i32
      %mul3A_282 = arith.muli %scan3A_132, %mul3A_281 : i32
      %add3A_283 = arith.constant 10 : i32
      %add3A_284 = arith.addi %mul3A_282, %add3A_283 : i32
      %dma_start3A_285 = arith.constant 0 : i32
      %dma_start3A_286 = tpu.memref_slice %arg10[%add3A_284, %dma_start3A_285] : memref<256x32xf32, #tpu.memory_space<vmem>> -> memref<1x32xf32, #tpu.memory_space<vmem>>
      %dma_start3A_287 = arith.constant 0 : i32
      %dma_start3A_288 = tpu.memref_slice %arg3[%squeeze3A_280, %dma_start3A_287] : memref<1000000x32xf32, #tpu.memory_space<hbm>> -> memref<1x32xf32, #tpu.memory_space<hbm>>
      %dma_start3A_289 = arith.constant 0 : i32
      %dma_start3A_290 = tpu.memref_slice %arg10[%add3A_284, %dma_start3A_289] : memref<256x32xf32, #tpu.memory_space<vmem>> -> memref<1x32xf32, #tpu.memory_space<vmem>>
      %dma_start3A_291 = arith.constant 0 : i32
      %dma_start3A_292 = tpu.memref_slice %arg3[%squeeze3A_280, %dma_start3A_291] : memref<1000000x32xf32, #tpu.memory_space<hbm>> -> memref<1x32xf32, #tpu.memory_space<hbm>>
      tpu.enqueue_dma source(%dma_start3A_292 : memref<1x32xf32, #tpu.memory_space<hbm>>) target(%dma_start3A_290 : memref<1x32xf32, #tpu.memory_space<vmem>>) target_semaphore(%arg12 : memref<!tpu.dma_semaphore, #tpu.memory_space<semaphore_mem>>)
      %slice3A_293 = vector.extract_strided_slice %get3A_140 {offsets = [11], sizes = [1], strides = [1]} : vector<16xi32> to vector<1xi32>
      %squeeze3A_294 = vector.extract %slice3A_293[0] : i32 from vector<1xi32>
      %mul3A_295 = arith.constant 16 : i32
      %mul3A_296 = arith.muli %scan3A_132, %mul3A_295 : i32
      %add3A_297 = arith.constant 11 : i32
      %add3A_298 = arith.addi %mul3A_296, %add3A_297 : i32
      %dma_start3A_299 = arith.constant 0 : i32
      %dma_start3A_300 = tpu.memref_slice %arg10[%add3A_298, %dma_start3A_299] : memref<256x32xf32, #tpu.memory_space<vmem>> -> memref<1x32xf32, #tpu.memory_space<vmem>>
      %dma_start3A_301 = arith.constant 0 : i32
      %dma_start3A_302 = tpu.memref_slice %arg3[%squeeze3A_294, %dma_start3A_301] : memref<1000000x32xf32, #tpu.memory_space<hbm>> -> memref<1x32xf32, #tpu.memory_space<hbm>>
      %dma_start3A_303 = arith.constant 0 : i32
      %dma_start3A_304 = tpu.memref_slice %arg10[%add3A_298, %dma_start3A_303] : memref<256x32xf32, #tpu.memory_space<vmem>> -> memref<1x32xf32, #tpu.memory_space<vmem>>
      %dma_start3A_305 = arith.constant 0 : i32
      %dma_start3A_306 = tpu.memref_slice %arg3[%squeeze3A_294, %dma_start3A_305] : memref<1000000x32xf32, #tpu.memory_space<hbm>> -> memref<1x32xf32, #tpu.memory_space<hbm>>
      tpu.enqueue_dma source(%dma_start3A_306 : memref<1x32xf32, #tpu.memory_space<hbm>>) target(%dma_start3A_304 : memref<1x32xf32, #tpu.memory_space<vmem>>) target_semaphore(%arg12 : memref<!tpu.dma_semaphore, #tpu.memory_space<semaphore_mem>>)
      %slice3A_307 = vector.extract_strided_slice %get3A_140 {offsets = [12], sizes = [1], strides = [1]} : vector<16xi32> to vector<1xi32>
      %squeeze3A_308 = vector.extract %slice3A_307[0] : i32 from vector<1xi32>
      %mul3A_309 = arith.constant 16 : i32
      %mul3A_310 = arith.muli %scan3A_132, %mul3A_309 : i32
      %add3A_311 = arith.constant 12 : i32
      %add3A_312 = arith.addi %mul3A_310, %add3A_311 : i32
      %dma_start3A_313 = arith.constant 0 : i32
      %dma_start3A_314 = tpu.memref_slice %arg10[%add3A_312, %dma_start3A_313] : memref<256x32xf32, #tpu.memory_space<vmem>> -> memref<1x32xf32, #tpu.memory_space<vmem>>
      %dma_start3A_315 = arith.constant 0 : i32
      %dma_start3A_316 = tpu.memref_slice %arg3[%squeeze3A_308, %dma_start3A_315] : memref<1000000x32xf32, #tpu.memory_space<hbm>> -> memref<1x32xf32, #tpu.memory_space<hbm>>
      %dma_start3A_317 = arith.constant 0 : i32
      %dma_start3A_318 = tpu.memref_slice %arg10[%add3A_312, %dma_start3A_317] : memref<256x32xf32, #tpu.memory_space<vmem>> -> memref<1x32xf32, #tpu.memory_space<vmem>>
      %dma_start3A_319 = arith.constant 0 : i32
      %dma_start3A_320 = tpu.memref_slice %arg3[%squeeze3A_308, %dma_start3A_319] : memref<1000000x32xf32, #tpu.memory_space<hbm>> -> memref<1x32xf32, #tpu.memory_space<hbm>>
      tpu.enqueue_dma source(%dma_start3A_320 : memref<1x32xf32, #tpu.memory_space<hbm>>) target(%dma_start3A_318 : memref<1x32xf32, #tpu.memory_space<vmem>>) target_semaphore(%arg12 : memref<!tpu.dma_semaphore, #tpu.memory_space<semaphore_mem>>)
      %slice3A_321 = vector.extract_strided_slice %get3A_140 {offsets = [13], sizes = [1], strides = [1]} : vector<16xi32> to vector<1xi32>
      %squeeze3A_322 = vector.extract %slice3A_321[0] : i32 from vector<1xi32>
      %mul3A_323 = arith.constant 16 : i32
      %mul3A_324 = arith.muli %scan3A_132, %mul3A_323 : i32
      %add3A_325 = arith.constant 13 : i32
      %add3A_326 = arith.addi %mul3A_324, %add3A_325 : i32
      %dma_start3A_327 = arith.constant 0 : i32
      %dma_start3A_328 = tpu.memref_slice %arg10[%add3A_326, %dma_start3A_327] : memref<256x32xf32, #tpu.memory_space<vmem>> -> memref<1x32xf32, #tpu.memory_space<vmem>>
      %dma_start3A_329 = arith.constant 0 : i32
      %dma_start3A_330 = tpu.memref_slice %arg3[%squeeze3A_322, %dma_start3A_329] : memref<1000000x32xf32, #tpu.memory_space<hbm>> -> memref<1x32xf32, #tpu.memory_space<hbm>>
      %dma_start3A_331 = arith.constant 0 : i32
      %dma_start3A_332 = tpu.memref_slice %arg10[%add3A_326, %dma_start3A_331] : memref<256x32xf32, #tpu.memory_space<vmem>> -> memref<1x32xf32, #tpu.memory_space<vmem>>
      %dma_start3A_333 = arith.constant 0 : i32
      %dma_start3A_334 = tpu.memref_slice %arg3[%squeeze3A_322, %dma_start3A_333] : memref<1000000x32xf32, #tpu.memory_space<hbm>> -> memref<1x32xf32, #tpu.memory_space<hbm>>
      tpu.enqueue_dma source(%dma_start3A_334 : memref<1x32xf32, #tpu.memory_space<hbm>>) target(%dma_start3A_332 : memref<1x32xf32, #tpu.memory_space<vmem>>) target_semaphore(%arg12 : memref<!tpu.dma_semaphore, #tpu.memory_space<semaphore_mem>>)
      %slice3A_335 = vector.extract_strided_slice %get3A_140 {offsets = [14], sizes = [1], strides = [1]} : vector<16xi32> to vector<1xi32>
      %squeeze3A_336 = vector.extract %slice3A_335[0] : i32 from vector<1xi32>
      %mul3A_337 = arith.constant 16 : i32
      %mul3A_338 = arith.muli %scan3A_132, %mul3A_337 : i32
      %add3A_339 = arith.constant 14 : i32
      %add3A_340 = arith.addi %mul3A_338, %add3A_339 : i32
      %dma_start3A_341 = arith.constant 0 : i32
      %dma_start3A_342 = tpu.memref_slice %arg10[%add3A_340, %dma_start3A_341] : memref<256x32xf32, #tpu.memory_space<vmem>> -> memref<1x32xf32, #tpu.memory_space<vmem>>
      %dma_start3A_343 = arith.constant 0 : i32
      %dma_start3A_344 = tpu.memref_slice %arg3[%squeeze3A_336, %dma_start3A_343] : memref<1000000x32xf32, #tpu.memory_space<hbm>> -> memref<1x32xf32, #tpu.memory_space<hbm>>
      %dma_start3A_345 = arith.constant 0 : i32
      %dma_start3A_346 = tpu.memref_slice %arg10[%add3A_340, %dma_start3A_345] : memref<256x32xf32, #tpu.memory_space<vmem>> -> memref<1x32xf32, #tpu.memory_space<vmem>>
      %dma_start3A_347 = arith.constant 0 : i32
      %dma_start3A_348 = tpu.memref_slice %arg3[%squeeze3A_336, %dma_start3A_347] : memref<1000000x32xf32, #tpu.memory_space<hbm>> -> memref<1x32xf32, #tpu.memory_space<hbm>>
      tpu.enqueue_dma source(%dma_start3A_348 : memref<1x32xf32, #tpu.memory_space<hbm>>) target(%dma_start3A_346 : memref<1x32xf32, #tpu.memory_space<vmem>>) target_semaphore(%arg12 : memref<!tpu.dma_semaphore, #tpu.memory_space<semaphore_mem>>)
      %slice3A_349 = vector.extract_strided_slice %get3A_140 {offsets = [15], sizes = [1], strides = [1]} : vector<16xi32> to vector<1xi32>
      %squeeze3A_350 = vector.extract %slice3A_349[0] : i32 from vector<1xi32>
      %mul3A_351 = arith.constant 16 : i32
      %mul3A_352 = arith.muli %scan3A_132, %mul3A_351 : i32
      %add3A_353 = arith.constant 15 : i32
      %add3A_354 = arith.addi %mul3A_352, %add3A_353 : i32
      %dma_start3A_355 = arith.constant 0 : i32
      %dma_start3A_356 = tpu.memref_slice %arg10[%add3A_354, %dma_start3A_355] : memref<256x32xf32, #tpu.memory_space<vmem>> -> memref<1x32xf32, #tpu.memory_space<vmem>>
      %dma_start3A_357 = arith.constant 0 : i32
      %dma_start3A_358 = tpu.memref_slice %arg3[%squeeze3A_350, %dma_start3A_357] : memref<1000000x32xf32, #tpu.memory_space<hbm>> -> memref<1x32xf32, #tpu.memory_space<hbm>>
      %dma_start3A_359 = arith.constant 0 : i32
      %dma_start3A_360 = tpu.memref_slice %arg10[%add3A_354, %dma_start3A_359] : memref<256x32xf32, #tpu.memory_space<vmem>> -> memref<1x32xf32, #tpu.memory_space<vmem>>
      %dma_start3A_361 = arith.constant 0 : i32
      %dma_start3A_362 = tpu.memref_slice %arg3[%squeeze3A_350, %dma_start3A_361] : memref<1000000x32xf32, #tpu.memory_space<hbm>> -> memref<1x32xf32, #tpu.memory_space<hbm>>
      tpu.enqueue_dma source(%dma_start3A_362 : memref<1x32xf32, #tpu.memory_space<hbm>>) target(%dma_start3A_360 : memref<1x32xf32, #tpu.memory_space<vmem>>) target_semaphore(%arg12 : memref<!tpu.dma_semaphore, #tpu.memory_space<semaphore_mem>>)
    }
    %scan3A_55 = arith.constant 16 : i32
    %scan3A_56 = arith.constant 0 : i32
    %scan3A_57 = arith.constant 0 : i32
    %scan3A_58 = arith.constant 16 : i32
    %scan3A_59 = arith.addi %scan3A_57, %scan3A_58 : i32
    %scan3A_60 = arith.constant 1 : i32
    scf.for %scan3A_132 = %scan3A_57 to %scan3A_59 step %scan3A_60  : i32 {
      %mul3A_133 = arith.constant 16 : i32
      %mul3A_134 = arith.muli %scan3A_132, %mul3A_133 : i32
      %add3A_135 = arith.constant 0 : i32
      %add3A_136 = arith.addi %mul3A_134, %add3A_135 : i32
      %dma_wait3A_137 = arith.constant 0 : i32
      %dma_wait3A_138 = tpu.memref_slice %arg9[%add3A_136, %dma_wait3A_137] : memref<256x32xf32, #tpu.memory_space<vmem>> -> memref<1x32xf32, #tpu.memory_space<vmem>>
      %dma_wait3A_139 = arith.constant 0 : i32
      %dma_wait3A_140 = arith.constant 0 : i32
      %dma_wait3A_141 = tpu.memref_slice %arg3[%dma_wait3A_139, %dma_wait3A_140] : memref<1000000x32xf32, #tpu.memory_space<hbm>> -> memref<1x32xf32, #tpu.memory_space<hbm>>
      %dma_wait3A_142 = arith.constant 0 : i32
      %dma_wait3A_143 = tpu.memref_slice %arg9[%add3A_136, %dma_wait3A_142] : memref<256x32xf32, #tpu.memory_space<vmem>> -> memref<1x32xf32, #tpu.memory_space<vmem>>
      %dma_wait3A_144 = arith.constant 0 : i32
      %dma_wait3A_145 = arith.constant 0 : i32
      %dma_wait3A_146 = tpu.memref_slice %arg3[%dma_wait3A_144, %dma_wait3A_145] : memref<1000000x32xf32, #tpu.memory_space<hbm>> -> memref<1x32xf32, #tpu.memory_space<hbm>>
      tpu.wait_dma2 semaphore(%arg11 : memref<!tpu.dma_semaphore, #tpu.memory_space<semaphore_mem>>) src(%dma_wait3A_146 : memref<1x32xf32, #tpu.memory_space<hbm>>) dst(%dma_wait3A_143 : memref<1x32xf32, #tpu.memory_space<vmem>>)
      %mul3A_147 = arith.constant 16 : i32
      %mul3A_148 = arith.muli %scan3A_132, %mul3A_147 : i32
      %add3A_149 = arith.constant 1 : i32
      %add3A_150 = arith.addi %mul3A_148, %add3A_149 : i32
      %dma_wait3A_151 = arith.constant 0 : i32
      %dma_wait3A_152 = tpu.memref_slice %arg9[%add3A_150, %dma_wait3A_151] : memref<256x32xf32, #tpu.memory_space<vmem>> -> memref<1x32xf32, #tpu.memory_space<vmem>>
      %dma_wait3A_153 = arith.constant 0 : i32
      %dma_wait3A_154 = arith.constant 0 : i32
      %dma_wait3A_155 = tpu.memref_slice %arg3[%dma_wait3A_153, %dma_wait3A_154] : memref<1000000x32xf32, #tpu.memory_space<hbm>> -> memref<1x32xf32, #tpu.memory_space<hbm>>
      %dma_wait3A_156 = arith.constant 0 : i32
      %dma_wait3A_157 = tpu.memref_slice %arg9[%add3A_150, %dma_wait3A_156] : memref<256x32xf32, #tpu.memory_space<vmem>> -> memref<1x32xf32, #tpu.memory_space<vmem>>
      %dma_wait3A_158 = arith.constant 0 : i32
      %dma_wait3A_159 = arith.constant 0 : i32
      %dma_wait3A_160 = tpu.memref_slice %arg3[%dma_wait3A_158, %dma_wait3A_159] : memref<1000000x32xf32, #tpu.memory_space<hbm>> -> memref<1x32xf32, #tpu.memory_space<hbm>>
      tpu.wait_dma2 semaphore(%arg11 : memref<!tpu.dma_semaphore, #tpu.memory_space<semaphore_mem>>) src(%dma_wait3A_160 : memref<1x32xf32, #tpu.memory_space<hbm>>) dst(%dma_wait3A_157 : memref<1x32xf32, #tpu.memory_space<vmem>>)
      %mul3A_161 = arith.constant 16 : i32
      %mul3A_162 = arith.muli %scan3A_132, %mul3A_161 : i32
      %add3A_163 = arith.constant 2 : i32
      %add3A_164 = arith.addi %mul3A_162, %add3A_163 : i32
      %dma_wait3A_165 = arith.constant 0 : i32
      %dma_wait3A_166 = tpu.memref_slice %arg9[%add3A_164, %dma_wait3A_165] : memref<256x32xf32, #tpu.memory_space<vmem>> -> memref<1x32xf32, #tpu.memory_space<vmem>>
      %dma_wait3A_167 = arith.constant 0 : i32
      %dma_wait3A_168 = arith.constant 0 : i32
      %dma_wait3A_169 = tpu.memref_slice %arg3[%dma_wait3A_167, %dma_wait3A_168] : memref<1000000x32xf32, #tpu.memory_space<hbm>> -> memref<1x32xf32, #tpu.memory_space<hbm>>
      %dma_wait3A_170 = arith.constant 0 : i32
      %dma_wait3A_171 = tpu.memref_slice %arg9[%add3A_164, %dma_wait3A_170] : memref<256x32xf32, #tpu.memory_space<vmem>> -> memref<1x32xf32, #tpu.memory_space<vmem>>
      %dma_wait3A_172 = arith.constant 0 : i32
      %dma_wait3A_173 = arith.constant 0 : i32
      %dma_wait3A_174 = tpu.memref_slice %arg3[%dma_wait3A_172, %dma_wait3A_173] : memref<1000000x32xf32, #tpu.memory_space<hbm>> -> memref<1x32xf32, #tpu.memory_space<hbm>>
      tpu.wait_dma2 semaphore(%arg11 : memref<!tpu.dma_semaphore, #tpu.memory_space<semaphore_mem>>) src(%dma_wait3A_174 : memref<1x32xf32, #tpu.memory_space<hbm>>) dst(%dma_wait3A_171 : memref<1x32xf32, #tpu.memory_space<vmem>>)
      %mul3A_175 = arith.constant 16 : i32
      %mul3A_176 = arith.muli %scan3A_132, %mul3A_175 : i32
      %add3A_177 = arith.constant 3 : i32
      %add3A_178 = arith.addi %mul3A_176, %add3A_177 : i32
      %dma_wait3A_179 = arith.constant 0 : i32
      %dma_wait3A_180 = tpu.memref_slice %arg9[%add3A_178, %dma_wait3A_179] : memref<256x32xf32, #tpu.memory_space<vmem>> -> memref<1x32xf32, #tpu.memory_space<vmem>>
      %dma_wait3A_181 = arith.constant 0 : i32
      %dma_wait3A_182 = arith.constant 0 : i32
      %dma_wait3A_183 = tpu.memref_slice %arg3[%dma_wait3A_181, %dma_wait3A_182] : memref<1000000x32xf32, #tpu.memory_space<hbm>> -> memref<1x32xf32, #tpu.memory_space<hbm>>
      %dma_wait3A_184 = arith.constant 0 : i32
      %dma_wait3A_185 = tpu.memref_slice %arg9[%add3A_178, %dma_wait3A_184] : memref<256x32xf32, #tpu.memory_space<vmem>> -> memref<1x32xf32, #tpu.memory_space<vmem>>
      %dma_wait3A_186 = arith.constant 0 : i32
      %dma_wait3A_187 = arith.constant 0 : i32
      %dma_wait3A_188 = tpu.memref_slice %arg3[%dma_wait3A_186, %dma_wait3A_187] : memref<1000000x32xf32, #tpu.memory_space<hbm>> -> memref<1x32xf32, #tpu.memory_space<hbm>>
      tpu.wait_dma2 semaphore(%arg11 : memref<!tpu.dma_semaphore, #tpu.memory_space<semaphore_mem>>) src(%dma_wait3A_188 : memref<1x32xf32, #tpu.memory_space<hbm>>) dst(%dma_wait3A_185 : memref<1x32xf32, #tpu.memory_space<vmem>>)
      %mul3A_189 = arith.constant 16 : i32
      %mul3A_190 = arith.muli %scan3A_132, %mul3A_189 : i32
      %add3A_191 = arith.constant 4 : i32
      %add3A_192 = arith.addi %mul3A_190, %add3A_191 : i32
      %dma_wait3A_193 = arith.constant 0 : i32
      %dma_wait3A_194 = tpu.memref_slice %arg9[%add3A_192, %dma_wait3A_193] : memref<256x32xf32, #tpu.memory_space<vmem>> -> memref<1x32xf32, #tpu.memory_space<vmem>>
      %dma_wait3A_195 = arith.constant 0 : i32
      %dma_wait3A_196 = arith.constant 0 : i32
      %dma_wait3A_197 = tpu.memref_slice %arg3[%dma_wait3A_195, %dma_wait3A_196] : memref<1000000x32xf32, #tpu.memory_space<hbm>> -> memref<1x32xf32, #tpu.memory_space<hbm>>
      %dma_wait3A_198 = arith.constant 0 : i32
      %dma_wait3A_199 = tpu.memref_slice %arg9[%add3A_192, %dma_wait3A_198] : memref<256x32xf32, #tpu.memory_space<vmem>> -> memref<1x32xf32, #tpu.memory_space<vmem>>
      %dma_wait3A_200 = arith.constant 0 : i32
      %dma_wait3A_201 = arith.constant 0 : i32
      %dma_wait3A_202 = tpu.memref_slice %arg3[%dma_wait3A_200, %dma_wait3A_201] : memref<1000000x32xf32, #tpu.memory_space<hbm>> -> memref<1x32xf32, #tpu.memory_space<hbm>>
      tpu.wait_dma2 semaphore(%arg11 : memref<!tpu.dma_semaphore, #tpu.memory_space<semaphore_mem>>) src(%dma_wait3A_202 : memref<1x32xf32, #tpu.memory_space<hbm>>) dst(%dma_wait3A_199 : memref<1x32xf32, #tpu.memory_space<vmem>>)
      %mul3A_203 = arith.constant 16 : i32
      %mul3A_204 = arith.muli %scan3A_132, %mul3A_203 : i32
      %add3A_205 = arith.constant 5 : i32
      %add3A_206 = arith.addi %mul3A_204, %add3A_205 : i32
      %dma_wait3A_207 = arith.constant 0 : i32
      %dma_wait3A_208 = tpu.memref_slice %arg9[%add3A_206, %dma_wait3A_207] : memref<256x32xf32, #tpu.memory_space<vmem>> -> memref<1x32xf32, #tpu.memory_space<vmem>>
      %dma_wait3A_209 = arith.constant 0 : i32
      %dma_wait3A_210 = arith.constant 0 : i32
      %dma_wait3A_211 = tpu.memref_slice %arg3[%dma_wait3A_209, %dma_wait3A_210] : memref<1000000x32xf32, #tpu.memory_space<hbm>> -> memref<1x32xf32, #tpu.memory_space<hbm>>
      %dma_wait3A_212 = arith.constant 0 : i32
      %dma_wait3A_213 = tpu.memref_slice %arg9[%add3A_206, %dma_wait3A_212] : memref<256x32xf32, #tpu.memory_space<vmem>> -> memref<1x32xf32, #tpu.memory_space<vmem>>
      %dma_wait3A_214 = arith.constant 0 : i32
      %dma_wait3A_215 = arith.constant 0 : i32
      %dma_wait3A_216 = tpu.memref_slice %arg3[%dma_wait3A_214, %dma_wait3A_215] : memref<1000000x32xf32, #tpu.memory_space<hbm>> -> memref<1x32xf32, #tpu.memory_space<hbm>>
      tpu.wait_dma2 semaphore(%arg11 : memref<!tpu.dma_semaphore, #tpu.memory_space<semaphore_mem>>) src(%dma_wait3A_216 : memref<1x32xf32, #tpu.memory_space<hbm>>) dst(%dma_wait3A_213 : memref<1x32xf32, #tpu.memory_space<vmem>>)
      %mul3A_217 = arith.constant 16 : i32
      %mul3A_218 = arith.muli %scan3A_132, %mul3A_217 : i32
      %add3A_219 = arith.constant 6 : i32
      %add3A_220 = arith.addi %mul3A_218, %add3A_219 : i32
      %dma_wait3A_221 = arith.constant 0 : i32
      %dma_wait3A_222 = tpu.memref_slice %arg9[%add3A_220, %dma_wait3A_221] : memref<256x32xf32, #tpu.memory_space<vmem>> -> memref<1x32xf32, #tpu.memory_space<vmem>>
      %dma_wait3A_223 = arith.constant 0 : i32
      %dma_wait3A_224 = arith.constant 0 : i32
      %dma_wait3A_225 = tpu.memref_slice %arg3[%dma_wait3A_223, %dma_wait3A_224] : memref<1000000x32xf32, #tpu.memory_space<hbm>> -> memref<1x32xf32, #tpu.memory_space<hbm>>
      %dma_wait3A_226 = arith.constant 0 : i32
      %dma_wait3A_227 = tpu.memref_slice %arg9[%add3A_220, %dma_wait3A_226] : memref<256x32xf32, #tpu.memory_space<vmem>> -> memref<1x32xf32, #tpu.memory_space<vmem>>
      %dma_wait3A_228 = arith.constant 0 : i32
      %dma_wait3A_229 = arith.constant 0 : i32
      %dma_wait3A_230 = tpu.memref_slice %arg3[%dma_wait3A_228, %dma_wait3A_229] : memref<1000000x32xf32, #tpu.memory_space<hbm>> -> memref<1x32xf32, #tpu.memory_space<hbm>>
      tpu.wait_dma2 semaphore(%arg11 : memref<!tpu.dma_semaphore, #tpu.memory_space<semaphore_mem>>) src(%dma_wait3A_230 : memref<1x32xf32, #tpu.memory_space<hbm>>) dst(%dma_wait3A_227 : memref<1x32xf32, #tpu.memory_space<vmem>>)
      %mul3A_231 = arith.constant 16 : i32
      %mul3A_232 = arith.muli %scan3A_132, %mul3A_231 : i32
      %add3A_233 = arith.constant 7 : i32
      %add3A_234 = arith.addi %mul3A_232, %add3A_233 : i32
      %dma_wait3A_235 = arith.constant 0 : i32
      %dma_wait3A_236 = tpu.memref_slice %arg9[%add3A_234, %dma_wait3A_235] : memref<256x32xf32, #tpu.memory_space<vmem>> -> memref<1x32xf32, #tpu.memory_space<vmem>>
      %dma_wait3A_237 = arith.constant 0 : i32
      %dma_wait3A_238 = arith.constant 0 : i32
      %dma_wait3A_239 = tpu.memref_slice %arg3[%dma_wait3A_237, %dma_wait3A_238] : memref<1000000x32xf32, #tpu.memory_space<hbm>> -> memref<1x32xf32, #tpu.memory_space<hbm>>
      %dma_wait3A_240 = arith.constant 0 : i32
      %dma_wait3A_241 = tpu.memref_slice %arg9[%add3A_234, %dma_wait3A_240] : memref<256x32xf32, #tpu.memory_space<vmem>> -> memref<1x32xf32, #tpu.memory_space<vmem>>
      %dma_wait3A_242 = arith.constant 0 : i32
      %dma_wait3A_243 = arith.constant 0 : i32
      %dma_wait3A_244 = tpu.memref_slice %arg3[%dma_wait3A_242, %dma_wait3A_243] : memref<1000000x32xf32, #tpu.memory_space<hbm>> -> memref<1x32xf32, #tpu.memory_space<hbm>>
      tpu.wait_dma2 semaphore(%arg11 : memref<!tpu.dma_semaphore, #tpu.memory_space<semaphore_mem>>) src(%dma_wait3A_244 : memref<1x32xf32, #tpu.memory_space<hbm>>) dst(%dma_wait3A_241 : memref<1x32xf32, #tpu.memory_space<vmem>>)
      %mul3A_245 = arith.constant 16 : i32
      %mul3A_246 = arith.muli %scan3A_132, %mul3A_245 : i32
      %add3A_247 = arith.constant 8 : i32
      %add3A_248 = arith.addi %mul3A_246, %add3A_247 : i32
      %dma_wait3A_249 = arith.constant 0 : i32
      %dma_wait3A_250 = tpu.memref_slice %arg9[%add3A_248, %dma_wait3A_249] : memref<256x32xf32, #tpu.memory_space<vmem>> -> memref<1x32xf32, #tpu.memory_space<vmem>>
      %dma_wait3A_251 = arith.constant 0 : i32
      %dma_wait3A_252 = arith.constant 0 : i32
      %dma_wait3A_253 = tpu.memref_slice %arg3[%dma_wait3A_251, %dma_wait3A_252] : memref<1000000x32xf32, #tpu.memory_space<hbm>> -> memref<1x32xf32, #tpu.memory_space<hbm>>
      %dma_wait3A_254 = arith.constant 0 : i32
      %dma_wait3A_255 = tpu.memref_slice %arg9[%add3A_248, %dma_wait3A_254] : memref<256x32xf32, #tpu.memory_space<vmem>> -> memref<1x32xf32, #tpu.memory_space<vmem>>
      %dma_wait3A_256 = arith.constant 0 : i32
      %dma_wait3A_257 = arith.constant 0 : i32
      %dma_wait3A_258 = tpu.memref_slice %arg3[%dma_wait3A_256, %dma_wait3A_257] : memref<1000000x32xf32, #tpu.memory_space<hbm>> -> memref<1x32xf32, #tpu.memory_space<hbm>>
      tpu.wait_dma2 semaphore(%arg11 : memref<!tpu.dma_semaphore, #tpu.memory_space<semaphore_mem>>) src(%dma_wait3A_258 : memref<1x32xf32, #tpu.memory_space<hbm>>) dst(%dma_wait3A_255 : memref<1x32xf32, #tpu.memory_space<vmem>>)
      %mul3A_259 = arith.constant 16 : i32
      %mul3A_260 = arith.muli %scan3A_132, %mul3A_259 : i32
      %add3A_261 = arith.constant 9 : i32
      %add3A_262 = arith.addi %mul3A_260, %add3A_261 : i32
      %dma_wait3A_263 = arith.constant 0 : i32
      %dma_wait3A_264 = tpu.memref_slice %arg9[%add3A_262, %dma_wait3A_263] : memref<256x32xf32, #tpu.memory_space<vmem>> -> memref<1x32xf32, #tpu.memory_space<vmem>>
      %dma_wait3A_265 = arith.constant 0 : i32
      %dma_wait3A_266 = arith.constant 0 : i32
      %dma_wait3A_267 = tpu.memref_slice %arg3[%dma_wait3A_265, %dma_wait3A_266] : memref<1000000x32xf32, #tpu.memory_space<hbm>> -> memref<1x32xf32, #tpu.memory_space<hbm>>
      %dma_wait3A_268 = arith.constant 0 : i32
      %dma_wait3A_269 = tpu.memref_slice %arg9[%add3A_262, %dma_wait3A_268] : memref<256x32xf32, #tpu.memory_space<vmem>> -> memref<1x32xf32, #tpu.memory_space<vmem>>
      %dma_wait3A_270 = arith.constant 0 : i32
      %dma_wait3A_271 = arith.constant 0 : i32
      %dma_wait3A_272 = tpu.memref_slice %arg3[%dma_wait3A_270, %dma_wait3A_271] : memref<1000000x32xf32, #tpu.memory_space<hbm>> -> memref<1x32xf32, #tpu.memory_space<hbm>>
      tpu.wait_dma2 semaphore(%arg11 : memref<!tpu.dma_semaphore, #tpu.memory_space<semaphore_mem>>) src(%dma_wait3A_272 : memref<1x32xf32, #tpu.memory_space<hbm>>) dst(%dma_wait3A_269 : memref<1x32xf32, #tpu.memory_space<vmem>>)
      %mul3A_273 = arith.constant 16 : i32
      %mul3A_274 = arith.muli %scan3A_132, %mul3A_273 : i32
      %add3A_275 = arith.constant 10 : i32
      %add3A_276 = arith.addi %mul3A_274, %add3A_275 : i32
      %dma_wait3A_277 = arith.constant 0 : i32
      %dma_wait3A_278 = tpu.memref_slice %arg9[%add3A_276, %dma_wait3A_277] : memref<256x32xf32, #tpu.memory_space<vmem>> -> memref<1x32xf32, #tpu.memory_space<vmem>>
      %dma_wait3A_279 = arith.constant 0 : i32
      %dma_wait3A_280 = arith.constant 0 : i32
      %dma_wait3A_281 = tpu.memref_slice %arg3[%dma_wait3A_279, %dma_wait3A_280] : memref<1000000x32xf32, #tpu.memory_space<hbm>> -> memref<1x32xf32, #tpu.memory_space<hbm>>
      %dma_wait3A_282 = arith.constant 0 : i32
      %dma_wait3A_283 = tpu.memref_slice %arg9[%add3A_276, %dma_wait3A_282] : memref<256x32xf32, #tpu.memory_space<vmem>> -> memref<1x32xf32, #tpu.memory_space<vmem>>
      %dma_wait3A_284 = arith.constant 0 : i32
      %dma_wait3A_285 = arith.constant 0 : i32
      %dma_wait3A_286 = tpu.memref_slice %arg3[%dma_wait3A_284, %dma_wait3A_285] : memref<1000000x32xf32, #tpu.memory_space<hbm>> -> memref<1x32xf32, #tpu.memory_space<hbm>>
      tpu.wait_dma2 semaphore(%arg11 : memref<!tpu.dma_semaphore, #tpu.memory_space<semaphore_mem>>) src(%dma_wait3A_286 : memref<1x32xf32, #tpu.memory_space<hbm>>) dst(%dma_wait3A_283 : memref<1x32xf32, #tpu.memory_space<vmem>>)
      %mul3A_287 = arith.constant 16 : i32
      %mul3A_288 = arith.muli %scan3A_132, %mul3A_287 : i32
      %add3A_289 = arith.constant 11 : i32
      %add3A_290 = arith.addi %mul3A_288, %add3A_289 : i32
      %dma_wait3A_291 = arith.constant 0 : i32
      %dma_wait3A_292 = tpu.memref_slice %arg9[%add3A_290, %dma_wait3A_291] : memref<256x32xf32, #tpu.memory_space<vmem>> -> memref<1x32xf32, #tpu.memory_space<vmem>>
      %dma_wait3A_293 = arith.constant 0 : i32
      %dma_wait3A_294 = arith.constant 0 : i32
      %dma_wait3A_295 = tpu.memref_slice %arg3[%dma_wait3A_293, %dma_wait3A_294] : memref<1000000x32xf32, #tpu.memory_space<hbm>> -> memref<1x32xf32, #tpu.memory_space<hbm>>
      %dma_wait3A_296 = arith.constant 0 : i32
      %dma_wait3A_297 = tpu.memref_slice %arg9[%add3A_290, %dma_wait3A_296] : memref<256x32xf32, #tpu.memory_space<vmem>> -> memref<1x32xf32, #tpu.memory_space<vmem>>
      %dma_wait3A_298 = arith.constant 0 : i32
      %dma_wait3A_299 = arith.constant 0 : i32
      %dma_wait3A_300 = tpu.memref_slice %arg3[%dma_wait3A_298, %dma_wait3A_299] : memref<1000000x32xf32, #tpu.memory_space<hbm>> -> memref<1x32xf32, #tpu.memory_space<hbm>>
      tpu.wait_dma2 semaphore(%arg11 : memref<!tpu.dma_semaphore, #tpu.memory_space<semaphore_mem>>) src(%dma_wait3A_300 : memref<1x32xf32, #tpu.memory_space<hbm>>) dst(%dma_wait3A_297 : memref<1x32xf32, #tpu.memory_space<vmem>>)
      %mul3A_301 = arith.constant 16 : i32
      %mul3A_302 = arith.muli %scan3A_132, %mul3A_301 : i32
      %add3A_303 = arith.constant 12 : i32
      %add3A_304 = arith.addi %mul3A_302, %add3A_303 : i32
      %dma_wait3A_305 = arith.constant 0 : i32
      %dma_wait3A_306 = tpu.memref_slice %arg9[%add3A_304, %dma_wait3A_305] : memref<256x32xf32, #tpu.memory_space<vmem>> -> memref<1x32xf32, #tpu.memory_space<vmem>>
      %dma_wait3A_307 = arith.constant 0 : i32
      %dma_wait3A_308 = arith.constant 0 : i32
      %dma_wait3A_309 = tpu.memref_slice %arg3[%dma_wait3A_307, %dma_wait3A_308] : memref<1000000x32xf32, #tpu.memory_space<hbm>> -> memref<1x32xf32, #tpu.memory_space<hbm>>
      %dma_wait3A_310 = arith.constant 0 : i32
      %dma_wait3A_311 = tpu.memref_slice %arg9[%add3A_304, %dma_wait3A_310] : memref<256x32xf32, #tpu.memory_space<vmem>> -> memref<1x32xf32, #tpu.memory_space<vmem>>
      %dma_wait3A_312 = arith.constant 0 : i32
      %dma_wait3A_313 = arith.constant 0 : i32
      %dma_wait3A_314 = tpu.memref_slice %arg3[%dma_wait3A_312, %dma_wait3A_313] : memref<1000000x32xf32, #tpu.memory_space<hbm>> -> memref<1x32xf32, #tpu.memory_space<hbm>>
      tpu.wait_dma2 semaphore(%arg11 : memref<!tpu.dma_semaphore, #tpu.memory_space<semaphore_mem>>) src(%dma_wait3A_314 : memref<1x32xf32, #tpu.memory_space<hbm>>) dst(%dma_wait3A_311 : memref<1x32xf32, #tpu.memory_space<vmem>>)
      %mul3A_315 = arith.constant 16 : i32
      %mul3A_316 = arith.muli %scan3A_132, %mul3A_315 : i32
      %add3A_317 = arith.constant 13 : i32
      %add3A_318 = arith.addi %mul3A_316, %add3A_317 : i32
      %dma_wait3A_319 = arith.constant 0 : i32
      %dma_wait3A_320 = tpu.memref_slice %arg9[%add3A_318, %dma_wait3A_319] : memref<256x32xf32, #tpu.memory_space<vmem>> -> memref<1x32xf32, #tpu.memory_space<vmem>>
      %dma_wait3A_321 = arith.constant 0 : i32
      %dma_wait3A_322 = arith.constant 0 : i32
      %dma_wait3A_323 = tpu.memref_slice %arg3[%dma_wait3A_321, %dma_wait3A_322] : memref<1000000x32xf32, #tpu.memory_space<hbm>> -> memref<1x32xf32, #tpu.memory_space<hbm>>
      %dma_wait3A_324 = arith.constant 0 : i32
      %dma_wait3A_325 = tpu.memref_slice %arg9[%add3A_318, %dma_wait3A_324] : memref<256x32xf32, #tpu.memory_space<vmem>> -> memref<1x32xf32, #tpu.memory_space<vmem>>
      %dma_wait3A_326 = arith.constant 0 : i32
      %dma_wait3A_327 = arith.constant 0 : i32
      %dma_wait3A_328 = tpu.memref_slice %arg3[%dma_wait3A_326, %dma_wait3A_327] : memref<1000000x32xf32, #tpu.memory_space<hbm>> -> memref<1x32xf32, #tpu.memory_space<hbm>>
      tpu.wait_dma2 semaphore(%arg11 : memref<!tpu.dma_semaphore, #tpu.memory_space<semaphore_mem>>) src(%dma_wait3A_328 : memref<1x32xf32, #tpu.memory_space<hbm>>) dst(%dma_wait3A_325 : memref<1x32xf32, #tpu.memory_space<vmem>>)
      %mul3A_329 = arith.constant 16 : i32
      %mul3A_330 = arith.muli %scan3A_132, %mul3A_329 : i32
      %add3A_331 = arith.constant 14 : i32
      %add3A_332 = arith.addi %mul3A_330, %add3A_331 : i32
      %dma_wait3A_333 = arith.constant 0 : i32
      %dma_wait3A_334 = tpu.memref_slice %arg9[%add3A_332, %dma_wait3A_333] : memref<256x32xf32, #tpu.memory_space<vmem>> -> memref<1x32xf32, #tpu.memory_space<vmem>>
      %dma_wait3A_335 = arith.constant 0 : i32
      %dma_wait3A_336 = arith.constant 0 : i32
      %dma_wait3A_337 = tpu.memref_slice %arg3[%dma_wait3A_335, %dma_wait3A_336] : memref<1000000x32xf32, #tpu.memory_space<hbm>> -> memref<1x32xf32, #tpu.memory_space<hbm>>
      %dma_wait3A_338 = arith.constant 0 : i32
      %dma_wait3A_339 = tpu.memref_slice %arg9[%add3A_332, %dma_wait3A_338] : memref<256x32xf32, #tpu.memory_space<vmem>> -> memref<1x32xf32, #tpu.memory_space<vmem>>
      %dma_wait3A_340 = arith.constant 0 : i32
      %dma_wait3A_341 = arith.constant 0 : i32
      %dma_wait3A_342 = tpu.memref_slice %arg3[%dma_wait3A_340, %dma_wait3A_341] : memref<1000000x32xf32, #tpu.memory_space<hbm>> -> memref<1x32xf32, #tpu.memory_space<hbm>>
      tpu.wait_dma2 semaphore(%arg11 : memref<!tpu.dma_semaphore, #tpu.memory_space<semaphore_mem>>) src(%dma_wait3A_342 : memref<1x32xf32, #tpu.memory_space<hbm>>) dst(%dma_wait3A_339 : memref<1x32xf32, #tpu.memory_space<vmem>>)
      %mul3A_343 = arith.constant 16 : i32
      %mul3A_344 = arith.muli %scan3A_132, %mul3A_343 : i32
      %add3A_345 = arith.constant 15 : i32
      %add3A_346 = arith.addi %mul3A_344, %add3A_345 : i32
      %dma_wait3A_347 = arith.constant 0 : i32
      %dma_wait3A_348 = tpu.memref_slice %arg9[%add3A_346, %dma_wait3A_347] : memref<256x32xf32, #tpu.memory_space<vmem>> -> memref<1x32xf32, #tpu.memory_space<vmem>>
      %dma_wait3A_349 = arith.constant 0 : i32
      %dma_wait3A_350 = arith.constant 0 : i32
      %dma_wait3A_351 = tpu.memref_slice %arg3[%dma_wait3A_349, %dma_wait3A_350] : memref<1000000x32xf32, #tpu.memory_space<hbm>> -> memref<1x32xf32, #tpu.memory_space<hbm>>
      %dma_wait3A_352 = arith.constant 0 : i32
      %dma_wait3A_353 = tpu.memref_slice %arg9[%add3A_346, %dma_wait3A_352] : memref<256x32xf32, #tpu.memory_space<vmem>> -> memref<1x32xf32, #tpu.memory_space<vmem>>
      %dma_wait3A_354 = arith.constant 0 : i32
      %dma_wait3A_355 = arith.constant 0 : i32
      %dma_wait3A_356 = tpu.memref_slice %arg3[%dma_wait3A_354, %dma_wait3A_355] : memref<1000000x32xf32, #tpu.memory_space<hbm>> -> memref<1x32xf32, #tpu.memory_space<hbm>>
      tpu.wait_dma2 semaphore(%arg11 : memref<!tpu.dma_semaphore, #tpu.memory_space<semaphore_mem>>) src(%dma_wait3A_356 : memref<1x32xf32, #tpu.memory_space<hbm>>) dst(%dma_wait3A_353 : memref<1x32xf32, #tpu.memory_space<vmem>>)
    }
    %scan3A_61 = arith.constant 16 : i32
    %add3A_62 = arith.constant 0 : i32
    %add3A_63 = arith.addi %mul3A_2, %add3A_62 : i32
    %dma_start3A_64 = arith.constant 0 : i32
    %dma_start3A_65 = tpu.memref_slice %arg6[%add3A_63, %dma_start3A_64] : memref<16384x32xf32, #tpu.memory_space<hbm>> -> memref<256x32xf32, #tpu.memory_space<hbm>>
    %dma_start3A_66 = arith.constant 0 : i32
    %dma_start3A_67 = tpu.memref_slice %arg6[%add3A_63, %dma_start3A_66] : memref<16384x32xf32, #tpu.memory_space<hbm>> -> memref<256x32xf32, #tpu.memory_space<hbm>>
    tpu.enqueue_dma source(%arg9 : memref<256x32xf32, #tpu.memory_space<vmem>>) target(%dma_start3A_67 : memref<256x32xf32, #tpu.memory_space<hbm>>) target_semaphore(%arg13 : memref<!tpu.dma_semaphore, #tpu.memory_space<semaphore_mem>>)
    %dma_wait3A_68 = arith.constant 0 : i32
    %dma_wait3A_69 = tpu.memref_slice %arg6[%add3A_63, %dma_wait3A_68] : memref<16384x32xf32, #tpu.memory_space<hbm>> -> memref<256x32xf32, #tpu.memory_space<hbm>>
    %dma_wait3A_70 = arith.constant 0 : i32
    %dma_wait3A_71 = tpu.memref_slice %arg6[%add3A_63, %dma_wait3A_70] : memref<16384x32xf32, #tpu.memory_space<hbm>> -> memref<256x32xf32, #tpu.memory_space<hbm>>
    tpu.wait_dma2 semaphore(%arg13 : memref<!tpu.dma_semaphore, #tpu.memory_space<semaphore_mem>>) src(%arg9 : memref<256x32xf32, #tpu.memory_space<vmem>>) dst(%dma_wait3A_71 : memref<256x32xf32, #tpu.memory_space<hbm>>)
    %scan3A_72 = arith.constant 0 : i32
    %scan3A_73 = arith.constant 0 : i32
    %scan3A_74 = arith.constant 16 : i32
    %scan3A_75 = arith.addi %scan3A_73, %scan3A_74 : i32
    %scan3A_76 = arith.constant 1 : i32
    scf.for %scan3A_132 = %scan3A_73 to %scan3A_75 step %scan3A_76  : i32 {
      %mul3A_133 = arith.constant 16 : i32
      %mul3A_134 = arith.muli %scan3A_132, %mul3A_133 : i32
      %add3A_135 = arith.constant 0 : i32
      %add3A_136 = arith.addi %add3A_135, %mul3A_134 : i32
      %get3A = arith.constant 2 : i32
      %get3A_137 = arith.index_cast %get3A : i32 to index
      %get3A_138 = arith.index_cast %add3A_136 : i32 to index
      %get3A_139 = tpu.vector_load %arg8[%get3A_137, %get3A_138] {strides = array<i32>} : memref<3x512xi32, #tpu.memory_space<vmem>>, vector<1x16xi32>,
      %get3A_140 = vector.shape_cast %get3A_139 : vector<1x16xi32> to vector<16xi32>
      %slice3A = vector.extract_strided_slice %get3A_140 {offsets = [0], sizes = [1], strides = [1]} : vector<16xi32> to vector<1xi32>
      %squeeze3A = vector.extract %slice3A[0] : i32 from vector<1xi32>
      %mul3A_141 = arith.constant 16 : i32
      %mul3A_142 = arith.muli %scan3A_132, %mul3A_141 : i32
      %add3A_143 = arith.constant 0 : i32
      %add3A_144 = arith.addi %mul3A_142, %add3A_143 : i32
      %dma_start3A_145 = arith.constant 0 : i32
      %dma_start3A_146 = tpu.memref_slice %arg9[%add3A_144, %dma_start3A_145] : memref<256x32xf32, #tpu.memory_space<vmem>> -> memref<1x32xf32, #tpu.memory_space<vmem>>
      %dma_start3A_147 = arith.constant 0 : i32
      %dma_start3A_148 = tpu.memref_slice %arg3[%squeeze3A, %dma_start3A_147] : memref<1000000x32xf32, #tpu.memory_space<hbm>> -> memref<1x32xf32, #tpu.memory_space<hbm>>
      %dma_start3A_149 = arith.constant 0 : i32
      %dma_start3A_150 = tpu.memref_slice %arg9[%add3A_144, %dma_start3A_149] : memref<256x32xf32, #tpu.memory_space<vmem>> -> memref<1x32xf32, #tpu.memory_space<vmem>>
      %dma_start3A_151 = arith.constant 0 : i32
      %dma_start3A_152 = tpu.memref_slice %arg3[%squeeze3A, %dma_start3A_151] : memref<1000000x32xf32, #tpu.memory_space<hbm>> -> memref<1x32xf32, #tpu.memory_space<hbm>>
      tpu.enqueue_dma source(%dma_start3A_152 : memref<1x32xf32, #tpu.memory_space<hbm>>) target(%dma_start3A_150 : memref<1x32xf32, #tpu.memory_space<vmem>>) target_semaphore(%arg11 : memref<!tpu.dma_semaphore, #tpu.memory_space<semaphore_mem>>)
      %slice3A_153 = vector.extract_strided_slice %get3A_140 {offsets = [1], sizes = [1], strides = [1]} : vector<16xi32> to vector<1xi32>
      %squeeze3A_154 = vector.extract %slice3A_153[0] : i32 from vector<1xi32>
      %mul3A_155 = arith.constant 16 : i32
      %mul3A_156 = arith.muli %scan3A_132, %mul3A_155 : i32
      %add3A_157 = arith.constant 1 : i32
      %add3A_158 = arith.addi %mul3A_156, %add3A_157 : i32
      %dma_start3A_159 = arith.constant 0 : i32
      %dma_start3A_160 = tpu.memref_slice %arg9[%add3A_158, %dma_start3A_159] : memref<256x32xf32, #tpu.memory_space<vmem>> -> memref<1x32xf32, #tpu.memory_space<vmem>>
      %dma_start3A_161 = arith.constant 0 : i32
      %dma_start3A_162 = tpu.memref_slice %arg3[%squeeze3A_154, %dma_start3A_161] : memref<1000000x32xf32, #tpu.memory_space<hbm>> -> memref<1x32xf32, #tpu.memory_space<hbm>>
      %dma_start3A_163 = arith.constant 0 : i32
      %dma_start3A_164 = tpu.memref_slice %arg9[%add3A_158, %dma_start3A_163] : memref<256x32xf32, #tpu.memory_space<vmem>> -> memref<1x32xf32, #tpu.memory_space<vmem>>
      %dma_start3A_165 = arith.constant 0 : i32
      %dma_start3A_166 = tpu.memref_slice %arg3[%squeeze3A_154, %dma_start3A_165] : memref<1000000x32xf32, #tpu.memory_space<hbm>> -> memref<1x32xf32, #tpu.memory_space<hbm>>
      tpu.enqueue_dma source(%dma_start3A_166 : memref<1x32xf32, #tpu.memory_space<hbm>>) target(%dma_start3A_164 : memref<1x32xf32, #tpu.memory_space<vmem>>) target_semaphore(%arg11 : memref<!tpu.dma_semaphore, #tpu.memory_space<semaphore_mem>>)
      %slice3A_167 = vector.extract_strided_slice %get3A_140 {offsets = [2], sizes = [1], strides = [1]} : vector<16xi32> to vector<1xi32>
      %squeeze3A_168 = vector.extract %slice3A_167[0] : i32 from vector<1xi32>
      %mul3A_169 = arith.constant 16 : i32
      %mul3A_170 = arith.muli %scan3A_132, %mul3A_169 : i32
      %add3A_171 = arith.constant 2 : i32
      %add3A_172 = arith.addi %mul3A_170, %add3A_171 : i32
      %dma_start3A_173 = arith.constant 0 : i32
      %dma_start3A_174 = tpu.memref_slice %arg9[%add3A_172, %dma_start3A_173] : memref<256x32xf32, #tpu.memory_space<vmem>> -> memref<1x32xf32, #tpu.memory_space<vmem>>
      %dma_start3A_175 = arith.constant 0 : i32
      %dma_start3A_176 = tpu.memref_slice %arg3[%squeeze3A_168, %dma_start3A_175] : memref<1000000x32xf32, #tpu.memory_space<hbm>> -> memref<1x32xf32, #tpu.memory_space<hbm>>
      %dma_start3A_177 = arith.constant 0 : i32
      %dma_start3A_178 = tpu.memref_slice %arg9[%add3A_172, %dma_start3A_177] : memref<256x32xf32, #tpu.memory_space<vmem>> -> memref<1x32xf32, #tpu.memory_space<vmem>>
      %dma_start3A_179 = arith.constant 0 : i32
      %dma_start3A_180 = tpu.memref_slice %arg3[%squeeze3A_168, %dma_start3A_179] : memref<1000000x32xf32, #tpu.memory_space<hbm>> -> memref<1x32xf32, #tpu.memory_space<hbm>>
      tpu.enqueue_dma source(%dma_start3A_180 : memref<1x32xf32, #tpu.memory_space<hbm>>) target(%dma_start3A_178 : memref<1x32xf32, #tpu.memory_space<vmem>>) target_semaphore(%arg11 : memref<!tpu.dma_semaphore, #tpu.memory_space<semaphore_mem>>)
      %slice3A_181 = vector.extract_strided_slice %get3A_140 {offsets = [3], sizes = [1], strides = [1]} : vector<16xi32> to vector<1xi32>
      %squeeze3A_182 = vector.extract %slice3A_181[0] : i32 from vector<1xi32>
      %mul3A_183 = arith.constant 16 : i32
      %mul3A_184 = arith.muli %scan3A_132, %mul3A_183 : i32
      %add3A_185 = arith.constant 3 : i32
      %add3A_186 = arith.addi %mul3A_184, %add3A_185 : i32
      %dma_start3A_187 = arith.constant 0 : i32
      %dma_start3A_188 = tpu.memref_slice %arg9[%add3A_186, %dma_start3A_187] : memref<256x32xf32, #tpu.memory_space<vmem>> -> memref<1x32xf32, #tpu.memory_space<vmem>>
      %dma_start3A_189 = arith.constant 0 : i32
      %dma_start3A_190 = tpu.memref_slice %arg3[%squeeze3A_182, %dma_start3A_189] : memref<1000000x32xf32, #tpu.memory_space<hbm>> -> memref<1x32xf32, #tpu.memory_space<hbm>>
      %dma_start3A_191 = arith.constant 0 : i32
      %dma_start3A_192 = tpu.memref_slice %arg9[%add3A_186, %dma_start3A_191] : memref<256x32xf32, #tpu.memory_space<vmem>> -> memref<1x32xf32, #tpu.memory_space<vmem>>
      %dma_start3A_193 = arith.constant 0 : i32
      %dma_start3A_194 = tpu.memref_slice %arg3[%squeeze3A_182, %dma_start3A_193] : memref<1000000x32xf32, #tpu.memory_space<hbm>> -> memref<1x32xf32, #tpu.memory_space<hbm>>
      tpu.enqueue_dma source(%dma_start3A_194 : memref<1x32xf32, #tpu.memory_space<hbm>>) target(%dma_start3A_192 : memref<1x32xf32, #tpu.memory_space<vmem>>) target_semaphore(%arg11 : memref<!tpu.dma_semaphore, #tpu.memory_space<semaphore_mem>>)
      %slice3A_195 = vector.extract_strided_slice %get3A_140 {offsets = [4], sizes = [1], strides = [1]} : vector<16xi32> to vector<1xi32>
      %squeeze3A_196 = vector.extract %slice3A_195[0] : i32 from vector<1xi32>
      %mul3A_197 = arith.constant 16 : i32
      %mul3A_198 = arith.muli %scan3A_132, %mul3A_197 : i32
      %add3A_199 = arith.constant 4 : i32
      %add3A_200 = arith.addi %mul3A_198, %add3A_199 : i32
      %dma_start3A_201 = arith.constant 0 : i32
      %dma_start3A_202 = tpu.memref_slice %arg9[%add3A_200, %dma_start3A_201] : memref<256x32xf32, #tpu.memory_space<vmem>> -> memref<1x32xf32, #tpu.memory_space<vmem>>
      %dma_start3A_203 = arith.constant 0 : i32
      %dma_start3A_204 = tpu.memref_slice %arg3[%squeeze3A_196, %dma_start3A_203] : memref<1000000x32xf32, #tpu.memory_space<hbm>> -> memref<1x32xf32, #tpu.memory_space<hbm>>
      %dma_start3A_205 = arith.constant 0 : i32
      %dma_start3A_206 = tpu.memref_slice %arg9[%add3A_200, %dma_start3A_205] : memref<256x32xf32, #tpu.memory_space<vmem>> -> memref<1x32xf32, #tpu.memory_space<vmem>>
      %dma_start3A_207 = arith.constant 0 : i32
      %dma_start3A_208 = tpu.memref_slice %arg3[%squeeze3A_196, %dma_start3A_207] : memref<1000000x32xf32, #tpu.memory_space<hbm>> -> memref<1x32xf32, #tpu.memory_space<hbm>>
      tpu.enqueue_dma source(%dma_start3A_208 : memref<1x32xf32, #tpu.memory_space<hbm>>) target(%dma_start3A_206 : memref<1x32xf32, #tpu.memory_space<vmem>>) target_semaphore(%arg11 : memref<!tpu.dma_semaphore, #tpu.memory_space<semaphore_mem>>)
      %slice3A_209 = vector.extract_strided_slice %get3A_140 {offsets = [5], sizes = [1], strides = [1]} : vector<16xi32> to vector<1xi32>
      %squeeze3A_210 = vector.extract %slice3A_209[0] : i32 from vector<1xi32>
      %mul3A_211 = arith.constant 16 : i32
      %mul3A_212 = arith.muli %scan3A_132, %mul3A_211 : i32
      %add3A_213 = arith.constant 5 : i32
      %add3A_214 = arith.addi %mul3A_212, %add3A_213 : i32
      %dma_start3A_215 = arith.constant 0 : i32
      %dma_start3A_216 = tpu.memref_slice %arg9[%add3A_214, %dma_start3A_215] : memref<256x32xf32, #tpu.memory_space<vmem>> -> memref<1x32xf32, #tpu.memory_space<vmem>>
      %dma_start3A_217 = arith.constant 0 : i32
      %dma_start3A_218 = tpu.memref_slice %arg3[%squeeze3A_210, %dma_start3A_217] : memref<1000000x32xf32, #tpu.memory_space<hbm>> -> memref<1x32xf32, #tpu.memory_space<hbm>>
      %dma_start3A_219 = arith.constant 0 : i32
      %dma_start3A_220 = tpu.memref_slice %arg9[%add3A_214, %dma_start3A_219] : memref<256x32xf32, #tpu.memory_space<vmem>> -> memref<1x32xf32, #tpu.memory_space<vmem>>
      %dma_start3A_221 = arith.constant 0 : i32
      %dma_start3A_222 = tpu.memref_slice %arg3[%squeeze3A_210, %dma_start3A_221] : memref<1000000x32xf32, #tpu.memory_space<hbm>> -> memref<1x32xf32, #tpu.memory_space<hbm>>
      tpu.enqueue_dma source(%dma_start3A_222 : memref<1x32xf32, #tpu.memory_space<hbm>>) target(%dma_start3A_220 : memref<1x32xf32, #tpu.memory_space<vmem>>) target_semaphore(%arg11 : memref<!tpu.dma_semaphore, #tpu.memory_space<semaphore_mem>>)
      %slice3A_223 = vector.extract_strided_slice %get3A_140 {offsets = [6], sizes = [1], strides = [1]} : vector<16xi32> to vector<1xi32>
      %squeeze3A_224 = vector.extract %slice3A_223[0] : i32 from vector<1xi32>
      %mul3A_225 = arith.constant 16 : i32
      %mul3A_226 = arith.muli %scan3A_132, %mul3A_225 : i32
      %add3A_227 = arith.constant 6 : i32
      %add3A_228 = arith.addi %mul3A_226, %add3A_227 : i32
      %dma_start3A_229 = arith.constant 0 : i32
      %dma_start3A_230 = tpu.memref_slice %arg9[%add3A_228, %dma_start3A_229] : memref<256x32xf32, #tpu.memory_space<vmem>> -> memref<1x32xf32, #tpu.memory_space<vmem>>
      %dma_start3A_231 = arith.constant 0 : i32
      %dma_start3A_232 = tpu.memref_slice %arg3[%squeeze3A_224, %dma_start3A_231] : memref<1000000x32xf32, #tpu.memory_space<hbm>> -> memref<1x32xf32, #tpu.memory_space<hbm>>
      %dma_start3A_233 = arith.constant 0 : i32
      %dma_start3A_234 = tpu.memref_slice %arg9[%add3A_228, %dma_start3A_233] : memref<256x32xf32, #tpu.memory_space<vmem>> -> memref<1x32xf32, #tpu.memory_space<vmem>>
      %dma_start3A_235 = arith.constant 0 : i32
      %dma_start3A_236 = tpu.memref_slice %arg3[%squeeze3A_224, %dma_start3A_235] : memref<1000000x32xf32, #tpu.memory_space<hbm>> -> memref<1x32xf32, #tpu.memory_space<hbm>>
      tpu.enqueue_dma source(%dma_start3A_236 : memref<1x32xf32, #tpu.memory_space<hbm>>) target(%dma_start3A_234 : memref<1x32xf32, #tpu.memory_space<vmem>>) target_semaphore(%arg11 : memref<!tpu.dma_semaphore, #tpu.memory_space<semaphore_mem>>)
      %slice3A_237 = vector.extract_strided_slice %get3A_140 {offsets = [7], sizes = [1], strides = [1]} : vector<16xi32> to vector<1xi32>
      %squeeze3A_238 = vector.extract %slice3A_237[0] : i32 from vector<1xi32>
      %mul3A_239 = arith.constant 16 : i32
      %mul3A_240 = arith.muli %scan3A_132, %mul3A_239 : i32
      %add3A_241 = arith.constant 7 : i32
      %add3A_242 = arith.addi %mul3A_240, %add3A_241 : i32
      %dma_start3A_243 = arith.constant 0 : i32
      %dma_start3A_244 = tpu.memref_slice %arg9[%add3A_242, %dma_start3A_243] : memref<256x32xf32, #tpu.memory_space<vmem>> -> memref<1x32xf32, #tpu.memory_space<vmem>>
      %dma_start3A_245 = arith.constant 0 : i32
      %dma_start3A_246 = tpu.memref_slice %arg3[%squeeze3A_238, %dma_start3A_245] : memref<1000000x32xf32, #tpu.memory_space<hbm>> -> memref<1x32xf32, #tpu.memory_space<hbm>>
      %dma_start3A_247 = arith.constant 0 : i32
      %dma_start3A_248 = tpu.memref_slice %arg9[%add3A_242, %dma_start3A_247] : memref<256x32xf32, #tpu.memory_space<vmem>> -> memref<1x32xf32, #tpu.memory_space<vmem>>
      %dma_start3A_249 = arith.constant 0 : i32
      %dma_start3A_250 = tpu.memref_slice %arg3[%squeeze3A_238, %dma_start3A_249] : memref<1000000x32xf32, #tpu.memory_space<hbm>> -> memref<1x32xf32, #tpu.memory_space<hbm>>
      tpu.enqueue_dma source(%dma_start3A_250 : memref<1x32xf32, #tpu.memory_space<hbm>>) target(%dma_start3A_248 : memref<1x32xf32, #tpu.memory_space<vmem>>) target_semaphore(%arg11 : memref<!tpu.dma_semaphore, #tpu.memory_space<semaphore_mem>>)
      %slice3A_251 = vector.extract_strided_slice %get3A_140 {offsets = [8], sizes = [1], strides = [1]} : vector<16xi32> to vector<1xi32>
      %squeeze3A_252 = vector.extract %slice3A_251[0] : i32 from vector<1xi32>
      %mul3A_253 = arith.constant 16 : i32
      %mul3A_254 = arith.muli %scan3A_132, %mul3A_253 : i32
      %add3A_255 = arith.constant 8 : i32
      %add3A_256 = arith.addi %mul3A_254, %add3A_255 : i32
      %dma_start3A_257 = arith.constant 0 : i32
      %dma_start3A_258 = tpu.memref_slice %arg9[%add3A_256, %dma_start3A_257] : memref<256x32xf32, #tpu.memory_space<vmem>> -> memref<1x32xf32, #tpu.memory_space<vmem>>
      %dma_start3A_259 = arith.constant 0 : i32
      %dma_start3A_260 = tpu.memref_slice %arg3[%squeeze3A_252, %dma_start3A_259] : memref<1000000x32xf32, #tpu.memory_space<hbm>> -> memref<1x32xf32, #tpu.memory_space<hbm>>
      %dma_start3A_261 = arith.constant 0 : i32
      %dma_start3A_262 = tpu.memref_slice %arg9[%add3A_256, %dma_start3A_261] : memref<256x32xf32, #tpu.memory_space<vmem>> -> memref<1x32xf32, #tpu.memory_space<vmem>>
      %dma_start3A_263 = arith.constant 0 : i32
      %dma_start3A_264 = tpu.memref_slice %arg3[%squeeze3A_252, %dma_start3A_263] : memref<1000000x32xf32, #tpu.memory_space<hbm>> -> memref<1x32xf32, #tpu.memory_space<hbm>>
      tpu.enqueue_dma source(%dma_start3A_264 : memref<1x32xf32, #tpu.memory_space<hbm>>) target(%dma_start3A_262 : memref<1x32xf32, #tpu.memory_space<vmem>>) target_semaphore(%arg11 : memref<!tpu.dma_semaphore, #tpu.memory_space<semaphore_mem>>)
      %slice3A_265 = vector.extract_strided_slice %get3A_140 {offsets = [9], sizes = [1], strides = [1]} : vector<16xi32> to vector<1xi32>
      %squeeze3A_266 = vector.extract %slice3A_265[0] : i32 from vector<1xi32>
      %mul3A_267 = arith.constant 16 : i32
      %mul3A_268 = arith.muli %scan3A_132, %mul3A_267 : i32
      %add3A_269 = arith.constant 9 : i32
      %add3A_270 = arith.addi %mul3A_268, %add3A_269 : i32
      %dma_start3A_271 = arith.constant 0 : i32
      %dma_start3A_272 = tpu.memref_slice %arg9[%add3A_270, %dma_start3A_271] : memref<256x32xf32, #tpu.memory_space<vmem>> -> memref<1x32xf32, #tpu.memory_space<vmem>>
      %dma_start3A_273 = arith.constant 0 : i32
      %dma_start3A_274 = tpu.memref_slice %arg3[%squeeze3A_266, %dma_start3A_273] : memref<1000000x32xf32, #tpu.memory_space<hbm>> -> memref<1x32xf32, #tpu.memory_space<hbm>>
      %dma_start3A_275 = arith.constant 0 : i32
      %dma_start3A_276 = tpu.memref_slice %arg9[%add3A_270, %dma_start3A_275] : memref<256x32xf32, #tpu.memory_space<vmem>> -> memref<1x32xf32, #tpu.memory_space<vmem>>
      %dma_start3A_277 = arith.constant 0 : i32
      %dma_start3A_278 = tpu.memref_slice %arg3[%squeeze3A_266, %dma_start3A_277] : memref<1000000x32xf32, #tpu.memory_space<hbm>> -> memref<1x32xf32, #tpu.memory_space<hbm>>
      tpu.enqueue_dma source(%dma_start3A_278 : memref<1x32xf32, #tpu.memory_space<hbm>>) target(%dma_start3A_276 : memref<1x32xf32, #tpu.memory_space<vmem>>) target_semaphore(%arg11 : memref<!tpu.dma_semaphore, #tpu.memory_space<semaphore_mem>>)
      %slice3A_279 = vector.extract_strided_slice %get3A_140 {offsets = [10], sizes = [1], strides = [1]} : vector<16xi32> to vector<1xi32>
      %squeeze3A_280 = vector.extract %slice3A_279[0] : i32 from vector<1xi32>
      %mul3A_281 = arith.constant 16 : i32
      %mul3A_282 = arith.muli %scan3A_132, %mul3A_281 : i32
      %add3A_283 = arith.constant 10 : i32
      %add3A_284 = arith.addi %mul3A_282, %add3A_283 : i32
      %dma_start3A_285 = arith.constant 0 : i32
      %dma_start3A_286 = tpu.memref_slice %arg9[%add3A_284, %dma_start3A_285] : memref<256x32xf32, #tpu.memory_space<vmem>> -> memref<1x32xf32, #tpu.memory_space<vmem>>
      %dma_start3A_287 = arith.constant 0 : i32
      %dma_start3A_288 = tpu.memref_slice %arg3[%squeeze3A_280, %dma_start3A_287] : memref<1000000x32xf32, #tpu.memory_space<hbm>> -> memref<1x32xf32, #tpu.memory_space<hbm>>
      %dma_start3A_289 = arith.constant 0 : i32
      %dma_start3A_290 = tpu.memref_slice %arg9[%add3A_284, %dma_start3A_289] : memref<256x32xf32, #tpu.memory_space<vmem>> -> memref<1x32xf32, #tpu.memory_space<vmem>>
      %dma_start3A_291 = arith.constant 0 : i32
      %dma_start3A_292 = tpu.memref_slice %arg3[%squeeze3A_280, %dma_start3A_291] : memref<1000000x32xf32, #tpu.memory_space<hbm>> -> memref<1x32xf32, #tpu.memory_space<hbm>>
      tpu.enqueue_dma source(%dma_start3A_292 : memref<1x32xf32, #tpu.memory_space<hbm>>) target(%dma_start3A_290 : memref<1x32xf32, #tpu.memory_space<vmem>>) target_semaphore(%arg11 : memref<!tpu.dma_semaphore, #tpu.memory_space<semaphore_mem>>)
      %slice3A_293 = vector.extract_strided_slice %get3A_140 {offsets = [11], sizes = [1], strides = [1]} : vector<16xi32> to vector<1xi32>
      %squeeze3A_294 = vector.extract %slice3A_293[0] : i32 from vector<1xi32>
      %mul3A_295 = arith.constant 16 : i32
      %mul3A_296 = arith.muli %scan3A_132, %mul3A_295 : i32
      %add3A_297 = arith.constant 11 : i32
      %add3A_298 = arith.addi %mul3A_296, %add3A_297 : i32
      %dma_start3A_299 = arith.constant 0 : i32
      %dma_start3A_300 = tpu.memref_slice %arg9[%add3A_298, %dma_start3A_299] : memref<256x32xf32, #tpu.memory_space<vmem>> -> memref<1x32xf32, #tpu.memory_space<vmem>>
      %dma_start3A_301 = arith.constant 0 : i32
      %dma_start3A_302 = tpu.memref_slice %arg3[%squeeze3A_294, %dma_start3A_301] : memref<1000000x32xf32, #tpu.memory_space<hbm>> -> memref<1x32xf32, #tpu.memory_space<hbm>>
      %dma_start3A_303 = arith.constant 0 : i32
      %dma_start3A_304 = tpu.memref_slice %arg9[%add3A_298, %dma_start3A_303] : memref<256x32xf32, #tpu.memory_space<vmem>> -> memref<1x32xf32, #tpu.memory_space<vmem>>
      %dma_start3A_305 = arith.constant 0 : i32
      %dma_start3A_306 = tpu.memref_slice %arg3[%squeeze3A_294, %dma_start3A_305] : memref<1000000x32xf32, #tpu.memory_space<hbm>> -> memref<1x32xf32, #tpu.memory_space<hbm>>
      tpu.enqueue_dma source(%dma_start3A_306 : memref<1x32xf32, #tpu.memory_space<hbm>>) target(%dma_start3A_304 : memref<1x32xf32, #tpu.memory_space<vmem>>) target_semaphore(%arg11 : memref<!tpu.dma_semaphore, #tpu.memory_space<semaphore_mem>>)
      %slice3A_307 = vector.extract_strided_slice %get3A_140 {offsets = [12], sizes = [1], strides = [1]} : vector<16xi32> to vector<1xi32>
      %squeeze3A_308 = vector.extract %slice3A_307[0] : i32 from vector<1xi32>
      %mul3A_309 = arith.constant 16 : i32
      %mul3A_310 = arith.muli %scan3A_132, %mul3A_309 : i32
      %add3A_311 = arith.constant 12 : i32
      %add3A_312 = arith.addi %mul3A_310, %add3A_311 : i32
      %dma_start3A_313 = arith.constant 0 : i32
      %dma_start3A_314 = tpu.memref_slice %arg9[%add3A_312, %dma_start3A_313] : memref<256x32xf32, #tpu.memory_space<vmem>> -> memref<1x32xf32, #tpu.memory_space<vmem>>
      %dma_start3A_315 = arith.constant 0 : i32
      %dma_start3A_316 = tpu.memref_slice %arg3[%squeeze3A_308, %dma_start3A_315] : memref<1000000x32xf32, #tpu.memory_space<hbm>> -> memref<1x32xf32, #tpu.memory_space<hbm>>
      %dma_start3A_317 = arith.constant 0 : i32
      %dma_start3A_318 = tpu.memref_slice %arg9[%add3A_312, %dma_start3A_317] : memref<256x32xf32, #tpu.memory_space<vmem>> -> memref<1x32xf32, #tpu.memory_space<vmem>>
      %dma_start3A_319 = arith.constant 0 : i32
      %dma_start3A_320 = tpu.memref_slice %arg3[%squeeze3A_308, %dma_start3A_319] : memref<1000000x32xf32, #tpu.memory_space<hbm>> -> memref<1x32xf32, #tpu.memory_space<hbm>>
      tpu.enqueue_dma source(%dma_start3A_320 : memref<1x32xf32, #tpu.memory_space<hbm>>) target(%dma_start3A_318 : memref<1x32xf32, #tpu.memory_space<vmem>>) target_semaphore(%arg11 : memref<!tpu.dma_semaphore, #tpu.memory_space<semaphore_mem>>)
      %slice3A_321 = vector.extract_strided_slice %get3A_140 {offsets = [13], sizes = [1], strides = [1]} : vector<16xi32> to vector<1xi32>
      %squeeze3A_322 = vector.extract %slice3A_321[0] : i32 from vector<1xi32>
      %mul3A_323 = arith.constant 16 : i32
      %mul3A_324 = arith.muli %scan3A_132, %mul3A_323 : i32
      %add3A_325 = arith.constant 13 : i32
      %add3A_326 = arith.addi %mul3A_324, %add3A_325 : i32
      %dma_start3A_327 = arith.constant 0 : i32
      %dma_start3A_328 = tpu.memref_slice %arg9[%add3A_326, %dma_start3A_327] : memref<256x32xf32, #tpu.memory_space<vmem>> -> memref<1x32xf32, #tpu.memory_space<vmem>>
      %dma_start3A_329 = arith.constant 0 : i32
      %dma_start3A_330 = tpu.memref_slice %arg3[%squeeze3A_322, %dma_start3A_329] : memref<1000000x32xf32, #tpu.memory_space<hbm>> -> memref<1x32xf32, #tpu.memory_space<hbm>>
      %dma_start3A_331 = arith.constant 0 : i32
      %dma_start3A_332 = tpu.memref_slice %arg9[%add3A_326, %dma_start3A_331] : memref<256x32xf32, #tpu.memory_space<vmem>> -> memref<1x32xf32, #tpu.memory_space<vmem>>
      %dma_start3A_333 = arith.constant 0 : i32
      %dma_start3A_334 = tpu.memref_slice %arg3[%squeeze3A_322, %dma_start3A_333] : memref<1000000x32xf32, #tpu.memory_space<hbm>> -> memref<1x32xf32, #tpu.memory_space<hbm>>
      tpu.enqueue_dma source(%dma_start3A_334 : memref<1x32xf32, #tpu.memory_space<hbm>>) target(%dma_start3A_332 : memref<1x32xf32, #tpu.memory_space<vmem>>) target_semaphore(%arg11 : memref<!tpu.dma_semaphore, #tpu.memory_space<semaphore_mem>>)
      %slice3A_335 = vector.extract_strided_slice %get3A_140 {offsets = [14], sizes = [1], strides = [1]} : vector<16xi32> to vector<1xi32>
      %squeeze3A_336 = vector.extract %slice3A_335[0] : i32 from vector<1xi32>
      %mul3A_337 = arith.constant 16 : i32
      %mul3A_338 = arith.muli %scan3A_132, %mul3A_337 : i32
      %add3A_339 = arith.constant 14 : i32
      %add3A_340 = arith.addi %mul3A_338, %add3A_339 : i32
      %dma_start3A_341 = arith.constant 0 : i32
      %dma_start3A_342 = tpu.memref_slice %arg9[%add3A_340, %dma_start3A_341] : memref<256x32xf32, #tpu.memory_space<vmem>> -> memref<1x32xf32, #tpu.memory_space<vmem>>
      %dma_start3A_343 = arith.constant 0 : i32
      %dma_start3A_344 = tpu.memref_slice %arg3[%squeeze3A_336, %dma_start3A_343] : memref<1000000x32xf32, #tpu.memory_space<hbm>> -> memref<1x32xf32, #tpu.memory_space<hbm>>
      %dma_start3A_345 = arith.constant 0 : i32
      %dma_start3A_346 = tpu.memref_slice %arg9[%add3A_340, %dma_start3A_345] : memref<256x32xf32, #tpu.memory_space<vmem>> -> memref<1x32xf32, #tpu.memory_space<vmem>>
      %dma_start3A_347 = arith.constant 0 : i32
      %dma_start3A_348 = tpu.memref_slice %arg3[%squeeze3A_336, %dma_start3A_347] : memref<1000000x32xf32, #tpu.memory_space<hbm>> -> memref<1x32xf32, #tpu.memory_space<hbm>>
      tpu.enqueue_dma source(%dma_start3A_348 : memref<1x32xf32, #tpu.memory_space<hbm>>) target(%dma_start3A_346 : memref<1x32xf32, #tpu.memory_space<vmem>>) target_semaphore(%arg11 : memref<!tpu.dma_semaphore, #tpu.memory_space<semaphore_mem>>)
      %slice3A_349 = vector.extract_strided_slice %get3A_140 {offsets = [15], sizes = [1], strides = [1]} : vector<16xi32> to vector<1xi32>
      %squeeze3A_350 = vector.extract %slice3A_349[0] : i32 from vector<1xi32>
      %mul3A_351 = arith.constant 16 : i32
      %mul3A_352 = arith.muli %scan3A_132, %mul3A_351 : i32
      %add3A_353 = arith.constant 15 : i32
      %add3A_354 = arith.addi %mul3A_352, %add3A_353 : i32
      %dma_start3A_355 = arith.constant 0 : i32
      %dma_start3A_356 = tpu.memref_slice %arg9[%add3A_354, %dma_start3A_355] : memref<256x32xf32, #tpu.memory_space<vmem>> -> memref<1x32xf32, #tpu.memory_space<vmem>>
      %dma_start3A_357 = arith.constant 0 : i32
      %dma_start3A_358 = tpu.memref_slice %arg3[%squeeze3A_350, %dma_start3A_357] : memref<1000000x32xf32, #tpu.memory_space<hbm>> -> memref<1x32xf32, #tpu.memory_space<hbm>>
      %dma_start3A_359 = arith.constant 0 : i32
      %dma_start3A_360 = tpu.memref_slice %arg9[%add3A_354, %dma_start3A_359] : memref<256x32xf32, #tpu.memory_space<vmem>> -> memref<1x32xf32, #tpu.memory_space<vmem>>
      %dma_start3A_361 = arith.constant 0 : i32
      %dma_start3A_362 = tpu.memref_slice %arg3[%squeeze3A_350, %dma_start3A_361] : memref<1000000x32xf32, #tpu.memory_space<hbm>> -> memref<1x32xf32, #tpu.memory_space<hbm>>
      tpu.enqueue_dma source(%dma_start3A_362 : memref<1x32xf32, #tpu.memory_space<hbm>>) target(%dma_start3A_360 : memref<1x32xf32, #tpu.memory_space<vmem>>) target_semaphore(%arg11 : memref<!tpu.dma_semaphore, #tpu.memory_space<semaphore_mem>>)
    }
    %scan3A_77 = arith.constant 16 : i32
    %scan3A_78 = arith.constant 0 : i32
    %scan3A_79 = arith.constant 0 : i32
    %scan3A_80 = arith.constant 16 : i32
    %scan3A_81 = arith.addi %scan3A_79, %scan3A_80 : i32
    %scan3A_82 = arith.constant 1 : i32
    scf.for %scan3A_132 = %scan3A_79 to %scan3A_81 step %scan3A_82  : i32 {
      %mul3A_133 = arith.constant 16 : i32
      %mul3A_134 = arith.muli %scan3A_132, %mul3A_133 : i32
      %add3A_135 = arith.constant 0 : i32
      %add3A_136 = arith.addi %mul3A_134, %add3A_135 : i32
      %dma_wait3A_137 = arith.constant 0 : i32
      %dma_wait3A_138 = tpu.memref_slice %arg10[%add3A_136, %dma_wait3A_137] : memref<256x32xf32, #tpu.memory_space<vmem>> -> memref<1x32xf32, #tpu.memory_space<vmem>>
      %dma_wait3A_139 = arith.constant 0 : i32
      %dma_wait3A_140 = arith.constant 0 : i32
      %dma_wait3A_141 = tpu.memref_slice %arg3[%dma_wait3A_139, %dma_wait3A_140] : memref<1000000x32xf32, #tpu.memory_space<hbm>> -> memref<1x32xf32, #tpu.memory_space<hbm>>
      %dma_wait3A_142 = arith.constant 0 : i32
      %dma_wait3A_143 = tpu.memref_slice %arg10[%add3A_136, %dma_wait3A_142] : memref<256x32xf32, #tpu.memory_space<vmem>> -> memref<1x32xf32, #tpu.memory_space<vmem>>
      %dma_wait3A_144 = arith.constant 0 : i32
      %dma_wait3A_145 = arith.constant 0 : i32
      %dma_wait3A_146 = tpu.memref_slice %arg3[%dma_wait3A_144, %dma_wait3A_145] : memref<1000000x32xf32, #tpu.memory_space<hbm>> -> memref<1x32xf32, #tpu.memory_space<hbm>>
      tpu.wait_dma2 semaphore(%arg12 : memref<!tpu.dma_semaphore, #tpu.memory_space<semaphore_mem>>) src(%dma_wait3A_146 : memref<1x32xf32, #tpu.memory_space<hbm>>) dst(%dma_wait3A_143 : memref<1x32xf32, #tpu.memory_space<vmem>>)
      %mul3A_147 = arith.constant 16 : i32
      %mul3A_148 = arith.muli %scan3A_132, %mul3A_147 : i32
      %add3A_149 = arith.constant 1 : i32
      %add3A_150 = arith.addi %mul3A_148, %add3A_149 : i32
      %dma_wait3A_151 = arith.constant 0 : i32
      %dma_wait3A_152 = tpu.memref_slice %arg10[%add3A_150, %dma_wait3A_151] : memref<256x32xf32, #tpu.memory_space<vmem>> -> memref<1x32xf32, #tpu.memory_space<vmem>>
      %dma_wait3A_153 = arith.constant 0 : i32
      %dma_wait3A_154 = arith.constant 0 : i32
      %dma_wait3A_155 = tpu.memref_slice %arg3[%dma_wait3A_153, %dma_wait3A_154] : memref<1000000x32xf32, #tpu.memory_space<hbm>> -> memref<1x32xf32, #tpu.memory_space<hbm>>
      %dma_wait3A_156 = arith.constant 0 : i32
      %dma_wait3A_157 = tpu.memref_slice %arg10[%add3A_150, %dma_wait3A_156] : memref<256x32xf32, #tpu.memory_space<vmem>> -> memref<1x32xf32, #tpu.memory_space<vmem>>
      %dma_wait3A_158 = arith.constant 0 : i32
      %dma_wait3A_159 = arith.constant 0 : i32
      %dma_wait3A_160 = tpu.memref_slice %arg3[%dma_wait3A_158, %dma_wait3A_159] : memref<1000000x32xf32, #tpu.memory_space<hbm>> -> memref<1x32xf32, #tpu.memory_space<hbm>>
      tpu.wait_dma2 semaphore(%arg12 : memref<!tpu.dma_semaphore, #tpu.memory_space<semaphore_mem>>) src(%dma_wait3A_160 : memref<1x32xf32, #tpu.memory_space<hbm>>) dst(%dma_wait3A_157 : memref<1x32xf32, #tpu.memory_space<vmem>>)
      %mul3A_161 = arith.constant 16 : i32
      %mul3A_162 = arith.muli %scan3A_132, %mul3A_161 : i32
      %add3A_163 = arith.constant 2 : i32
      %add3A_164 = arith.addi %mul3A_162, %add3A_163 : i32
      %dma_wait3A_165 = arith.constant 0 : i32
      %dma_wait3A_166 = tpu.memref_slice %arg10[%add3A_164, %dma_wait3A_165] : memref<256x32xf32, #tpu.memory_space<vmem>> -> memref<1x32xf32, #tpu.memory_space<vmem>>
      %dma_wait3A_167 = arith.constant 0 : i32
      %dma_wait3A_168 = arith.constant 0 : i32
      %dma_wait3A_169 = tpu.memref_slice %arg3[%dma_wait3A_167, %dma_wait3A_168] : memref<1000000x32xf32, #tpu.memory_space<hbm>> -> memref<1x32xf32, #tpu.memory_space<hbm>>
      %dma_wait3A_170 = arith.constant 0 : i32
      %dma_wait3A_171 = tpu.memref_slice %arg10[%add3A_164, %dma_wait3A_170] : memref<256x32xf32, #tpu.memory_space<vmem>> -> memref<1x32xf32, #tpu.memory_space<vmem>>
      %dma_wait3A_172 = arith.constant 0 : i32
      %dma_wait3A_173 = arith.constant 0 : i32
      %dma_wait3A_174 = tpu.memref_slice %arg3[%dma_wait3A_172, %dma_wait3A_173] : memref<1000000x32xf32, #tpu.memory_space<hbm>> -> memref<1x32xf32, #tpu.memory_space<hbm>>
      tpu.wait_dma2 semaphore(%arg12 : memref<!tpu.dma_semaphore, #tpu.memory_space<semaphore_mem>>) src(%dma_wait3A_174 : memref<1x32xf32, #tpu.memory_space<hbm>>) dst(%dma_wait3A_171 : memref<1x32xf32, #tpu.memory_space<vmem>>)
      %mul3A_175 = arith.constant 16 : i32
      %mul3A_176 = arith.muli %scan3A_132, %mul3A_175 : i32
      %add3A_177 = arith.constant 3 : i32
      %add3A_178 = arith.addi %mul3A_176, %add3A_177 : i32
      %dma_wait3A_179 = arith.constant 0 : i32
      %dma_wait3A_180 = tpu.memref_slice %arg10[%add3A_178, %dma_wait3A_179] : memref<256x32xf32, #tpu.memory_space<vmem>> -> memref<1x32xf32, #tpu.memory_space<vmem>>
      %dma_wait3A_181 = arith.constant 0 : i32
      %dma_wait3A_182 = arith.constant 0 : i32
      %dma_wait3A_183 = tpu.memref_slice %arg3[%dma_wait3A_181, %dma_wait3A_182] : memref<1000000x32xf32, #tpu.memory_space<hbm>> -> memref<1x32xf32, #tpu.memory_space<hbm>>
      %dma_wait3A_184 = arith.constant 0 : i32
      %dma_wait3A_185 = tpu.memref_slice %arg10[%add3A_178, %dma_wait3A_184] : memref<256x32xf32, #tpu.memory_space<vmem>> -> memref<1x32xf32, #tpu.memory_space<vmem>>
      %dma_wait3A_186 = arith.constant 0 : i32
      %dma_wait3A_187 = arith.constant 0 : i32
      %dma_wait3A_188 = tpu.memref_slice %arg3[%dma_wait3A_186, %dma_wait3A_187] : memref<1000000x32xf32, #tpu.memory_space<hbm>> -> memref<1x32xf32, #tpu.memory_space<hbm>>
      tpu.wait_dma2 semaphore(%arg12 : memref<!tpu.dma_semaphore, #tpu.memory_space<semaphore_mem>>) src(%dma_wait3A_188 : memref<1x32xf32, #tpu.memory_space<hbm>>) dst(%dma_wait3A_185 : memref<1x32xf32, #tpu.memory_space<vmem>>)
      %mul3A_189 = arith.constant 16 : i32
      %mul3A_190 = arith.muli %scan3A_132, %mul3A_189 : i32
      %add3A_191 = arith.constant 4 : i32
      %add3A_192 = arith.addi %mul3A_190, %add3A_191 : i32
      %dma_wait3A_193 = arith.constant 0 : i32
      %dma_wait3A_194 = tpu.memref_slice %arg10[%add3A_192, %dma_wait3A_193] : memref<256x32xf32, #tpu.memory_space<vmem>> -> memref<1x32xf32, #tpu.memory_space<vmem>>
      %dma_wait3A_195 = arith.constant 0 : i32
      %dma_wait3A_196 = arith.constant 0 : i32
      %dma_wait3A_197 = tpu.memref_slice %arg3[%dma_wait3A_195, %dma_wait3A_196] : memref<1000000x32xf32, #tpu.memory_space<hbm>> -> memref<1x32xf32, #tpu.memory_space<hbm>>
      %dma_wait3A_198 = arith.constant 0 : i32
      %dma_wait3A_199 = tpu.memref_slice %arg10[%add3A_192, %dma_wait3A_198] : memref<256x32xf32, #tpu.memory_space<vmem>> -> memref<1x32xf32, #tpu.memory_space<vmem>>
      %dma_wait3A_200 = arith.constant 0 : i32
      %dma_wait3A_201 = arith.constant 0 : i32
      %dma_wait3A_202 = tpu.memref_slice %arg3[%dma_wait3A_200, %dma_wait3A_201] : memref<1000000x32xf32, #tpu.memory_space<hbm>> -> memref<1x32xf32, #tpu.memory_space<hbm>>
      tpu.wait_dma2 semaphore(%arg12 : memref<!tpu.dma_semaphore, #tpu.memory_space<semaphore_mem>>) src(%dma_wait3A_202 : memref<1x32xf32, #tpu.memory_space<hbm>>) dst(%dma_wait3A_199 : memref<1x32xf32, #tpu.memory_space<vmem>>)
      %mul3A_203 = arith.constant 16 : i32
      %mul3A_204 = arith.muli %scan3A_132, %mul3A_203 : i32
      %add3A_205 = arith.constant 5 : i32
      %add3A_206 = arith.addi %mul3A_204, %add3A_205 : i32
      %dma_wait3A_207 = arith.constant 0 : i32
      %dma_wait3A_208 = tpu.memref_slice %arg10[%add3A_206, %dma_wait3A_207] : memref<256x32xf32, #tpu.memory_space<vmem>> -> memref<1x32xf32, #tpu.memory_space<vmem>>
      %dma_wait3A_209 = arith.constant 0 : i32
      %dma_wait3A_210 = arith.constant 0 : i32
      %dma_wait3A_211 = tpu.memref_slice %arg3[%dma_wait3A_209, %dma_wait3A_210] : memref<1000000x32xf32, #tpu.memory_space<hbm>> -> memref<1x32xf32, #tpu.memory_space<hbm>>
      %dma_wait3A_212 = arith.constant 0 : i32
      %dma_wait3A_213 = tpu.memref_slice %arg10[%add3A_206, %dma_wait3A_212] : memref<256x32xf32, #tpu.memory_space<vmem>> -> memref<1x32xf32, #tpu.memory_space<vmem>>
      %dma_wait3A_214 = arith.constant 0 : i32
      %dma_wait3A_215 = arith.constant 0 : i32
      %dma_wait3A_216 = tpu.memref_slice %arg3[%dma_wait3A_214, %dma_wait3A_215] : memref<1000000x32xf32, #tpu.memory_space<hbm>> -> memref<1x32xf32, #tpu.memory_space<hbm>>
      tpu.wait_dma2 semaphore(%arg12 : memref<!tpu.dma_semaphore, #tpu.memory_space<semaphore_mem>>) src(%dma_wait3A_216 : memref<1x32xf32, #tpu.memory_space<hbm>>) dst(%dma_wait3A_213 : memref<1x32xf32, #tpu.memory_space<vmem>>)
      %mul3A_217 = arith.constant 16 : i32
      %mul3A_218 = arith.muli %scan3A_132, %mul3A_217 : i32
      %add3A_219 = arith.constant 6 : i32
      %add3A_220 = arith.addi %mul3A_218, %add3A_219 : i32
      %dma_wait3A_221 = arith.constant 0 : i32
      %dma_wait3A_222 = tpu.memref_slice %arg10[%add3A_220, %dma_wait3A_221] : memref<256x32xf32, #tpu.memory_space<vmem>> -> memref<1x32xf32, #tpu.memory_space<vmem>>
      %dma_wait3A_223 = arith.constant 0 : i32
      %dma_wait3A_224 = arith.constant 0 : i32
      %dma_wait3A_225 = tpu.memref_slice %arg3[%dma_wait3A_223, %dma_wait3A_224] : memref<1000000x32xf32, #tpu.memory_space<hbm>> -> memref<1x32xf32, #tpu.memory_space<hbm>>
      %dma_wait3A_226 = arith.constant 0 : i32
      %dma_wait3A_227 = tpu.memref_slice %arg10[%add3A_220, %dma_wait3A_226] : memref<256x32xf32, #tpu.memory_space<vmem>> -> memref<1x32xf32, #tpu.memory_space<vmem>>
      %dma_wait3A_228 = arith.constant 0 : i32
      %dma_wait3A_229 = arith.constant 0 : i32
      %dma_wait3A_230 = tpu.memref_slice %arg3[%dma_wait3A_228, %dma_wait3A_229] : memref<1000000x32xf32, #tpu.memory_space<hbm>> -> memref<1x32xf32, #tpu.memory_space<hbm>>
      tpu.wait_dma2 semaphore(%arg12 : memref<!tpu.dma_semaphore, #tpu.memory_space<semaphore_mem>>) src(%dma_wait3A_230 : memref<1x32xf32, #tpu.memory_space<hbm>>) dst(%dma_wait3A_227 : memref<1x32xf32, #tpu.memory_space<vmem>>)
      %mul3A_231 = arith.constant 16 : i32
      %mul3A_232 = arith.muli %scan3A_132, %mul3A_231 : i32
      %add3A_233 = arith.constant 7 : i32
      %add3A_234 = arith.addi %mul3A_232, %add3A_233 : i32
      %dma_wait3A_235 = arith.constant 0 : i32
      %dma_wait3A_236 = tpu.memref_slice %arg10[%add3A_234, %dma_wait3A_235] : memref<256x32xf32, #tpu.memory_space<vmem>> -> memref<1x32xf32, #tpu.memory_space<vmem>>
      %dma_wait3A_237 = arith.constant 0 : i32
      %dma_wait3A_238 = arith.constant 0 : i32
      %dma_wait3A_239 = tpu.memref_slice %arg3[%dma_wait3A_237, %dma_wait3A_238] : memref<1000000x32xf32, #tpu.memory_space<hbm>> -> memref<1x32xf32, #tpu.memory_space<hbm>>
      %dma_wait3A_240 = arith.constant 0 : i32
      %dma_wait3A_241 = tpu.memref_slice %arg10[%add3A_234, %dma_wait3A_240] : memref<256x32xf32, #tpu.memory_space<vmem>> -> memref<1x32xf32, #tpu.memory_space<vmem>>
      %dma_wait3A_242 = arith.constant 0 : i32
      %dma_wait3A_243 = arith.constant 0 : i32
      %dma_wait3A_244 = tpu.memref_slice %arg3[%dma_wait3A_242, %dma_wait3A_243] : memref<1000000x32xf32, #tpu.memory_space<hbm>> -> memref<1x32xf32, #tpu.memory_space<hbm>>
      tpu.wait_dma2 semaphore(%arg12 : memref<!tpu.dma_semaphore, #tpu.memory_space<semaphore_mem>>) src(%dma_wait3A_244 : memref<1x32xf32, #tpu.memory_space<hbm>>) dst(%dma_wait3A_241 : memref<1x32xf32, #tpu.memory_space<vmem>>)
      %mul3A_245 = arith.constant 16 : i32
      %mul3A_246 = arith.muli %scan3A_132, %mul3A_245 : i32
      %add3A_247 = arith.constant 8 : i32
      %add3A_248 = arith.addi %mul3A_246, %add3A_247 : i32
      %dma_wait3A_249 = arith.constant 0 : i32
      %dma_wait3A_250 = tpu.memref_slice %arg10[%add3A_248, %dma_wait3A_249] : memref<256x32xf32, #tpu.memory_space<vmem>> -> memref<1x32xf32, #tpu.memory_space<vmem>>
      %dma_wait3A_251 = arith.constant 0 : i32
      %dma_wait3A_252 = arith.constant 0 : i32
      %dma_wait3A_253 = tpu.memref_slice %arg3[%dma_wait3A_251, %dma_wait3A_252] : memref<1000000x32xf32, #tpu.memory_space<hbm>> -> memref<1x32xf32, #tpu.memory_space<hbm>>
      %dma_wait3A_254 = arith.constant 0 : i32
      %dma_wait3A_255 = tpu.memref_slice %arg10[%add3A_248, %dma_wait3A_254] : memref<256x32xf32, #tpu.memory_space<vmem>> -> memref<1x32xf32, #tpu.memory_space<vmem>>
      %dma_wait3A_256 = arith.constant 0 : i32
      %dma_wait3A_257 = arith.constant 0 : i32
      %dma_wait3A_258 = tpu.memref_slice %arg3[%dma_wait3A_256, %dma_wait3A_257] : memref<1000000x32xf32, #tpu.memory_space<hbm>> -> memref<1x32xf32, #tpu.memory_space<hbm>>
      tpu.wait_dma2 semaphore(%arg12 : memref<!tpu.dma_semaphore, #tpu.memory_space<semaphore_mem>>) src(%dma_wait3A_258 : memref<1x32xf32, #tpu.memory_space<hbm>>) dst(%dma_wait3A_255 : memref<1x32xf32, #tpu.memory_space<vmem>>)
      %mul3A_259 = arith.constant 16 : i32
      %mul3A_260 = arith.muli %scan3A_132, %mul3A_259 : i32
      %add3A_261 = arith.constant 9 : i32
      %add3A_262 = arith.addi %mul3A_260, %add3A_261 : i32
      %dma_wait3A_263 = arith.constant 0 : i32
      %dma_wait3A_264 = tpu.memref_slice %arg10[%add3A_262, %dma_wait3A_263] : memref<256x32xf32, #tpu.memory_space<vmem>> -> memref<1x32xf32, #tpu.memory_space<vmem>>
      %dma_wait3A_265 = arith.constant 0 : i32
      %dma_wait3A_266 = arith.constant 0 : i32
      %dma_wait3A_267 = tpu.memref_slice %arg3[%dma_wait3A_265, %dma_wait3A_266] : memref<1000000x32xf32, #tpu.memory_space<hbm>> -> memref<1x32xf32, #tpu.memory_space<hbm>>
      %dma_wait3A_268 = arith.constant 0 : i32
      %dma_wait3A_269 = tpu.memref_slice %arg10[%add3A_262, %dma_wait3A_268] : memref<256x32xf32, #tpu.memory_space<vmem>> -> memref<1x32xf32, #tpu.memory_space<vmem>>
      %dma_wait3A_270 = arith.constant 0 : i32
      %dma_wait3A_271 = arith.constant 0 : i32
      %dma_wait3A_272 = tpu.memref_slice %arg3[%dma_wait3A_270, %dma_wait3A_271] : memref<1000000x32xf32, #tpu.memory_space<hbm>> -> memref<1x32xf32, #tpu.memory_space<hbm>>
      tpu.wait_dma2 semaphore(%arg12 : memref<!tpu.dma_semaphore, #tpu.memory_space<semaphore_mem>>) src(%dma_wait3A_272 : memref<1x32xf32, #tpu.memory_space<hbm>>) dst(%dma_wait3A_269 : memref<1x32xf32, #tpu.memory_space<vmem>>)
      %mul3A_273 = arith.constant 16 : i32
      %mul3A_274 = arith.muli %scan3A_132, %mul3A_273 : i32
      %add3A_275 = arith.constant 10 : i32
      %add3A_276 = arith.addi %mul3A_274, %add3A_275 : i32
      %dma_wait3A_277 = arith.constant 0 : i32
      %dma_wait3A_278 = tpu.memref_slice %arg10[%add3A_276, %dma_wait3A_277] : memref<256x32xf32, #tpu.memory_space<vmem>> -> memref<1x32xf32, #tpu.memory_space<vmem>>
      %dma_wait3A_279 = arith.constant 0 : i32
      %dma_wait3A_280 = arith.constant 0 : i32
      %dma_wait3A_281 = tpu.memref_slice %arg3[%dma_wait3A_279, %dma_wait3A_280] : memref<1000000x32xf32, #tpu.memory_space<hbm>> -> memref<1x32xf32, #tpu.memory_space<hbm>>
      %dma_wait3A_282 = arith.constant 0 : i32
      %dma_wait3A_283 = tpu.memref_slice %arg10[%add3A_276, %dma_wait3A_282] : memref<256x32xf32, #tpu.memory_space<vmem>> -> memref<1x32xf32, #tpu.memory_space<vmem>>
      %dma_wait3A_284 = arith.constant 0 : i32
      %dma_wait3A_285 = arith.constant 0 : i32
      %dma_wait3A_286 = tpu.memref_slice %arg3[%dma_wait3A_284, %dma_wait3A_285] : memref<1000000x32xf32, #tpu.memory_space<hbm>> -> memref<1x32xf32, #tpu.memory_space<hbm>>
      tpu.wait_dma2 semaphore(%arg12 : memref<!tpu.dma_semaphore, #tpu.memory_space<semaphore_mem>>) src(%dma_wait3A_286 : memref<1x32xf32, #tpu.memory_space<hbm>>) dst(%dma_wait3A_283 : memref<1x32xf32, #tpu.memory_space<vmem>>)
      %mul3A_287 = arith.constant 16 : i32
      %mul3A_288 = arith.muli %scan3A_132, %mul3A_287 : i32
      %add3A_289 = arith.constant 11 : i32
      %add3A_290 = arith.addi %mul3A_288, %add3A_289 : i32
      %dma_wait3A_291 = arith.constant 0 : i32
      %dma_wait3A_292 = tpu.memref_slice %arg10[%add3A_290, %dma_wait3A_291] : memref<256x32xf32, #tpu.memory_space<vmem>> -> memref<1x32xf32, #tpu.memory_space<vmem>>
      %dma_wait3A_293 = arith.constant 0 : i32
      %dma_wait3A_294 = arith.constant 0 : i32
      %dma_wait3A_295 = tpu.memref_slice %arg3[%dma_wait3A_293, %dma_wait3A_294] : memref<1000000x32xf32, #tpu.memory_space<hbm>> -> memref<1x32xf32, #tpu.memory_space<hbm>>
      %dma_wait3A_296 = arith.constant 0 : i32
      %dma_wait3A_297 = tpu.memref_slice %arg10[%add3A_290, %dma_wait3A_296] : memref<256x32xf32, #tpu.memory_space<vmem>> -> memref<1x32xf32, #tpu.memory_space<vmem>>
      %dma_wait3A_298 = arith.constant 0 : i32
      %dma_wait3A_299 = arith.constant 0 : i32
      %dma_wait3A_300 = tpu.memref_slice %arg3[%dma_wait3A_298, %dma_wait3A_299] : memref<1000000x32xf32, #tpu.memory_space<hbm>> -> memref<1x32xf32, #tpu.memory_space<hbm>>
      tpu.wait_dma2 semaphore(%arg12 : memref<!tpu.dma_semaphore, #tpu.memory_space<semaphore_mem>>) src(%dma_wait3A_300 : memref<1x32xf32, #tpu.memory_space<hbm>>) dst(%dma_wait3A_297 : memref<1x32xf32, #tpu.memory_space<vmem>>)
      %mul3A_301 = arith.constant 16 : i32
      %mul3A_302 = arith.muli %scan3A_132, %mul3A_301 : i32
      %add3A_303 = arith.constant 12 : i32
      %add3A_304 = arith.addi %mul3A_302, %add3A_303 : i32
      %dma_wait3A_305 = arith.constant 0 : i32
      %dma_wait3A_306 = tpu.memref_slice %arg10[%add3A_304, %dma_wait3A_305] : memref<256x32xf32, #tpu.memory_space<vmem>> -> memref<1x32xf32, #tpu.memory_space<vmem>>
      %dma_wait3A_307 = arith.constant 0 : i32
      %dma_wait3A_308 = arith.constant 0 : i32
      %dma_wait3A_309 = tpu.memref_slice %arg3[%dma_wait3A_307, %dma_wait3A_308] : memref<1000000x32xf32, #tpu.memory_space<hbm>> -> memref<1x32xf32, #tpu.memory_space<hbm>>
      %dma_wait3A_310 = arith.constant 0 : i32
      %dma_wait3A_311 = tpu.memref_slice %arg10[%add3A_304, %dma_wait3A_310] : memref<256x32xf32, #tpu.memory_space<vmem>> -> memref<1x32xf32, #tpu.memory_space<vmem>>
      %dma_wait3A_312 = arith.constant 0 : i32
      %dma_wait3A_313 = arith.constant 0 : i32
      %dma_wait3A_314 = tpu.memref_slice %arg3[%dma_wait3A_312, %dma_wait3A_313] : memref<1000000x32xf32, #tpu.memory_space<hbm>> -> memref<1x32xf32, #tpu.memory_space<hbm>>
      tpu.wait_dma2 semaphore(%arg12 : memref<!tpu.dma_semaphore, #tpu.memory_space<semaphore_mem>>) src(%dma_wait3A_314 : memref<1x32xf32, #tpu.memory_space<hbm>>) dst(%dma_wait3A_311 : memref<1x32xf32, #tpu.memory_space<vmem>>)
      %mul3A_315 = arith.constant 16 : i32
      %mul3A_316 = arith.muli %scan3A_132, %mul3A_315 : i32
      %add3A_317 = arith.constant 13 : i32
      %add3A_318 = arith.addi %mul3A_316, %add3A_317 : i32
      %dma_wait3A_319 = arith.constant 0 : i32
      %dma_wait3A_320 = tpu.memref_slice %arg10[%add3A_318, %dma_wait3A_319] : memref<256x32xf32, #tpu.memory_space<vmem>> -> memref<1x32xf32, #tpu.memory_space<vmem>>
      %dma_wait3A_321 = arith.constant 0 : i32
      %dma_wait3A_322 = arith.constant 0 : i32
      %dma_wait3A_323 = tpu.memref_slice %arg3[%dma_wait3A_321, %dma_wait3A_322] : memref<1000000x32xf32, #tpu.memory_space<hbm>> -> memref<1x32xf32, #tpu.memory_space<hbm>>
      %dma_wait3A_324 = arith.constant 0 : i32
      %dma_wait3A_325 = tpu.memref_slice %arg10[%add3A_318, %dma_wait3A_324] : memref<256x32xf32, #tpu.memory_space<vmem>> -> memref<1x32xf32, #tpu.memory_space<vmem>>
      %dma_wait3A_326 = arith.constant 0 : i32
      %dma_wait3A_327 = arith.constant 0 : i32
      %dma_wait3A_328 = tpu.memref_slice %arg3[%dma_wait3A_326, %dma_wait3A_327] : memref<1000000x32xf32, #tpu.memory_space<hbm>> -> memref<1x32xf32, #tpu.memory_space<hbm>>
      tpu.wait_dma2 semaphore(%arg12 : memref<!tpu.dma_semaphore, #tpu.memory_space<semaphore_mem>>) src(%dma_wait3A_328 : memref<1x32xf32, #tpu.memory_space<hbm>>) dst(%dma_wait3A_325 : memref<1x32xf32, #tpu.memory_space<vmem>>)
      %mul3A_329 = arith.constant 16 : i32
      %mul3A_330 = arith.muli %scan3A_132, %mul3A_329 : i32
      %add3A_331 = arith.constant 14 : i32
      %add3A_332 = arith.addi %mul3A_330, %add3A_331 : i32
      %dma_wait3A_333 = arith.constant 0 : i32
      %dma_wait3A_334 = tpu.memref_slice %arg10[%add3A_332, %dma_wait3A_333] : memref<256x32xf32, #tpu.memory_space<vmem>> -> memref<1x32xf32, #tpu.memory_space<vmem>>
      %dma_wait3A_335 = arith.constant 0 : i32
      %dma_wait3A_336 = arith.constant 0 : i32
      %dma_wait3A_337 = tpu.memref_slice %arg3[%dma_wait3A_335, %dma_wait3A_336] : memref<1000000x32xf32, #tpu.memory_space<hbm>> -> memref<1x32xf32, #tpu.memory_space<hbm>>
      %dma_wait3A_338 = arith.constant 0 : i32
      %dma_wait3A_339 = tpu.memref_slice %arg10[%add3A_332, %dma_wait3A_338] : memref<256x32xf32, #tpu.memory_space<vmem>> -> memref<1x32xf32, #tpu.memory_space<vmem>>
      %dma_wait3A_340 = arith.constant 0 : i32
      %dma_wait3A_341 = arith.constant 0 : i32
      %dma_wait3A_342 = tpu.memref_slice %arg3[%dma_wait3A_340, %dma_wait3A_341] : memref<1000000x32xf32, #tpu.memory_space<hbm>> -> memref<1x32xf32, #tpu.memory_space<hbm>>
      tpu.wait_dma2 semaphore(%arg12 : memref<!tpu.dma_semaphore, #tpu.memory_space<semaphore_mem>>) src(%dma_wait3A_342 : memref<1x32xf32, #tpu.memory_space<hbm>>) dst(%dma_wait3A_339 : memref<1x32xf32, #tpu.memory_space<vmem>>)
      %mul3A_343 = arith.constant 16 : i32
      %mul3A_344 = arith.muli %scan3A_132, %mul3A_343 : i32
      %add3A_345 = arith.constant 15 : i32
      %add3A_346 = arith.addi %mul3A_344, %add3A_345 : i32
      %dma_wait3A_347 = arith.constant 0 : i32
      %dma_wait3A_348 = tpu.memref_slice %arg10[%add3A_346, %dma_wait3A_347] : memref<256x32xf32, #tpu.memory_space<vmem>> -> memref<1x32xf32, #tpu.memory_space<vmem>>
      %dma_wait3A_349 = arith.constant 0 : i32
      %dma_wait3A_350 = arith.constant 0 : i32
      %dma_wait3A_351 = tpu.memref_slice %arg3[%dma_wait3A_349, %dma_wait3A_350] : memref<1000000x32xf32, #tpu.memory_space<hbm>> -> memref<1x32xf32, #tpu.memory_space<hbm>>
      %dma_wait3A_352 = arith.constant 0 : i32
      %dma_wait3A_353 = tpu.memref_slice %arg10[%add3A_346, %dma_wait3A_352] : memref<256x32xf32, #tpu.memory_space<vmem>> -> memref<1x32xf32, #tpu.memory_space<vmem>>
      %dma_wait3A_354 = arith.constant 0 : i32
      %dma_wait3A_355 = arith.constant 0 : i32
      %dma_wait3A_356 = tpu.memref_slice %arg3[%dma_wait3A_354, %dma_wait3A_355] : memref<1000000x32xf32, #tpu.memory_space<hbm>> -> memref<1x32xf32, #tpu.memory_space<hbm>>
      tpu.wait_dma2 semaphore(%arg12 : memref<!tpu.dma_semaphore, #tpu.memory_space<semaphore_mem>>) src(%dma_wait3A_356 : memref<1x32xf32, #tpu.memory_space<hbm>>) dst(%dma_wait3A_353 : memref<1x32xf32, #tpu.memory_space<vmem>>)
    }
    %scan3A_83 = arith.constant 16 : i32
    %add3A_84 = arith.constant 256 : i32
    %add3A_85 = arith.addi %mul3A_2, %add3A_84 : i32
    %dma_start3A_86 = arith.constant 0 : i32
    %dma_start3A_87 = tpu.memref_slice %arg6[%add3A_85, %dma_start3A_86] : memref<16384x32xf32, #tpu.memory_space<hbm>> -> memref<256x32xf32, #tpu.memory_space<hbm>>
    %dma_start3A_88 = arith.constant 0 : i32
    %dma_start3A_89 = tpu.memref_slice %arg6[%add3A_85, %dma_start3A_88] : memref<16384x32xf32, #tpu.memory_space<hbm>> -> memref<256x32xf32, #tpu.memory_space<hbm>>
    tpu.enqueue_dma source(%arg10 : memref<256x32xf32, #tpu.memory_space<vmem>>) target(%dma_start3A_89 : memref<256x32xf32, #tpu.memory_space<hbm>>) target_semaphore(%arg13 : memref<!tpu.dma_semaphore, #tpu.memory_space<semaphore_mem>>)
    %dma_wait3A_90 = arith.constant 0 : i32
    %dma_wait3A_91 = tpu.memref_slice %arg6[%add3A_85, %dma_wait3A_90] : memref<16384x32xf32, #tpu.memory_space<hbm>> -> memref<256x32xf32, #tpu.memory_space<hbm>>
    %dma_wait3A_92 = arith.constant 0 : i32
    %dma_wait3A_93 = tpu.memref_slice %arg6[%add3A_85, %dma_wait3A_92] : memref<16384x32xf32, #tpu.memory_space<hbm>> -> memref<256x32xf32, #tpu.memory_space<hbm>>
    tpu.wait_dma2 semaphore(%arg13 : memref<!tpu.dma_semaphore, #tpu.memory_space<semaphore_mem>>) src(%arg10 : memref<256x32xf32, #tpu.memory_space<vmem>>) dst(%dma_wait3A_93 : memref<256x32xf32, #tpu.memory_space<hbm>>)
    %scan3A_94 = arith.constant 0 : i32
    %scan3A_95 = arith.constant 0 : i32
    %scan3A_96 = arith.constant 16 : i32
    %scan3A_97 = arith.addi %scan3A_95, %scan3A_96 : i32
    %scan3A_98 = arith.constant 1 : i32
    scf.for %scan3A_132 = %scan3A_95 to %scan3A_97 step %scan3A_98  : i32 {
      %mul3A_133 = arith.constant 16 : i32
      %mul3A_134 = arith.muli %scan3A_132, %mul3A_133 : i32
      %add3A_135 = arith.constant 256 : i32
      %add3A_136 = arith.addi %add3A_135, %mul3A_134 : i32
      %get3A = arith.constant 2 : i32
      %get3A_137 = arith.index_cast %get3A : i32 to index
      %get3A_138 = arith.index_cast %add3A_136 : i32 to index
      %get3A_139 = tpu.vector_load %arg8[%get3A_137, %get3A_138] {strides = array<i32>} : memref<3x512xi32, #tpu.memory_space<vmem>>, vector<1x16xi32>,
      %get3A_140 = vector.shape_cast %get3A_139 : vector<1x16xi32> to vector<16xi32>
      %slice3A = vector.extract_strided_slice %get3A_140 {offsets = [0], sizes = [1], strides = [1]} : vector<16xi32> to vector<1xi32>
      %squeeze3A = vector.extract %slice3A[0] : i32 from vector<1xi32>
      %mul3A_141 = arith.constant 16 : i32
      %mul3A_142 = arith.muli %scan3A_132, %mul3A_141 : i32
      %add3A_143 = arith.constant 0 : i32
      %add3A_144 = arith.addi %mul3A_142, %add3A_143 : i32
      %dma_start3A_145 = arith.constant 0 : i32
      %dma_start3A_146 = tpu.memref_slice %arg10[%add3A_144, %dma_start3A_145] : memref<256x32xf32, #tpu.memory_space<vmem>> -> memref<1x32xf32, #tpu.memory_space<vmem>>
      %dma_start3A_147 = arith.constant 0 : i32
      %dma_start3A_148 = tpu.memref_slice %arg3[%squeeze3A, %dma_start3A_147] : memref<1000000x32xf32, #tpu.memory_space<hbm>> -> memref<1x32xf32, #tpu.memory_space<hbm>>
      %dma_start3A_149 = arith.constant 0 : i32
      %dma_start3A_150 = tpu.memref_slice %arg10[%add3A_144, %dma_start3A_149] : memref<256x32xf32, #tpu.memory_space<vmem>> -> memref<1x32xf32, #tpu.memory_space<vmem>>
      %dma_start3A_151 = arith.constant 0 : i32
      %dma_start3A_152 = tpu.memref_slice %arg3[%squeeze3A, %dma_start3A_151] : memref<1000000x32xf32, #tpu.memory_space<hbm>> -> memref<1x32xf32, #tpu.memory_space<hbm>>
      tpu.enqueue_dma source(%dma_start3A_152 : memref<1x32xf32, #tpu.memory_space<hbm>>) target(%dma_start3A_150 : memref<1x32xf32, #tpu.memory_space<vmem>>) target_semaphore(%arg12 : memref<!tpu.dma_semaphore, #tpu.memory_space<semaphore_mem>>)
      %slice3A_153 = vector.extract_strided_slice %get3A_140 {offsets = [1], sizes = [1], strides = [1]} : vector<16xi32> to vector<1xi32>
      %squeeze3A_154 = vector.extract %slice3A_153[0] : i32 from vector<1xi32>
      %mul3A_155 = arith.constant 16 : i32
      %mul3A_156 = arith.muli %scan3A_132, %mul3A_155 : i32
      %add3A_157 = arith.constant 1 : i32
      %add3A_158 = arith.addi %mul3A_156, %add3A_157 : i32
      %dma_start3A_159 = arith.constant 0 : i32
      %dma_start3A_160 = tpu.memref_slice %arg10[%add3A_158, %dma_start3A_159] : memref<256x32xf32, #tpu.memory_space<vmem>> -> memref<1x32xf32, #tpu.memory_space<vmem>>
      %dma_start3A_161 = arith.constant 0 : i32
      %dma_start3A_162 = tpu.memref_slice %arg3[%squeeze3A_154, %dma_start3A_161] : memref<1000000x32xf32, #tpu.memory_space<hbm>> -> memref<1x32xf32, #tpu.memory_space<hbm>>
      %dma_start3A_163 = arith.constant 0 : i32
      %dma_start3A_164 = tpu.memref_slice %arg10[%add3A_158, %dma_start3A_163] : memref<256x32xf32, #tpu.memory_space<vmem>> -> memref<1x32xf32, #tpu.memory_space<vmem>>
      %dma_start3A_165 = arith.constant 0 : i32
      %dma_start3A_166 = tpu.memref_slice %arg3[%squeeze3A_154, %dma_start3A_165] : memref<1000000x32xf32, #tpu.memory_space<hbm>> -> memref<1x32xf32, #tpu.memory_space<hbm>>
      tpu.enqueue_dma source(%dma_start3A_166 : memref<1x32xf32, #tpu.memory_space<hbm>>) target(%dma_start3A_164 : memref<1x32xf32, #tpu.memory_space<vmem>>) target_semaphore(%arg12 : memref<!tpu.dma_semaphore, #tpu.memory_space<semaphore_mem>>)
      %slice3A_167 = vector.extract_strided_slice %get3A_140 {offsets = [2], sizes = [1], strides = [1]} : vector<16xi32> to vector<1xi32>
      %squeeze3A_168 = vector.extract %slice3A_167[0] : i32 from vector<1xi32>
      %mul3A_169 = arith.constant 16 : i32
      %mul3A_170 = arith.muli %scan3A_132, %mul3A_169 : i32
      %add3A_171 = arith.constant 2 : i32
      %add3A_172 = arith.addi %mul3A_170, %add3A_171 : i32
      %dma_start3A_173 = arith.constant 0 : i32
      %dma_start3A_174 = tpu.memref_slice %arg10[%add3A_172, %dma_start3A_173] : memref<256x32xf32, #tpu.memory_space<vmem>> -> memref<1x32xf32, #tpu.memory_space<vmem>>
      %dma_start3A_175 = arith.constant 0 : i32
      %dma_start3A_176 = tpu.memref_slice %arg3[%squeeze3A_168, %dma_start3A_175] : memref<1000000x32xf32, #tpu.memory_space<hbm>> -> memref<1x32xf32, #tpu.memory_space<hbm>>
      %dma_start3A_177 = arith.constant 0 : i32
      %dma_start3A_178 = tpu.memref_slice %arg10[%add3A_172, %dma_start3A_177] : memref<256x32xf32, #tpu.memory_space<vmem>> -> memref<1x32xf32, #tpu.memory_space<vmem>>
      %dma_start3A_179 = arith.constant 0 : i32
      %dma_start3A_180 = tpu.memref_slice %arg3[%squeeze3A_168, %dma_start3A_179] : memref<1000000x32xf32, #tpu.memory_space<hbm>> -> memref<1x32xf32, #tpu.memory_space<hbm>>
      tpu.enqueue_dma source(%dma_start3A_180 : memref<1x32xf32, #tpu.memory_space<hbm>>) target(%dma_start3A_178 : memref<1x32xf32, #tpu.memory_space<vmem>>) target_semaphore(%arg12 : memref<!tpu.dma_semaphore, #tpu.memory_space<semaphore_mem>>)
      %slice3A_181 = vector.extract_strided_slice %get3A_140 {offsets = [3], sizes = [1], strides = [1]} : vector<16xi32> to vector<1xi32>
      %squeeze3A_182 = vector.extract %slice3A_181[0] : i32 from vector<1xi32>
      %mul3A_183 = arith.constant 16 : i32
      %mul3A_184 = arith.muli %scan3A_132, %mul3A_183 : i32
      %add3A_185 = arith.constant 3 : i32
      %add3A_186 = arith.addi %mul3A_184, %add3A_185 : i32
      %dma_start3A_187 = arith.constant 0 : i32
      %dma_start3A_188 = tpu.memref_slice %arg10[%add3A_186, %dma_start3A_187] : memref<256x32xf32, #tpu.memory_space<vmem>> -> memref<1x32xf32, #tpu.memory_space<vmem>>
      %dma_start3A_189 = arith.constant 0 : i32
      %dma_start3A_190 = tpu.memref_slice %arg3[%squeeze3A_182, %dma_start3A_189] : memref<1000000x32xf32, #tpu.memory_space<hbm>> -> memref<1x32xf32, #tpu.memory_space<hbm>>
      %dma_start3A_191 = arith.constant 0 : i32
      %dma_start3A_192 = tpu.memref_slice %arg10[%add3A_186, %dma_start3A_191] : memref<256x32xf32, #tpu.memory_space<vmem>> -> memref<1x32xf32, #tpu.memory_space<vmem>>
      %dma_start3A_193 = arith.constant 0 : i32
      %dma_start3A_194 = tpu.memref_slice %arg3[%squeeze3A_182, %dma_start3A_193] : memref<1000000x32xf32, #tpu.memory_space<hbm>> -> memref<1x32xf32, #tpu.memory_space<hbm>>
      tpu.enqueue_dma source(%dma_start3A_194 : memref<1x32xf32, #tpu.memory_space<hbm>>) target(%dma_start3A_192 : memref<1x32xf32, #tpu.memory_space<vmem>>) target_semaphore(%arg12 : memref<!tpu.dma_semaphore, #tpu.memory_space<semaphore_mem>>)
      %slice3A_195 = vector.extract_strided_slice %get3A_140 {offsets = [4], sizes = [1], strides = [1]} : vector<16xi32> to vector<1xi32>
      %squeeze3A_196 = vector.extract %slice3A_195[0] : i32 from vector<1xi32>
      %mul3A_197 = arith.constant 16 : i32
      %mul3A_198 = arith.muli %scan3A_132, %mul3A_197 : i32
      %add3A_199 = arith.constant 4 : i32
      %add3A_200 = arith.addi %mul3A_198, %add3A_199 : i32
      %dma_start3A_201 = arith.constant 0 : i32
      %dma_start3A_202 = tpu.memref_slice %arg10[%add3A_200, %dma_start3A_201] : memref<256x32xf32, #tpu.memory_space<vmem>> -> memref<1x32xf32, #tpu.memory_space<vmem>>
      %dma_start3A_203 = arith.constant 0 : i32
      %dma_start3A_204 = tpu.memref_slice %arg3[%squeeze3A_196, %dma_start3A_203] : memref<1000000x32xf32, #tpu.memory_space<hbm>> -> memref<1x32xf32, #tpu.memory_space<hbm>>
      %dma_start3A_205 = arith.constant 0 : i32
      %dma_start3A_206 = tpu.memref_slice %arg10[%add3A_200, %dma_start3A_205] : memref<256x32xf32, #tpu.memory_space<vmem>> -> memref<1x32xf32, #tpu.memory_space<vmem>>
      %dma_start3A_207 = arith.constant 0 : i32
      %dma_start3A_208 = tpu.memref_slice %arg3[%squeeze3A_196, %dma_start3A_207] : memref<1000000x32xf32, #tpu.memory_space<hbm>> -> memref<1x32xf32, #tpu.memory_space<hbm>>
      tpu.enqueue_dma source(%dma_start3A_208 : memref<1x32xf32, #tpu.memory_space<hbm>>) target(%dma_start3A_206 : memref<1x32xf32, #tpu.memory_space<vmem>>) target_semaphore(%arg12 : memref<!tpu.dma_semaphore, #tpu.memory_space<semaphore_mem>>)
      %slice3A_209 = vector.extract_strided_slice %get3A_140 {offsets = [5], sizes = [1], strides = [1]} : vector<16xi32> to vector<1xi32>
      %squeeze3A_210 = vector.extract %slice3A_209[0] : i32 from vector<1xi32>
      %mul3A_211 = arith.constant 16 : i32
      %mul3A_212 = arith.muli %scan3A_132, %mul3A_211 : i32
      %add3A_213 = arith.constant 5 : i32
      %add3A_214 = arith.addi %mul3A_212, %add3A_213 : i32
      %dma_start3A_215 = arith.constant 0 : i32
      %dma_start3A_216 = tpu.memref_slice %arg10[%add3A_214, %dma_start3A_215] : memref<256x32xf32, #tpu.memory_space<vmem>> -> memref<1x32xf32, #tpu.memory_space<vmem>>
      %dma_start3A_217 = arith.constant 0 : i32
      %dma_start3A_218 = tpu.memref_slice %arg3[%squeeze3A_210, %dma_start3A_217] : memref<1000000x32xf32, #tpu.memory_space<hbm>> -> memref<1x32xf32, #tpu.memory_space<hbm>>
      %dma_start3A_219 = arith.constant 0 : i32
      %dma_start3A_220 = tpu.memref_slice %arg10[%add3A_214, %dma_start3A_219] : memref<256x32xf32, #tpu.memory_space<vmem>> -> memref<1x32xf32, #tpu.memory_space<vmem>>
      %dma_start3A_221 = arith.constant 0 : i32
      %dma_start3A_222 = tpu.memref_slice %arg3[%squeeze3A_210, %dma_start3A_221] : memref<1000000x32xf32, #tpu.memory_space<hbm>> -> memref<1x32xf32, #tpu.memory_space<hbm>>
      tpu.enqueue_dma source(%dma_start3A_222 : memref<1x32xf32, #tpu.memory_space<hbm>>) target(%dma_start3A_220 : memref<1x32xf32, #tpu.memory_space<vmem>>) target_semaphore(%arg12 : memref<!tpu.dma_semaphore, #tpu.memory_space<semaphore_mem>>)
      %slice3A_223 = vector.extract_strided_slice %get3A_140 {offsets = [6], sizes = [1], strides = [1]} : vector<16xi32> to vector<1xi32>
      %squeeze3A_224 = vector.extract %slice3A_223[0] : i32 from vector<1xi32>
      %mul3A_225 = arith.constant 16 : i32
      %mul3A_226 = arith.muli %scan3A_132, %mul3A_225 : i32
      %add3A_227 = arith.constant 6 : i32
      %add3A_228 = arith.addi %mul3A_226, %add3A_227 : i32
      %dma_start3A_229 = arith.constant 0 : i32
      %dma_start3A_230 = tpu.memref_slice %arg10[%add3A_228, %dma_start3A_229] : memref<256x32xf32, #tpu.memory_space<vmem>> -> memref<1x32xf32, #tpu.memory_space<vmem>>
      %dma_start3A_231 = arith.constant 0 : i32
      %dma_start3A_232 = tpu.memref_slice %arg3[%squeeze3A_224, %dma_start3A_231] : memref<1000000x32xf32, #tpu.memory_space<hbm>> -> memref<1x32xf32, #tpu.memory_space<hbm>>
      %dma_start3A_233 = arith.constant 0 : i32
      %dma_start3A_234 = tpu.memref_slice %arg10[%add3A_228, %dma_start3A_233] : memref<256x32xf32, #tpu.memory_space<vmem>> -> memref<1x32xf32, #tpu.memory_space<vmem>>
      %dma_start3A_235 = arith.constant 0 : i32
      %dma_start3A_236 = tpu.memref_slice %arg3[%squeeze3A_224, %dma_start3A_235] : memref<1000000x32xf32, #tpu.memory_space<hbm>> -> memref<1x32xf32, #tpu.memory_space<hbm>>
      tpu.enqueue_dma source(%dma_start3A_236 : memref<1x32xf32, #tpu.memory_space<hbm>>) target(%dma_start3A_234 : memref<1x32xf32, #tpu.memory_space<vmem>>) target_semaphore(%arg12 : memref<!tpu.dma_semaphore, #tpu.memory_space<semaphore_mem>>)
      %slice3A_237 = vector.extract_strided_slice %get3A_140 {offsets = [7], sizes = [1], strides = [1]} : vector<16xi32> to vector<1xi32>
      %squeeze3A_238 = vector.extract %slice3A_237[0] : i32 from vector<1xi32>
      %mul3A_239 = arith.constant 16 : i32
      %mul3A_240 = arith.muli %scan3A_132, %mul3A_239 : i32
      %add3A_241 = arith.constant 7 : i32
      %add3A_242 = arith.addi %mul3A_240, %add3A_241 : i32
      %dma_start3A_243 = arith.constant 0 : i32
      %dma_start3A_244 = tpu.memref_slice %arg10[%add3A_242, %dma_start3A_243] : memref<256x32xf32, #tpu.memory_space<vmem>> -> memref<1x32xf32, #tpu.memory_space<vmem>>
      %dma_start3A_245 = arith.constant 0 : i32
      %dma_start3A_246 = tpu.memref_slice %arg3[%squeeze3A_238, %dma_start3A_245] : memref<1000000x32xf32, #tpu.memory_space<hbm>> -> memref<1x32xf32, #tpu.memory_space<hbm>>
      %dma_start3A_247 = arith.constant 0 : i32
      %dma_start3A_248 = tpu.memref_slice %arg10[%add3A_242, %dma_start3A_247] : memref<256x32xf32, #tpu.memory_space<vmem>> -> memref<1x32xf32, #tpu.memory_space<vmem>>
      %dma_start3A_249 = arith.constant 0 : i32
      %dma_start3A_250 = tpu.memref_slice %arg3[%squeeze3A_238, %dma_start3A_249] : memref<1000000x32xf32, #tpu.memory_space<hbm>> -> memref<1x32xf32, #tpu.memory_space<hbm>>
      tpu.enqueue_dma source(%dma_start3A_250 : memref<1x32xf32, #tpu.memory_space<hbm>>) target(%dma_start3A_248 : memref<1x32xf32, #tpu.memory_space<vmem>>) target_semaphore(%arg12 : memref<!tpu.dma_semaphore, #tpu.memory_space<semaphore_mem>>)
      %slice3A_251 = vector.extract_strided_slice %get3A_140 {offsets = [8], sizes = [1], strides = [1]} : vector<16xi32> to vector<1xi32>
      %squeeze3A_252 = vector.extract %slice3A_251[0] : i32 from vector<1xi32>
      %mul3A_253 = arith.constant 16 : i32
      %mul3A_254 = arith.muli %scan3A_132, %mul3A_253 : i32
      %add3A_255 = arith.constant 8 : i32
      %add3A_256 = arith.addi %mul3A_254, %add3A_255 : i32
      %dma_start3A_257 = arith.constant 0 : i32
      %dma_start3A_258 = tpu.memref_slice %arg10[%add3A_256, %dma_start3A_257] : memref<256x32xf32, #tpu.memory_space<vmem>> -> memref<1x32xf32, #tpu.memory_space<vmem>>
      %dma_start3A_259 = arith.constant 0 : i32
      %dma_start3A_260 = tpu.memref_slice %arg3[%squeeze3A_252, %dma_start3A_259] : memref<1000000x32xf32, #tpu.memory_space<hbm>> -> memref<1x32xf32, #tpu.memory_space<hbm>>
      %dma_start3A_261 = arith.constant 0 : i32
      %dma_start3A_262 = tpu.memref_slice %arg10[%add3A_256, %dma_start3A_261] : memref<256x32xf32, #tpu.memory_space<vmem>> -> memref<1x32xf32, #tpu.memory_space<vmem>>
      %dma_start3A_263 = arith.constant 0 : i32
      %dma_start3A_264 = tpu.memref_slice %arg3[%squeeze3A_252, %dma_start3A_263] : memref<1000000x32xf32, #tpu.memory_space<hbm>> -> memref<1x32xf32, #tpu.memory_space<hbm>>
      tpu.enqueue_dma source(%dma_start3A_264 : memref<1x32xf32, #tpu.memory_space<hbm>>) target(%dma_start3A_262 : memref<1x32xf32, #tpu.memory_space<vmem>>) target_semaphore(%arg12 : memref<!tpu.dma_semaphore, #tpu.memory_space<semaphore_mem>>)
      %slice3A_265 = vector.extract_strided_slice %get3A_140 {offsets = [9], sizes = [1], strides = [1]} : vector<16xi32> to vector<1xi32>
      %squeeze3A_266 = vector.extract %slice3A_265[0] : i32 from vector<1xi32>
      %mul3A_267 = arith.constant 16 : i32
      %mul3A_268 = arith.muli %scan3A_132, %mul3A_267 : i32
      %add3A_269 = arith.constant 9 : i32
      %add3A_270 = arith.addi %mul3A_268, %add3A_269 : i32
      %dma_start3A_271 = arith.constant 0 : i32
      %dma_start3A_272 = tpu.memref_slice %arg10[%add3A_270, %dma_start3A_271] : memref<256x32xf32, #tpu.memory_space<vmem>> -> memref<1x32xf32, #tpu.memory_space<vmem>>
      %dma_start3A_273 = arith.constant 0 : i32
      %dma_start3A_274 = tpu.memref_slice %arg3[%squeeze3A_266, %dma_start3A_273] : memref<1000000x32xf32, #tpu.memory_space<hbm>> -> memref<1x32xf32, #tpu.memory_space<hbm>>
      %dma_start3A_275 = arith.constant 0 : i32
      %dma_start3A_276 = tpu.memref_slice %arg10[%add3A_270, %dma_start3A_275] : memref<256x32xf32, #tpu.memory_space<vmem>> -> memref<1x32xf32, #tpu.memory_space<vmem>>
      %dma_start3A_277 = arith.constant 0 : i32
      %dma_start3A_278 = tpu.memref_slice %arg3[%squeeze3A_266, %dma_start3A_277] : memref<1000000x32xf32, #tpu.memory_space<hbm>> -> memref<1x32xf32, #tpu.memory_space<hbm>>
      tpu.enqueue_dma source(%dma_start3A_278 : memref<1x32xf32, #tpu.memory_space<hbm>>) target(%dma_start3A_276 : memref<1x32xf32, #tpu.memory_space<vmem>>) target_semaphore(%arg12 : memref<!tpu.dma_semaphore, #tpu.memory_space<semaphore_mem>>)
      %slice3A_279 = vector.extract_strided_slice %get3A_140 {offsets = [10], sizes = [1], strides = [1]} : vector<16xi32> to vector<1xi32>
      %squeeze3A_280 = vector.extract %slice3A_279[0] : i32 from vector<1xi32>
      %mul3A_281 = arith.constant 16 : i32
      %mul3A_282 = arith.muli %scan3A_132, %mul3A_281 : i32
      %add3A_283 = arith.constant 10 : i32
      %add3A_284 = arith.addi %mul3A_282, %add3A_283 : i32
      %dma_start3A_285 = arith.constant 0 : i32
      %dma_start3A_286 = tpu.memref_slice %arg10[%add3A_284, %dma_start3A_285] : memref<256x32xf32, #tpu.memory_space<vmem>> -> memref<1x32xf32, #tpu.memory_space<vmem>>
      %dma_start3A_287 = arith.constant 0 : i32
      %dma_start3A_288 = tpu.memref_slice %arg3[%squeeze3A_280, %dma_start3A_287] : memref<1000000x32xf32, #tpu.memory_space<hbm>> -> memref<1x32xf32, #tpu.memory_space<hbm>>
      %dma_start3A_289 = arith.constant 0 : i32
      %dma_start3A_290 = tpu.memref_slice %arg10[%add3A_284, %dma_start3A_289] : memref<256x32xf32, #tpu.memory_space<vmem>> -> memref<1x32xf32, #tpu.memory_space<vmem>>
      %dma_start3A_291 = arith.constant 0 : i32
      %dma_start3A_292 = tpu.memref_slice %arg3[%squeeze3A_280, %dma_start3A_291] : memref<1000000x32xf32, #tpu.memory_space<hbm>> -> memref<1x32xf32, #tpu.memory_space<hbm>>
      tpu.enqueue_dma source(%dma_start3A_292 : memref<1x32xf32, #tpu.memory_space<hbm>>) target(%dma_start3A_290 : memref<1x32xf32, #tpu.memory_space<vmem>>) target_semaphore(%arg12 : memref<!tpu.dma_semaphore, #tpu.memory_space<semaphore_mem>>)
      %slice3A_293 = vector.extract_strided_slice %get3A_140 {offsets = [11], sizes = [1], strides = [1]} : vector<16xi32> to vector<1xi32>
      %squeeze3A_294 = vector.extract %slice3A_293[0] : i32 from vector<1xi32>
      %mul3A_295 = arith.constant 16 : i32
      %mul3A_296 = arith.muli %scan3A_132, %mul3A_295 : i32
      %add3A_297 = arith.constant 11 : i32
      %add3A_298 = arith.addi %mul3A_296, %add3A_297 : i32
      %dma_start3A_299 = arith.constant 0 : i32
      %dma_start3A_300 = tpu.memref_slice %arg10[%add3A_298, %dma_start3A_299] : memref<256x32xf32, #tpu.memory_space<vmem>> -> memref<1x32xf32, #tpu.memory_space<vmem>>
      %dma_start3A_301 = arith.constant 0 : i32
      %dma_start3A_302 = tpu.memref_slice %arg3[%squeeze3A_294, %dma_start3A_301] : memref<1000000x32xf32, #tpu.memory_space<hbm>> -> memref<1x32xf32, #tpu.memory_space<hbm>>
      %dma_start3A_303 = arith.constant 0 : i32
      %dma_start3A_304 = tpu.memref_slice %arg10[%add3A_298, %dma_start3A_303] : memref<256x32xf32, #tpu.memory_space<vmem>> -> memref<1x32xf32, #tpu.memory_space<vmem>>
      %dma_start3A_305 = arith.constant 0 : i32
      %dma_start3A_306 = tpu.memref_slice %arg3[%squeeze3A_294, %dma_start3A_305] : memref<1000000x32xf32, #tpu.memory_space<hbm>> -> memref<1x32xf32, #tpu.memory_space<hbm>>
      tpu.enqueue_dma source(%dma_start3A_306 : memref<1x32xf32, #tpu.memory_space<hbm>>) target(%dma_start3A_304 : memref<1x32xf32, #tpu.memory_space<vmem>>) target_semaphore(%arg12 : memref<!tpu.dma_semaphore, #tpu.memory_space<semaphore_mem>>)
      %slice3A_307 = vector.extract_strided_slice %get3A_140 {offsets = [12], sizes = [1], strides = [1]} : vector<16xi32> to vector<1xi32>
      %squeeze3A_308 = vector.extract %slice3A_307[0] : i32 from vector<1xi32>
      %mul3A_309 = arith.constant 16 : i32
      %mul3A_310 = arith.muli %scan3A_132, %mul3A_309 : i32
      %add3A_311 = arith.constant 12 : i32
      %add3A_312 = arith.addi %mul3A_310, %add3A_311 : i32
      %dma_start3A_313 = arith.constant 0 : i32
      %dma_start3A_314 = tpu.memref_slice %arg10[%add3A_312, %dma_start3A_313] : memref<256x32xf32, #tpu.memory_space<vmem>> -> memref<1x32xf32, #tpu.memory_space<vmem>>
      %dma_start3A_315 = arith.constant 0 : i32
      %dma_start3A_316 = tpu.memref_slice %arg3[%squeeze3A_308, %dma_start3A_315] : memref<1000000x32xf32, #tpu.memory_space<hbm>> -> memref<1x32xf32, #tpu.memory_space<hbm>>
      %dma_start3A_317 = arith.constant 0 : i32
      %dma_start3A_318 = tpu.memref_slice %arg10[%add3A_312, %dma_start3A_317] : memref<256x32xf32, #tpu.memory_space<vmem>> -> memref<1x32xf32, #tpu.memory_space<vmem>>
      %dma_start3A_319 = arith.constant 0 : i32
      %dma_start3A_320 = tpu.memref_slice %arg3[%squeeze3A_308, %dma_start3A_319] : memref<1000000x32xf32, #tpu.memory_space<hbm>> -> memref<1x32xf32, #tpu.memory_space<hbm>>
      tpu.enqueue_dma source(%dma_start3A_320 : memref<1x32xf32, #tpu.memory_space<hbm>>) target(%dma_start3A_318 : memref<1x32xf32, #tpu.memory_space<vmem>>) target_semaphore(%arg12 : memref<!tpu.dma_semaphore, #tpu.memory_space<semaphore_mem>>)
      %slice3A_321 = vector.extract_strided_slice %get3A_140 {offsets = [13], sizes = [1], strides = [1]} : vector<16xi32> to vector<1xi32>
      %squeeze3A_322 = vector.extract %slice3A_321[0] : i32 from vector<1xi32>
      %mul3A_323 = arith.constant 16 : i32
      %mul3A_324 = arith.muli %scan3A_132, %mul3A_323 : i32
      %add3A_325 = arith.constant 13 : i32
      %add3A_326 = arith.addi %mul3A_324, %add3A_325 : i32
      %dma_start3A_327 = arith.constant 0 : i32
      %dma_start3A_328 = tpu.memref_slice %arg10[%add3A_326, %dma_start3A_327] : memref<256x32xf32, #tpu.memory_space<vmem>> -> memref<1x32xf32, #tpu.memory_space<vmem>>
      %dma_start3A_329 = arith.constant 0 : i32
      %dma_start3A_330 = tpu.memref_slice %arg3[%squeeze3A_322, %dma_start3A_329] : memref<1000000x32xf32, #tpu.memory_space<hbm>> -> memref<1x32xf32, #tpu.memory_space<hbm>>
      %dma_start3A_331 = arith.constant 0 : i32
      %dma_start3A_332 = tpu.memref_slice %arg10[%add3A_326, %dma_start3A_331] : memref<256x32xf32, #tpu.memory_space<vmem>> -> memref<1x32xf32, #tpu.memory_space<vmem>>
      %dma_start3A_333 = arith.constant 0 : i32
      %dma_start3A_334 = tpu.memref_slice %arg3[%squeeze3A_322, %dma_start3A_333] : memref<1000000x32xf32, #tpu.memory_space<hbm>> -> memref<1x32xf32, #tpu.memory_space<hbm>>
      tpu.enqueue_dma source(%dma_start3A_334 : memref<1x32xf32, #tpu.memory_space<hbm>>) target(%dma_start3A_332 : memref<1x32xf32, #tpu.memory_space<vmem>>) target_semaphore(%arg12 : memref<!tpu.dma_semaphore, #tpu.memory_space<semaphore_mem>>)
      %slice3A_335 = vector.extract_strided_slice %get3A_140 {offsets = [14], sizes = [1], strides = [1]} : vector<16xi32> to vector<1xi32>
      %squeeze3A_336 = vector.extract %slice3A_335[0] : i32 from vector<1xi32>
      %mul3A_337 = arith.constant 16 : i32
      %mul3A_338 = arith.muli %scan3A_132, %mul3A_337 : i32
      %add3A_339 = arith.constant 14 : i32
      %add3A_340 = arith.addi %mul3A_338, %add3A_339 : i32
      %dma_start3A_341 = arith.constant 0 : i32
      %dma_start3A_342 = tpu.memref_slice %arg10[%add3A_340, %dma_start3A_341] : memref<256x32xf32, #tpu.memory_space<vmem>> -> memref<1x32xf32, #tpu.memory_space<vmem>>
      %dma_start3A_343 = arith.constant 0 : i32
      %dma_start3A_344 = tpu.memref_slice %arg3[%squeeze3A_336, %dma_start3A_343] : memref<1000000x32xf32, #tpu.memory_space<hbm>> -> memref<1x32xf32, #tpu.memory_space<hbm>>
      %dma_start3A_345 = arith.constant 0 : i32
      %dma_start3A_346 = tpu.memref_slice %arg10[%add3A_340, %dma_start3A_345] : memref<256x32xf32, #tpu.memory_space<vmem>> -> memref<1x32xf32, #tpu.memory_space<vmem>>
      %dma_start3A_347 = arith.constant 0 : i32
      %dma_start3A_348 = tpu.memref_slice %arg3[%squeeze3A_336, %dma_start3A_347] : memref<1000000x32xf32, #tpu.memory_space<hbm>> -> memref<1x32xf32, #tpu.memory_space<hbm>>
      tpu.enqueue_dma source(%dma_start3A_348 : memref<1x32xf32, #tpu.memory_space<hbm>>) target(%dma_start3A_346 : memref<1x32xf32, #tpu.memory_space<vmem>>) target_semaphore(%arg12 : memref<!tpu.dma_semaphore, #tpu.memory_space<semaphore_mem>>)
      %slice3A_349 = vector.extract_strided_slice %get3A_140 {offsets = [15], sizes = [1], strides = [1]} : vector<16xi32> to vector<1xi32>
      %squeeze3A_350 = vector.extract %slice3A_349[0] : i32 from vector<1xi32>
      %mul3A_351 = arith.constant 16 : i32
      %mul3A_352 = arith.muli %scan3A_132, %mul3A_351 : i32
      %add3A_353 = arith.constant 15 : i32
      %add3A_354 = arith.addi %mul3A_352, %add3A_353 : i32
      %dma_start3A_355 = arith.constant 0 : i32
      %dma_start3A_356 = tpu.memref_slice %arg10[%add3A_354, %dma_start3A_355] : memref<256x32xf32, #tpu.memory_space<vmem>> -> memref<1x32xf32, #tpu.memory_space<vmem>>
      %dma_start3A_357 = arith.constant 0 : i32
      %dma_start3A_358 = tpu.memref_slice %arg3[%squeeze3A_350, %dma_start3A_357] : memref<1000000x32xf32, #tpu.memory_space<hbm>> -> memref<1x32xf32, #tpu.memory_space<hbm>>
      %dma_start3A_359 = arith.constant 0 : i32
      %dma_start3A_360 = tpu.memref_slice %arg10[%add3A_354, %dma_start3A_359] : memref<256x32xf32, #tpu.memory_space<vmem>> -> memref<1x32xf32, #tpu.memory_space<vmem>>
      %dma_start3A_361 = arith.constant 0 : i32
      %dma_start3A_362 = tpu.memref_slice %arg3[%squeeze3A_350, %dma_start3A_361] : memref<1000000x32xf32, #tpu.memory_space<hbm>> -> memref<1x32xf32, #tpu.memory_space<hbm>>
      tpu.enqueue_dma source(%dma_start3A_362 : memref<1x32xf32, #tpu.memory_space<hbm>>) target(%dma_start3A_360 : memref<1x32xf32, #tpu.memory_space<vmem>>) target_semaphore(%arg12 : memref<!tpu.dma_semaphore, #tpu.memory_space<semaphore_mem>>)
    }
    %scan3A_99 = arith.constant 16 : i32
    %scan3A_100 = arith.constant 0 : i32
    %scan3A_101 = arith.constant 0 : i32
    %scan3A_102 = arith.constant 16 : i32
    %scan3A_103 = arith.addi %scan3A_101, %scan3A_102 : i32
    %scan3A_104 = arith.constant 1 : i32
    scf.for %scan3A_132 = %scan3A_101 to %scan3A_103 step %scan3A_104  : i32 {
      %mul3A_133 = arith.constant 16 : i32
      %mul3A_134 = arith.muli %scan3A_132, %mul3A_133 : i32
      %add3A_135 = arith.constant 0 : i32
      %add3A_136 = arith.addi %mul3A_134, %add3A_135 : i32
      %dma_wait3A_137 = arith.constant 0 : i32
      %dma_wait3A_138 = tpu.memref_slice %arg9[%add3A_136, %dma_wait3A_137] : memref<256x32xf32, #tpu.memory_space<vmem>> -> memref<1x32xf32, #tpu.memory_space<vmem>>
      %dma_wait3A_139 = arith.constant 0 : i32
      %dma_wait3A_140 = arith.constant 0 : i32
      %dma_wait3A_141 = tpu.memref_slice %arg3[%dma_wait3A_139, %dma_wait3A_140] : memref<1000000x32xf32, #tpu.memory_space<hbm>> -> memref<1x32xf32, #tpu.memory_space<hbm>>
      %dma_wait3A_142 = arith.constant 0 : i32
      %dma_wait3A_143 = tpu.memref_slice %arg9[%add3A_136, %dma_wait3A_142] : memref<256x32xf32, #tpu.memory_space<vmem>> -> memref<1x32xf32, #tpu.memory_space<vmem>>
      %dma_wait3A_144 = arith.constant 0 : i32
      %dma_wait3A_145 = arith.constant 0 : i32
      %dma_wait3A_146 = tpu.memref_slice %arg3[%dma_wait3A_144, %dma_wait3A_145] : memref<1000000x32xf32, #tpu.memory_space<hbm>> -> memref<1x32xf32, #tpu.memory_space<hbm>>
      tpu.wait_dma2 semaphore(%arg11 : memref<!tpu.dma_semaphore, #tpu.memory_space<semaphore_mem>>) src(%dma_wait3A_146 : memref<1x32xf32, #tpu.memory_space<hbm>>) dst(%dma_wait3A_143 : memref<1x32xf32, #tpu.memory_space<vmem>>)
      %mul3A_147 = arith.constant 16 : i32
      %mul3A_148 = arith.muli %scan3A_132, %mul3A_147 : i32
      %add3A_149 = arith.constant 1 : i32
      %add3A_150 = arith.addi %mul3A_148, %add3A_149 : i32
      %dma_wait3A_151 = arith.constant 0 : i32
      %dma_wait3A_152 = tpu.memref_slice %arg9[%add3A_150, %dma_wait3A_151] : memref<256x32xf32, #tpu.memory_space<vmem>> -> memref<1x32xf32, #tpu.memory_space<vmem>>
      %dma_wait3A_153 = arith.constant 0 : i32
      %dma_wait3A_154 = arith.constant 0 : i32
      %dma_wait3A_155 = tpu.memref_slice %arg3[%dma_wait3A_153, %dma_wait3A_154] : memref<1000000x32xf32, #tpu.memory_space<hbm>> -> memref<1x32xf32, #tpu.memory_space<hbm>>
      %dma_wait3A_156 = arith.constant 0 : i32
      %dma_wait3A_157 = tpu.memref_slice %arg9[%add3A_150, %dma_wait3A_156] : memref<256x32xf32, #tpu.memory_space<vmem>> -> memref<1x32xf32, #tpu.memory_space<vmem>>
      %dma_wait3A_158 = arith.constant 0 : i32
      %dma_wait3A_159 = arith.constant 0 : i32
      %dma_wait3A_160 = tpu.memref_slice %arg3[%dma_wait3A_158, %dma_wait3A_159] : memref<1000000x32xf32, #tpu.memory_space<hbm>> -> memref<1x32xf32, #tpu.memory_space<hbm>>
      tpu.wait_dma2 semaphore(%arg11 : memref<!tpu.dma_semaphore, #tpu.memory_space<semaphore_mem>>) src(%dma_wait3A_160 : memref<1x32xf32, #tpu.memory_space<hbm>>) dst(%dma_wait3A_157 : memref<1x32xf32, #tpu.memory_space<vmem>>)
      %mul3A_161 = arith.constant 16 : i32
      %mul3A_162 = arith.muli %scan3A_132, %mul3A_161 : i32
      %add3A_163 = arith.constant 2 : i32
      %add3A_164 = arith.addi %mul3A_162, %add3A_163 : i32
      %dma_wait3A_165 = arith.constant 0 : i32
      %dma_wait3A_166 = tpu.memref_slice %arg9[%add3A_164, %dma_wait3A_165] : memref<256x32xf32, #tpu.memory_space<vmem>> -> memref<1x32xf32, #tpu.memory_space<vmem>>
      %dma_wait3A_167 = arith.constant 0 : i32
      %dma_wait3A_168 = arith.constant 0 : i32
      %dma_wait3A_169 = tpu.memref_slice %arg3[%dma_wait3A_167, %dma_wait3A_168] : memref<1000000x32xf32, #tpu.memory_space<hbm>> -> memref<1x32xf32, #tpu.memory_space<hbm>>
      %dma_wait3A_170 = arith.constant 0 : i32
      %dma_wait3A_171 = tpu.memref_slice %arg9[%add3A_164, %dma_wait3A_170] : memref<256x32xf32, #tpu.memory_space<vmem>> -> memref<1x32xf32, #tpu.memory_space<vmem>>
      %dma_wait3A_172 = arith.constant 0 : i32
      %dma_wait3A_173 = arith.constant 0 : i32
      %dma_wait3A_174 = tpu.memref_slice %arg3[%dma_wait3A_172, %dma_wait3A_173] : memref<1000000x32xf32, #tpu.memory_space<hbm>> -> memref<1x32xf32, #tpu.memory_space<hbm>>
      tpu.wait_dma2 semaphore(%arg11 : memref<!tpu.dma_semaphore, #tpu.memory_space<semaphore_mem>>) src(%dma_wait3A_174 : memref<1x32xf32, #tpu.memory_space<hbm>>) dst(%dma_wait3A_171 : memref<1x32xf32, #tpu.memory_space<vmem>>)
      %mul3A_175 = arith.constant 16 : i32
      %mul3A_176 = arith.muli %scan3A_132, %mul3A_175 : i32
      %add3A_177 = arith.constant 3 : i32
      %add3A_178 = arith.addi %mul3A_176, %add3A_177 : i32
      %dma_wait3A_179 = arith.constant 0 : i32
      %dma_wait3A_180 = tpu.memref_slice %arg9[%add3A_178, %dma_wait3A_179] : memref<256x32xf32, #tpu.memory_space<vmem>> -> memref<1x32xf32, #tpu.memory_space<vmem>>
      %dma_wait3A_181 = arith.constant 0 : i32
      %dma_wait3A_182 = arith.constant 0 : i32
      %dma_wait3A_183 = tpu.memref_slice %arg3[%dma_wait3A_181, %dma_wait3A_182] : memref<1000000x32xf32, #tpu.memory_space<hbm>> -> memref<1x32xf32, #tpu.memory_space<hbm>>
      %dma_wait3A_184 = arith.constant 0 : i32
      %dma_wait3A_185 = tpu.memref_slice %arg9[%add3A_178, %dma_wait3A_184] : memref<256x32xf32, #tpu.memory_space<vmem>> -> memref<1x32xf32, #tpu.memory_space<vmem>>
      %dma_wait3A_186 = arith.constant 0 : i32
      %dma_wait3A_187 = arith.constant 0 : i32
      %dma_wait3A_188 = tpu.memref_slice %arg3[%dma_wait3A_186, %dma_wait3A_187] : memref<1000000x32xf32, #tpu.memory_space<hbm>> -> memref<1x32xf32, #tpu.memory_space<hbm>>
      tpu.wait_dma2 semaphore(%arg11 : memref<!tpu.dma_semaphore, #tpu.memory_space<semaphore_mem>>) src(%dma_wait3A_188 : memref<1x32xf32, #tpu.memory_space<hbm>>) dst(%dma_wait3A_185 : memref<1x32xf32, #tpu.memory_space<vmem>>)
      %mul3A_189 = arith.constant 16 : i32
      %mul3A_190 = arith.muli %scan3A_132, %mul3A_189 : i32
      %add3A_191 = arith.constant 4 : i32
      %add3A_192 = arith.addi %mul3A_190, %add3A_191 : i32
      %dma_wait3A_193 = arith.constant 0 : i32
      %dma_wait3A_194 = tpu.memref_slice %arg9[%add3A_192, %dma_wait3A_193] : memref<256x32xf32, #tpu.memory_space<vmem>> -> memref<1x32xf32, #tpu.memory_space<vmem>>
      %dma_wait3A_195 = arith.constant 0 : i32
      %dma_wait3A_196 = arith.constant 0 : i32
      %dma_wait3A_197 = tpu.memref_slice %arg3[%dma_wait3A_195, %dma_wait3A_196] : memref<1000000x32xf32, #tpu.memory_space<hbm>> -> memref<1x32xf32, #tpu.memory_space<hbm>>
      %dma_wait3A_198 = arith.constant 0 : i32
      %dma_wait3A_199 = tpu.memref_slice %arg9[%add3A_192, %dma_wait3A_198] : memref<256x32xf32, #tpu.memory_space<vmem>> -> memref<1x32xf32, #tpu.memory_space<vmem>>
      %dma_wait3A_200 = arith.constant 0 : i32
      %dma_wait3A_201 = arith.constant 0 : i32
      %dma_wait3A_202 = tpu.memref_slice %arg3[%dma_wait3A_200, %dma_wait3A_201] : memref<1000000x32xf32, #tpu.memory_space<hbm>> -> memref<1x32xf32, #tpu.memory_space<hbm>>
      tpu.wait_dma2 semaphore(%arg11 : memref<!tpu.dma_semaphore, #tpu.memory_space<semaphore_mem>>) src(%dma_wait3A_202 : memref<1x32xf32, #tpu.memory_space<hbm>>) dst(%dma_wait3A_199 : memref<1x32xf32, #tpu.memory_space<vmem>>)
      %mul3A_203 = arith.constant 16 : i32
      %mul3A_204 = arith.muli %scan3A_132, %mul3A_203 : i32
      %add3A_205 = arith.constant 5 : i32
      %add3A_206 = arith.addi %mul3A_204, %add3A_205 : i32
      %dma_wait3A_207 = arith.constant 0 : i32
      %dma_wait3A_208 = tpu.memref_slice %arg9[%add3A_206, %dma_wait3A_207] : memref<256x32xf32, #tpu.memory_space<vmem>> -> memref<1x32xf32, #tpu.memory_space<vmem>>
      %dma_wait3A_209 = arith.constant 0 : i32
      %dma_wait3A_210 = arith.constant 0 : i32
      %dma_wait3A_211 = tpu.memref_slice %arg3[%dma_wait3A_209, %dma_wait3A_210] : memref<1000000x32xf32, #tpu.memory_space<hbm>> -> memref<1x32xf32, #tpu.memory_space<hbm>>
      %dma_wait3A_212 = arith.constant 0 : i32
      %dma_wait3A_213 = tpu.memref_slice %arg9[%add3A_206, %dma_wait3A_212] : memref<256x32xf32, #tpu.memory_space<vmem>> -> memref<1x32xf32, #tpu.memory_space<vmem>>
      %dma_wait3A_214 = arith.constant 0 : i32
      %dma_wait3A_215 = arith.constant 0 : i32
      %dma_wait3A_216 = tpu.memref_slice %arg3[%dma_wait3A_214, %dma_wait3A_215] : memref<1000000x32xf32, #tpu.memory_space<hbm>> -> memref<1x32xf32, #tpu.memory_space<hbm>>
      tpu.wait_dma2 semaphore(%arg11 : memref<!tpu.dma_semaphore, #tpu.memory_space<semaphore_mem>>) src(%dma_wait3A_216 : memref<1x32xf32, #tpu.memory_space<hbm>>) dst(%dma_wait3A_213 : memref<1x32xf32, #tpu.memory_space<vmem>>)
      %mul3A_217 = arith.constant 16 : i32
      %mul3A_218 = arith.muli %scan3A_132, %mul3A_217 : i32
      %add3A_219 = arith.constant 6 : i32
      %add3A_220 = arith.addi %mul3A_218, %add3A_219 : i32
      %dma_wait3A_221 = arith.constant 0 : i32
      %dma_wait3A_222 = tpu.memref_slice %arg9[%add3A_220, %dma_wait3A_221] : memref<256x32xf32, #tpu.memory_space<vmem>> -> memref<1x32xf32, #tpu.memory_space<vmem>>
      %dma_wait3A_223 = arith.constant 0 : i32
      %dma_wait3A_224 = arith.constant 0 : i32
      %dma_wait3A_225 = tpu.memref_slice %arg3[%dma_wait3A_223, %dma_wait3A_224] : memref<1000000x32xf32, #tpu.memory_space<hbm>> -> memref<1x32xf32, #tpu.memory_space<hbm>>
      %dma_wait3A_226 = arith.constant 0 : i32
      %dma_wait3A_227 = tpu.memref_slice %arg9[%add3A_220, %dma_wait3A_226] : memref<256x32xf32, #tpu.memory_space<vmem>> -> memref<1x32xf32, #tpu.memory_space<vmem>>
      %dma_wait3A_228 = arith.constant 0 : i32
      %dma_wait3A_229 = arith.constant 0 : i32
      %dma_wait3A_230 = tpu.memref_slice %arg3[%dma_wait3A_228, %dma_wait3A_229] : memref<1000000x32xf32, #tpu.memory_space<hbm>> -> memref<1x32xf32, #tpu.memory_space<hbm>>
      tpu.wait_dma2 semaphore(%arg11 : memref<!tpu.dma_semaphore, #tpu.memory_space<semaphore_mem>>) src(%dma_wait3A_230 : memref<1x32xf32, #tpu.memory_space<hbm>>) dst(%dma_wait3A_227 : memref<1x32xf32, #tpu.memory_space<vmem>>)
      %mul3A_231 = arith.constant 16 : i32
      %mul3A_232 = arith.muli %scan3A_132, %mul3A_231 : i32
      %add3A_233 = arith.constant 7 : i32
      %add3A_234 = arith.addi %mul3A_232, %add3A_233 : i32
      %dma_wait3A_235 = arith.constant 0 : i32
      %dma_wait3A_236 = tpu.memref_slice %arg9[%add3A_234, %dma_wait3A_235] : memref<256x32xf32, #tpu.memory_space<vmem>> -> memref<1x32xf32, #tpu.memory_space<vmem>>
      %dma_wait3A_237 = arith.constant 0 : i32
      %dma_wait3A_238 = arith.constant 0 : i32
      %dma_wait3A_239 = tpu.memref_slice %arg3[%dma_wait3A_237, %dma_wait3A_238] : memref<1000000x32xf32, #tpu.memory_space<hbm>> -> memref<1x32xf32, #tpu.memory_space<hbm>>
      %dma_wait3A_240 = arith.constant 0 : i32
      %dma_wait3A_241 = tpu.memref_slice %arg9[%add3A_234, %dma_wait3A_240] : memref<256x32xf32, #tpu.memory_space<vmem>> -> memref<1x32xf32, #tpu.memory_space<vmem>>
      %dma_wait3A_242 = arith.constant 0 : i32
      %dma_wait3A_243 = arith.constant 0 : i32
      %dma_wait3A_244 = tpu.memref_slice %arg3[%dma_wait3A_242, %dma_wait3A_243] : memref<1000000x32xf32, #tpu.memory_space<hbm>> -> memref<1x32xf32, #tpu.memory_space<hbm>>
      tpu.wait_dma2 semaphore(%arg11 : memref<!tpu.dma_semaphore, #tpu.memory_space<semaphore_mem>>) src(%dma_wait3A_244 : memref<1x32xf32, #tpu.memory_space<hbm>>) dst(%dma_wait3A_241 : memref<1x32xf32, #tpu.memory_space<vmem>>)
      %mul3A_245 = arith.constant 16 : i32
      %mul3A_246 = arith.muli %scan3A_132, %mul3A_245 : i32
      %add3A_247 = arith.constant 8 : i32
      %add3A_248 = arith.addi %mul3A_246, %add3A_247 : i32
      %dma_wait3A_249 = arith.constant 0 : i32
      %dma_wait3A_250 = tpu.memref_slice %arg9[%add3A_248, %dma_wait3A_249] : memref<256x32xf32, #tpu.memory_space<vmem>> -> memref<1x32xf32, #tpu.memory_space<vmem>>
      %dma_wait3A_251 = arith.constant 0 : i32
      %dma_wait3A_252 = arith.constant 0 : i32
      %dma_wait3A_253 = tpu.memref_slice %arg3[%dma_wait3A_251, %dma_wait3A_252] : memref<1000000x32xf32, #tpu.memory_space<hbm>> -> memref<1x32xf32, #tpu.memory_space<hbm>>
      %dma_wait3A_254 = arith.constant 0 : i32
      %dma_wait3A_255 = tpu.memref_slice %arg9[%add3A_248, %dma_wait3A_254] : memref<256x32xf32, #tpu.memory_space<vmem>> -> memref<1x32xf32, #tpu.memory_space<vmem>>
      %dma_wait3A_256 = arith.constant 0 : i32
      %dma_wait3A_257 = arith.constant 0 : i32
      %dma_wait3A_258 = tpu.memref_slice %arg3[%dma_wait3A_256, %dma_wait3A_257] : memref<1000000x32xf32, #tpu.memory_space<hbm>> -> memref<1x32xf32, #tpu.memory_space<hbm>>
      tpu.wait_dma2 semaphore(%arg11 : memref<!tpu.dma_semaphore, #tpu.memory_space<semaphore_mem>>) src(%dma_wait3A_258 : memref<1x32xf32, #tpu.memory_space<hbm>>) dst(%dma_wait3A_255 : memref<1x32xf32, #tpu.memory_space<vmem>>)
      %mul3A_259 = arith.constant 16 : i32
      %mul3A_260 = arith.muli %scan3A_132, %mul3A_259 : i32
      %add3A_261 = arith.constant 9 : i32
      %add3A_262 = arith.addi %mul3A_260, %add3A_261 : i32
      %dma_wait3A_263 = arith.constant 0 : i32
      %dma_wait3A_264 = tpu.memref_slice %arg9[%add3A_262, %dma_wait3A_263] : memref<256x32xf32, #tpu.memory_space<vmem>> -> memref<1x32xf32, #tpu.memory_space<vmem>>
      %dma_wait3A_265 = arith.constant 0 : i32
      %dma_wait3A_266 = arith.constant 0 : i32
      %dma_wait3A_267 = tpu.memref_slice %arg3[%dma_wait3A_265, %dma_wait3A_266] : memref<1000000x32xf32, #tpu.memory_space<hbm>> -> memref<1x32xf32, #tpu.memory_space<hbm>>
      %dma_wait3A_268 = arith.constant 0 : i32
      %dma_wait3A_269 = tpu.memref_slice %arg9[%add3A_262, %dma_wait3A_268] : memref<256x32xf32, #tpu.memory_space<vmem>> -> memref<1x32xf32, #tpu.memory_space<vmem>>
      %dma_wait3A_270 = arith.constant 0 : i32
      %dma_wait3A_271 = arith.constant 0 : i32
      %dma_wait3A_272 = tpu.memref_slice %arg3[%dma_wait3A_270, %dma_wait3A_271] : memref<1000000x32xf32, #tpu.memory_space<hbm>> -> memref<1x32xf32, #tpu.memory_space<hbm>>
      tpu.wait_dma2 semaphore(%arg11 : memref<!tpu.dma_semaphore, #tpu.memory_space<semaphore_mem>>) src(%dma_wait3A_272 : memref<1x32xf32, #tpu.memory_space<hbm>>) dst(%dma_wait3A_269 : memref<1x32xf32, #tpu.memory_space<vmem>>)
      %mul3A_273 = arith.constant 16 : i32
      %mul3A_274 = arith.muli %scan3A_132, %mul3A_273 : i32
      %add3A_275 = arith.constant 10 : i32
      %add3A_276 = arith.addi %mul3A_274, %add3A_275 : i32
      %dma_wait3A_277 = arith.constant 0 : i32
      %dma_wait3A_278 = tpu.memref_slice %arg9[%add3A_276, %dma_wait3A_277] : memref<256x32xf32, #tpu.memory_space<vmem>> -> memref<1x32xf32, #tpu.memory_space<vmem>>
      %dma_wait3A_279 = arith.constant 0 : i32
      %dma_wait3A_280 = arith.constant 0 : i32
      %dma_wait3A_281 = tpu.memref_slice %arg3[%dma_wait3A_279, %dma_wait3A_280] : memref<1000000x32xf32, #tpu.memory_space<hbm>> -> memref<1x32xf32, #tpu.memory_space<hbm>>
      %dma_wait3A_282 = arith.constant 0 : i32
      %dma_wait3A_283 = tpu.memref_slice %arg9[%add3A_276, %dma_wait3A_282] : memref<256x32xf32, #tpu.memory_space<vmem>> -> memref<1x32xf32, #tpu.memory_space<vmem>>
      %dma_wait3A_284 = arith.constant 0 : i32
      %dma_wait3A_285 = arith.constant 0 : i32
      %dma_wait3A_286 = tpu.memref_slice %arg3[%dma_wait3A_284, %dma_wait3A_285] : memref<1000000x32xf32, #tpu.memory_space<hbm>> -> memref<1x32xf32, #tpu.memory_space<hbm>>
      tpu.wait_dma2 semaphore(%arg11 : memref<!tpu.dma_semaphore, #tpu.memory_space<semaphore_mem>>) src(%dma_wait3A_286 : memref<1x32xf32, #tpu.memory_space<hbm>>) dst(%dma_wait3A_283 : memref<1x32xf32, #tpu.memory_space<vmem>>)
      %mul3A_287 = arith.constant 16 : i32
      %mul3A_288 = arith.muli %scan3A_132, %mul3A_287 : i32
      %add3A_289 = arith.constant 11 : i32
      %add3A_290 = arith.addi %mul3A_288, %add3A_289 : i32
      %dma_wait3A_291 = arith.constant 0 : i32
      %dma_wait3A_292 = tpu.memref_slice %arg9[%add3A_290, %dma_wait3A_291] : memref<256x32xf32, #tpu.memory_space<vmem>> -> memref<1x32xf32, #tpu.memory_space<vmem>>
      %dma_wait3A_293 = arith.constant 0 : i32
      %dma_wait3A_294 = arith.constant 0 : i32
      %dma_wait3A_295 = tpu.memref_slice %arg3[%dma_wait3A_293, %dma_wait3A_294] : memref<1000000x32xf32, #tpu.memory_space<hbm>> -> memref<1x32xf32, #tpu.memory_space<hbm>>
      %dma_wait3A_296 = arith.constant 0 : i32
      %dma_wait3A_297 = tpu.memref_slice %arg9[%add3A_290, %dma_wait3A_296] : memref<256x32xf32, #tpu.memory_space<vmem>> -> memref<1x32xf32, #tpu.memory_space<vmem>>
      %dma_wait3A_298 = arith.constant 0 : i32
      %dma_wait3A_299 = arith.constant 0 : i32
      %dma_wait3A_300 = tpu.memref_slice %arg3[%dma_wait3A_298, %dma_wait3A_299] : memref<1000000x32xf32, #tpu.memory_space<hbm>> -> memref<1x32xf32, #tpu.memory_space<hbm>>
      tpu.wait_dma2 semaphore(%arg11 : memref<!tpu.dma_semaphore, #tpu.memory_space<semaphore_mem>>) src(%dma_wait3A_300 : memref<1x32xf32, #tpu.memory_space<hbm>>) dst(%dma_wait3A_297 : memref<1x32xf32, #tpu.memory_space<vmem>>)
      %mul3A_301 = arith.constant 16 : i32
      %mul3A_302 = arith.muli %scan3A_132, %mul3A_301 : i32
      %add3A_303 = arith.constant 12 : i32
      %add3A_304 = arith.addi %mul3A_302, %add3A_303 : i32
      %dma_wait3A_305 = arith.constant 0 : i32
      %dma_wait3A_306 = tpu.memref_slice %arg9[%add3A_304, %dma_wait3A_305] : memref<256x32xf32, #tpu.memory_space<vmem>> -> memref<1x32xf32, #tpu.memory_space<vmem>>
      %dma_wait3A_307 = arith.constant 0 : i32
      %dma_wait3A_308 = arith.constant 0 : i32
      %dma_wait3A_309 = tpu.memref_slice %arg3[%dma_wait3A_307, %dma_wait3A_308] : memref<1000000x32xf32, #tpu.memory_space<hbm>> -> memref<1x32xf32, #tpu.memory_space<hbm>>
      %dma_wait3A_310 = arith.constant 0 : i32
      %dma_wait3A_311 = tpu.memref_slice %arg9[%add3A_304, %dma_wait3A_310] : memref<256x32xf32, #tpu.memory_space<vmem>> -> memref<1x32xf32, #tpu.memory_space<vmem>>
      %dma_wait3A_312 = arith.constant 0 : i32
      %dma_wait3A_313 = arith.constant 0 : i32
      %dma_wait3A_314 = tpu.memref_slice %arg3[%dma_wait3A_312, %dma_wait3A_313] : memref<1000000x32xf32, #tpu.memory_space<hbm>> -> memref<1x32xf32, #tpu.memory_space<hbm>>
      tpu.wait_dma2 semaphore(%arg11 : memref<!tpu.dma_semaphore, #tpu.memory_space<semaphore_mem>>) src(%dma_wait3A_314 : memref<1x32xf32, #tpu.memory_space<hbm>>) dst(%dma_wait3A_311 : memref<1x32xf32, #tpu.memory_space<vmem>>)
      %mul3A_315 = arith.constant 16 : i32
      %mul3A_316 = arith.muli %scan3A_132, %mul3A_315 : i32
      %add3A_317 = arith.constant 13 : i32
      %add3A_318 = arith.addi %mul3A_316, %add3A_317 : i32
      %dma_wait3A_319 = arith.constant 0 : i32
      %dma_wait3A_320 = tpu.memref_slice %arg9[%add3A_318, %dma_wait3A_319] : memref<256x32xf32, #tpu.memory_space<vmem>> -> memref<1x32xf32, #tpu.memory_space<vmem>>
      %dma_wait3A_321 = arith.constant 0 : i32
      %dma_wait3A_322 = arith.constant 0 : i32
      %dma_wait3A_323 = tpu.memref_slice %arg3[%dma_wait3A_321, %dma_wait3A_322] : memref<1000000x32xf32, #tpu.memory_space<hbm>> -> memref<1x32xf32, #tpu.memory_space<hbm>>
      %dma_wait3A_324 = arith.constant 0 : i32
      %dma_wait3A_325 = tpu.memref_slice %arg9[%add3A_318, %dma_wait3A_324] : memref<256x32xf32, #tpu.memory_space<vmem>> -> memref<1x32xf32, #tpu.memory_space<vmem>>
      %dma_wait3A_326 = arith.constant 0 : i32
      %dma_wait3A_327 = arith.constant 0 : i32
      %dma_wait3A_328 = tpu.memref_slice %arg3[%dma_wait3A_326, %dma_wait3A_327] : memref<1000000x32xf32, #tpu.memory_space<hbm>> -> memref<1x32xf32, #tpu.memory_space<hbm>>
      tpu.wait_dma2 semaphore(%arg11 : memref<!tpu.dma_semaphore, #tpu.memory_space<semaphore_mem>>) src(%dma_wait3A_328 : memref<1x32xf32, #tpu.memory_space<hbm>>) dst(%dma_wait3A_325 : memref<1x32xf32, #tpu.memory_space<vmem>>)
      %mul3A_329 = arith.constant 16 : i32
      %mul3A_330 = arith.muli %scan3A_132, %mul3A_329 : i32
      %add3A_331 = arith.constant 14 : i32
      %add3A_332 = arith.addi %mul3A_330, %add3A_331 : i32
      %dma_wait3A_333 = arith.constant 0 : i32
      %dma_wait3A_334 = tpu.memref_slice %arg9[%add3A_332, %dma_wait3A_333] : memref<256x32xf32, #tpu.memory_space<vmem>> -> memref<1x32xf32, #tpu.memory_space<vmem>>
      %dma_wait3A_335 = arith.constant 0 : i32
      %dma_wait3A_336 = arith.constant 0 : i32
      %dma_wait3A_337 = tpu.memref_slice %arg3[%dma_wait3A_335, %dma_wait3A_336] : memref<1000000x32xf32, #tpu.memory_space<hbm>> -> memref<1x32xf32, #tpu.memory_space<hbm>>
      %dma_wait3A_338 = arith.constant 0 : i32
      %dma_wait3A_339 = tpu.memref_slice %arg9[%add3A_332, %dma_wait3A_338] : memref<256x32xf32, #tpu.memory_space<vmem>> -> memref<1x32xf32, #tpu.memory_space<vmem>>
      %dma_wait3A_340 = arith.constant 0 : i32
      %dma_wait3A_341 = arith.constant 0 : i32
      %dma_wait3A_342 = tpu.memref_slice %arg3[%dma_wait3A_340, %dma_wait3A_341] : memref<1000000x32xf32, #tpu.memory_space<hbm>> -> memref<1x32xf32, #tpu.memory_space<hbm>>
      tpu.wait_dma2 semaphore(%arg11 : memref<!tpu.dma_semaphore, #tpu.memory_space<semaphore_mem>>) src(%dma_wait3A_342 : memref<1x32xf32, #tpu.memory_space<hbm>>) dst(%dma_wait3A_339 : memref<1x32xf32, #tpu.memory_space<vmem>>)
      %mul3A_343 = arith.constant 16 : i32
      %mul3A_344 = arith.muli %scan3A_132, %mul3A_343 : i32
      %add3A_345 = arith.constant 15 : i32
      %add3A_346 = arith.addi %mul3A_344, %add3A_345 : i32
      %dma_wait3A_347 = arith.constant 0 : i32
      %dma_wait3A_348 = tpu.memref_slice %arg9[%add3A_346, %dma_wait3A_347] : memref<256x32xf32, #tpu.memory_space<vmem>> -> memref<1x32xf32, #tpu.memory_space<vmem>>
      %dma_wait3A_349 = arith.constant 0 : i32
      %dma_wait3A_350 = arith.constant 0 : i32
      %dma_wait3A_351 = tpu.memref_slice %arg3[%dma_wait3A_349, %dma_wait3A_350] : memref<1000000x32xf32, #tpu.memory_space<hbm>> -> memref<1x32xf32, #tpu.memory_space<hbm>>
      %dma_wait3A_352 = arith.constant 0 : i32
      %dma_wait3A_353 = tpu.memref_slice %arg9[%add3A_346, %dma_wait3A_352] : memref<256x32xf32, #tpu.memory_space<vmem>> -> memref<1x32xf32, #tpu.memory_space<vmem>>
      %dma_wait3A_354 = arith.constant 0 : i32
      %dma_wait3A_355 = arith.constant 0 : i32
      %dma_wait3A_356 = tpu.memref_slice %arg3[%dma_wait3A_354, %dma_wait3A_355] : memref<1000000x32xf32, #tpu.memory_space<hbm>> -> memref<1x32xf32, #tpu.memory_space<hbm>>
      tpu.wait_dma2 semaphore(%arg11 : memref<!tpu.dma_semaphore, #tpu.memory_space<semaphore_mem>>) src(%dma_wait3A_356 : memref<1x32xf32, #tpu.memory_space<hbm>>) dst(%dma_wait3A_353 : memref<1x32xf32, #tpu.memory_space<vmem>>)
    }
    %scan3A_105 = arith.constant 16 : i32
    %add3A_106 = arith.constant 0 : i32
    %add3A_107 = arith.addi %mul3A_2, %add3A_106 : i32
    %dma_start3A_108 = arith.constant 0 : i32
    %dma_start3A_109 = tpu.memref_slice %arg7[%add3A_107, %dma_start3A_108] : memref<16384x32xf32, #tpu.memory_space<hbm>> -> memref<256x32xf32, #tpu.memory_space<hbm>>
    %dma_start3A_110 = arith.constant 0 : i32
    %dma_start3A_111 = tpu.memref_slice %arg7[%add3A_107, %dma_start3A_110] : memref<16384x32xf32, #tpu.memory_space<hbm>> -> memref<256x32xf32, #tpu.memory_space<hbm>>
    tpu.enqueue_dma source(%arg9 : memref<256x32xf32, #tpu.memory_space<vmem>>) target(%dma_start3A_111 : memref<256x32xf32, #tpu.memory_space<hbm>>) target_semaphore(%arg13 : memref<!tpu.dma_semaphore, #tpu.memory_space<semaphore_mem>>)
    %dma_wait3A_112 = arith.constant 0 : i32
    %dma_wait3A_113 = tpu.memref_slice %arg7[%add3A_107, %dma_wait3A_112] : memref<16384x32xf32, #tpu.memory_space<hbm>> -> memref<256x32xf32, #tpu.memory_space<hbm>>
    %dma_wait3A_114 = arith.constant 0 : i32
    %dma_wait3A_115 = tpu.memref_slice %arg7[%add3A_107, %dma_wait3A_114] : memref<16384x32xf32, #tpu.memory_space<hbm>> -> memref<256x32xf32, #tpu.memory_space<hbm>>
    tpu.wait_dma2 semaphore(%arg13 : memref<!tpu.dma_semaphore, #tpu.memory_space<semaphore_mem>>) src(%arg9 : memref<256x32xf32, #tpu.memory_space<vmem>>) dst(%dma_wait3A_115 : memref<256x32xf32, #tpu.memory_space<hbm>>)
    %scan3A_116 = arith.constant 0 : i32
    %scan3A_117 = arith.constant 0 : i32
    %scan3A_118 = arith.constant 16 : i32
    %scan3A_119 = arith.addi %scan3A_117, %scan3A_118 : i32
    %scan3A_120 = arith.constant 1 : i32
    scf.for %scan3A_132 = %scan3A_117 to %scan3A_119 step %scan3A_120  : i32 {
      %mul3A_133 = arith.constant 16 : i32
      %mul3A_134 = arith.muli %scan3A_132, %mul3A_133 : i32
      %add3A_135 = arith.constant 0 : i32
      %add3A_136 = arith.addi %mul3A_134, %add3A_135 : i32
      %dma_wait3A_137 = arith.constant 0 : i32
      %dma_wait3A_138 = tpu.memref_slice %arg10[%add3A_136, %dma_wait3A_137] : memref<256x32xf32, #tpu.memory_space<vmem>> -> memref<1x32xf32, #tpu.memory_space<vmem>>
      %dma_wait3A_139 = arith.constant 0 : i32
      %dma_wait3A_140 = arith.constant 0 : i32
      %dma_wait3A_141 = tpu.memref_slice %arg3[%dma_wait3A_139, %dma_wait3A_140] : memref<1000000x32xf32, #tpu.memory_space<hbm>> -> memref<1x32xf32, #tpu.memory_space<hbm>>
      %dma_wait3A_142 = arith.constant 0 : i32
      %dma_wait3A_143 = tpu.memref_slice %arg10[%add3A_136, %dma_wait3A_142] : memref<256x32xf32, #tpu.memory_space<vmem>> -> memref<1x32xf32, #tpu.memory_space<vmem>>
      %dma_wait3A_144 = arith.constant 0 : i32
      %dma_wait3A_145 = arith.constant 0 : i32
      %dma_wait3A_146 = tpu.memref_slice %arg3[%dma_wait3A_144, %dma_wait3A_145] : memref<1000000x32xf32, #tpu.memory_space<hbm>> -> memref<1x32xf32, #tpu.memory_space<hbm>>
      tpu.wait_dma2 semaphore(%arg12 : memref<!tpu.dma_semaphore, #tpu.memory_space<semaphore_mem>>) src(%dma_wait3A_146 : memref<1x32xf32, #tpu.memory_space<hbm>>) dst(%dma_wait3A_143 : memref<1x32xf32, #tpu.memory_space<vmem>>)
      %mul3A_147 = arith.constant 16 : i32
      %mul3A_148 = arith.muli %scan3A_132, %mul3A_147 : i32
      %add3A_149 = arith.constant 1 : i32
      %add3A_150 = arith.addi %mul3A_148, %add3A_149 : i32
      %dma_wait3A_151 = arith.constant 0 : i32
      %dma_wait3A_152 = tpu.memref_slice %arg10[%add3A_150, %dma_wait3A_151] : memref<256x32xf32, #tpu.memory_space<vmem>> -> memref<1x32xf32, #tpu.memory_space<vmem>>
      %dma_wait3A_153 = arith.constant 0 : i32
      %dma_wait3A_154 = arith.constant 0 : i32
      %dma_wait3A_155 = tpu.memref_slice %arg3[%dma_wait3A_153, %dma_wait3A_154] : memref<1000000x32xf32, #tpu.memory_space<hbm>> -> memref<1x32xf32, #tpu.memory_space<hbm>>
      %dma_wait3A_156 = arith.constant 0 : i32
      %dma_wait3A_157 = tpu.memref_slice %arg10[%add3A_150, %dma_wait3A_156] : memref<256x32xf32, #tpu.memory_space<vmem>> -> memref<1x32xf32, #tpu.memory_space<vmem>>
      %dma_wait3A_158 = arith.constant 0 : i32
      %dma_wait3A_159 = arith.constant 0 : i32
      %dma_wait3A_160 = tpu.memref_slice %arg3[%dma_wait3A_158, %dma_wait3A_159] : memref<1000000x32xf32, #tpu.memory_space<hbm>> -> memref<1x32xf32, #tpu.memory_space<hbm>>
      tpu.wait_dma2 semaphore(%arg12 : memref<!tpu.dma_semaphore, #tpu.memory_space<semaphore_mem>>) src(%dma_wait3A_160 : memref<1x32xf32, #tpu.memory_space<hbm>>) dst(%dma_wait3A_157 : memref<1x32xf32, #tpu.memory_space<vmem>>)
      %mul3A_161 = arith.constant 16 : i32
      %mul3A_162 = arith.muli %scan3A_132, %mul3A_161 : i32
      %add3A_163 = arith.constant 2 : i32
      %add3A_164 = arith.addi %mul3A_162, %add3A_163 : i32
      %dma_wait3A_165 = arith.constant 0 : i32
      %dma_wait3A_166 = tpu.memref_slice %arg10[%add3A_164, %dma_wait3A_165] : memref<256x32xf32, #tpu.memory_space<vmem>> -> memref<1x32xf32, #tpu.memory_space<vmem>>
      %dma_wait3A_167 = arith.constant 0 : i32
      %dma_wait3A_168 = arith.constant 0 : i32
      %dma_wait3A_169 = tpu.memref_slice %arg3[%dma_wait3A_167, %dma_wait3A_168] : memref<1000000x32xf32, #tpu.memory_space<hbm>> -> memref<1x32xf32, #tpu.memory_space<hbm>>
      %dma_wait3A_170 = arith.constant 0 : i32
      %dma_wait3A_171 = tpu.memref_slice %arg10[%add3A_164, %dma_wait3A_170] : memref<256x32xf32, #tpu.memory_space<vmem>> -> memref<1x32xf32, #tpu.memory_space<vmem>>
      %dma_wait3A_172 = arith.constant 0 : i32
      %dma_wait3A_173 = arith.constant 0 : i32
      %dma_wait3A_174 = tpu.memref_slice %arg3[%dma_wait3A_172, %dma_wait3A_173] : memref<1000000x32xf32, #tpu.memory_space<hbm>> -> memref<1x32xf32, #tpu.memory_space<hbm>>
      tpu.wait_dma2 semaphore(%arg12 : memref<!tpu.dma_semaphore, #tpu.memory_space<semaphore_mem>>) src(%dma_wait3A_174 : memref<1x32xf32, #tpu.memory_space<hbm>>) dst(%dma_wait3A_171 : memref<1x32xf32, #tpu.memory_space<vmem>>)
      %mul3A_175 = arith.constant 16 : i32
      %mul3A_176 = arith.muli %scan3A_132, %mul3A_175 : i32
      %add3A_177 = arith.constant 3 : i32
      %add3A_178 = arith.addi %mul3A_176, %add3A_177 : i32
      %dma_wait3A_179 = arith.constant 0 : i32
      %dma_wait3A_180 = tpu.memref_slice %arg10[%add3A_178, %dma_wait3A_179] : memref<256x32xf32, #tpu.memory_space<vmem>> -> memref<1x32xf32, #tpu.memory_space<vmem>>
      %dma_wait3A_181 = arith.constant 0 : i32
      %dma_wait3A_182 = arith.constant 0 : i32
      %dma_wait3A_183 = tpu.memref_slice %arg3[%dma_wait3A_181, %dma_wait3A_182] : memref<1000000x32xf32, #tpu.memory_space<hbm>> -> memref<1x32xf32, #tpu.memory_space<hbm>>
      %dma_wait3A_184 = arith.constant 0 : i32
      %dma_wait3A_185 = tpu.memref_slice %arg10[%add3A_178, %dma_wait3A_184] : memref<256x32xf32, #tpu.memory_space<vmem>> -> memref<1x32xf32, #tpu.memory_space<vmem>>
      %dma_wait3A_186 = arith.constant 0 : i32
      %dma_wait3A_187 = arith.constant 0 : i32
      %dma_wait3A_188 = tpu.memref_slice %arg3[%dma_wait3A_186, %dma_wait3A_187] : memref<1000000x32xf32, #tpu.memory_space<hbm>> -> memref<1x32xf32, #tpu.memory_space<hbm>>
      tpu.wait_dma2 semaphore(%arg12 : memref<!tpu.dma_semaphore, #tpu.memory_space<semaphore_mem>>) src(%dma_wait3A_188 : memref<1x32xf32, #tpu.memory_space<hbm>>) dst(%dma_wait3A_185 : memref<1x32xf32, #tpu.memory_space<vmem>>)
      %mul3A_189 = arith.constant 16 : i32
      %mul3A_190 = arith.muli %scan3A_132, %mul3A_189 : i32
      %add3A_191 = arith.constant 4 : i32
      %add3A_192 = arith.addi %mul3A_190, %add3A_191 : i32
      %dma_wait3A_193 = arith.constant 0 : i32
      %dma_wait3A_194 = tpu.memref_slice %arg10[%add3A_192, %dma_wait3A_193] : memref<256x32xf32, #tpu.memory_space<vmem>> -> memref<1x32xf32, #tpu.memory_space<vmem>>
      %dma_wait3A_195 = arith.constant 0 : i32
      %dma_wait3A_196 = arith.constant 0 : i32
      %dma_wait3A_197 = tpu.memref_slice %arg3[%dma_wait3A_195, %dma_wait3A_196] : memref<1000000x32xf32, #tpu.memory_space<hbm>> -> memref<1x32xf32, #tpu.memory_space<hbm>>
      %dma_wait3A_198 = arith.constant 0 : i32
      %dma_wait3A_199 = tpu.memref_slice %arg10[%add3A_192, %dma_wait3A_198] : memref<256x32xf32, #tpu.memory_space<vmem>> -> memref<1x32xf32, #tpu.memory_space<vmem>>
      %dma_wait3A_200 = arith.constant 0 : i32
      %dma_wait3A_201 = arith.constant 0 : i32
      %dma_wait3A_202 = tpu.memref_slice %arg3[%dma_wait3A_200, %dma_wait3A_201] : memref<1000000x32xf32, #tpu.memory_space<hbm>> -> memref<1x32xf32, #tpu.memory_space<hbm>>
      tpu.wait_dma2 semaphore(%arg12 : memref<!tpu.dma_semaphore, #tpu.memory_space<semaphore_mem>>) src(%dma_wait3A_202 : memref<1x32xf32, #tpu.memory_space<hbm>>) dst(%dma_wait3A_199 : memref<1x32xf32, #tpu.memory_space<vmem>>)
      %mul3A_203 = arith.constant 16 : i32
      %mul3A_204 = arith.muli %scan3A_132, %mul3A_203 : i32
      %add3A_205 = arith.constant 5 : i32
      %add3A_206 = arith.addi %mul3A_204, %add3A_205 : i32
      %dma_wait3A_207 = arith.constant 0 : i32
      %dma_wait3A_208 = tpu.memref_slice %arg10[%add3A_206, %dma_wait3A_207] : memref<256x32xf32, #tpu.memory_space<vmem>> -> memref<1x32xf32, #tpu.memory_space<vmem>>
      %dma_wait3A_209 = arith.constant 0 : i32
      %dma_wait3A_210 = arith.constant 0 : i32
      %dma_wait3A_211 = tpu.memref_slice %arg3[%dma_wait3A_209, %dma_wait3A_210] : memref<1000000x32xf32, #tpu.memory_space<hbm>> -> memref<1x32xf32, #tpu.memory_space<hbm>>
      %dma_wait3A_212 = arith.constant 0 : i32
      %dma_wait3A_213 = tpu.memref_slice %arg10[%add3A_206, %dma_wait3A_212] : memref<256x32xf32, #tpu.memory_space<vmem>> -> memref<1x32xf32, #tpu.memory_space<vmem>>
      %dma_wait3A_214 = arith.constant 0 : i32
      %dma_wait3A_215 = arith.constant 0 : i32
      %dma_wait3A_216 = tpu.memref_slice %arg3[%dma_wait3A_214, %dma_wait3A_215] : memref<1000000x32xf32, #tpu.memory_space<hbm>> -> memref<1x32xf32, #tpu.memory_space<hbm>>
      tpu.wait_dma2 semaphore(%arg12 : memref<!tpu.dma_semaphore, #tpu.memory_space<semaphore_mem>>) src(%dma_wait3A_216 : memref<1x32xf32, #tpu.memory_space<hbm>>) dst(%dma_wait3A_213 : memref<1x32xf32, #tpu.memory_space<vmem>>)
      %mul3A_217 = arith.constant 16 : i32
      %mul3A_218 = arith.muli %scan3A_132, %mul3A_217 : i32
      %add3A_219 = arith.constant 6 : i32
      %add3A_220 = arith.addi %mul3A_218, %add3A_219 : i32
      %dma_wait3A_221 = arith.constant 0 : i32
      %dma_wait3A_222 = tpu.memref_slice %arg10[%add3A_220, %dma_wait3A_221] : memref<256x32xf32, #tpu.memory_space<vmem>> -> memref<1x32xf32, #tpu.memory_space<vmem>>
      %dma_wait3A_223 = arith.constant 0 : i32
      %dma_wait3A_224 = arith.constant 0 : i32
      %dma_wait3A_225 = tpu.memref_slice %arg3[%dma_wait3A_223, %dma_wait3A_224] : memref<1000000x32xf32, #tpu.memory_space<hbm>> -> memref<1x32xf32, #tpu.memory_space<hbm>>
      %dma_wait3A_226 = arith.constant 0 : i32
      %dma_wait3A_227 = tpu.memref_slice %arg10[%add3A_220, %dma_wait3A_226] : memref<256x32xf32, #tpu.memory_space<vmem>> -> memref<1x32xf32, #tpu.memory_space<vmem>>
      %dma_wait3A_228 = arith.constant 0 : i32
      %dma_wait3A_229 = arith.constant 0 : i32
      %dma_wait3A_230 = tpu.memref_slice %arg3[%dma_wait3A_228, %dma_wait3A_229] : memref<1000000x32xf32, #tpu.memory_space<hbm>> -> memref<1x32xf32, #tpu.memory_space<hbm>>
      tpu.wait_dma2 semaphore(%arg12 : memref<!tpu.dma_semaphore, #tpu.memory_space<semaphore_mem>>) src(%dma_wait3A_230 : memref<1x32xf32, #tpu.memory_space<hbm>>) dst(%dma_wait3A_227 : memref<1x32xf32, #tpu.memory_space<vmem>>)
      %mul3A_231 = arith.constant 16 : i32
      %mul3A_232 = arith.muli %scan3A_132, %mul3A_231 : i32
      %add3A_233 = arith.constant 7 : i32
      %add3A_234 = arith.addi %mul3A_232, %add3A_233 : i32
      %dma_wait3A_235 = arith.constant 0 : i32
      %dma_wait3A_236 = tpu.memref_slice %arg10[%add3A_234, %dma_wait3A_235] : memref<256x32xf32, #tpu.memory_space<vmem>> -> memref<1x32xf32, #tpu.memory_space<vmem>>
      %dma_wait3A_237 = arith.constant 0 : i32
      %dma_wait3A_238 = arith.constant 0 : i32
      %dma_wait3A_239 = tpu.memref_slice %arg3[%dma_wait3A_237, %dma_wait3A_238] : memref<1000000x32xf32, #tpu.memory_space<hbm>> -> memref<1x32xf32, #tpu.memory_space<hbm>>
      %dma_wait3A_240 = arith.constant 0 : i32
      %dma_wait3A_241 = tpu.memref_slice %arg10[%add3A_234, %dma_wait3A_240] : memref<256x32xf32, #tpu.memory_space<vmem>> -> memref<1x32xf32, #tpu.memory_space<vmem>>
      %dma_wait3A_242 = arith.constant 0 : i32
      %dma_wait3A_243 = arith.constant 0 : i32
      %dma_wait3A_244 = tpu.memref_slice %arg3[%dma_wait3A_242, %dma_wait3A_243] : memref<1000000x32xf32, #tpu.memory_space<hbm>> -> memref<1x32xf32, #tpu.memory_space<hbm>>
      tpu.wait_dma2 semaphore(%arg12 : memref<!tpu.dma_semaphore, #tpu.memory_space<semaphore_mem>>) src(%dma_wait3A_244 : memref<1x32xf32, #tpu.memory_space<hbm>>) dst(%dma_wait3A_241 : memref<1x32xf32, #tpu.memory_space<vmem>>)
      %mul3A_245 = arith.constant 16 : i32
      %mul3A_246 = arith.muli %scan3A_132, %mul3A_245 : i32
      %add3A_247 = arith.constant 8 : i32
      %add3A_248 = arith.addi %mul3A_246, %add3A_247 : i32
      %dma_wait3A_249 = arith.constant 0 : i32
      %dma_wait3A_250 = tpu.memref_slice %arg10[%add3A_248, %dma_wait3A_249] : memref<256x32xf32, #tpu.memory_space<vmem>> -> memref<1x32xf32, #tpu.memory_space<vmem>>
      %dma_wait3A_251 = arith.constant 0 : i32
      %dma_wait3A_252 = arith.constant 0 : i32
      %dma_wait3A_253 = tpu.memref_slice %arg3[%dma_wait3A_251, %dma_wait3A_252] : memref<1000000x32xf32, #tpu.memory_space<hbm>> -> memref<1x32xf32, #tpu.memory_space<hbm>>
      %dma_wait3A_254 = arith.constant 0 : i32
      %dma_wait3A_255 = tpu.memref_slice %arg10[%add3A_248, %dma_wait3A_254] : memref<256x32xf32, #tpu.memory_space<vmem>> -> memref<1x32xf32, #tpu.memory_space<vmem>>
      %dma_wait3A_256 = arith.constant 0 : i32
      %dma_wait3A_257 = arith.constant 0 : i32
      %dma_wait3A_258 = tpu.memref_slice %arg3[%dma_wait3A_256, %dma_wait3A_257] : memref<1000000x32xf32, #tpu.memory_space<hbm>> -> memref<1x32xf32, #tpu.memory_space<hbm>>
      tpu.wait_dma2 semaphore(%arg12 : memref<!tpu.dma_semaphore, #tpu.memory_space<semaphore_mem>>) src(%dma_wait3A_258 : memref<1x32xf32, #tpu.memory_space<hbm>>) dst(%dma_wait3A_255 : memref<1x32xf32, #tpu.memory_space<vmem>>)
      %mul3A_259 = arith.constant 16 : i32
      %mul3A_260 = arith.muli %scan3A_132, %mul3A_259 : i32
      %add3A_261 = arith.constant 9 : i32
      %add3A_262 = arith.addi %mul3A_260, %add3A_261 : i32
      %dma_wait3A_263 = arith.constant 0 : i32
      %dma_wait3A_264 = tpu.memref_slice %arg10[%add3A_262, %dma_wait3A_263] : memref<256x32xf32, #tpu.memory_space<vmem>> -> memref<1x32xf32, #tpu.memory_space<vmem>>
      %dma_wait3A_265 = arith.constant 0 : i32
      %dma_wait3A_266 = arith.constant 0 : i32
      %dma_wait3A_267 = tpu.memref_slice %arg3[%dma_wait3A_265, %dma_wait3A_266] : memref<1000000x32xf32, #tpu.memory_space<hbm>> -> memref<1x32xf32, #tpu.memory_space<hbm>>
      %dma_wait3A_268 = arith.constant 0 : i32
      %dma_wait3A_269 = tpu.memref_slice %arg10[%add3A_262, %dma_wait3A_268] : memref<256x32xf32, #tpu.memory_space<vmem>> -> memref<1x32xf32, #tpu.memory_space<vmem>>
      %dma_wait3A_270 = arith.constant 0 : i32
      %dma_wait3A_271 = arith.constant 0 : i32
      %dma_wait3A_272 = tpu.memref_slice %arg3[%dma_wait3A_270, %dma_wait3A_271] : memref<1000000x32xf32, #tpu.memory_space<hbm>> -> memref<1x32xf32, #tpu.memory_space<hbm>>
      tpu.wait_dma2 semaphore(%arg12 : memref<!tpu.dma_semaphore, #tpu.memory_space<semaphore_mem>>) src(%dma_wait3A_272 : memref<1x32xf32, #tpu.memory_space<hbm>>) dst(%dma_wait3A_269 : memref<1x32xf32, #tpu.memory_space<vmem>>)
      %mul3A_273 = arith.constant 16 : i32
      %mul3A_274 = arith.muli %scan3A_132, %mul3A_273 : i32
      %add3A_275 = arith.constant 10 : i32
      %add3A_276 = arith.addi %mul3A_274, %add3A_275 : i32
      %dma_wait3A_277 = arith.constant 0 : i32
      %dma_wait3A_278 = tpu.memref_slice %arg10[%add3A_276, %dma_wait3A_277] : memref<256x32xf32, #tpu.memory_space<vmem>> -> memref<1x32xf32, #tpu.memory_space<vmem>>
      %dma_wait3A_279 = arith.constant 0 : i32
      %dma_wait3A_280 = arith.constant 0 : i32
      %dma_wait3A_281 = tpu.memref_slice %arg3[%dma_wait3A_279, %dma_wait3A_280] : memref<1000000x32xf32, #tpu.memory_space<hbm>> -> memref<1x32xf32, #tpu.memory_space<hbm>>
      %dma_wait3A_282 = arith.constant 0 : i32
      %dma_wait3A_283 = tpu.memref_slice %arg10[%add3A_276, %dma_wait3A_282] : memref<256x32xf32, #tpu.memory_space<vmem>> -> memref<1x32xf32, #tpu.memory_space<vmem>>
      %dma_wait3A_284 = arith.constant 0 : i32
      %dma_wait3A_285 = arith.constant 0 : i32
      %dma_wait3A_286 = tpu.memref_slice %arg3[%dma_wait3A_284, %dma_wait3A_285] : memref<1000000x32xf32, #tpu.memory_space<hbm>> -> memref<1x32xf32, #tpu.memory_space<hbm>>
      tpu.wait_dma2 semaphore(%arg12 : memref<!tpu.dma_semaphore, #tpu.memory_space<semaphore_mem>>) src(%dma_wait3A_286 : memref<1x32xf32, #tpu.memory_space<hbm>>) dst(%dma_wait3A_283 : memref<1x32xf32, #tpu.memory_space<vmem>>)
      %mul3A_287 = arith.constant 16 : i32
      %mul3A_288 = arith.muli %scan3A_132, %mul3A_287 : i32
      %add3A_289 = arith.constant 11 : i32
      %add3A_290 = arith.addi %mul3A_288, %add3A_289 : i32
      %dma_wait3A_291 = arith.constant 0 : i32
      %dma_wait3A_292 = tpu.memref_slice %arg10[%add3A_290, %dma_wait3A_291] : memref<256x32xf32, #tpu.memory_space<vmem>> -> memref<1x32xf32, #tpu.memory_space<vmem>>
      %dma_wait3A_293 = arith.constant 0 : i32
      %dma_wait3A_294 = arith.constant 0 : i32
      %dma_wait3A_295 = tpu.memref_slice %arg3[%dma_wait3A_293, %dma_wait3A_294] : memref<1000000x32xf32, #tpu.memory_space<hbm>> -> memref<1x32xf32, #tpu.memory_space<hbm>>
      %dma_wait3A_296 = arith.constant 0 : i32
      %dma_wait3A_297 = tpu.memref_slice %arg10[%add3A_290, %dma_wait3A_296] : memref<256x32xf32, #tpu.memory_space<vmem>> -> memref<1x32xf32, #tpu.memory_space<vmem>>
      %dma_wait3A_298 = arith.constant 0 : i32
      %dma_wait3A_299 = arith.constant 0 : i32
      %dma_wait3A_300 = tpu.memref_slice %arg3[%dma_wait3A_298, %dma_wait3A_299] : memref<1000000x32xf32, #tpu.memory_space<hbm>> -> memref<1x32xf32, #tpu.memory_space<hbm>>
      tpu.wait_dma2 semaphore(%arg12 : memref<!tpu.dma_semaphore, #tpu.memory_space<semaphore_mem>>) src(%dma_wait3A_300 : memref<1x32xf32, #tpu.memory_space<hbm>>) dst(%dma_wait3A_297 : memref<1x32xf32, #tpu.memory_space<vmem>>)
      %mul3A_301 = arith.constant 16 : i32
      %mul3A_302 = arith.muli %scan3A_132, %mul3A_301 : i32
      %add3A_303 = arith.constant 12 : i32
      %add3A_304 = arith.addi %mul3A_302, %add3A_303 : i32
      %dma_wait3A_305 = arith.constant 0 : i32
      %dma_wait3A_306 = tpu.memref_slice %arg10[%add3A_304, %dma_wait3A_305] : memref<256x32xf32, #tpu.memory_space<vmem>> -> memref<1x32xf32, #tpu.memory_space<vmem>>
      %dma_wait3A_307 = arith.constant 0 : i32
      %dma_wait3A_308 = arith.constant 0 : i32
      %dma_wait3A_309 = tpu.memref_slice %arg3[%dma_wait3A_307, %dma_wait3A_308] : memref<1000000x32xf32, #tpu.memory_space<hbm>> -> memref<1x32xf32, #tpu.memory_space<hbm>>
      %dma_wait3A_310 = arith.constant 0 : i32
      %dma_wait3A_311 = tpu.memref_slice %arg10[%add3A_304, %dma_wait3A_310] : memref<256x32xf32, #tpu.memory_space<vmem>> -> memref<1x32xf32, #tpu.memory_space<vmem>>
      %dma_wait3A_312 = arith.constant 0 : i32
      %dma_wait3A_313 = arith.constant 0 : i32
      %dma_wait3A_314 = tpu.memref_slice %arg3[%dma_wait3A_312, %dma_wait3A_313] : memref<1000000x32xf32, #tpu.memory_space<hbm>> -> memref<1x32xf32, #tpu.memory_space<hbm>>
      tpu.wait_dma2 semaphore(%arg12 : memref<!tpu.dma_semaphore, #tpu.memory_space<semaphore_mem>>) src(%dma_wait3A_314 : memref<1x32xf32, #tpu.memory_space<hbm>>) dst(%dma_wait3A_311 : memref<1x32xf32, #tpu.memory_space<vmem>>)
      %mul3A_315 = arith.constant 16 : i32
      %mul3A_316 = arith.muli %scan3A_132, %mul3A_315 : i32
      %add3A_317 = arith.constant 13 : i32
      %add3A_318 = arith.addi %mul3A_316, %add3A_317 : i32
      %dma_wait3A_319 = arith.constant 0 : i32
      %dma_wait3A_320 = tpu.memref_slice %arg10[%add3A_318, %dma_wait3A_319] : memref<256x32xf32, #tpu.memory_space<vmem>> -> memref<1x32xf32, #tpu.memory_space<vmem>>
      %dma_wait3A_321 = arith.constant 0 : i32
      %dma_wait3A_322 = arith.constant 0 : i32
      %dma_wait3A_323 = tpu.memref_slice %arg3[%dma_wait3A_321, %dma_wait3A_322] : memref<1000000x32xf32, #tpu.memory_space<hbm>> -> memref<1x32xf32, #tpu.memory_space<hbm>>
      %dma_wait3A_324 = arith.constant 0 : i32
      %dma_wait3A_325 = tpu.memref_slice %arg10[%add3A_318, %dma_wait3A_324] : memref<256x32xf32, #tpu.memory_space<vmem>> -> memref<1x32xf32, #tpu.memory_space<vmem>>
      %dma_wait3A_326 = arith.constant 0 : i32
      %dma_wait3A_327 = arith.constant 0 : i32
      %dma_wait3A_328 = tpu.memref_slice %arg3[%dma_wait3A_326, %dma_wait3A_327] : memref<1000000x32xf32, #tpu.memory_space<hbm>> -> memref<1x32xf32, #tpu.memory_space<hbm>>
      tpu.wait_dma2 semaphore(%arg12 : memref<!tpu.dma_semaphore, #tpu.memory_space<semaphore_mem>>) src(%dma_wait3A_328 : memref<1x32xf32, #tpu.memory_space<hbm>>) dst(%dma_wait3A_325 : memref<1x32xf32, #tpu.memory_space<vmem>>)
      %mul3A_329 = arith.constant 16 : i32
      %mul3A_330 = arith.muli %scan3A_132, %mul3A_329 : i32
      %add3A_331 = arith.constant 14 : i32
      %add3A_332 = arith.addi %mul3A_330, %add3A_331 : i32
      %dma_wait3A_333 = arith.constant 0 : i32
      %dma_wait3A_334 = tpu.memref_slice %arg10[%add3A_332, %dma_wait3A_333] : memref<256x32xf32, #tpu.memory_space<vmem>> -> memref<1x32xf32, #tpu.memory_space<vmem>>
      %dma_wait3A_335 = arith.constant 0 : i32
      %dma_wait3A_336 = arith.constant 0 : i32
      %dma_wait3A_337 = tpu.memref_slice %arg3[%dma_wait3A_335, %dma_wait3A_336] : memref<1000000x32xf32, #tpu.memory_space<hbm>> -> memref<1x32xf32, #tpu.memory_space<hbm>>
      %dma_wait3A_338 = arith.constant 0 : i32
      %dma_wait3A_339 = tpu.memref_slice %arg10[%add3A_332, %dma_wait3A_338] : memref<256x32xf32, #tpu.memory_space<vmem>> -> memref<1x32xf32, #tpu.memory_space<vmem>>
      %dma_wait3A_340 = arith.constant 0 : i32
      %dma_wait3A_341 = arith.constant 0 : i32
      %dma_wait3A_342 = tpu.memref_slice %arg3[%dma_wait3A_340, %dma_wait3A_341] : memref<1000000x32xf32, #tpu.memory_space<hbm>> -> memref<1x32xf32, #tpu.memory_space<hbm>>
      tpu.wait_dma2 semaphore(%arg12 : memref<!tpu.dma_semaphore, #tpu.memory_space<semaphore_mem>>) src(%dma_wait3A_342 : memref<1x32xf32, #tpu.memory_space<hbm>>) dst(%dma_wait3A_339 : memref<1x32xf32, #tpu.memory_space<vmem>>)
      %mul3A_343 = arith.constant 16 : i32
      %mul3A_344 = arith.muli %scan3A_132, %mul3A_343 : i32
      %add3A_345 = arith.constant 15 : i32
      %add3A_346 = arith.addi %mul3A_344, %add3A_345 : i32
      %dma_wait3A_347 = arith.constant 0 : i32
      %dma_wait3A_348 = tpu.memref_slice %arg10[%add3A_346, %dma_wait3A_347] : memref<256x32xf32, #tpu.memory_space<vmem>> -> memref<1x32xf32, #tpu.memory_space<vmem>>
      %dma_wait3A_349 = arith.constant 0 : i32
      %dma_wait3A_350 = arith.constant 0 : i32
      %dma_wait3A_351 = tpu.memref_slice %arg3[%dma_wait3A_349, %dma_wait3A_350] : memref<1000000x32xf32, #tpu.memory_space<hbm>> -> memref<1x32xf32, #tpu.memory_space<hbm>>
      %dma_wait3A_352 = arith.constant 0 : i32
      %dma_wait3A_353 = tpu.memref_slice %arg10[%add3A_346, %dma_wait3A_352] : memref<256x32xf32, #tpu.memory_space<vmem>> -> memref<1x32xf32, #tpu.memory_space<vmem>>
      %dma_wait3A_354 = arith.constant 0 : i32
      %dma_wait3A_355 = arith.constant 0 : i32
      %dma_wait3A_356 = tpu.memref_slice %arg3[%dma_wait3A_354, %dma_wait3A_355] : memref<1000000x32xf32, #tpu.memory_space<hbm>> -> memref<1x32xf32, #tpu.memory_space<hbm>>
      tpu.wait_dma2 semaphore(%arg12 : memref<!tpu.dma_semaphore, #tpu.memory_space<semaphore_mem>>) src(%dma_wait3A_356 : memref<1x32xf32, #tpu.memory_space<hbm>>) dst(%dma_wait3A_353 : memref<1x32xf32, #tpu.memory_space<vmem>>)
    }
    %scan3A_121 = arith.constant 16 : i32
    %add3A_122 = arith.constant 256 : i32
    %add3A_123 = arith.addi %mul3A_2, %add3A_122 : i32
    %dma_start3A_124 = arith.constant 0 : i32
    %dma_start3A_125 = tpu.memref_slice %arg7[%add3A_123, %dma_start3A_124] : memref<16384x32xf32, #tpu.memory_space<hbm>> -> memref<256x32xf32, #tpu.memory_space<hbm>>
    %dma_start3A_126 = arith.constant 0 : i32
    %dma_start3A_127 = tpu.memref_slice %arg7[%add3A_123, %dma_start3A_126] : memref<16384x32xf32, #tpu.memory_space<hbm>> -> memref<256x32xf32, #tpu.memory_space<hbm>>
    tpu.enqueue_dma source(%arg10 : memref<256x32xf32, #tpu.memory_space<vmem>>) target(%dma_start3A_127 : memref<256x32xf32, #tpu.memory_space<hbm>>) target_semaphore(%arg13 : memref<!tpu.dma_semaphore, #tpu.memory_space<semaphore_mem>>)
    %dma_wait3A_128 = arith.constant 0 : i32
    %dma_wait3A_129 = tpu.memref_slice %arg7[%add3A_123, %dma_wait3A_128] : memref<16384x32xf32, #tpu.memory_space<hbm>> -> memref<256x32xf32, #tpu.memory_space<hbm>>
    %dma_wait3A_130 = arith.constant 0 : i32
    %dma_wait3A_131 = tpu.memref_slice %arg7[%add3A_123, %dma_wait3A_130] : memref<16384x32xf32, #tpu.memory_space<hbm>> -> memref<256x32xf32, #tpu.memory_space<hbm>>
    tpu.wait_dma2 semaphore(%arg13 : memref<!tpu.dma_semaphore, #tpu.memory_space<semaphore_mem>>) src(%arg10 : memref<256x32xf32, #tpu.memory_space<vmem>>) dst(%dma_wait3A_131 : memref<256x32xf32, #tpu.memory_space<hbm>>)
    return
  }
}

module attributes {stable_mosaic.version = 14 : i64} {
  func.func @_tc_body(%arg0: memref<16384x64xf32, #tpu.memory_space<vmem>>, %arg1: memref<64x32xf32, #tpu.memory_space<vmem>>, %arg2: memref<1x32xf32, #tpu.memory_space<vmem>>, %arg3: memref<16384x32xf32, #tpu.memory_space<vmem>>, %arg4: memref<16384x32xf32, #tpu.memory_space<vmem>>, %arg5: memref<16384x32xf32, #tpu.memory_space<vmem>>, %arg6: memref<16384xf32, #tpu.memory_space<vmem>>, %arg7: memref<16384xf32, #tpu.memory_space<vmem>>) attributes {dimension_semantics = [], scalar_prefetch = 0 : i64, scratch_operands = 0 : i64, tpu.core_type = #tpu.core_type<tc>} {
    %get3A = arith.constant 0 : index
    %get3A_0 = arith.constant 0 : index
    %get3A_1 = vector.load %arg0[%get3A, %get3A_0] : memref<16384x64xf32, #tpu.memory_space<vmem>>, vector<16384x64xf32>
    %get3A_2 = arith.constant 0 : index
    %get3A_3 = arith.constant 0 : index
    %get3A_4 = vector.load %arg1[%get3A_2, %get3A_3] : memref<64x32xf32, #tpu.memory_space<vmem>>, vector<64x32xf32>
    %dot_general3A = arith.constant dense<0.000000e+00> : vector<16384x32xf32>
    %dot_general3A_5 = tpu.matmul %get3A_1, %get3A_4, %dot_general3A {dimension_numbers = #tpu.dot_dimension_numbers<[1], [0], [0], [1], [0, 0, 1, 1], [], []>, transpose_lhs_hint = false} : vector<16384x64xf32>, vector<64x32xf32>, vector<16384x32xf32> -> vector<16384x32xf32>
    %get3A_6 = arith.constant 0 : index
    %get3A_7 = arith.constant 0 : index
    %get3A_8 = vector.load %arg2[%get3A_6, %get3A_7] : memref<1x32xf32, #tpu.memory_space<vmem>>, vector<1x32xf32>
    %add3A = vector.broadcast %get3A_8 : vector<1x32xf32> to vector<16384x32xf32>
    %add3A_9 = arith.addf %dot_general3A_5, %add3A : vector<16384x32xf32>
    %max3A = arith.constant 0.000000e+00 : f32
    %max3A_10 = vector.broadcast %max3A : f32 to vector<16384x32xf32>
    %max3A_11 = arith.maximumf %add3A_9, %max3A_10 : vector<16384x32xf32>
    %get3A_12 = arith.constant 0 : index
    %get3A_13 = arith.constant 0 : index
    %get3A_14 = vector.load %arg3[%get3A_12, %get3A_13] : memref<16384x32xf32, #tpu.memory_space<vmem>>, vector<16384x32xf32>
    %add3A_15 = arith.addf %get3A_14, %max3A_11 : vector<16384x32xf32>
    %get3A_16 = arith.constant 0 : index
    %get3A_17 = arith.constant 0 : index
    %get3A_18 = vector.load %arg4[%get3A_16, %get3A_17] : memref<16384x32xf32, #tpu.memory_space<vmem>>, vector<16384x32xf32>
    %mul3A = arith.mulf %add3A_15, %get3A_18 : vector<16384x32xf32>
    %reduce_sum3A = arith.constant dense<0.000000e+00> : vector<16384xf32>
    %reduce_sum3A_19 = vector.multi_reduction <add>, %mul3A, %reduce_sum3A [1] : vector<16384x32xf32> to vector<16384xf32>
    %swap3A = arith.constant 0 : index
    %swap3A_20 = vector.load %arg6[%swap3A] : memref<16384xf32, #tpu.memory_space<vmem>>, vector<16384xf32>
    tpu.vector_store %arg6[%swap3A], %reduce_sum3A_19 {strides = array<i32>} : memref<16384xf32, #tpu.memory_space<vmem>>, vector<16384xf32>,
    %get3A_21 = arith.constant 0 : index
    %get3A_22 = arith.constant 0 : index
    %get3A_23 = vector.load %arg5[%get3A_21, %get3A_22] : memref<16384x32xf32, #tpu.memory_space<vmem>>, vector<16384x32xf32>
    %mul3A_24 = arith.mulf %add3A_15, %get3A_23 : vector<16384x32xf32>
    %reduce_sum3A_25 = arith.constant dense<0.000000e+00> : vector<16384xf32>
    %reduce_sum3A_26 = vector.multi_reduction <add>, %mul3A_24, %reduce_sum3A_25 [1] : vector<16384x32xf32> to vector<16384xf32>
    %swap3A_27 = arith.constant 0 : index
    %swap3A_28 = vector.load %arg7[%swap3A_27] : memref<16384xf32, #tpu.memory_space<vmem>>, vector<16384xf32>
    tpu.vector_store %arg7[%swap3A_27], %reduce_sum3A_26 {strides = array<i32>} : memref<16384xf32, #tpu.memory_space<vmem>>, vector<16384xf32>,
    return
  }
}

</mosaic_0001>

<sc_bundles>
// kernel: kernel.4.cloned.1.call-start
scs
__scs_entry_jumppad:
0x0: {  	(pc) =	sbr.rel $0x88, $3  }
0x1: {  	(tag) =	ssettag $0x0;
	lr =	simm.s32 $0x1  }
0x2: {  	[smem:$0x3F99] =	sst lr;
	_ =	strace $0xD0000000  }
0x3: {  	_ = 	snop  }
0x4: {  	_ = 	snop  }
0x5: {  	_ = 	snop  }
0x6: {  	_ = 	snop  }
0x7: {  	_ = 	snop  }
__scs_overlays_trampoline_lowered:
0x8: {  	[smem:$0x3FA8] =	sst s0  }
0x9: {  	[smem:$0x3FA9] =	sst s1  }
0xa: {  	[smem:$0x3FAA] =	sst s2  }
0xb: {  	[smem:$0x3FAB] =	sst s3  }
0xc: {  	[smem:$0x3FAC] =	sst s4  }
0xd: {  	[smem:$0x3FAD] =	sst s5  }
0xe: {  	[smem:$0x3FAE] =	sst s6  }
0xf: {  	[smem:$0x3FAF] =	sst s7  }
0x10: {  	[smem:$0x3FB0] =	sst s8  }
0x11: {  	[smem:$0x3FB1] =	sst s9;
	s0 =	simm.s32 @!p0 $0x0  }
0x12: {  	s1 =	sld [smem:$0x3F97];
	s0 =	simm.s32 @p0 $0x1  }
0x13: {  	[smem:$0x3FB2] =	sst s0;
	s0 =	simm.s32 @!p1 $0x0  }
0x14: {  	s2 =	sld [smem:$0x3F96];
	s0 =	simm.s32 @p1 $0x1  }
0x15: {  	[smem:$0x3FB3] =	sst s0;
	s0 =	simm.s32 @!p2 $0x0  }
0x16: {  	s3 =	sld [smem:$0x3FDB];
	s0 =	simm.s32 @p2 $0x1  }
0x17: {  	s4 =	simm.s32 $0x1BF5;
	[smem:$0x3FB5] =	sst s0  }
0x18: {  	s0 =	sld [smem:$0x3F98];
	_ =	swait.ge [sflag:s4], $0x0  }
0x19: {  	s7 =	sld [smem:$0x3F99]  }
0x1a: {  	s8 =	sadd.s32 $0xFFFFE003, lr  }
0x1b: {  	s9 =	sadd.s32 $0xFFFFFEF7, lr;
	s5 =	simm.s32 $0xFFFFFFFF;
	p2 =	slt.u32 s8, $0xFFFFF086  }
0x1c: {  	p1 =	slt.u32 s9, $0xF7A;
	s5 =	simm.s32 @!p2 $0x0  }
0x1d: {  	s5 =	simm.s32 @p1 $0x1;
	p0 =	seq.s32 s7, s2  }
0x1e: {  	s7 =	smul.u32 @!p0 $0xF7A, s2;
	p2 =	seq.s32 @!p0 s5, $0x0  }
0x1f: {  	s9 =	smul.u32 $0xF7A, s1;
	s8 =	simm.s32 @!p0 $0x1BF5;
	p2 =	por !p2, p0  }
0x20: {  	[sflag:s8] =	ssyncset.s32 @!p0 $0xFFFFF086;
	s6 =	sadd.s32 @!p0 s3, s7;
	s7 =	simm.s32 @!p0 $0x108  }
0x21: {  	s3 =	sadd.s32 s3, s9;
	s6 =	sadd.s32 @!p0 $0x88, s6;
	s7 =	simm.s32 @p2 $0x1082  }
0x22: {  	[simem:s7], [sflag:s8] =	dma.local @!p0 [hbm:s6], $0xF7A  }
0x23: {  	s9 =	sor.u32 $0xD0000000, s2;
	s6 =	simm.s32 $0x108;
	_ =	swait.ge @!p0 [sflag:s8], $0x0  }
0x24: {  	s3 =	sadd.s32 $0x88, s3;
	s6 =	simm.s32 @!p1 $0x1082;
	[sflag:s4] =	ssyncset.s32 $0xFFFFF086  }
0x25: {  	[simem:s6], [sflag:s4] =	dma.local [hbm:s3], $0xF7A  }
0x26: {  	[smem:$0x3F99] =	sst s1;
	(tag) =	ssettag s2;
	_ =	strace s9  }
0x27: {  	s1 =	sld [smem:$0x3FA9]  }
0x28: {  	s2 =	sld [smem:$0x3FAA]  }
0x29: {  	s4 =	sld [smem:$0x3FAC]  }
0x2a: {  	p0 =	seq.s32 s5, $0x0;
	s5 =	sld [smem:$0x3FAD]  }
0x2b: {  	s6 =	sld [smem:$0x3FAE]  }
0x2c: {  	s7 =	sld [smem:$0x3FAF]  }
0x2d: {  	s3 =	simm.s32 $0x108;
	s8 =	sld [smem:$0x3FB0]  }
0x2e: {  	s3 =	simm.s32 @!p0 $0x1082;
	s9 =	sld [smem:$0x3FB1]  }
0x2f: {  	lr =	sadd.s32 s0, s3;
	s0 =	sld [smem:$0x3FA8]  }
0x30: {  	s3 =	sld [smem:$0x3FAB]  }
0x31: {  	[smem:$0x3FB4] =	sst s10  }
0x32: {  	s10 =	sld [smem:$0x3FB2];
	_ =	sdelay $0x3  }
0x33: {  	p0 =	seq.s32 s10, $0x1;
	s10 =	sld [smem:$0x3FB4];
	_ =	sdelay $0x3  }
0x34: {  	[smem:$0x3FB4] =	sst s10  }
0x35: {  	s10 =	sld [smem:$0x3FB3];
	_ =	sdelay $0x3  }
0x36: {  	p1 =	seq.s32 s10, $0x1;
	s10 =	sld [smem:$0x3FB4];
	_ =	sdelay $0x3  }
0x37: {  	[smem:$0x3FB4] =	sst s10  }
0x38: {  	s10 =	sld [smem:$0x3FB5]  }
0x39: {  	_ = 	snop;
	(pc) =	sbr.ind lr, $3  }
0x3a: {  	_ = 	snop  }
0x3b: {  	_ = 	snop  }
0x3c: {  	p2 =	seq.s32 s10, $0x1;
	s10 =	sld [smem:$0x3FB4]  }
0x3d: {  	_ =	shalt  }
0x3e: {  	_ =	shalt  }
0x3f: {  	_ =	shalt  }
0x40: {  	_ =	shalt  }
0x41: {  	_ =	shalt  }
0x42: {  	_ =	shalt  }
0x43: {  	_ =	shalt  }
0x44: {  	_ =	shalt  }
0x45: {  	_ =	shalt  }
0x46: {  	_ =	shalt  }
0x47: {  	_ =	shalt  }
0x48: {  	_ =	shalt  }
0x49: {  	_ =	shalt  }
0x4a: {  	_ =	shalt  }
0x4b: {  	_ =	shalt  }
0x4c: {  	_ =	shalt  }
0x4d: {  	_ =	shalt  }
0x4e: {  	_ =	shalt  }
0x4f: {  	_ =	shalt  }
0x50: {  	_ =	shalt  }
0x51: {  	_ =	shalt  }
0x52: {  	_ =	shalt  }
0x53: {  	_ =	shalt  }
0x54: {  	_ =	shalt  }
0x55: {  	_ =	shalt  }
0x56: {  	_ =	shalt  }
0x57: {  	_ =	shalt  }
0x58: {  	_ =	shalt  }
0x59: {  	_ =	shalt  }
0x5a: {  	_ =	shalt  }
0x5b: {  	_ =	shalt  }
0x5c: {  	_ =	shalt  }
0x5d: {  	_ =	shalt  }
0x5e: {  	_ =	shalt  }
0x5f: {  	_ =	shalt  }
0x60: {  	_ =	shalt  }
0x61: {  	_ =	shalt  }
0x62: {  	_ =	shalt  }
0x63: {  	_ =	shalt  }
0x64: {  	_ =	shalt  }
0x65: {  	_ =	shalt  }
0x66: {  	_ =	shalt  }
0x67: {  	_ =	shalt  }
0x68: {  	_ =	shalt  }
0x69: {  	_ =	shalt  }
0x6a: {  	_ =	shalt  }
0x6b: {  	_ =	shalt  }
0x6c: {  	_ =	shalt  }
0x6d: {  	_ =	shalt  }
0x6e: {  	_ =	shalt  }
0x6f: {  	_ =	shalt  }
0x70: {  	_ =	shalt  }
0x71: {  	_ =	shalt  }
0x72: {  	_ =	shalt  }
0x73: {  	_ =	shalt  }
0x74: {  	_ =	shalt  }
0x75: {  	_ =	shalt  }
0x76: {  	_ =	shalt  }
0x77: {  	_ =	shalt  }
0x78: {  	_ =	shalt  }
0x79: {  	_ =	shalt  }
0x7a: {  	_ =	shalt  }
0x7b: {  	_ =	shalt  }
0x7c: {  	_ =	shalt  }
0x7d: {  	_ =	shalt  }
0x7e: {  	_ =	shalt  }
0x7f: {  	_ =	shalt  }
0x80: {  	_ =	shalt  }
0x81: {  	_ =	shalt  }
0x82: {  	_ =	shalt  }
0x83: {  	_ =	shalt  }
0x84: {  	_ =	shalt  }
0x85: {  	_ =	shalt  }
0x86: {  	_ =	shalt  }
0x87: {  	_ =	shalt  }
.Lfunc_end0:
.L_simem_size_0:
called_computation_lowered:
.L_overlay_start_0:
0x88: {  	s2 =	sld [smem:$0x3FD9]  }
0x89: {  	s3 =	sld [smem:$0x3FFE];
	_ =	sdelay $0x1  }
0x8a: {  	s1 =	srdreg.scid  }
0x8b: {  	s0 =	sand.u32 $0x1, s1  }
0x8c: {  	s16 =	sshll.u32 s0, $0xA;
	s2 =	sadd.s32 s3, s2  }
0x8d: {  	s2 =	sadd.s32 s2, s16  }
0x8e: {  	[smem:$0x3FC0] =	sst s2  }
0x8f: {  	_ = 	snop  }
0x90: {  	(tm) =	ssettm $0x1  }
0x91: {  	s17 =	sld [smem:$0x3FFB];
	_ =	sdelay $0x3  }
0x92: {  	_ =	strace s17  }
0x93: {  	s2 =	sld [smem:$0x3FFC];
	_ =	sdelay $0x3  }
0x94: {  	_ =	strace s2  }
0x95: {  	s2 =	sld [smem:$0x3FFD];
	_ =	sdelay $0x3  }
0x96: {  	_ =	strace s2  }
0x97: {  	_ =	strace $0x8FFFFFFF  }
0x98: {  	s18 =	sld [smem:$0x3FDB];
	_ =	sdelay $0x1  }
0x99: {  	s19 =	simm.s32 $_scs_section_size  }
0x9a: {  	s4 =	simm.s32 $_size__tile_overlayer_lowered;
	s5 =	simm.s32 $_tile_overlayer_lowered  }
0x9b: {  	s22 =	simm.s32 $0x1BFF;
	s21 =	sshll.u32 s5, $0x1;
	s2 =	sadd.s32 s19, s18  }
0x9c: {  	s6 =	simm.s32 $0x0;
	s20 =	sshll.u32 s4, $0x1;
	s4 =	sadd.s32 s21, s2  }
0x9d: {  	[timem:s6], [sflag:s22] =	dma.local [hbm:s4], s20  }
0x9e: {  	_ =	swait.ge [sflag:s22], s20  }
0x9f: {  	s3 =	ssub.s32 $0x0, s20;
	[sflag:s22] =	ssyncset.done $0x0  }
0xa0: {  	[sflag:s22] =	ssyncadd.s32 s3;
	_ =	sdelay $0x1  }
0xa1: {  	s23 =	simm.s32 $0x1B8B  }
0xa2: {  	_ =	swait.ge [sflag:s23], $0x1  }
0xa3: {  	[sflag:s23] =	ssyncset.done $0x0  }
0xa4: {  	s25 =	simm.s32 $0x1B8E;
	s24 =	sld [smem:$0x3FFE];
	[sflag:s23] =	ssyncadd.s32 $0xFFFFFFFF  }
0xa5: {  	s26 =	simm.s32 $execute0_lowered;
	[smem:$0x3FD2] =	sst s25  }
0xa6: {  	s4 =	sshll.u32 s26, $0x1;
	_ =	strace $0x80000046;
	[dreg:$0x1] =	wrdreg $0xFFFFFFFF  }
0xa7: {  	s28 =	simm.s32 $_size_execute0_lowered;
	s2 =	sadd.s32 s2, s4;
	[dreg:$0x0] =	wrdreg $0x0  }
0xa8: {  	s4 =	sshll.u32 s28, $0x1;
	[dreg:$0x2] =	wrdreg s2  }
0xa9: {  	[dreg:$0x3] =	wrdreg s4  }
0xaa: {  	[dreg:$0x4] =	wrdreg $0xC0  }
0xab: {  	_ =	task [dreg:s6], $0x5FFFF  }
0xac: {  	[dreg:$0x1] =	wrdreg $0xFFFFFFFF  }
0xad: {  	[dreg:$0x0] =	wrdreg $0x60  }
0xae: {  	[dreg:$0x2] =	wrdreg s24  }
0xaf: {  	[dreg:$0x3] =	wrdreg $0x9  }
0xb0: {  	_ =	task.clear_ibuf [dreg:s6], $0x4FFFF;
	_ =	strace $0x90000046  }
0xb1: {  	s29 =	simm.s32 $0x9;
	_ =	strace $0x80000048  }
0xb2: {  	_ =	swait.ge [sflag:s29], $0x1  }
0xb3: {  	[sflag:s29] =	ssyncadd.s32 $0xFFFFFFFF  }
0xb4: {  	_ =	strace $0x90000048  }
0xb5: {  	_ =	sfence  }
0xb6: {  	s30 =	sld [smem:$0x0];
	_ =	sdelay $0x2  }
0xb7: {  	s31 =	sshll.u32 s1, $0xD;
	s1 =	sshrl.u32 s1, $0x2  }
0xb8: {  	s3 =	sand.u32 $0x4000, s31;
	s1 =	sadd.s32 s1, s30  }
0xb9: {  	s0 =	sor.u32 s3, s0;
	s1 =	sshll.u32 s1, $0x11  }
0xba: {  	s0 =	sor.u32 s1, s0  }
0xbb: {  	s0 =	sadd.s32 $0x8F2B, s0  }
0xbc: {  	[sflag:s0] =	ssyncadd.remote.s32 $0x1  }
0xbd: {  	_ =	sfence.sel $0xFFFF  }
0xbe: {  	[dreg:$0x0] =	wrdreg $0xFFFFFFFF;
	(pc) =	sbr.abs _section_cstart, $3  }
0xbf: {  	[dreg:$0x1] =	wrdreg $0xFFFFFFFF  }
0xc0: {  	_ =	task.clear_ibuf [dreg:s6], $0x2FFFF;
	_ =	strace $0x9FFFFFFF  }
0xc1: {  	(tm) =	ssettm $0x7FFFFFFF  }
tec
execute0_lowered:
.L_overlay_start_1:
0x0: {  	(tag) =	ssettag $0x1  }
0x1: {  	s0 =	rddreg [dreg:$0x0]  }
0x2: {  	s2 =	simm.s32 $0x0;
	s1 =	srdreg.scid;
	s3 =	stileid.u32  }
0x3: {  	[smem:$0x7FF] =	sst s2;
	s1 =	sand.u32 $0x1, s1;
	s3 =	sshll.u32 s3, $0x1  }
0x4: {  	s4 =	sadd.s32 $0xF43A00, s0;
	s7 =	sadd.s32 $0x1E87E00, s0;
	s5 =	sor.u32 s1, s3  }
0x5: {  	s8 =	sadd.s32 $0x1EC7E00, s0;
	s6 =	sshll.u32 s5, $0x8;
	s5 =	sshll.u32 s5, $0xD  }
0x6: {  	_ =	strace $0x80000047;
	s3 =	sadd.s32 $0x1600, s0;
	s26 =	sadd.s32 s7, s5  }
0x7: {  	s6 =	sadd.s32 s6, s0;
	s29 =	sadd.s32 s8, s5;
	[dreg:$0x3] =	wrdreg s26  }
0x8: {  	s25 =	sor.u32 $0x1000, s5;
	s6 =	sadd.s32 $0x1E85E00, s6;
	[dreg:$0x5] =	wrdreg s29  }
0x9: {  	s1 =	ssub.s32 $0x2, s1;
	s28 =	sadd.s32 s7, s25;
	[dreg:$0x2] =	wrdreg s6  }
0xa: {  	s0 =	sadd.s32 $0x1F07E00, s0;
	s30 =	sadd.s32 s8, s25;
	[dreg:$0x4] =	wrdreg s28  }
0xb: {  	s9 =	sshrl.u32 s1, $0x1;
	s5 =	sadd.s32 s0, s5;
	[dreg:$0x6] =	wrdreg s30  }
0xc: {  	s1 =	ssub.s32 s1, s9;
	s0 =	sadd.s32 s0, s25;
	[dreg:$0x7] =	wrdreg s5  }
0xd: {  	s14 =	simm.s32 $0x1;
	s31 =	smax.u32 s1, $0x1;
	[dreg:$0x8] =	wrdreg s0  }
0xe: {  	s17 =	simm.s32 $0x2;
	[dreg:$0x9] =	wrdreg s31;
	s5 =	simm.s32 $0x0  }
.LBB2_1:
0xf: {  	[dreg:$0xa] =	wrdreg s5  }
0x10: {  	s0 =	rddreg [dreg:$0x2];
	s11 =	simm.s32 $0x4  }
0x11: {  	[tilespmem:s2], [sflag:$0x4] =	stream.linear.gather [hbm4b:s0+s2], $0x800, $0x38;
	[tilespmem:$0x10800] =	vst v63  }
0x12: {  	_ =	swait.ge [sflag:s11], $0x800  }
0x13: {  	s12 =	sand.u32 $0x70, s2;
	s1 =	sand.u32 $0x200, s2;
	[sflag:s11] =	ssyncset.done $0x0  }
0x14: {  	s0 =	sor.u32 s12, s1;
	[sflag:s11] =	ssyncadd.s32 $0xFFFFF800  }
0x15: {  	v0 =	vld [tilespmem:s0+$0x0];
	_ =	sdelay $0x4  }
0x16: {  	v0 =	vshll.u32 v0, $0x4  }
0x17: {  	(v2sf) =	vpush v0, $0x0  }
0x18: {  	(v2sf) =	vpush v0, $0x1  }
0x19: {  	(v2sf) =	vpush v0, $0x2;
	_ =	sdelay $0x1  }
0x1a: {  	(v2sf) =	vpush v0, $0x3;
	_ =	sdelay $0x2  }
0x1b: {  	(v2sf) =	vpush v0, $0x4  }
0x1c: {  	(v2sf) =	vpush v0, $0x5;
	_ =	sdelay $0x1  }
0x1d: {  	s21 =	simm.s32 $0x2000;
	s22 =	simm.s32 $0x10;
	(v2sf) =	vpush v0, $0x6  }
0x1e: {  	s23 =	simm.s32 $0x40;
	s25 =	simm.s32 $0x4000;
	s26 =	simm.s32 $0x20  }
0x1f: {  	s24 =	simm.s32 $0x0;
	s28 =	simm.s32 $0x80;
	s13 =	simm.s32 $0x880  }
0x20: {  	s29 =	simm.s32 $0xE80;
	s7 =	simm.s32 $0x800;
	s31 =	simm.s32 $0xD80  }
0x21: {  	s30 =	simm.s32 $0xE00;
	s6 =	simm.s32 $0xC00;
	s5 =	simm.s32 $0xC80;
	(v2sf) =	vpush v0, $0x7  }
0x22: {  	s9 =	simm.s32 $0x900;
	s1 =	simm.s32 $0xF80;
	s8 =	spop (v2sf)  }
0x23: {  	s0 =	simm.s32 $0xD00;
	s8 =	sand.u32 $0x1FFFFFF0, s8;
	s10 =	spop (v2sf)  }
0x24: {  	(v2sf) =	vpush v0, $0x8;
	s8 =	sadd.s32 s3, s8;
	s15 =	sand.u32 $0x1FFFFFF0, s10;
	s16 =	spop (v2sf)  }
0x25: {  	[tilespmem:s7], [sflag:$0x1] =	stream.linear.gather [hbm4b:s8+s2], $0x80, $0x38;
	[tilespmem:$0x10800] =	vst v63  }
0x26: {  	(v2sf) =	vpush v0, $0x9;
	s7 =	simm.s32 $0x980;
	s8 =	sadd.s32 s3, s15;
	s11 =	spop (v2sf)  }
0x27: {  	s10 =	sand.u32 $0x1FFFFFF0, s16;
	s15 =	simm.s32 $0xA00;
	s19 =	sand.u32 $0x1FFFFFF0, s11  }
0x28: {  	(v2sf) =	vpush v0, $0xA;
	[tilespmem:s13], [sflag:$0x1] =	stream.linear.gather [hbm4b:s8+s2], $0x80, $0x38;
	[tilespmem:$0x10800] =	vst v63  }
0x29: {  	s18 =	sadd.s32 s3, s10;
	s20 =	spop (v2sf);
	s11 =	sadd.s32 s3, s19  }
0x2a: {  	(v2sf) =	vpush v0, $0xB;
	s12 =	sand.u32 $0x1FFFFFF0, s20;
	s13 =	spop (v2sf);
	s8 =	simm.s32 $0xB00  }
0x2b: {  	[tilespmem:s9], [sflag:$0x1] =	stream.linear.gather [hbm4b:s18+s2], $0x80, $0x38;
	[tilespmem:$0x10800] =	vst v63  }
0x2c: {  	(v2sf) =	vpush v0, $0xC;
	s16 =	sadd.s32 s3, s12;
	s20 =	spop (v2sf);
	s9 =	sand.u32 $0x1FFFFFF0, s13  }
0x2d: {  	[tilespmem:s7], [sflag:$0x1] =	stream.linear.gather [hbm4b:s11+s2], $0x80, $0x38;
	[tilespmem:$0x10800] =	vst v63  }
0x2e: {  	(v2sf) =	vpush v0, $0xD;
	s18 =	simm.s32 $0xA80;
	s10 =	sand.u32 $0x1FFFFFF0, s20;
	s20 =	simm.s32 $0x0  }
0x2f: {  	[tilespmem:s15], [sflag:$0x1] =	stream.linear.gather [hbm4b:s16+s2], $0x80, $0x38;
	[tilespmem:$0x10800] =	vst v63  }
0x30: {  	(v2sf) =	vpush v0, $0xE;
	s19 =	sadd.s32 s3, s9;
	s7 =	simm.s32 $0xB80;
	s11 =	spop (v2sf)  }
0x31: {  	(v2sf) =	vpush v0, $0xF;
	[tilespmem:s18], [sflag:$0x1] =	stream.linear.gather [hbm4b:s19+s2], $0x80, $0x38;
	[tilespmem:$0x10800] =	vst v63  }
.LBB2_2:
0x32: {  	s10 =	sadd.s32 s3, s10  }
0x33: {  	s11 =	sand.u32 $0x1FFFFFF0, s11;
	s12 =	spop (v2sf);
	s9 =	smov.u32 s25  }
0x34: {  	[tilespmem:s8], [sflag:$0x1] =	stream.linear.gather [hbm4b:s10+s20], $0x80, $0x38;
	[tilespmem:$0x10800] =	vst v63  }
0x35: {  	s8 =	sadd.s32 s3, s11;
	s10 =	sand.u32 $0x1FFFFFF0, s12;
	s11 =	spop (v2sf)  }
0x36: {  	[tilespmem:s7], [sflag:$0x1] =	stream.linear.gather [hbm4b:s8+s20], $0x80, $0x38;
	[tilespmem:$0x10800] =	vst v63  }
0x37: {  	s7 =	sadd.s32 s3, s10;
	s8 =	sand.u32 $0x1FFFFFF0, s11;
	s10 =	spop (v2sf)  }
0x38: {  	[tilespmem:s6], [sflag:$0x1] =	stream.linear.gather [hbm4b:s7+s20], $0x80, $0x38;
	[tilespmem:$0x10800] =	vst v63  }
0x39: {  	s6 =	sadd.s32 s3, s8;
	s7 =	sand.u32 $0x1FFFFFF0, s10;
	s8 =	spop (v2sf)  }
0x3a: {  	[tilespmem:s5], [sflag:$0x1] =	stream.linear.gather [hbm4b:s6+s20], $0x80, $0x38;
	[tilespmem:$0x10800] =	vst v63  }
0x3b: {  	s5 =	sadd.s32 s3, s7;
	s6 =	sand.u32 $0x1FFFFFF0, s8;
	s7 =	spop (v2sf)  }
0x3c: {  	[tilespmem:s0], [sflag:$0x1] =	stream.linear.gather [hbm4b:s5+s20], $0x80, $0x38;
	[tilespmem:$0x10800] =	vst v63  }
0x3d: {  	s0 =	sadd.s32 s3, s6;
	s5 =	sand.u32 $0x1FFFFFF0, s7;
	s6 =	spop (v2sf)  }
0x3e: {  	[tilespmem:s31], [sflag:$0x1] =	stream.linear.gather [hbm4b:s0+s20], $0x80, $0x38;
	[tilespmem:$0x10800] =	vst v63  }
0x3f: {  	s0 =	sadd.s32 s3, s5;
	s5 =	sand.u32 $0x1FFFFFF0, s6;
	s6 =	spop (v2sf)  }
0x40: {  	[tilespmem:s30], [sflag:$0x1] =	stream.linear.gather [hbm4b:s0+s20], $0x80, $0x38;
	[tilespmem:$0x10800] =	vst v63  }
0x41: {  	s0 =	sadd.s32 s3, s5;
	s5 =	sand.u32 $0x1FFFFFF0, s6;
	s6 =	spop (v2sf)  }
0x42: {  	[tilespmem:s29], [sflag:$0x1] =	stream.linear.gather [hbm4b:s0+s20], $0x80, $0x38;
	[tilespmem:$0x10800] =	vst v63  }
0x43: {  	s5 =	sadd.s32 s3, s5;
	s0 =	sadd.s32 $0xF00, s24;
	s6 =	sand.u32 $0x1FFFFFF0, s6  }
0x44: {  	[tilespmem:s0], [sflag:$0x1] =	stream.linear.gather [hbm4b:s5+s20], $0x80, $0x38;
	[tilespmem:$0x10800] =	vst v63  }
0x45: {  	s6 =	sadd.s32 s3, s6;
	s0 =	sand.u32 $0x70, s22;
	s5 =	sand.u32 $0x200, s23  }
0x46: {  	[tilespmem:s1], [sflag:$0x1] =	stream.linear.gather [hbm4b:s6+s20], $0x80, $0x38;
	[tilespmem:$0x10800] =	vst v63  }
0x47: {  	p0 =	sne.s32 s25, $0x1E000;
	s25 =	sadd.s32 $0x2000, s25;
	s0 =	sor.u32 s0, s5  }
0x48: {  	s22 =	smov.u32 s26;
	s23 =	smov.u32 s28;
	v0 =	vld [tilespmem:s0+$0x0];
	_ =	sdelay $0x4  }
0x49: {  	s24 =	sshra.s32 s21, $0x2;
	s21 =	smov.u32 s9;
	s26 =	sadd.s32 $0x10, s26;
	v0 =	vshll.u32 v0, $0x4  }
0x4a: {  	s10 =	sadd.s32 $0x880, s24;
	s29 =	sadd.s32 $0xE80, s24;
	s28 =	sadd.s32 $0x40, s28;
	(v2sf) =	vpush v0, $0x0  }
0x4b: {  	s11 =	sadd.s32 $0x800, s24;
	s31 =	sadd.s32 $0xD80, s24;
	s30 =	sadd.s32 $0xE00, s24;
	(v2sf) =	vpush v0, $0x1  }
0x4c: {  	s5 =	sadd.s32 $0xC80, s24;
	s6 =	sadd.s32 $0xC00, s24;
	s0 =	sadd.s32 $0xD00, s24;
	(v2sf) =	vpush v0, $0x2  }
0x4d: {  	s8 =	sadd.s32 $0xB00, s24;
	s7 =	sadd.s32 $0xB80, s24  }
0x4e: {  	s9 =	sadd.s32 $0xA80, s24;
	(v2sf) =	vpush v0, $0x3  }
0x4f: {  	s12 =	sadd.s32 $0xA00, s24  }
0x50: {  	(v2sf) =	vpush v0, $0x4  }
0x51: {  	s1 =	sadd.s32 $0xF80, s24  }
0x52: {  	(v2sf) =	vpush v0, $0x5;
	_ =	sdelay $0x1  }
0x53: {  	s13 =	sadd.s32 $0x900, s24;
	(v2sf) =	vpush v0, $0x6;
	_ =	sdelay $0x1  }
0x54: {  	s15 =	sadd.s32 $0x980, s24;
	(v2sf) =	vpush v0, $0x7;
	_ =	sdelay $0x1  }
0x55: {  	(v2sf) =	vpush v0, $0x8  }
0x56: {  	s20 =	spop (v2sf)  }
0x57: {  	s18 =	sand.u32 $0x1FFFFFF0, s20;
	s20 =	simm.s32 $0x0;
	s19 =	spop (v2sf);
	(v2sf) =	vpush v0, $0x9  }
0x58: {  	s18 =	sadd.s32 s3, s18;
	s19 =	sand.u32 $0x1FFFFFF0, s19;
	s16 =	spop (v2sf)  }
0x59: {  	[tilespmem:s11], [sflag:$0x1] =	stream.linear.gather [hbm4b:s18+s20], $0x80, $0x38;
	(v2sf) =	vpush v0, $0xA;
	[tilespmem:$0x10800] =	vst v63  }
0x5a: {  	s11 =	sadd.s32 s3, s19;
	s16 =	sand.u32 $0x1FFFFFF0, s16;
	s18 =	spop (v2sf)  }
0x5b: {  	[tilespmem:s10], [sflag:$0x1] =	stream.linear.gather [hbm4b:s11+s20], $0x80, $0x38;
	(v2sf) =	vpush v0, $0xB;
	[tilespmem:$0x10800] =	vst v63  }
0x5c: {  	s10 =	sadd.s32 s3, s16;
	s11 =	sand.u32 $0x1FFFFFF0, s18;
	s16 =	spop (v2sf)  }
0x5d: {  	[tilespmem:s13], [sflag:$0x1] =	stream.linear.gather [hbm4b:s10+s20], $0x80, $0x38;
	(v2sf) =	vpush v0, $0xC;
	[tilespmem:$0x10800] =	vst v63  }
0x5e: {  	s10 =	sadd.s32 s3, s11;
	s11 =	sand.u32 $0x1FFFFFF0, s16;
	s13 =	spop (v2sf)  }
0x5f: {  	[tilespmem:s15], [sflag:$0x1] =	stream.linear.gather [hbm4b:s10+s20], $0x80, $0x38;
	[tilespmem:$0x10800] =	vst v63  }
.Ltmp0:
0x60: {  	(v2sf) =	vpush v0, $0xD;
	(pc) =	sbr.rel @p0 .LBB2_2-.Ltmp0, $4  }
0x61: {  	s10 =	sadd.s32 s3, s11;
	s11 =	sand.u32 $0x1FFFFFF0, s13;
	s13 =	spop (v2sf)  }
0x62: {  	[tilespmem:s12], [sflag:$0x1] =	stream.linear.gather [hbm4b:s10+s20], $0x80, $0x38;
	(v2sf) =	vpush v0, $0xE;
	[tilespmem:$0x10800] =	vst v63  }
0x63: {  	s12 =	sadd.s32 s3, s11;
	s10 =	sand.u32 $0x1FFFFFF0, s13;
	s11 =	spop (v2sf)  }
0x64: {  	[tilespmem:s9], [sflag:$0x1] =	stream.linear.gather [hbm4b:s12+s20], $0x80, $0x38;
	(v2sf) =	vpush v0, $0xF;
	[tilespmem:$0x10800] =	vst v63  }
0x65: {  	s9 =	sadd.s32 s3, s10;
	s26 =	sand.u32 $0x1FFFFFF0, s11;
	s28 =	spop (v2sf)  }
0x66: {  	[tilespmem:s8], [sflag:$0x1] =	stream.linear.gather [hbm4b:s9+s20], $0x80, $0x38;
	[tilespmem:$0x10800] =	vst v63  }
0x67: {  	s12 =	sadd.s32 s3, s26;
	s15 =	spop (v2sf)  }
0x68: {  	[tilespmem:s7], [sflag:$0x1] =	stream.linear.gather [hbm4b:s12+s20], $0x80, $0x38;
	[tilespmem:$0x10800] =	vst v63  }
0x69: {  	s13 =	sand.u32 $0x1FFFFFF0, s28;
	s18 =	sand.u32 $0x1FFFFFF0, s15;
	s19 =	spop (v2sf)  }
0x6a: {  	s16 =	sadd.s32 s3, s13;
	s25 =	sadd.s32 s3, s18;
	s26 =	sand.u32 $0x1FFFFFF0, s19  }
0x6b: {  	[tilespmem:s6], [sflag:$0x1] =	stream.linear.gather [hbm4b:s16+s20], $0x80, $0x38;
	[tilespmem:$0x10800] =	vst v63  }
0x6c: {  	s28 =	spop (v2sf);
	s7 =	sadd.s32 s3, s26;
	s26 =	sadd.s32 $0xF00, s24  }
0x6d: {  	[tilespmem:s5], [sflag:$0x1] =	stream.linear.gather [hbm4b:s25+s20], $0x80, $0x38;
	[tilespmem:$0x10800] =	vst v63  }
0x6e: {  	s8 =	sand.u32 $0x1FFFFFF0, s28;
	s28 =	sand.u32 $0x70, s22;
	s9 =	spop (v2sf)  }
0x6f: {  	[tilespmem:s0], [sflag:$0x1] =	stream.linear.gather [hbm4b:s7+s20], $0x80, $0x38;
	[tilespmem:$0x10800] =	vst v63  }
0x70: {  	s10 =	sadd.s32 s3, s8;
	s11 =	sand.u32 $0x1FFFFFF0, s9;
	s12 =	spop (v2sf)  }
0x71: {  	[tilespmem:s31], [sflag:$0x1] =	stream.linear.gather [hbm4b:s10+s20], $0x80, $0x38;
	[tilespmem:$0x10800] =	vst v63  }
0x72: {  	s13 =	sadd.s32 s3, s11;
	s15 =	sand.u32 $0x1FFFFFF0, s12;
	s16 =	spop (v2sf)  }
0x73: {  	[tilespmem:s30], [sflag:$0x1] =	stream.linear.gather [hbm4b:s13+s20], $0x80, $0x38;
	[tilespmem:$0x10800] =	vst v63  }
0x74: {  	s18 =	sadd.s32 s3, s15;
	s19 =	sand.u32 $0x1FFFFFF0, s16;
	s25 =	spop (v2sf)  }
0x75: {  	[tilespmem:s29], [sflag:$0x1] =	stream.linear.gather [hbm4b:s18+s20], $0x80, $0x38;
	[tilespmem:$0x10800] =	vst v63  }
0x76: {  	s5 =	sadd.s32 s3, s19;
	s6 =	sand.u32 $0x1FFFFFF0, s25;
	s29 =	sand.u32 $0x200, s23  }
0x77: {  	[tilespmem:s26], [sflag:$0x1] =	stream.linear.gather [hbm4b:s5+s20], $0x80, $0x38;
	[tilespmem:$0x10800] =	vst v63  }
0x78: {  	s6 =	sadd.s32 s3, s6;
	s0 =	sor.u32 s28, s29  }
0x79: {  	[tilespmem:s1], [sflag:$0x1] =	stream.linear.gather [hbm4b:s6+s20], $0x80, $0x38;
	[tilespmem:$0x10800] =	vst v63  }
0x7a: {  	v0 =	vld [tilespmem:s0+$0x0];
	_ =	sdelay $0x4  }
0x7b: {  	v0 =	vshll.u32 v0, $0x4  }
0x7c: {  	(v2sf) =	vpush v0, $0x0  }
0x7d: {  	(v2sf) =	vpush v0, $0x1  }
0x7e: {  	(v2sf) =	vpush v0, $0x2;
	_ =	sdelay $0x1  }
0x7f: {  	(v2sf) =	vpush v0, $0x3;
	_ =	sdelay $0x1  }
0x80: {  	(v2sf) =	vpush v0, $0x4;
	_ =	sdelay $0x1  }
0x81: {  	(v2sf) =	vpush v0, $0x5;
	_ =	sdelay $0x1  }
0x82: {  	p1 =	por $0x1, $0x1;
	s0 =	sshra.s32 s21, $0x2;
	(v2sf) =	vpush v0, $0x6  }
0x83: {  	p0 =	por $0x0, $0x0;
	s30 =	sadd.s32 $0x880, s0;
	s1 =	sadd.s32 $0xE80, s0  }
0x84: {  	s31 =	sadd.s32 $0x800, s0;
	s6 =	sadd.s32 $0xD80, s0;
	s5 =	sadd.s32 $0xE00, s0;
	(v2sf) =	vpush v0, $0x7  }
0x85: {  	s9 =	sadd.s32 $0xC00, s0;
	s10 =	sadd.s32 $0xC80, s0;
	s11 =	sadd.s32 $0xD00, s0  }
0x86: {  	s12 =	sadd.s32 $0xB00, s0;
	s13 =	sadd.s32 $0xB80, s0;
	s15 =	sadd.s32 $0xA80, s0;
	(v2sf) =	vpush v0, $0x8  }
0x87: {  	s16 =	sadd.s32 $0xA00, s0;
	s18 =	sadd.s32 $0x900, s0;
	s19 =	spop (v2sf)  }
0x88: {  	s21 =	sadd.s32 $0x980, s0;
	(v2sf) =	vpush v0, $0x9;
	s19 =	sand.u32 $0x1FFFFFF0, s19;
	s23 =	spop (v2sf)  }
0x89: {  	s19 =	sadd.s32 s3, s19;
	s22 =	sand.u32 $0x1FFFFFF0, s23;
	s24 =	spop (v2sf)  }
0x8a: {  	(v2sf) =	vpush v0, $0xA;
	[tilespmem:s31], [sflag:$0x1] =	stream.linear.gather [hbm4b:s19+s20], $0x80, $0x38;
	[tilespmem:$0x10800] =	vst v63  }
0x8b: {  	s25 =	sadd.s32 s3, s22;
	s26 =	sand.u32 $0x1FFFFFF0, s24;
	s28 =	spop (v2sf)  }
0x8c: {  	(v2sf) =	vpush v0, $0xB;
	[tilespmem:s30], [sflag:$0x1] =	stream.linear.gather [hbm4b:s25+s20], $0x80, $0x38;
	[tilespmem:$0x10800] =	vst v63  }
0x8d: {  	s29 =	sadd.s32 s3, s26;
	s31 =	spop (v2sf);
	s30 =	sand.u32 $0x1FFFFFF0, s28  }
0x8e: {  	(v2sf) =	vpush v0, $0xC;
	[tilespmem:s18], [sflag:$0x1] =	stream.linear.gather [hbm4b:s29+s20], $0x80, $0x38;
	[tilespmem:$0x10800] =	vst v63  }
0x8f: {  	s23 =	sand.u32 $0x1FFFFFF0, s31;
	s24 =	spop (v2sf);
	s22 =	sadd.s32 s3, s30  }
0x90: {  	(v2sf) =	vpush v0, $0xD;
	[tilespmem:s21], [sflag:$0x1] =	stream.linear.gather [hbm4b:s22+s20], $0x80, $0x38;
	[tilespmem:$0x10800] =	vst v63  }
0x91: {  	s25 =	sadd.s32 s3, s23;
	s26 =	sand.u32 $0x1FFFFFF0, s24;
	s28 =	spop (v2sf)  }
0x92: {  	[tilespmem:s16], [sflag:$0x1] =	stream.linear.gather [hbm4b:s25+s20], $0x80, $0x38;
	[tilespmem:$0x10800] =	vst v63  }
0x93: {  	s29 =	sadd.s32 s3, s26;
	s30 =	sand.u32 $0x1FFFFFF0, s28;
	s31 =	spop (v2sf)  }
0x94: {  	(v2sf) =	vpush v0, $0xE;
	[tilespmem:s15], [sflag:$0x1] =	stream.linear.gather [hbm4b:s29+s20], $0x80, $0x38;
	[tilespmem:$0x10800] =	vst v63  }
0x95: {  	s18 =	sadd.s32 s3, s30;
	s19 =	sand.u32 $0x1FFFFFF0, s31;
	s21 =	spop (v2sf)  }
0x96: {  	(v2sf) =	vpush v0, $0xF;
	[tilespmem:s12], [sflag:$0x1] =	stream.linear.gather [hbm4b:s18+s20], $0x80, $0x38;
	[tilespmem:$0x10800] =	vst v63  }
0x97: {  	s22 =	sadd.s32 s3, s19;
	s23 =	sand.u32 $0x1FFFFFF0, s21;
	s24 =	spop (v2sf)  }
0x98: {  	[tilespmem:s13], [sflag:$0x1] =	stream.linear.gather [hbm4b:s22+s20], $0x80, $0x38;
	[tilespmem:$0x10800] =	vst v63  }
0x99: {  	s25 =	sadd.s32 s3, s23;
	s26 =	sand.u32 $0x1FFFFFF0, s24;
	s28 =	spop (v2sf)  }
0x9a: {  	[tilespmem:s9], [sflag:$0x1] =	stream.linear.gather [hbm4b:s25+s20], $0x80, $0x38;
	[tilespmem:$0x10800] =	vst v63  }
0x9b: {  	s29 =	sadd.s32 s3, s26;
	s30 =	sand.u32 $0x1FFFFFF0, s28;
	s31 =	spop (v2sf)  }
0x9c: {  	[tilespmem:s10], [sflag:$0x1] =	stream.linear.gather [hbm4b:s29+s20], $0x80, $0x38;
	[tilespmem:$0x10800] =	vst v63  }
0x9d: {  	s12 =	sadd.s32 s3, s30;
	s13 =	sand.u32 $0x1FFFFFF0, s31;
	s15 =	spop (v2sf)  }
0x9e: {  	[tilespmem:s11], [sflag:$0x1] =	stream.linear.gather [hbm4b:s12+s20], $0x80, $0x38;
	[tilespmem:$0x10800] =	vst v63  }
0x9f: {  	s16 =	sadd.s32 s3, s13;
	s18 =	sand.u32 $0x1FFFFFF0, s15;
	s19 =	spop (v2sf)  }
0xa0: {  	[tilespmem:s6], [sflag:$0x1] =	stream.linear.gather [hbm4b:s16+s20], $0x80, $0x38;
	[tilespmem:$0x10800] =	vst v63  }
0xa1: {  	s28 =	sadd.s32 $0xF00, s0;
	s21 =	sadd.s32 s3, s18;
	s22 =	sand.u32 $0x1FFFFFF0, s19  }
0xa2: {  	[tilespmem:s5], [sflag:$0x1] =	stream.linear.gather [hbm4b:s21+s20], $0x80, $0x38;
	[tilespmem:$0x10800] =	vst v63  }
0xa3: {  	s0 =	sadd.s32 $0xF80, s0;
	s23 =	spop (v2sf);
	s24 =	sadd.s32 s3, s22  }
0xa4: {  	[tilespmem:s1], [sflag:$0x1] =	stream.linear.gather [hbm4b:s24+s20], $0x80, $0x38;
	[tilespmem:$0x10800] =	vst v63  }
.Ltmp1:
0xa5: {  	s25 =	sand.u32 $0x1FFFFFF0, s23;
	s26 =	spop (v2sf);
	(pc) =	sbr.rel @!p1 .LBB2_4-.Ltmp1, $4  }
0xa6: {  	s22 =	simm.s32 $0x40;
	s29 =	sadd.s32 s3, s25;
	s30 =	sand.u32 $0x1FFFFFF0, s26  }
0xa7: {  	[tilespmem:s28], [sflag:$0x1] =	stream.linear.gather [hbm4b:s29+s20], $0x80, $0x38;
	[tilespmem:$0x10800] =	vst v63  }
0xa8: {  	s31 =	sadd.s32 s3, s30;
	s21 =	simm.s32 $0x2000;
	s24 =	simm.s32 $0x10  }
0xa9: {  	[tilespmem:s0], [sflag:$0x1] =	stream.linear.gather [hbm4b:s31+s20], $0x80, $0x38;
	[tilespmem:$0x10800] =	vst v63  }
0xaa: {  	s0 =	sand.u32 $0x70, s20;
	s1 =	sand.u32 $0x200, s20  }
0xab: {  	s0 =	sor.u32 s0, s1  }
0xac: {  	v0 =	vld [tilespmem:s0+$0x400];
	_ =	sdelay $0x4  }
0xad: {  	v0 =	vshll.u32 v0, $0x4  }
0xae: {  	(v2sf) =	vpush v0, $0x0  }
0xaf: {  	(v2sf) =	vpush v0, $0x1  }
0xb0: {  	(v2sf) =	vpush v0, $0x2;
	_ =	sdelay $0x1  }
0xb1: {  	(v2sf) =	vpush v0, $0x3;
	_ =	sdelay $0x1  }
0xb2: {  	(v2sf) =	vpush v0, $0x4;
	_ =	sdelay $0x2  }
0xb3: {  	(v2sf) =	vpush v0, $0x5  }
0xb4: {  	p1 =	por $0x1, $0x1  }
0xb5: {  	s20 =	simm.s32 $0x4000;
	s26 =	simm.s32 $0x20;
	s23 =	simm.s32 $0x0  }
0xb6: {  	s28 =	simm.s32 $0x80;
	s19 =	simm.s32 $0x8880;
	s25 =	simm.s32 $0x8E80;
	(v2sf) =	vpush v0, $0x6  }
0xb7: {  	s6 =	simm.s32 $0x8800;
	s30 =	simm.s32 $0x8D80;
	s29 =	simm.s32 $0x8E00  }
0xb8: {  	s5 =	simm.s32 $0x8C00;
	s31 =	simm.s32 $0x8D00;
	s7 =	simm.s32 $0x8900;
	(v2sf) =	vpush v0, $0x7  }
0xb9: {  	s9 =	simm.s32 $0x8980;
	p0 =	por $0x1, $0x1;
	s8 =	spop (v2sf)  }
0xba: {  	s1 =	simm.s32 $0x8F80;
	s8 =	sand.u32 $0x1FFFFFF0, s8;
	s10 =	spop (v2sf)  }
0xbb: {  	(v2sf) =	vpush v0, $0x8;
	s8 =	sadd.s32 s3, s8;
	s10 =	sand.u32 $0x1FFFFFF0, s10;
	s11 =	spop (v2sf)  }
0xbc: {  	[tilespmem:s6], [sflag:$0x2] =	stream.linear.gather [hbm4b:s8+s2], $0x80, $0x38;
	[tilespmem:$0x10800] =	vst v63  }
0xbd: {  	(v2sf) =	vpush v0, $0x9;
	s12 =	sadd.s32 s3, s10;
	s13 =	sand.u32 $0x1FFFFFF0, s11;
	s15 =	spop (v2sf)  }
0xbe: {  	[tilespmem:s19], [sflag:$0x2] =	stream.linear.gather [hbm4b:s12+s2], $0x80, $0x38;
	[tilespmem:$0x10800] =	vst v63  }
0xbf: {  	s0 =	simm.s32 $0x8C80;
	(v2sf) =	vpush v0, $0xA;
	s16 =	sadd.s32 s3, s13;
	s19 =	spop (v2sf)  }
0xc0: {  	s18 =	sand.u32 $0x1FFFFFF0, s15;
	s13 =	simm.s32 $0x8A00;
	s11 =	sand.u32 $0x1FFFFFF0, s19  }
0xc1: {  	(v2sf) =	vpush v0, $0xB;
	[tilespmem:s7], [sflag:$0x2] =	stream.linear.gather [hbm4b:s16+s2], $0x80, $0x38;
	[tilespmem:$0x10800] =	vst v63  }
0xc2: {  	s10 =	sadd.s32 s3, s18;
	s12 =	spop (v2sf);
	s6 =	sadd.s32 s3, s11  }
0xc3: {  	(v2sf) =	vpush v0, $0xC;
	[tilespmem:s9], [sflag:$0x2] =	stream.linear.gather [hbm4b:s10+s2], $0x80, $0x38;
	[tilespmem:$0x10800] =	vst v63  }
.Ltmp2:
0xc4: {  	s15 =	sand.u32 $0x1FFFFFF0, s12;
	s7 =	simm.s32 $0x8B00;
	(pc) =	sbr.rel @!p1 .LBB2_6-.Ltmp2, $4  }
0xc5: {  	(v2sf) =	vpush v0, $0xD;
	s16 =	simm.s32 $0x8A80;
	s19 =	spop (v2sf);
	s18 =	sadd.s32 s3, s15  }
0xc6: {  	[tilespmem:s13], [sflag:$0x2] =	stream.linear.gather [hbm4b:s6+s2], $0x80, $0x38;
	[tilespmem:$0x10800] =	vst v63  }
0xc7: {  	(v2sf) =	vpush v0, $0xE;
	s9 =	sand.u32 $0x1FFFFFF0, s19;
	s10 =	spop (v2sf);
	s6 =	simm.s32 $0x8B80  }
0xc8: {  	(v2sf) =	vpush v0, $0xF;
	[tilespmem:s16], [sflag:$0x2] =	stream.linear.gather [hbm4b:s18+s2], $0x80, $0x38;
	[tilespmem:$0x10800] =	vst v63  }
.LBB2_7:
0xc9: {  	s9 =	sadd.s32 s3, s9  }
0xca: {  	s10 =	sand.u32 $0x1FFFFFF0, s10;
	s11 =	spop (v2sf);
	s8 =	smov.u32 s20  }
0xcb: {  	[tilespmem:s7], [sflag:$0x2] =	stream.linear.gather [hbm4b:s9+s2], $0x80, $0x38;
	[tilespmem:$0x10800] =	vst v63  }
0xcc: {  	s7 =	sadd.s32 s3, s10;
	s9 =	sand.u32 $0x1FFFFFF0, s11;
	s10 =	spop (v2sf)  }
0xcd: {  	[tilespmem:s6], [sflag:$0x2] =	stream.linear.gather [hbm4b:s7+s2], $0x80, $0x38;
	[tilespmem:$0x10800] =	vst v63  }
0xce: {  	s6 =	sadd.s32 s3, s9;
	s7 =	sand.u32 $0x1FFFFFF0, s10;
	s9 =	spop (v2sf)  }
0xcf: {  	[tilespmem:s5], [sflag:$0x2] =	stream.linear.gather [hbm4b:s6+s2], $0x80, $0x38;
	[tilespmem:$0x10800] =	vst v63  }
0xd0: {  	s5 =	sadd.s32 s3, s7;
	s6 =	sand.u32 $0x1FFFFFF0, s9;
	s7 =	spop (v2sf)  }
0xd1: {  	[tilespmem:s0], [sflag:$0x2] =	stream.linear.gather [hbm4b:s5+s2], $0x80, $0x38;
	[tilespmem:$0x10800] =	vst v63  }
0xd2: {  	s0 =	sadd.s32 s3, s6;
	s5 =	sand.u32 $0x1FFFFFF0, s7;
	s6 =	spop (v2sf)  }
0xd3: {  	[tilespmem:s31], [sflag:$0x2] =	stream.linear.gather [hbm4b:s0+s2], $0x80, $0x38;
	[tilespmem:$0x10800] =	vst v63  }
0xd4: {  	s0 =	sadd.s32 s3, s5;
	s5 =	sand.u32 $0x1FFFFFF0, s6;
	s6 =	spop (v2sf)  }
0xd5: {  	[tilespmem:s30], [sflag:$0x2] =	stream.linear.gather [hbm4b:s0+s2], $0x80, $0x38;
	[tilespmem:$0x10800] =	vst v63  }
0xd6: {  	s0 =	sadd.s32 s3, s5;
	s5 =	sand.u32 $0x1FFFFFF0, s6;
	s6 =	spop (v2sf)  }
0xd7: {  	[tilespmem:s29], [sflag:$0x2] =	stream.linear.gather [hbm4b:s0+s2], $0x80, $0x38;
	[tilespmem:$0x10800] =	vst v63  }
0xd8: {  	s0 =	sadd.s32 s3, s5;
	s5 =	sand.u32 $0x1FFFFFF0, s6;
	s6 =	spop (v2sf)  }
0xd9: {  	[tilespmem:s25], [sflag:$0x2] =	stream.linear.gather [hbm4b:s0+s2], $0x80, $0x38;
	[tilespmem:$0x10800] =	vst v63  }
0xda: {  	s5 =	sadd.s32 s3, s5;
	s0 =	sadd.s32 $0x8F00, s23;
	s6 =	sand.u32 $0x1FFFFFF0, s6  }
0xdb: {  	[tilespmem:s0], [sflag:$0x2] =	stream.linear.gather [hbm4b:s5+s2], $0x80, $0x38;
	[tilespmem:$0x10800] =	vst v63  }
0xdc: {  	s6 =	sadd.s32 s3, s6;
	s0 =	sand.u32 $0x70, s24;
	s5 =	sand.u32 $0x200, s22  }
0xdd: {  	[tilespmem:s1], [sflag:$0x2] =	stream.linear.gather [hbm4b:s6+s2], $0x80, $0x38;
	[tilespmem:$0x10800] =	vst v63  }
0xde: {  	p1 =	sne.s32 s20, $0x1E000;
	s20 =	sadd.s32 $0x2000, s20;
	s0 =	sor.u32 s0, s5  }
0xdf: {  	s24 =	smov.u32 s26;
	s22 =	smov.u32 s28;
	v0 =	vld [tilespmem:s0+$0x400];
	_ =	sdelay $0x4  }
0xe0: {  	s23 =	sshra.s32 s21, $0x2;
	s21 =	smov.u32 s8;
	s26 =	sadd.s32 $0x10, s26;
	v0 =	vshll.u32 v0, $0x4  }
0xe1: {  	s9 =	sadd.s32 $0x8880, s23;
	s25 =	sadd.s32 $0x8E80, s23;
	s28 =	sadd.s32 $0x40, s28;
	(v2sf) =	vpush v0, $0x0  }
0xe2: {  	s10 =	sadd.s32 $0x8800, s23;
	s30 =	sadd.s32 $0x8D80, s23;
	s29 =	sadd.s32 $0x8E00, s23;
	(v2sf) =	vpush v0, $0x1  }
0xe3: {  	s31 =	sadd.s32 $0x8D00, s23;
	s5 =	sadd.s32 $0x8C00, s23;
	s0 =	sadd.s32 $0x8C80, s23;
	(v2sf) =	vpush v0, $0x2  }
0xe4: {  	s7 =	sadd.s32 $0x8B00, s23;
	s6 =	sadd.s32 $0x8B80, s23  }
0xe5: {  	s8 =	sadd.s32 $0x8A80, s23;
	(v2sf) =	vpush v0, $0x3  }
0xe6: {  	s11 =	sadd.s32 $0x8A00, s23  }
0xe7: {  	(v2sf) =	vpush v0, $0x4  }
0xe8: {  	s1 =	sadd.s32 $0x8F80, s23  }
0xe9: {  	(v2sf) =	vpush v0, $0x5;
	_ =	sdelay $0x1  }
0xea: {  	s12 =	sadd.s32 $0x8900, s23;
	(v2sf) =	vpush v0, $0x6;
	_ =	sdelay $0x1  }
0xeb: {  	s13 =	sadd.s32 $0x8980, s23;
	(v2sf) =	vpush v0, $0x7;
	_ =	sdelay $0x1  }
0xec: {  	(v2sf) =	vpush v0, $0x8  }
0xed: {  	s15 =	spop (v2sf)  }
0xee: {  	s15 =	sand.u32 $0x1FFFFFF0, s15;
	s16 =	spop (v2sf);
	(v2sf) =	vpush v0, $0x9  }
0xef: {  	s15 =	sadd.s32 s3, s15;
	s16 =	sand.u32 $0x1FFFFFF0, s16;
	s18 =	spop (v2sf)  }
0xf0: {  	[tilespmem:s10], [sflag:$0x2] =	stream.linear.gather [hbm4b:s15+s2], $0x80, $0x38;
	(v2sf) =	vpush v0, $0xA;
	[tilespmem:$0x10800] =	vst v63  }
0xf1: {  	s10 =	sadd.s32 s3, s16;
	s15 =	sand.u32 $0x1FFFFFF0, s18;
	s16 =	spop (v2sf)  }
0xf2: {  	[tilespmem:s9], [sflag:$0x2] =	stream.linear.gather [hbm4b:s10+s2], $0x80, $0x38;
	(v2sf) =	vpush v0, $0xB;
	[tilespmem:$0x10800] =	vst v63  }
0xf3: {  	s9 =	sadd.s32 s3, s15;
	s10 =	sand.u32 $0x1FFFFFF0, s16;
	s15 =	spop (v2sf)  }
0xf4: {  	[tilespmem:s12], [sflag:$0x2] =	stream.linear.gather [hbm4b:s9+s2], $0x80, $0x38;
	(v2sf) =	vpush v0, $0xC;
	[tilespmem:$0x10800] =	vst v63  }
0xf5: {  	s9 =	sadd.s32 s3, s10;
	s10 =	sand.u32 $0x1FFFFFF0, s15;
	s12 =	spop (v2sf)  }
0xf6: {  	[tilespmem:s13], [sflag:$0x2] =	stream.linear.gather [hbm4b:s9+s2], $0x80, $0x38;
	[tilespmem:$0x10800] =	vst v63  }
.Ltmp3:
0xf7: {  	(v2sf) =	vpush v0, $0xD;
	(pc) =	sbr.rel @p1 .LBB2_7-.Ltmp3, $4  }
0xf8: {  	s9 =	sadd.s32 s3, s10;
	s10 =	sand.u32 $0x1FFFFFF0, s12;
	s12 =	spop (v2sf)  }
0xf9: {  	[tilespmem:s11], [sflag:$0x2] =	stream.linear.gather [hbm4b:s9+s2], $0x80, $0x38;
	(v2sf) =	vpush v0, $0xE;
	[tilespmem:$0x10800] =	vst v63  }
0xfa: {  	s11 =	sadd.s32 s3, s10;
	s9 =	sand.u32 $0x1FFFFFF0, s12;
	s10 =	spop (v2sf)  }
0xfb: {  	[tilespmem:s8], [sflag:$0x2] =	stream.linear.gather [hbm4b:s11+s2], $0x80, $0x38;
	(v2sf) =	vpush v0, $0xF;
	[tilespmem:$0x10800] =	vst v63  }
0xfc: {  	s20 =	smov.u32 s24  }
.LBB2_9:
0xfd: {  	s8 =	sadd.s32 @p0 s3, s9;
	s9 =	sand.u32 @p0 $0x1FFFFFF0, s10;
	s10 =	spop @p0 (v2sf)  }
0xfe: {  	[tilespmem:s7], [sflag:$0x2] =	stream.linear.gather @p0 [hbm4b:s8+s2], $0x80, $0x38;
	[tilespmem:$0x10800] =	vst v63  }
0xff: {  	s7 =	sadd.s32 @p0 s3, s9;
	s8 =	sand.u32 @p0 $0x1FFFFFF0, s10;
	s9 =	spop @p0 (v2sf)  }
0x100: {  	[tilespmem:s6], [sflag:$0x2] =	stream.linear.gather @p0 [hbm4b:s7+s2], $0x80, $0x38;
	[tilespmem:$0x10800] =	vst v63  }
0x101: {  	s6 =	sadd.s32 @p0 s3, s8;
	s7 =	sand.u32 @p0 $0x1FFFFFF0, s9;
	s8 =	spop @p0 (v2sf)  }
0x102: {  	[tilespmem:s5], [sflag:$0x2] =	stream.linear.gather @p0 [hbm4b:s6+s2], $0x80, $0x38;
	[tilespmem:$0x10800] =	vst v63  }
0x103: {  	s5 =	sadd.s32 @p0 s3, s7;
	s6 =	sand.u32 @p0 $0x1FFFFFF0, s8;
	s7 =	spop @p0 (v2sf)  }
0x104: {  	[tilespmem:s0], [sflag:$0x2] =	stream.linear.gather @p0 [hbm4b:s5+s2], $0x80, $0x38;
	[tilespmem:$0x10800] =	vst v63  }
0x105: {  	s0 =	sadd.s32 @p0 s3, s6;
	s5 =	sand.u32 @p0 $0x1FFFFFF0, s7;
	s6 =	spop @p0 (v2sf)  }
0x106: {  	[tilespmem:s31], [sflag:$0x2] =	stream.linear.gather @p0 [hbm4b:s0+s2], $0x80, $0x38;
	[tilespmem:$0x10800] =	vst v63  }
0x107: {  	s0 =	sadd.s32 @p0 s3, s5;
	s5 =	sand.u32 @p0 $0x1FFFFFF0, s6;
	s6 =	spop @p0 (v2sf)  }
0x108: {  	[tilespmem:s30], [sflag:$0x2] =	stream.linear.gather @p0 [hbm4b:s0+s2], $0x80, $0x38;
	[tilespmem:$0x10800] =	vst v63  }
0x109: {  	s0 =	sadd.s32 @p0 s3, s5;
	s5 =	sand.u32 @p0 $0x1FFFFFF0, s6;
	s6 =	spop @p0 (v2sf)  }
0x10a: {  	[tilespmem:s29], [sflag:$0x2] =	stream.linear.gather @p0 [hbm4b:s0+s2], $0x80, $0x38;
	[tilespmem:$0x10800] =	vst v63  }
0x10b: {  	s0 =	sadd.s32 @p0 s3, s5;
	s5 =	sand.u32 @p0 $0x1FFFFFF0, s6  }
0x10c: {  	s20 =	sand.u32 $0x70, s20;
	s6 =	spop @p0 (v2sf);
	s5 =	sadd.s32 @p0 s3, s5  }
0x10d: {  	[tilespmem:s25], [sflag:$0x2] =	stream.linear.gather @p0 [hbm4b:s0+s2], $0x80, $0x38;
	[tilespmem:$0x10800] =	vst v63  }
0x10e: {  	s6 =	sand.u32 @p0 $0x1FFFFFF0, s6;
	s0 =	sadd.s32 @p0 $0x8F00, s23;
	s23 =	sand.u32 $0x200, s22  }
0x10f: {  	[tilespmem:s0], [sflag:$0x2] =	stream.linear.gather @p0 [hbm4b:s5+s2], $0x80, $0x38;
	[tilespmem:$0x10800] =	vst v63  }
0x110: {  	s6 =	sadd.s32 @p0 s3, s6;
	s0 =	sor.u32 s20, s23  }
0x111: {  	[tilespmem:s1], [sflag:$0x2] =	stream.linear.gather @p0 [hbm4b:s6+s2], $0x80, $0x38;
	[tilespmem:$0x10800] =	vst v63  }
0x112: {  	v0 =	vld [tilespmem:s0+$0x400];
	_ =	sdelay $0x4  }
0x113: {  	v0 =	vshll.u32 v0, $0x4  }
0x114: {  	(v2sf) =	vpush v0, $0x0  }
0x115: {  	(v2sf) =	vpush v0, $0x1  }
0x116: {  	(v2sf) =	vpush v0, $0x2;
	_ =	sdelay $0x1  }
0x117: {  	(v2sf) =	vpush v0, $0x3;
	_ =	sdelay $0x1  }
0x118: {  	(v2sf) =	vpush v0, $0x4;
	_ =	sdelay $0x1  }
0x119: {  	(v2sf) =	vpush v0, $0x5;
	_ =	sdelay $0x1  }
0x11a: {  	s0 =	sshra.s32 s21, $0x2;
	(v2sf) =	vpush v0, $0x6  }
0x11b: {  	s24 =	sadd.s32 $0x8880, s0;
	s1 =	sadd.s32 $0x8E80, s0  }
0x11c: {  	s25 =	sadd.s32 $0x8800, s0;
	s6 =	sadd.s32 $0x8D80, s0;
	s5 =	sadd.s32 $0x8E00, s0;
	(v2sf) =	vpush v0, $0x7  }
0x11d: {  	s9 =	sadd.s32 $0x8C00, s0;
	s10 =	sadd.s32 $0x8C80, s0;
	s11 =	sadd.s32 $0x8D00, s0  }
0x11e: {  	s12 =	sadd.s32 $0x8B00, s0;
	s13 =	sadd.s32 $0x8B80, s0;
	s15 =	sadd.s32 $0x8A80, s0;
	(v2sf) =	vpush v0, $0x8  }
0x11f: {  	s16 =	sadd.s32 $0x8A00, s0;
	s18 =	sadd.s32 $0x8900, s0;
	s19 =	spop (v2sf)  }
0x120: {  	s20 =	sadd.s32 $0x8980, s0;
	(v2sf) =	vpush v0, $0x9;
	s19 =	sand.u32 $0x1FFFFFF0, s19;
	s26 =	spop (v2sf)  }
0x121: {  	s19 =	sadd.s32 s3, s19;
	s21 =	sand.u32 $0x1FFFFFF0, s26;
	s28 =	spop (v2sf)  }
0x122: {  	(v2sf) =	vpush v0, $0xA;
	[tilespmem:s25], [sflag:$0x2] =	stream.linear.gather [hbm4b:s19+s2], $0x80, $0x38;
	[tilespmem:$0x10800] =	vst v63  }
0x123: {  	s29 =	sadd.s32 s3, s21;
	s30 =	sand.u32 $0x1FFFFFF0, s28;
	s31 =	spop (v2sf)  }
0x124: {  	(v2sf) =	vpush v0, $0xB;
	[tilespmem:s24], [sflag:$0x2] =	stream.linear.gather [hbm4b:s29+s2], $0x80, $0x38;
	[tilespmem:$0x10800] =	vst v63  }
0x125: {  	s22 =	sadd.s32 s3, s30;
	s23 =	sand.u32 $0x1FFFFFF0, s31;
	s24 =	spop (v2sf)  }
0x126: {  	(v2sf) =	vpush v0, $0xC;
	[tilespmem:s18], [sflag:$0x2] =	stream.linear.gather [hbm4b:s22+s2], $0x80, $0x38;
	[tilespmem:$0x10800] =	vst v63  }
0x127: {  	s25 =	sadd.s32 s3, s23;
	s26 =	sand.u32 $0x1FFFFFF0, s24;
	s28 =	spop (v2sf)  }
0x128: {  	(v2sf) =	vpush v0, $0xD;
	[tilespmem:s20], [sflag:$0x2] =	stream.linear.gather [hbm4b:s25+s2], $0x80, $0x38;
	[tilespmem:$0x10800] =	vst v63  }
0x129: {  	s29 =	sadd.s32 s3, s26;
	s30 =	sand.u32 $0x1FFFFFF0, s28;
	s31 =	spop (v2sf)  }
0x12a: {  	(v2sf) =	vpush v0, $0xE;
	[tilespmem:s16], [sflag:$0x2] =	stream.linear.gather [hbm4b:s29+s2], $0x80, $0x38;
	[tilespmem:$0x10800] =	vst v63  }
0x12b: {  	s19 =	sadd.s32 s3, s30;
	s21 =	spop (v2sf);
	s20 =	sand.u32 $0x1FFFFFF0, s31  }
0x12c: {  	(v2sf) =	vpush v0, $0xF;
	[tilespmem:s15], [sflag:$0x2] =	stream.linear.gather [hbm4b:s19+s2], $0x80, $0x38;
	[tilespmem:$0x10800] =	vst v63  }
0x12d: {  	s23 =	sand.u32 $0x1FFFFFF0, s21;
	s24 =	spop (v2sf);
	s22 =	sadd.s32 s3, s20  }
0x12e: {  	[tilespmem:s12], [sflag:$0x2] =	stream.linear.gather [hbm4b:s22+s2], $0x80, $0x38;
	[tilespmem:$0x10800] =	vst v63  }
0x12f: {  	s25 =	sadd.s32 s3, s23;
	s26 =	sand.u32 $0x1FFFFFF0, s24;
	s28 =	spop (v2sf)  }
0x130: {  	[tilespmem:s13], [sflag:$0x2] =	stream.linear.gather [hbm4b:s25+s2], $0x80, $0x38;
	[tilespmem:$0x10800] =	vst v63  }
0x131: {  	s29 =	sadd.s32 s3, s26;
	s30 =	sand.u32 $0x1FFFFFF0, s28;
	s31 =	spop (v2sf)  }
0x132: {  	[tilespmem:s9], [sflag:$0x2] =	stream.linear.gather [hbm4b:s29+s2], $0x80, $0x38;
	[tilespmem:$0x10800] =	vst v63  }
0x133: {  	s8 =	sadd.s32 s3, s30;
	s12 =	spop (v2sf);
	s9 =	sand.u32 $0x1FFFFFF0, s31  }
0x134: {  	[tilespmem:s10], [sflag:$0x2] =	stream.linear.gather [hbm4b:s8+s2], $0x80, $0x38;
	[tilespmem:$0x10800] =	vst v63  }
0x135: {  	s15 =	sand.u32 $0x1FFFFFF0, s12;
	s16 =	spop (v2sf);
	s13 =	sadd.s32 s3, s9  }
0x136: {  	[tilespmem:s11], [sflag:$0x2] =	stream.linear.gather [hbm4b:s13+s2], $0x80, $0x38;
	[tilespmem:$0x10800] =	vst v63  }
0x137: {  	s18 =	sadd.s32 s3, s15;
	s19 =	sand.u32 $0x1FFFFFF0, s16;
	s20 =	spop (v2sf)  }
0x138: {  	[tilespmem:s6], [sflag:$0x2] =	stream.linear.gather [hbm4b:s18+s2], $0x80, $0x38;
	[tilespmem:$0x10800] =	vst v63  }
0x139: {  	s21 =	sadd.s32 s3, s19;
	s22 =	sand.u32 $0x1FFFFFF0, s20;
	s23 =	spop (v2sf)  }
0x13a: {  	[tilespmem:s5], [sflag:$0x2] =	stream.linear.gather [hbm4b:s21+s2], $0x80, $0x38;
	[tilespmem:$0x10800] =	vst v63  }
0x13b: {  	s24 =	sadd.s32 s3, s22;
	s25 =	sand.u32 $0x1FFFFFF0, s23;
	s26 =	spop (v2sf)  }
0x13c: {  	[tilespmem:s1], [sflag:$0x2] =	stream.linear.gather [hbm4b:s24+s2], $0x80, $0x38;
	[tilespmem:$0x10800] =	vst v63  }
0x13d: {  	s28 =	sadd.s32 $0x8F00, s0;
	s29 =	sadd.s32 s3, s25;
	s30 =	sand.u32 $0x1FFFFFF0, s26  }
0x13e: {  	[tilespmem:s28], [sflag:$0x2] =	stream.linear.gather [hbm4b:s29+s2], $0x80, $0x38;
	[tilespmem:$0x10800] =	vst v63  }
0x13f: {  	s0 =	sadd.s32 $0x8F80, s0;
	s31 =	sadd.s32 s3, s30  }
0x140: {  	[tilespmem:s0], [sflag:$0x2] =	stream.linear.gather [hbm4b:s31+s2], $0x80, $0x38;
	[tilespmem:$0x10800] =	vst v63  }
0x141: {  	_ =	swait.ge [sflag:s14], $0x80  }
0x142: {  	[sflag:s14] =	ssyncset.done $0x0  }
0x143: {  	[sflag:s14] =	ssyncadd.s32 $0xFFFFFF80  }
0x144: {  	_ =	swait.ge [sflag:s14], $0x80  }
0x145: {  	[sflag:s14] =	ssyncset.done $0x0  }
0x146: {  	[sflag:s14] =	ssyncadd.s32 $0xFFFFFF80  }
0x147: {  	_ =	swait.ge [sflag:s14], $0x80  }
0x148: {  	[sflag:s14] =	ssyncset.done $0x0  }
0x149: {  	[sflag:s14] =	ssyncadd.s32 $0xFFFFFF80  }
0x14a: {  	_ =	swait.ge [sflag:s14], $0x80  }
0x14b: {  	[sflag:s14] =	ssyncset.done $0x0  }
0x14c: {  	[sflag:s14] =	ssyncadd.s32 $0xFFFFFF80  }
0x14d: {  	_ =	swait.ge [sflag:s14], $0x80  }
0x14e: {  	[sflag:s14] =	ssyncset.done $0x0  }
0x14f: {  	[sflag:s14] =	ssyncadd.s32 $0xFFFFFF80  }
0x150: {  	_ =	swait.ge [sflag:s14], $0x80  }
0x151: {  	[sflag:s14] =	ssyncset.done $0x0  }
0x152: {  	[sflag:s14] =	ssyncadd.s32 $0xFFFFFF80  }
0x153: {  	_ =	swait.ge [sflag:s14], $0x80  }
0x154: {  	[sflag:s14] =	ssyncset.done $0x0  }
0x155: {  	[sflag:s14] =	ssyncadd.s32 $0xFFFFFF80  }
0x156: {  	_ =	swait.ge [sflag:s14], $0x80  }
0x157: {  	[sflag:s14] =	ssyncset.done $0x0  }
0x158: {  	[sflag:s14] =	ssyncadd.s32 $0xFFFFFF80  }
0x159: {  	_ =	swait.ge [sflag:s14], $0x80  }
0x15a: {  	[sflag:s14] =	ssyncset.done $0x0  }
0x15b: {  	[sflag:s14] =	ssyncadd.s32 $0xFFFFFF80  }
0x15c: {  	_ =	swait.ge [sflag:s14], $0x80  }
0x15d: {  	[sflag:s14] =	ssyncset.done $0x0  }
0x15e: {  	[sflag:s14] =	ssyncadd.s32 $0xFFFFFF80  }
0x15f: {  	_ =	swait.ge [sflag:s14], $0x80  }
0x160: {  	[sflag:s14] =	ssyncset.done $0x0  }
0x161: {  	[sflag:s14] =	ssyncadd.s32 $0xFFFFFF80  }
0x162: {  	_ =	swait.ge [sflag:s14], $0x80  }
0x163: {  	[sflag:s14] =	ssyncset.done $0x0  }
0x164: {  	[sflag:s14] =	ssyncadd.s32 $0xFFFFFF80  }
0x165: {  	_ =	swait.ge [sflag:s14], $0x80  }
0x166: {  	[sflag:s14] =	ssyncset.done $0x0  }
0x167: {  	[sflag:s14] =	ssyncadd.s32 $0xFFFFFF80  }
0x168: {  	_ =	swait.ge [sflag:s14], $0x80  }
0x169: {  	[sflag:s14] =	ssyncset.done $0x0  }
0x16a: {  	[sflag:s14] =	ssyncadd.s32 $0xFFFFFF80  }
0x16b: {  	_ =	swait.ge [sflag:s14], $0x80  }
0x16c: {  	[sflag:s14] =	ssyncset.done $0x0  }
0x16d: {  	[sflag:s14] =	ssyncadd.s32 $0xFFFFFF80  }
0x16e: {  	_ =	swait.ge [sflag:s14], $0x80  }
0x16f: {  	s0 =	simm.s32 $0xF;
	[sflag:s14] =	ssyncset.done $0x0  }
.LBB2_10:
0x170: {  	p0 =	sne.s32 s0, $0x1;
	s0 =	sadd.s32 $0xFFFFFFFF, s0;
	[sflag:s14] =	ssyncadd.s32 $0xFFFFFF80  }
0x171: {  	_ =	swait.ge [sflag:s14], $0x80  }
0x172: {  	[sflag:s14] =	ssyncset.done $0x0  }
0x173: {  	[sflag:s14] =	ssyncadd.s32 $0xFFFFFF80  }
0x174: {  	_ =	swait.ge [sflag:s14], $0x80  }
0x175: {  	[sflag:s14] =	ssyncset.done $0x0  }
0x176: {  	[sflag:s14] =	ssyncadd.s32 $0xFFFFFF80  }
0x177: {  	_ =	swait.ge [sflag:s14], $0x80  }
0x178: {  	[sflag:s14] =	ssyncset.done $0x0  }
0x179: {  	[sflag:s14] =	ssyncadd.s32 $0xFFFFFF80  }
0x17a: {  	_ =	swait.ge [sflag:s14], $0x80  }
0x17b: {  	[sflag:s14] =	ssyncset.done $0x0  }
0x17c: {  	[sflag:s14] =	ssyncadd.s32 $0xFFFFFF80  }
0x17d: {  	_ =	swait.ge [sflag:s14], $0x80  }
0x17e: {  	[sflag:s14] =	ssyncset.done $0x0  }
0x17f: {  	[sflag:s14] =	ssyncadd.s32 $0xFFFFFF80  }
0x180: {  	_ =	swait.ge [sflag:s14], $0x80  }
0x181: {  	[sflag:s14] =	ssyncset.done $0x0  }
0x182: {  	[sflag:s14] =	ssyncadd.s32 $0xFFFFFF80  }
0x183: {  	_ =	swait.ge [sflag:s14], $0x80  }
0x184: {  	[sflag:s14] =	ssyncset.done $0x0  }
0x185: {  	[sflag:s14] =	ssyncadd.s32 $0xFFFFFF80  }
0x186: {  	_ =	swait.ge [sflag:s14], $0x80  }
0x187: {  	[sflag:s14] =	ssyncset.done $0x0  }
0x188: {  	[sflag:s14] =	ssyncadd.s32 $0xFFFFFF80  }
0x189: {  	_ =	swait.ge [sflag:s14], $0x80  }
0x18a: {  	[sflag:s14] =	ssyncset.done $0x0  }
0x18b: {  	[sflag:s14] =	ssyncadd.s32 $0xFFFFFF80  }
0x18c: {  	_ =	swait.ge [sflag:s14], $0x80  }
0x18d: {  	[sflag:s14] =	ssyncset.done $0x0  }
0x18e: {  	[sflag:s14] =	ssyncadd.s32 $0xFFFFFF80  }
0x18f: {  	_ =	swait.ge [sflag:s14], $0x80  }
0x190: {  	[sflag:s14] =	ssyncset.done $0x0  }
0x191: {  	[sflag:s14] =	ssyncadd.s32 $0xFFFFFF80  }
0x192: {  	_ =	swait.ge [sflag:s14], $0x80  }
0x193: {  	[sflag:s14] =	ssyncset.done $0x0  }
0x194: {  	[sflag:s14] =	ssyncadd.s32 $0xFFFFFF80  }
0x195: {  	_ =	swait.ge [sflag:s14], $0x80  }
0x196: {  	[sflag:s14] =	ssyncset.done $0x0  }
0x197: {  	[sflag:s14] =	ssyncadd.s32 $0xFFFFFF80  }
0x198: {  	_ =	swait.ge [sflag:s14], $0x80  }
0x199: {  	[sflag:s14] =	ssyncset.done $0x0  }
0x19a: {  	[sflag:s14] =	ssyncadd.s32 $0xFFFFFF80  }
.Ltmp4:
0x19b: {  	_ =	swait.ge [sflag:s14], $0x80;
	(pc) =	sbr.rel @p0 .LBB2_10-.Ltmp4, $4  }
0x19c: {  	[sflag:s14] =	ssyncset.done $0x0  }
0x19d: {  	[sflag:s14] =	ssyncadd.s32 $0xFFFFFF80  }
0x19e: {  	_ =	swait.ge [sflag:s14], $0x80  }
0x19f: {  	[sflag:s14] =	ssyncset.done $0x0  }
0x1a0: {  	[sflag:s14] =	ssyncadd.s32 $0xFFFFFF80;
	s0 =	simm.s32 $0x0  }
0x1a1: {  	s1 =	rddreg [dreg:$0x3];
	s31 =	simm.s32 $0x800;
	s5 =	simm.s32 $0x3  }
0x1a2: {  	[hbm4b:s1+s0] =	stream.linear.scatter [tilespmem:s31], [sflag:$0x3], $0x8000, $0x38;
	[tilespmem:$0x10800] =	vst v63  }
0x1a3: {  	_ =	swait.ge [sflag:s5], $0x8000  }
0x1a4: {  	s11 =	sand.u32 $0x70, s0;
	s0 =	sand.u32 $0x200, s0;
	[sflag:s5] =	ssyncset.done $0x0  }
0x1a5: {  	s0 =	sor.u32 s11, s0;
	[sflag:s5] =	ssyncadd.s32 $0xFFFF8000  }
0x1a6: {  	v0 =	vld [tilespmem:s0+$0x80];
	_ =	sdelay $0x4  }
0x1a7: {  	v0 =	vshll.u32 v0, $0x4  }
0x1a8: {  	(v2sf) =	vpush v0, $0x0  }
0x1a9: {  	(v2sf) =	vpush v0, $0x1  }
0x1aa: {  	(v2sf) =	vpush v0, $0x2  }
0x1ab: {  	(v2sf) =	vpush v0, $0x3  }
0x1ac: {  	(v2sf) =	vpush v0, $0x4;
	_ =	sdelay $0x6  }
0x1ad: {  	(v2sf) =	vpush v0, $0x5  }
0x1ae: {  	s20 =	simm.s32 $0x2000  }
0x1af: {  	s21 =	simm.s32 $0x10;
	s22 =	simm.s32 $0x40;
	s24 =	simm.s32 $0x4000;
	(v2sf) =	vpush v0, $0x6  }
0x1b0: {  	s25 =	simm.s32 $0x20;
	s23 =	simm.s32 $0x0;
	s26 =	simm.s32 $0x80  }
0x1b1: {  	s12 =	simm.s32 $0x880;
	s28 =	simm.s32 $0xE80;
	(v2sf) =	vpush v0, $0x7;
	s7 =	spop (v2sf)  }
0x1b2: {  	s6 =	simm.s32 $0x800;
	s30 =	simm.s32 $0xD80;
	s9 =	spop (v2sf)  }
0x1b3: {  	s29 =	simm.s32 $0xE00;
	s8 =	simm.s32 $0x900;
	s15 =	spop (v2sf)  }
0x1b4: {  	s1 =	simm.s32 $0xC80;
	s7 =	sand.u32 $0x1FFFFFF0, s7;
	s10 =	spop (v2sf)  }
0x1b5: {  	s5 =	simm.s32 $0xC00;
	s7 =	sadd.s32 s4, s7;
	s19 =	spop (v2sf);
	(v2sf) =	vpush v0, $0x8  }
0x1b6: {  	[tilespmem:s6], [sflag:$0x1] =	stream.linear.gather [hbm4b:s7+s2], $0x80, $0x38;
	[tilespmem:$0x10800] =	vst v63  }
0x1b7: {  	s0 =	simm.s32 $0xF80;
	s13 =	sand.u32 $0x1FFFFFF0, s9;
	s6 =	simm.s32 $0x980;
	(v2sf) =	vpush v0, $0x9  }
0x1b8: {  	s7 =	sadd.s32 s4, s13;
	s9 =	sand.u32 $0x1FFFFFF0, s15;
	s18 =	sand.u32 $0x1FFFFFF0, s10  }
0x1b9: {  	[tilespmem:s12], [sflag:$0x1] =	stream.linear.gather [hbm4b:s7+s2], $0x80, $0x38;
	(v2sf) =	vpush v0, $0xA;
	[tilespmem:$0x10800] =	vst v63  }
0x1ba: {  	s13 =	simm.s32 $0xA00;
	s16 =	sadd.s32 s4, s9;
	s10 =	sadd.s32 s4, s18  }
0x1bb: {  	[tilespmem:s8], [sflag:$0x1] =	stream.linear.gather [hbm4b:s16+s2], $0x80, $0x38;
	(v2sf) =	vpush v0, $0xB;
	[tilespmem:$0x10800] =	vst v63  }
0x1bc: {  	s11 =	sand.u32 $0x1FFFFFF0, s19;
	s12 =	spop (v2sf);
	s18 =	simm.s32 $0xA80  }
0x1bd: {  	(v2sf) =	vpush v0, $0xC;
	[tilespmem:s6], [sflag:$0x1] =	stream.linear.gather [hbm4b:s10+s2], $0x80, $0x38;
	[tilespmem:$0x10800] =	vst v63  }
0x1be: {  	s15 =	sadd.s32 s4, s11;
	s19 =	spop (v2sf);
	s16 =	sand.u32 $0x1FFFFFF0, s12  }
0x1bf: {  	(v2sf) =	vpush v0, $0xD;
	[tilespmem:s13], [sflag:$0x1] =	stream.linear.gather [hbm4b:s15+s2], $0x80, $0x38;
	[tilespmem:$0x10800] =	vst v63  }
0x1c0: {  	s8 =	simm.s32 $0xB00;
	s11 =	spop (v2sf);
	s7 =	sadd.s32 s4, s16  }
0x1c1: {  	(v2sf) =	vpush v0, $0xE;
	[tilespmem:s18], [sflag:$0x1] =	stream.linear.gather [hbm4b:s7+s2], $0x80, $0x38;
	[tilespmem:$0x10800] =	vst v63  }
0x1c2: {  	s6 =	simm.s32 $0xD00;
	s10 =	sand.u32 $0x1FFFFFF0, s19;
	(v2sf) =	vpush v0, $0xF;
	s7 =	simm.s32 $0xB80  }
.LBB2_12:
0x1c3: {  	s10 =	sadd.s32 s4, s10  }
0x1c4: {  	s11 =	sand.u32 $0x1FFFFFF0, s11;
	s12 =	spop (v2sf);
	s9 =	smov.u32 s24  }
0x1c5: {  	[tilespmem:s8], [sflag:$0x1] =	stream.linear.gather [hbm4b:s10+s2], $0x80, $0x38;
	[tilespmem:$0x10800] =	vst v63  }
0x1c6: {  	s8 =	sadd.s32 s4, s11;
	s10 =	sand.u32 $0x1FFFFFF0, s12;
	s11 =	spop (v2sf)  }
0x1c7: {  	[tilespmem:s7], [sflag:$0x1] =	stream.linear.gather [hbm4b:s8+s2], $0x80, $0x38;
	[tilespmem:$0x10800] =	vst v63  }
0x1c8: {  	s7 =	sadd.s32 s4, s10;
	s8 =	sand.u32 $0x1FFFFFF0, s11;
	s10 =	spop (v2sf)  }
0x1c9: {  	[tilespmem:s5], [sflag:$0x1] =	stream.linear.gather [hbm4b:s7+s2], $0x80, $0x38;
	[tilespmem:$0x10800] =	vst v63  }
0x1ca: {  	s5 =	sadd.s32 s4, s8;
	s7 =	sand.u32 $0x1FFFFFF0, s10;
	s8 =	spop (v2sf)  }
0x1cb: {  	[tilespmem:s1], [sflag:$0x1] =	stream.linear.gather [hbm4b:s5+s2], $0x80, $0x38;
	[tilespmem:$0x10800] =	vst v63  }
0x1cc: {  	s1 =	sadd.s32 s4, s7;
	s5 =	sand.u32 $0x1FFFFFF0, s8;
	s7 =	spop (v2sf)  }
0x1cd: {  	[tilespmem:s6], [sflag:$0x1] =	stream.linear.gather [hbm4b:s1+s2], $0x80, $0x38;
	[tilespmem:$0x10800] =	vst v63  }
0x1ce: {  	s1 =	sadd.s32 s4, s5;
	s5 =	sand.u32 $0x1FFFFFF0, s7;
	s6 =	spop (v2sf)  }
0x1cf: {  	[tilespmem:s30], [sflag:$0x1] =	stream.linear.gather [hbm4b:s1+s2], $0x80, $0x38;
	[tilespmem:$0x10800] =	vst v63  }
0x1d0: {  	s1 =	sadd.s32 s4, s5;
	s5 =	sand.u32 $0x1FFFFFF0, s6;
	s6 =	spop (v2sf)  }
0x1d1: {  	[tilespmem:s29], [sflag:$0x1] =	stream.linear.gather [hbm4b:s1+s2], $0x80, $0x38;
	[tilespmem:$0x10800] =	vst v63  }
0x1d2: {  	s1 =	sadd.s32 s4, s5;
	s5 =	sand.u32 $0x1FFFFFF0, s6;
	s6 =	spop (v2sf)  }
0x1d3: {  	[tilespmem:s28], [sflag:$0x1] =	stream.linear.gather [hbm4b:s1+s2], $0x80, $0x38;
	[tilespmem:$0x10800] =	vst v63  }
0x1d4: {  	s5 =	sadd.s32 s4, s5;
	s1 =	sadd.s32 $0xF00, s23;
	s6 =	sand.u32 $0x1FFFFFF0, s6  }
0x1d5: {  	[tilespmem:s1], [sflag:$0x1] =	stream.linear.gather [hbm4b:s5+s2], $0x80, $0x38;
	[tilespmem:$0x10800] =	vst v63  }
0x1d6: {  	s6 =	sadd.s32 s4, s6;
	s1 =	sand.u32 $0x70, s21;
	s5 =	sand.u32 $0x200, s22  }
0x1d7: {  	[tilespmem:s0], [sflag:$0x1] =	stream.linear.gather [hbm4b:s6+s2], $0x80, $0x38;
	[tilespmem:$0x10800] =	vst v63  }
0x1d8: {  	p0 =	sne.s32 s24, $0x1E000;
	s24 =	sadd.s32 $0x2000, s24;
	s0 =	sor.u32 s1, s5  }
0x1d9: {  	s21 =	smov.u32 s25;
	s22 =	smov.u32 s26;
	v0 =	vld [tilespmem:s0+$0x80];
	_ =	sdelay $0x4  }
0x1da: {  	s23 =	sshra.s32 s20, $0x2;
	s20 =	smov.u32 s9;
	s25 =	sadd.s32 $0x10, s25;
	v0 =	vshll.u32 v0, $0x4  }
0x1db: {  	s10 =	sadd.s32 $0x880, s23;
	s28 =	sadd.s32 $0xE80, s23;
	s26 =	sadd.s32 $0x40, s26;
	(v2sf) =	vpush v0, $0x0  }
0x1dc: {  	s11 =	sadd.s32 $0x800, s23;
	s30 =	sadd.s32 $0xD80, s23;
	s29 =	sadd.s32 $0xE00, s23;
	(v2sf) =	vpush v0, $0x1  }
0x1dd: {  	s5 =	sadd.s32 $0xC00, s23;
	s1 =	sadd.s32 $0xC80, s23;
	s6 =	sadd.s32 $0xD00, s23;
	(v2sf) =	vpush v0, $0x2  }
0x1de: {  	s8 =	sadd.s32 $0xB00, s23;
	s7 =	sadd.s32 $0xB80, s23  }
0x1df: {  	s9 =	sadd.s32 $0xA80, s23;
	(v2sf) =	vpush v0, $0x3  }
0x1e0: {  	s12 =	sadd.s32 $0xA00, s23  }
0x1e1: {  	(v2sf) =	vpush v0, $0x4  }
0x1e2: {  	s0 =	sadd.s32 $0xF80, s23  }
0x1e3: {  	(v2sf) =	vpush v0, $0x5;
	_ =	sdelay $0x1  }
0x1e4: {  	s13 =	sadd.s32 $0x900, s23;
	(v2sf) =	vpush v0, $0x6;
	_ =	sdelay $0x1  }
0x1e5: {  	s15 =	sadd.s32 $0x980, s23;
	(v2sf) =	vpush v0, $0x7;
	_ =	sdelay $0x1  }
0x1e6: {  	(v2sf) =	vpush v0, $0x8  }
0x1e7: {  	s16 =	spop (v2sf)  }
0x1e8: {  	s16 =	sand.u32 $0x1FFFFFF0, s16;
	s18 =	spop (v2sf);
	(v2sf) =	vpush v0, $0x9  }
0x1e9: {  	s16 =	sadd.s32 s4, s16;
	s18 =	sand.u32 $0x1FFFFFF0, s18;
	s19 =	spop (v2sf)  }
0x1ea: {  	[tilespmem:s11], [sflag:$0x1] =	stream.linear.gather [hbm4b:s16+s2], $0x80, $0x38;
	(v2sf) =	vpush v0, $0xA;
	[tilespmem:$0x10800] =	vst v63  }
0x1eb: {  	s11 =	sadd.s32 s4, s18;
	s16 =	sand.u32 $0x1FFFFFF0, s19;
	s18 =	spop (v2sf)  }
0x1ec: {  	[tilespmem:s10], [sflag:$0x1] =	stream.linear.gather [hbm4b:s11+s2], $0x80, $0x38;
	(v2sf) =	vpush v0, $0xB;
	[tilespmem:$0x10800] =	vst v63  }
0x1ed: {  	s10 =	sadd.s32 s4, s16;
	s11 =	sand.u32 $0x1FFFFFF0, s18;
	s16 =	spop (v2sf)  }
0x1ee: {  	[tilespmem:s13], [sflag:$0x1] =	stream.linear.gather [hbm4b:s10+s2], $0x80, $0x38;
	(v2sf) =	vpush v0, $0xC;
	[tilespmem:$0x10800] =	vst v63  }
0x1ef: {  	s10 =	sadd.s32 s4, s11;
	s11 =	sand.u32 $0x1FFFFFF0, s16;
	s13 =	spop (v2sf)  }
0x1f0: {  	[tilespmem:s15], [sflag:$0x1] =	stream.linear.gather [hbm4b:s10+s2], $0x80, $0x38;
	[tilespmem:$0x10800] =	vst v63  }
.Ltmp5:
0x1f1: {  	(v2sf) =	vpush v0, $0xD;
	(pc) =	sbr.rel @p0 .LBB2_12-.Ltmp5, $4  }
0x1f2: {  	s10 =	sadd.s32 s4, s11;
	s11 =	sand.u32 $0x1FFFFFF0, s13;
	s13 =	spop (v2sf)  }
0x1f3: {  	[tilespmem:s12], [sflag:$0x1] =	stream.linear.gather [hbm4b:s10+s2], $0x80, $0x38;
	(v2sf) =	vpush v0, $0xE;
	[tilespmem:$0x10800] =	vst v63  }
0x1f4: {  	s12 =	sadd.s32 s4, s11;
	s10 =	sand.u32 $0x1FFFFFF0, s13;
	s11 =	spop (v2sf)  }
0x1f5: {  	[tilespmem:s9], [sflag:$0x1] =	stream.linear.gather [hbm4b:s12+s2], $0x80, $0x38;
	(v2sf) =	vpush v0, $0xF;
	[tilespmem:$0x10800] =	vst v63  }
0x1f6: {  	s9 =	sadd.s32 s4, s10;
	s25 =	sand.u32 $0x1FFFFFF0, s11;
	s26 =	spop (v2sf)  }
0x1f7: {  	[tilespmem:s8], [sflag:$0x1] =	stream.linear.gather [hbm4b:s9+s2], $0x80, $0x38;
	[tilespmem:$0x10800] =	vst v63  }
0x1f8: {  	s12 =	sadd.s32 s4, s25;
	s15 =	spop (v2sf)  }
0x1f9: {  	[tilespmem:s7], [sflag:$0x1] =	stream.linear.gather [hbm4b:s12+s2], $0x80, $0x38;
	[tilespmem:$0x10800] =	vst v63  }
0x1fa: {  	s13 =	sand.u32 $0x1FFFFFF0, s26;
	s18 =	sand.u32 $0x1FFFFFF0, s15;
	s19 =	spop (v2sf)  }
0x1fb: {  	s16 =	sadd.s32 s4, s13;
	s24 =	sadd.s32 s4, s18;
	s25 =	sand.u32 $0x1FFFFFF0, s19  }
0x1fc: {  	[tilespmem:s5], [sflag:$0x1] =	stream.linear.gather [hbm4b:s16+s2], $0x80, $0x38;
	[tilespmem:$0x10800] =	vst v63  }
0x1fd: {  	s26 =	spop (v2sf);
	s5 =	sadd.s32 s4, s25;
	s25 =	sand.u32 $0x70, s21  }
0x1fe: {  	[tilespmem:s1], [sflag:$0x1] =	stream.linear.gather [hbm4b:s24+s2], $0x80, $0x38;
	[tilespmem:$0x10800] =	vst v63  }
0x1ff: {  	s7 =	sand.u32 $0x1FFFFFF0, s26;
	s26 =	sand.u32 $0x200, s22;
	s8 =	spop (v2sf)  }
0x200: {  	[tilespmem:s6], [sflag:$0x1] =	stream.linear.gather [hbm4b:s5+s2], $0x80, $0x38;
	[tilespmem:$0x10800] =	vst v63  }
0x201: {  	s9 =	sadd.s32 s4, s7;
	s10 =	sand.u32 $0x1FFFFFF0, s8;
	s11 =	spop (v2sf)  }
0x202: {  	[tilespmem:s30], [sflag:$0x1] =	stream.linear.gather [hbm4b:s9+s2], $0x80, $0x38;
	[tilespmem:$0x10800] =	vst v63  }
0x203: {  	s12 =	sadd.s32 s4, s10;
	s13 =	sand.u32 $0x1FFFFFF0, s11;
	s15 =	spop (v2sf)  }
0x204: {  	[tilespmem:s29], [sflag:$0x1] =	stream.linear.gather [hbm4b:s12+s2], $0x80, $0x38;
	[tilespmem:$0x10800] =	vst v63  }
0x205: {  	s16 =	sadd.s32 s4, s13;
	s18 =	sand.u32 $0x1FFFFFF0, s15;
	s19 =	spop (v2sf)  }
0x206: {  	[tilespmem:s28], [sflag:$0x1] =	stream.linear.gather [hbm4b:s16+s2], $0x80, $0x38;
	[tilespmem:$0x10800] =	vst v63  }
0x207: {  	s24 =	sadd.s32 $0xF00, s23;
	s5 =	sadd.s32 s4, s18;
	s6 =	sand.u32 $0x1FFFFFF0, s19  }
0x208: {  	[tilespmem:s24], [sflag:$0x1] =	stream.linear.gather [hbm4b:s5+s2], $0x80, $0x38;
	[tilespmem:$0x10800] =	vst v63  }
0x209: {  	s28 =	sor.u32 s25, s26;
	s6 =	sadd.s32 s4, s6  }
0x20a: {  	[tilespmem:s0], [sflag:$0x1] =	stream.linear.gather [hbm4b:s6+s2], $0x80, $0x38;
	[tilespmem:$0x10800] =	vst v63  }
0x20b: {  	v0 =	vld [tilespmem:s28+$0x80];
	_ =	sdelay $0x4  }
0x20c: {  	v0 =	vshll.u32 v0, $0x4  }
0x20d: {  	(v2sf) =	vpush v0, $0x0  }
0x20e: {  	(v2sf) =	vpush v0, $0x1  }
0x20f: {  	(v2sf) =	vpush v0, $0x2;
	_ =	sdelay $0x1  }
0x210: {  	(v2sf) =	vpush v0, $0x3;
	_ =	sdelay $0x1  }
0x211: {  	(v2sf) =	vpush v0, $0x4;
	_ =	sdelay $0x1  }
0x212: {  	(v2sf) =	vpush v0, $0x5;
	_ =	sdelay $0x1  }
0x213: {  	s0 =	sshra.s32 s20, $0x2;
	(v2sf) =	vpush v0, $0x6  }
0x214: {  	s29 =	sadd.s32 $0x880, s0;
	s1 =	sadd.s32 $0xE80, s0  }
0x215: {  	s30 =	sadd.s32 $0x800, s0;
	s6 =	sadd.s32 $0xD80, s0;
	s5 =	sadd.s32 $0xE00, s0;
	(v2sf) =	vpush v0, $0x7  }
0x216: {  	s9 =	sadd.s32 $0xC00, s0;
	s10 =	sadd.s32 $0xC80, s0;
	s11 =	sadd.s32 $0xD00, s0  }
0x217: {  	s12 =	sadd.s32 $0xB00, s0;
	s13 =	sadd.s32 $0xB80, s0;
	s15 =	sadd.s32 $0xA80, s0;
	(v2sf) =	vpush v0, $0x8  }
0x218: {  	s16 =	sadd.s32 $0xA00, s0;
	s18 =	sadd.s32 $0x900, s0;
	s19 =	spop (v2sf)  }
0x219: {  	s20 =	sadd.s32 $0x980, s0;
	(v2sf) =	vpush v0, $0x9;
	s19 =	sand.u32 $0x1FFFFFF0, s19;
	s22 =	spop (v2sf)  }
0x21a: {  	s19 =	sadd.s32 s4, s19;
	s21 =	sand.u32 $0x1FFFFFF0, s22;
	s23 =	spop (v2sf)  }
0x21b: {  	(v2sf) =	vpush v0, $0xA;
	[tilespmem:s30], [sflag:$0x1] =	stream.linear.gather [hbm4b:s19+s2], $0x80, $0x38;
	[tilespmem:$0x10800] =	vst v63  }
0x21c: {  	s24 =	sadd.s32 s4, s21;
	s25 =	sand.u32 $0x1FFFFFF0, s23;
	s26 =	spop (v2sf)  }
0x21d: {  	(v2sf) =	vpush v0, $0xB;
	[tilespmem:s29], [sflag:$0x1] =	stream.linear.gather [hbm4b:s24+s2], $0x80, $0x38;
	[tilespmem:$0x10800] =	vst v63  }
0x21e: {  	s28 =	sadd.s32 s4, s25;
	s30 =	spop (v2sf);
	s29 =	sand.u32 $0x1FFFFFF0, s26  }
0x21f: {  	(v2sf) =	vpush v0, $0xC;
	[tilespmem:s18], [sflag:$0x1] =	stream.linear.gather [hbm4b:s28+s2], $0x80, $0x38;
	[tilespmem:$0x10800] =	vst v63  }
0x220: {  	s22 =	sand.u32 $0x1FFFFFF0, s30;
	s23 =	spop (v2sf);
	s21 =	sadd.s32 s4, s29  }
0x221: {  	(v2sf) =	vpush v0, $0xD;
	[tilespmem:s20], [sflag:$0x1] =	stream.linear.gather [hbm4b:s21+s2], $0x80, $0x38;
	[tilespmem:$0x10800] =	vst v63  }
0x222: {  	s24 =	sadd.s32 s4, s22;
	s25 =	sand.u32 $0x1FFFFFF0, s23;
	s26 =	spop (v2sf)  }
0x223: {  	(v2sf) =	vpush v0, $0xE;
	[tilespmem:s16], [sflag:$0x1] =	stream.linear.gather [hbm4b:s24+s2], $0x80, $0x38;
	[tilespmem:$0x10800] =	vst v63  }
0x224: {  	s28 =	sadd.s32 s4, s25;
	s29 =	sand.u32 $0x1FFFFFF0, s26;
	s30 =	spop (v2sf)  }
0x225: {  	(v2sf) =	vpush v0, $0xF;
	[tilespmem:s15], [sflag:$0x1] =	stream.linear.gather [hbm4b:s28+s2], $0x80, $0x38;
	[tilespmem:$0x10800] =	vst v63  }
0x226: {  	s18 =	sadd.s32 s4, s29;
	s19 =	sand.u32 $0x1FFFFFF0, s30;
	s20 =	spop (v2sf)  }
0x227: {  	[tilespmem:s12], [sflag:$0x1] =	stream.linear.gather [hbm4b:s18+s2], $0x80, $0x38;
	[tilespmem:$0x10800] =	vst v63  }
0x228: {  	s21 =	sadd.s32 s4, s19;
	s22 =	sand.u32 $0x1FFFFFF0, s20;
	s23 =	spop (v2sf)  }
0x229: {  	[tilespmem:s13], [sflag:$0x1] =	stream.linear.gather [hbm4b:s21+s2], $0x80, $0x38;
	[tilespmem:$0x10800] =	vst v63  }
0x22a: {  	s24 =	sadd.s32 s4, s22;
	s25 =	sand.u32 $0x1FFFFFF0, s23;
	s26 =	spop (v2sf)  }
0x22b: {  	[tilespmem:s9], [sflag:$0x1] =	stream.linear.gather [hbm4b:s24+s2], $0x80, $0x38;
	[tilespmem:$0x10800] =	vst v63  }
0x22c: {  	s28 =	sadd.s32 s4, s25;
	s29 =	sand.u32 $0x1FFFFFF0, s26;
	s30 =	spop (v2sf)  }
0x22d: {  	[tilespmem:s10], [sflag:$0x1] =	stream.linear.gather [hbm4b:s28+s2], $0x80, $0x38;
	[tilespmem:$0x10800] =	vst v63  }
0x22e: {  	s12 =	sadd.s32 s4, s29;
	s13 =	sand.u32 $0x1FFFFFF0, s30;
	s15 =	spop (v2sf)  }
0x22f: {  	[tilespmem:s11], [sflag:$0x1] =	stream.linear.gather [hbm4b:s12+s2], $0x80, $0x38;
	[tilespmem:$0x10800] =	vst v63  }
0x230: {  	s16 =	sadd.s32 s4, s13;
	s18 =	sand.u32 $0x1FFFFFF0, s15;
	s19 =	spop (v2sf)  }
0x231: {  	[tilespmem:s6], [sflag:$0x1] =	stream.linear.gather [hbm4b:s16+s2], $0x80, $0x38;
	[tilespmem:$0x10800] =	vst v63  }
0x232: {  	s20 =	sadd.s32 s4, s18;
	s21 =	sand.u32 $0x1FFFFFF0, s19;
	s22 =	spop (v2sf)  }
0x233: {  	[tilespmem:s5], [sflag:$0x1] =	stream.linear.gather [hbm4b:s20+s2], $0x80, $0x38;
	[tilespmem:$0x10800] =	vst v63  }
0x234: {  	s23 =	sadd.s32 s4, s21;
	s24 =	sand.u32 $0x1FFFFFF0, s22;
	s25 =	spop (v2sf)  }
0x235: {  	[tilespmem:s1], [sflag:$0x1] =	stream.linear.gather [hbm4b:s23+s2], $0x80, $0x38;
	[tilespmem:$0x10800] =	vst v63  }
0x236: {  	s26 =	sadd.s32 $0xF00, s0;
	s28 =	sadd.s32 s4, s24;
	s29 =	sand.u32 $0x1FFFFFF0, s25  }
0x237: {  	[tilespmem:s26], [sflag:$0x1] =	stream.linear.gather [hbm4b:s28+s2], $0x80, $0x38;
	[tilespmem:$0x10800] =	vst v63  }
0x238: {  	s0 =	sadd.s32 $0xF80, s0;
	s30 =	sadd.s32 s4, s29  }
0x239: {  	[tilespmem:s0], [sflag:$0x1] =	stream.linear.gather [hbm4b:s30+s2], $0x80, $0x38;
	[tilespmem:$0x10800] =	vst v63  }
0x23a: {  	_ =	swait.ge [sflag:s17], $0x80  }
0x23b: {  	[sflag:s17] =	ssyncset.done $0x0  }
0x23c: {  	[sflag:s17] =	ssyncadd.s32 $0xFFFFFF80  }
0x23d: {  	_ =	swait.ge [sflag:s17], $0x80  }
0x23e: {  	[sflag:s17] =	ssyncset.done $0x0  }
0x23f: {  	[sflag:s17] =	ssyncadd.s32 $0xFFFFFF80  }
0x240: {  	_ =	swait.ge [sflag:s17], $0x80  }
0x241: {  	[sflag:s17] =	ssyncset.done $0x0  }
0x242: {  	[sflag:s17] =	ssyncadd.s32 $0xFFFFFF80  }
0x243: {  	_ =	swait.ge [sflag:s17], $0x80  }
0x244: {  	[sflag:s17] =	ssyncset.done $0x0  }
0x245: {  	[sflag:s17] =	ssyncadd.s32 $0xFFFFFF80  }
0x246: {  	_ =	swait.ge [sflag:s17], $0x80  }
0x247: {  	[sflag:s17] =	ssyncset.done $0x0  }
0x248: {  	[sflag:s17] =	ssyncadd.s32 $0xFFFFFF80  }
0x249: {  	_ =	swait.ge [sflag:s17], $0x80  }
0x24a: {  	[sflag:s17] =	ssyncset.done $0x0  }
0x24b: {  	[sflag:s17] =	ssyncadd.s32 $0xFFFFFF80  }
0x24c: {  	_ =	swait.ge [sflag:s17], $0x80  }
0x24d: {  	[sflag:s17] =	ssyncset.done $0x0  }
0x24e: {  	[sflag:s17] =	ssyncadd.s32 $0xFFFFFF80  }
0x24f: {  	_ =	swait.ge [sflag:s17], $0x80  }
0x250: {  	[sflag:s17] =	ssyncset.done $0x0  }
0x251: {  	[sflag:s17] =	ssyncadd.s32 $0xFFFFFF80  }
0x252: {  	_ =	swait.ge [sflag:s17], $0x80  }
0x253: {  	[sflag:s17] =	ssyncset.done $0x0  }
0x254: {  	[sflag:s17] =	ssyncadd.s32 $0xFFFFFF80  }
0x255: {  	_ =	swait.ge [sflag:s17], $0x80  }
0x256: {  	[sflag:s17] =	ssyncset.done $0x0  }
0x257: {  	[sflag:s17] =	ssyncadd.s32 $0xFFFFFF80  }
0x258: {  	_ =	swait.ge [sflag:s17], $0x80  }
0x259: {  	[sflag:s17] =	ssyncset.done $0x0  }
0x25a: {  	[sflag:s17] =	ssyncadd.s32 $0xFFFFFF80  }
0x25b: {  	_ =	swait.ge [sflag:s17], $0x80  }
0x25c: {  	[sflag:s17] =	ssyncset.done $0x0  }
0x25d: {  	[sflag:s17] =	ssyncadd.s32 $0xFFFFFF80  }
0x25e: {  	_ =	swait.ge [sflag:s17], $0x80  }
0x25f: {  	[sflag:s17] =	ssyncset.done $0x0  }
0x260: {  	[sflag:s17] =	ssyncadd.s32 $0xFFFFFF80  }
0x261: {  	_ =	swait.ge [sflag:s17], $0x80  }
0x262: {  	[sflag:s17] =	ssyncset.done $0x0  }
0x263: {  	[sflag:s17] =	ssyncadd.s32 $0xFFFFFF80  }
0x264: {  	_ =	swait.ge [sflag:s17], $0x80  }
0x265: {  	[sflag:s17] =	ssyncset.done $0x0  }
0x266: {  	[sflag:s17] =	ssyncadd.s32 $0xFFFFFF80  }
0x267: {  	_ =	swait.ge [sflag:s17], $0x80  }
0x268: {  	s0 =	simm.s32 $0xF;
	[sflag:s17] =	ssyncset.done $0x0  }
.LBB2_14:
0x269: {  	p0 =	sne.s32 s0, $0x1;
	s0 =	sadd.s32 $0xFFFFFFFF, s0;
	[sflag:s17] =	ssyncadd.s32 $0xFFFFFF80  }
0x26a: {  	_ =	swait.ge [sflag:s17], $0x80  }
0x26b: {  	[sflag:s17] =	ssyncset.done $0x0  }
0x26c: {  	[sflag:s17] =	ssyncadd.s32 $0xFFFFFF80  }
0x26d: {  	_ =	swait.ge [sflag:s17], $0x80  }
0x26e: {  	[sflag:s17] =	ssyncset.done $0x0  }
0x26f: {  	[sflag:s17] =	ssyncadd.s32 $0xFFFFFF80  }
0x270: {  	_ =	swait.ge [sflag:s17], $0x80  }
0x271: {  	[sflag:s17] =	ssyncset.done $0x0  }
0x272: {  	[sflag:s17] =	ssyncadd.s32 $0xFFFFFF80  }
0x273: {  	_ =	swait.ge [sflag:s17], $0x80  }
0x274: {  	[sflag:s17] =	ssyncset.done $0x0  }
0x275: {  	[sflag:s17] =	ssyncadd.s32 $0xFFFFFF80  }
0x276: {  	_ =	swait.ge [sflag:s17], $0x80  }
0x277: {  	[sflag:s17] =	ssyncset.done $0x0  }
0x278: {  	[sflag:s17] =	ssyncadd.s32 $0xFFFFFF80  }
0x279: {  	_ =	swait.ge [sflag:s17], $0x80  }
0x27a: {  	[sflag:s17] =	ssyncset.done $0x0  }
0x27b: {  	[sflag:s17] =	ssyncadd.s32 $0xFFFFFF80  }
0x27c: {  	_ =	swait.ge [sflag:s17], $0x80  }
0x27d: {  	[sflag:s17] =	ssyncset.done $0x0  }
0x27e: {  	[sflag:s17] =	ssyncadd.s32 $0xFFFFFF80  }
0x27f: {  	_ =	swait.ge [sflag:s17], $0x80  }
0x280: {  	[sflag:s17] =	ssyncset.done $0x0  }
0x281: {  	[sflag:s17] =	ssyncadd.s32 $0xFFFFFF80  }
0x282: {  	_ =	swait.ge [sflag:s17], $0x80  }
0x283: {  	[sflag:s17] =	ssyncset.done $0x0  }
0x284: {  	[sflag:s17] =	ssyncadd.s32 $0xFFFFFF80  }
0x285: {  	_ =	swait.ge [sflag:s17], $0x80  }
0x286: {  	[sflag:s17] =	ssyncset.done $0x0  }
0x287: {  	[sflag:s17] =	ssyncadd.s32 $0xFFFFFF80  }
0x288: {  	_ =	swait.ge [sflag:s17], $0x80  }
0x289: {  	[sflag:s17] =	ssyncset.done $0x0  }
0x28a: {  	[sflag:s17] =	ssyncadd.s32 $0xFFFFFF80  }
0x28b: {  	_ =	swait.ge [sflag:s17], $0x80  }
0x28c: {  	[sflag:s17] =	ssyncset.done $0x0  }
0x28d: {  	[sflag:s17] =	ssyncadd.s32 $0xFFFFFF80  }
0x28e: {  	_ =	swait.ge [sflag:s17], $0x80  }
0x28f: {  	[sflag:s17] =	ssyncset.done $0x0  }
0x290: {  	[sflag:s17] =	ssyncadd.s32 $0xFFFFFF80  }
0x291: {  	_ =	swait.ge [sflag:s17], $0x80  }
0x292: {  	[sflag:s17] =	ssyncset.done $0x0  }
0x293: {  	[sflag:s17] =	ssyncadd.s32 $0xFFFFFF80  }
.Ltmp6:
0x294: {  	_ =	swait.ge [sflag:s17], $0x80;
	(pc) =	sbr.rel @p0 .LBB2_14-.Ltmp6, $4  }
0x295: {  	[sflag:s17] =	ssyncset.done $0x0  }
0x296: {  	[sflag:s17] =	ssyncadd.s32 $0xFFFFFF80  }
0x297: {  	_ =	swait.ge [sflag:s17], $0x80  }
0x298: {  	[sflag:s17] =	ssyncset.done $0x0  }
0x299: {  	[sflag:s17] =	ssyncadd.s32 $0xFFFFFF80;
	s0 =	simm.s32 $0x0  }
0x29a: {  	s1 =	rddreg [dreg:$0x4];
	s5 =	simm.s32 $0x8800;
	s10 =	simm.s32 $0x3  }
0x29b: {  	[hbm4b:s1+s0] =	stream.linear.scatter [tilespmem:s5], [sflag:$0x3], $0x8000, $0x38;
	[tilespmem:$0x10800] =	vst v63  }
0x29c: {  	_ =	swait.ge [sflag:s10], $0x8000  }
0x29d: {  	s11 =	sand.u32 $0x70, s0;
	s0 =	sand.u32 $0x200, s0;
	[sflag:s10] =	ssyncset.done $0x0  }
0x29e: {  	s0 =	sor.u32 s11, s0;
	[sflag:s10] =	ssyncadd.s32 $0xFFFF8000  }
0x29f: {  	v0 =	vld [tilespmem:s0+$0x480];
	_ =	sdelay $0x4  }
0x2a0: {  	v0 =	vshll.u32 v0, $0x4  }
0x2a1: {  	(v2sf) =	vpush v0, $0x0  }
0x2a2: {  	(v2sf) =	vpush v0, $0x1  }
0x2a3: {  	(v2sf) =	vpush v0, $0x2  }
0x2a4: {  	(v2sf) =	vpush v0, $0x3  }
0x2a5: {  	(v2sf) =	vpush v0, $0x4;
	_ =	sdelay $0x6  }
0x2a6: {  	(v2sf) =	vpush v0, $0x5  }
0x2a7: {  	s20 =	simm.s32 $0x2000  }
0x2a8: {  	s21 =	simm.s32 $0x10;
	s22 =	simm.s32 $0x40;
	s24 =	simm.s32 $0x4000;
	(v2sf) =	vpush v0, $0x6  }
0x2a9: {  	s25 =	simm.s32 $0x20;
	s23 =	simm.s32 $0x0;
	s26 =	simm.s32 $0x80  }
0x2aa: {  	s12 =	simm.s32 $0x8880;
	s28 =	simm.s32 $0x8E80;
	(v2sf) =	vpush v0, $0x7;
	s7 =	spop (v2sf)  }
0x2ab: {  	s6 =	simm.s32 $0x8800;
	s30 =	simm.s32 $0x8D80;
	s9 =	spop (v2sf)  }
0x2ac: {  	s29 =	simm.s32 $0x8E00;
	s8 =	simm.s32 $0x8900;
	s15 =	spop (v2sf)  }
0x2ad: {  	s5 =	simm.s32 $0x8C00;
	s7 =	sand.u32 $0x1FFFFFF0, s7;
	s10 =	spop (v2sf)  }
0x2ae: {  	s1 =	simm.s32 $0x8C80;
	s7 =	sadd.s32 s4, s7;
	s19 =	spop (v2sf);
	(v2sf) =	vpush v0, $0x8  }
0x2af: {  	[tilespmem:s6], [sflag:$0x2] =	stream.linear.gather [hbm4b:s7+s2], $0x80, $0x38;
	[tilespmem:$0x10800] =	vst v63  }
0x2b0: {  	s0 =	simm.s32 $0x8F80;
	s13 =	sand.u32 $0x1FFFFFF0, s9;
	s6 =	simm.s32 $0x8980;
	(v2sf) =	vpush v0, $0x9  }
0x2b1: {  	s7 =	sadd.s32 s4, s13;
	s9 =	sand.u32 $0x1FFFFFF0, s15;
	s18 =	sand.u32 $0x1FFFFFF0, s10  }
0x2b2: {  	[tilespmem:s12], [sflag:$0x2] =	stream.linear.gather [hbm4b:s7+s2], $0x80, $0x38;
	(v2sf) =	vpush v0, $0xA;
	[tilespmem:$0x10800] =	vst v63  }
0x2b3: {  	s13 =	simm.s32 $0x8A00;
	s16 =	sadd.s32 s4, s9;
	s10 =	sadd.s32 s4, s18  }
0x2b4: {  	[tilespmem:s8], [sflag:$0x2] =	stream.linear.gather [hbm4b:s16+s2], $0x80, $0x38;
	(v2sf) =	vpush v0, $0xB;
	[tilespmem:$0x10800] =	vst v63  }
0x2b5: {  	s11 =	sand.u32 $0x1FFFFFF0, s19;
	s12 =	spop (v2sf);
	s18 =	simm.s32 $0x8A80  }
0x2b6: {  	(v2sf) =	vpush v0, $0xC;
	[tilespmem:s6], [sflag:$0x2] =	stream.linear.gather [hbm4b:s10+s2], $0x80, $0x38;
	[tilespmem:$0x10800] =	vst v63  }
0x2b7: {  	s15 =	sadd.s32 s4, s11;
	s19 =	spop (v2sf);
	s16 =	sand.u32 $0x1FFFFFF0, s12  }
0x2b8: {  	(v2sf) =	vpush v0, $0xD;
	[tilespmem:s13], [sflag:$0x2] =	stream.linear.gather [hbm4b:s15+s2], $0x80, $0x38;
	[tilespmem:$0x10800] =	vst v63  }
0x2b9: {  	s8 =	simm.s32 $0x8B00;
	s11 =	spop (v2sf);
	s7 =	sadd.s32 s4, s16  }
0x2ba: {  	(v2sf) =	vpush v0, $0xE;
	[tilespmem:s18], [sflag:$0x2] =	stream.linear.gather [hbm4b:s7+s2], $0x80, $0x38;
	[tilespmem:$0x10800] =	vst v63  }
0x2bb: {  	s6 =	simm.s32 $0x8D00;
	s10 =	sand.u32 $0x1FFFFFF0, s19;
	(v2sf) =	vpush v0, $0xF;
	s7 =	simm.s32 $0x8B80  }
.LBB2_16:
0x2bc: {  	s10 =	sadd.s32 s4, s10  }
0x2bd: {  	s11 =	sand.u32 $0x1FFFFFF0, s11;
	s12 =	spop (v2sf);
	s9 =	smov.u32 s24  }
0x2be: {  	[tilespmem:s8], [sflag:$0x2] =	stream.linear.gather [hbm4b:s10+s2], $0x80, $0x38;
	[tilespmem:$0x10800] =	vst v63  }
0x2bf: {  	s8 =	sadd.s32 s4, s11;
	s10 =	sand.u32 $0x1FFFFFF0, s12;
	s11 =	spop (v2sf)  }
0x2c0: {  	[tilespmem:s7], [sflag:$0x2] =	stream.linear.gather [hbm4b:s8+s2], $0x80, $0x38;
	[tilespmem:$0x10800] =	vst v63  }
0x2c1: {  	s7 =	sadd.s32 s4, s10;
	s8 =	sand.u32 $0x1FFFFFF0, s11;
	s10 =	spop (v2sf)  }
0x2c2: {  	[tilespmem:s5], [sflag:$0x2] =	stream.linear.gather [hbm4b:s7+s2], $0x80, $0x38;
	[tilespmem:$0x10800] =	vst v63  }
0x2c3: {  	s5 =	sadd.s32 s4, s8;
	s7 =	sand.u32 $0x1FFFFFF0, s10;
	s8 =	spop (v2sf)  }
0x2c4: {  	[tilespmem:s1], [sflag:$0x2] =	stream.linear.gather [hbm4b:s5+s2], $0x80, $0x38;
	[tilespmem:$0x10800] =	vst v63  }
0x2c5: {  	s1 =	sadd.s32 s4, s7;
	s5 =	sand.u32 $0x1FFFFFF0, s8;
	s7 =	spop (v2sf)  }
0x2c6: {  	[tilespmem:s6], [sflag:$0x2] =	stream.linear.gather [hbm4b:s1+s2], $0x80, $0x38;
	[tilespmem:$0x10800] =	vst v63  }
0x2c7: {  	s1 =	sadd.s32 s4, s5;
	s5 =	sand.u32 $0x1FFFFFF0, s7;
	s6 =	spop (v2sf)  }
0x2c8: {  	[tilespmem:s30], [sflag:$0x2] =	stream.linear.gather [hbm4b:s1+s2], $0x80, $0x38;
	[tilespmem:$0x10800] =	vst v63  }
0x2c9: {  	s1 =	sadd.s32 s4, s5;
	s5 =	sand.u32 $0x1FFFFFF0, s6;
	s6 =	spop (v2sf)  }
0x2ca: {  	[tilespmem:s29], [sflag:$0x2] =	stream.linear.gather [hbm4b:s1+s2], $0x80, $0x38;
	[tilespmem:$0x10800] =	vst v63  }
0x2cb: {  	s1 =	sadd.s32 s4, s5;
	s5 =	sand.u32 $0x1FFFFFF0, s6;
	s6 =	spop (v2sf)  }
0x2cc: {  	[tilespmem:s28], [sflag:$0x2] =	stream.linear.gather [hbm4b:s1+s2], $0x80, $0x38;
	[tilespmem:$0x10800] =	vst v63  }
0x2cd: {  	s5 =	sadd.s32 s4, s5;
	s1 =	sadd.s32 $0x8F00, s23;
	s6 =	sand.u32 $0x1FFFFFF0, s6  }
0x2ce: {  	[tilespmem:s1], [sflag:$0x2] =	stream.linear.gather [hbm4b:s5+s2], $0x80, $0x38;
	[tilespmem:$0x10800] =	vst v63  }
0x2cf: {  	s6 =	sadd.s32 s4, s6;
	s1 =	sand.u32 $0x70, s21;
	s5 =	sand.u32 $0x200, s22  }
0x2d0: {  	[tilespmem:s0], [sflag:$0x2] =	stream.linear.gather [hbm4b:s6+s2], $0x80, $0x38;
	[tilespmem:$0x10800] =	vst v63  }
0x2d1: {  	p0 =	sne.s32 s24, $0x1E000;
	s24 =	sadd.s32 $0x2000, s24;
	s0 =	sor.u32 s1, s5  }
0x2d2: {  	s21 =	smov.u32 s25;
	s22 =	smov.u32 s26;
	v0 =	vld [tilespmem:s0+$0x480];
	_ =	sdelay $0x4  }
0x2d3: {  	s23 =	sshra.s32 s20, $0x2;
	s20 =	smov.u32 s9;
	s25 =	sadd.s32 $0x10, s25;
	v0 =	vshll.u32 v0, $0x4  }
0x2d4: {  	s10 =	sadd.s32 $0x8880, s23;
	s28 =	sadd.s32 $0x8E80, s23;
	s26 =	sadd.s32 $0x40, s26;
	(v2sf) =	vpush v0, $0x0  }
0x2d5: {  	s11 =	sadd.s32 $0x8800, s23;
	s30 =	sadd.s32 $0x8D80, s23;
	s29 =	sadd.s32 $0x8E00, s23;
	(v2sf) =	vpush v0, $0x1  }
0x2d6: {  	s5 =	sadd.s32 $0x8C00, s23;
	s1 =	sadd.s32 $0x8C80, s23;
	s6 =	sadd.s32 $0x8D00, s23;
	(v2sf) =	vpush v0, $0x2  }
0x2d7: {  	s8 =	sadd.s32 $0x8B00, s23;
	s7 =	sadd.s32 $0x8B80, s23  }
0x2d8: {  	s9 =	sadd.s32 $0x8A80, s23;
	(v2sf) =	vpush v0, $0x3  }
0x2d9: {  	s12 =	sadd.s32 $0x8A00, s23  }
0x2da: {  	(v2sf) =	vpush v0, $0x4  }
0x2db: {  	s0 =	sadd.s32 $0x8F80, s23  }
0x2dc: {  	(v2sf) =	vpush v0, $0x5;
	_ =	sdelay $0x1  }
0x2dd: {  	s13 =	sadd.s32 $0x8900, s23;
	(v2sf) =	vpush v0, $0x6;
	_ =	sdelay $0x1  }
0x2de: {  	s15 =	sadd.s32 $0x8980, s23;
	(v2sf) =	vpush v0, $0x7;
	_ =	sdelay $0x1  }
0x2df: {  	(v2sf) =	vpush v0, $0x8  }
0x2e0: {  	s16 =	spop (v2sf)  }
0x2e1: {  	s16 =	sand.u32 $0x1FFFFFF0, s16;
	s18 =	spop (v2sf);
	(v2sf) =	vpush v0, $0x9  }
0x2e2: {  	s16 =	sadd.s32 s4, s16;
	s18 =	sand.u32 $0x1FFFFFF0, s18;
	s19 =	spop (v2sf)  }
0x2e3: {  	[tilespmem:s11], [sflag:$0x2] =	stream.linear.gather [hbm4b:s16+s2], $0x80, $0x38;
	(v2sf) =	vpush v0, $0xA;
	[tilespmem:$0x10800] =	vst v63  }
0x2e4: {  	s11 =	sadd.s32 s4, s18;
	s16 =	sand.u32 $0x1FFFFFF0, s19;
	s18 =	spop (v2sf)  }
0x2e5: {  	[tilespmem:s10], [sflag:$0x2] =	stream.linear.gather [hbm4b:s11+s2], $0x80, $0x38;
	(v2sf) =	vpush v0, $0xB;
	[tilespmem:$0x10800] =	vst v63  }
0x2e6: {  	s10 =	sadd.s32 s4, s16;
	s11 =	sand.u32 $0x1FFFFFF0, s18;
	s16 =	spop (v2sf)  }
0x2e7: {  	[tilespmem:s13], [sflag:$0x2] =	stream.linear.gather [hbm4b:s10+s2], $0x80, $0x38;
	(v2sf) =	vpush v0, $0xC;
	[tilespmem:$0x10800] =	vst v63  }
0x2e8: {  	s10 =	sadd.s32 s4, s11;
	s11 =	sand.u32 $0x1FFFFFF0, s16;
	s13 =	spop (v2sf)  }
0x2e9: {  	[tilespmem:s15], [sflag:$0x2] =	stream.linear.gather [hbm4b:s10+s2], $0x80, $0x38;
	[tilespmem:$0x10800] =	vst v63  }
.Ltmp7:
0x2ea: {  	(v2sf) =	vpush v0, $0xD;
	(pc) =	sbr.rel @p0 .LBB2_16-.Ltmp7, $4  }
0x2eb: {  	s10 =	sadd.s32 s4, s11;
	s11 =	sand.u32 $0x1FFFFFF0, s13;
	s13 =	spop (v2sf)  }
0x2ec: {  	[tilespmem:s12], [sflag:$0x2] =	stream.linear.gather [hbm4b:s10+s2], $0x80, $0x38;
	(v2sf) =	vpush v0, $0xE;
	[tilespmem:$0x10800] =	vst v63  }
0x2ed: {  	s12 =	sadd.s32 s4, s11;
	s10 =	sand.u32 $0x1FFFFFF0, s13;
	s11 =	spop (v2sf)  }
0x2ee: {  	[tilespmem:s9], [sflag:$0x2] =	stream.linear.gather [hbm4b:s12+s2], $0x80, $0x38;
	(v2sf) =	vpush v0, $0xF;
	[tilespmem:$0x10800] =	vst v63  }
0x2ef: {  	s9 =	sadd.s32 s4, s10;
	s25 =	sand.u32 $0x1FFFFFF0, s11;
	s26 =	spop (v2sf)  }
0x2f0: {  	[tilespmem:s8], [sflag:$0x2] =	stream.linear.gather [hbm4b:s9+s2], $0x80, $0x38;
	[tilespmem:$0x10800] =	vst v63  }
0x2f1: {  	s12 =	sadd.s32 s4, s25;
	s15 =	spop (v2sf)  }
0x2f2: {  	[tilespmem:s7], [sflag:$0x2] =	stream.linear.gather [hbm4b:s12+s2], $0x80, $0x38;
	[tilespmem:$0x10800] =	vst v63  }
0x2f3: {  	s13 =	sand.u32 $0x1FFFFFF0, s26;
	s18 =	sand.u32 $0x1FFFFFF0, s15;
	s19 =	spop (v2sf)  }
0x2f4: {  	s16 =	sadd.s32 s4, s13;
	s24 =	sadd.s32 s4, s18;
	s25 =	sand.u32 $0x1FFFFFF0, s19  }
0x2f5: {  	[tilespmem:s5], [sflag:$0x2] =	stream.linear.gather [hbm4b:s16+s2], $0x80, $0x38;
	[tilespmem:$0x10800] =	vst v63  }
0x2f6: {  	s26 =	spop (v2sf);
	s5 =	sadd.s32 s4, s25;
	s25 =	sand.u32 $0x70, s21  }
0x2f7: {  	[tilespmem:s1], [sflag:$0x2] =	stream.linear.gather [hbm4b:s24+s2], $0x80, $0x38;
	[tilespmem:$0x10800] =	vst v63  }
0x2f8: {  	s7 =	sand.u32 $0x1FFFFFF0, s26;
	s26 =	sand.u32 $0x200, s22;
	s8 =	spop (v2sf)  }
0x2f9: {  	[tilespmem:s6], [sflag:$0x2] =	stream.linear.gather [hbm4b:s5+s2], $0x80, $0x38;
	[tilespmem:$0x10800] =	vst v63  }
0x2fa: {  	s9 =	sadd.s32 s4, s7;
	s10 =	sand.u32 $0x1FFFFFF0, s8;
	s11 =	spop (v2sf)  }
0x2fb: {  	[tilespmem:s30], [sflag:$0x2] =	stream.linear.gather [hbm4b:s9+s2], $0x80, $0x38;
	[tilespmem:$0x10800] =	vst v63  }
0x2fc: {  	s12 =	sadd.s32 s4, s10;
	s13 =	sand.u32 $0x1FFFFFF0, s11;
	s15 =	spop (v2sf)  }
0x2fd: {  	[tilespmem:s29], [sflag:$0x2] =	stream.linear.gather [hbm4b:s12+s2], $0x80, $0x38;
	[tilespmem:$0x10800] =	vst v63  }
0x2fe: {  	s16 =	sadd.s32 s4, s13;
	s18 =	sand.u32 $0x1FFFFFF0, s15;
	s19 =	spop (v2sf)  }
0x2ff: {  	[tilespmem:s28], [sflag:$0x2] =	stream.linear.gather [hbm4b:s16+s2], $0x80, $0x38;
	[tilespmem:$0x10800] =	vst v63  }
0x300: {  	s24 =	sadd.s32 $0x8F00, s23;
	s5 =	sadd.s32 s4, s18;
	s6 =	sand.u32 $0x1FFFFFF0, s19  }
0x301: {  	[tilespmem:s24], [sflag:$0x2] =	stream.linear.gather [hbm4b:s5+s2], $0x80, $0x38;
	[tilespmem:$0x10800] =	vst v63  }
0x302: {  	s28 =	sor.u32 s25, s26;
	s6 =	sadd.s32 s4, s6  }
0x303: {  	[tilespmem:s0], [sflag:$0x2] =	stream.linear.gather [hbm4b:s6+s2], $0x80, $0x38;
	[tilespmem:$0x10800] =	vst v63  }
0x304: {  	v0 =	vld [tilespmem:s28+$0x480];
	_ =	sdelay $0x4  }
0x305: {  	v0 =	vshll.u32 v0, $0x4  }
0x306: {  	(v2sf) =	vpush v0, $0x0  }
0x307: {  	(v2sf) =	vpush v0, $0x1  }
0x308: {  	(v2sf) =	vpush v0, $0x2;
	_ =	sdelay $0x1  }
0x309: {  	(v2sf) =	vpush v0, $0x3;
	_ =	sdelay $0x1  }
0x30a: {  	(v2sf) =	vpush v0, $0x4;
	_ =	sdelay $0x1  }
0x30b: {  	(v2sf) =	vpush v0, $0x5;
	_ =	sdelay $0x1  }
0x30c: {  	s0 =	sshra.s32 s20, $0x2;
	(v2sf) =	vpush v0, $0x6  }
0x30d: {  	s29 =	sadd.s32 $0x8880, s0;
	s1 =	sadd.s32 $0x8E80, s0  }
0x30e: {  	s30 =	sadd.s32 $0x8800, s0;
	s6 =	sadd.s32 $0x8D80, s0;
	s5 =	sadd.s32 $0x8E00, s0;
	(v2sf) =	vpush v0, $0x7  }
0x30f: {  	s9 =	sadd.s32 $0x8C00, s0;
	s10 =	sadd.s32 $0x8C80, s0;
	s11 =	sadd.s32 $0x8D00, s0  }
0x310: {  	s12 =	sadd.s32 $0x8B00, s0;
	s13 =	sadd.s32 $0x8B80, s0;
	s15 =	sadd.s32 $0x8A80, s0;
	(v2sf) =	vpush v0, $0x8  }
0x311: {  	s16 =	sadd.s32 $0x8A00, s0;
	s18 =	sadd.s32 $0x8900, s0;
	s19 =	spop (v2sf)  }
0x312: {  	s20 =	sadd.s32 $0x8980, s0;
	(v2sf) =	vpush v0, $0x9;
	s19 =	sand.u32 $0x1FFFFFF0, s19;
	s22 =	spop (v2sf)  }
0x313: {  	s19 =	sadd.s32 s4, s19;
	s21 =	sand.u32 $0x1FFFFFF0, s22;
	s23 =	spop (v2sf)  }
0x314: {  	(v2sf) =	vpush v0, $0xA;
	[tilespmem:s30], [sflag:$0x2] =	stream.linear.gather [hbm4b:s19+s2], $0x80, $0x38;
	[tilespmem:$0x10800] =	vst v63  }
0x315: {  	s24 =	sadd.s32 s4, s21;
	s25 =	sand.u32 $0x1FFFFFF0, s23;
	s26 =	spop (v2sf)  }
0x316: {  	(v2sf) =	vpush v0, $0xB;
	[tilespmem:s29], [sflag:$0x2] =	stream.linear.gather [hbm4b:s24+s2], $0x80, $0x38;
	[tilespmem:$0x10800] =	vst v63  }
0x317: {  	s28 =	sadd.s32 s4, s25;
	s30 =	spop (v2sf);
	s29 =	sand.u32 $0x1FFFFFF0, s26  }
0x318: {  	(v2sf) =	vpush v0, $0xC;
	[tilespmem:s18], [sflag:$0x2] =	stream.linear.gather [hbm4b:s28+s2], $0x80, $0x38;
	[tilespmem:$0x10800] =	vst v63  }
0x319: {  	s22 =	sand.u32 $0x1FFFFFF0, s30;
	s23 =	spop (v2sf);
	s21 =	sadd.s32 s4, s29  }
0x31a: {  	(v2sf) =	vpush v0, $0xD;
	[tilespmem:s20], [sflag:$0x2] =	stream.linear.gather [hbm4b:s21+s2], $0x80, $0x38;
	[tilespmem:$0x10800] =	vst v63  }
0x31b: {  	s24 =	sadd.s32 s4, s22;
	s25 =	sand.u32 $0x1FFFFFF0, s23;
	s26 =	spop (v2sf)  }
0x31c: {  	(v2sf) =	vpush v0, $0xE;
	[tilespmem:s16], [sflag:$0x2] =	stream.linear.gather [hbm4b:s24+s2], $0x80, $0x38;
	[tilespmem:$0x10800] =	vst v63  }
0x31d: {  	s28 =	sadd.s32 s4, s25;
	s29 =	sand.u32 $0x1FFFFFF0, s26;
	s30 =	spop (v2sf)  }
0x31e: {  	(v2sf) =	vpush v0, $0xF;
	[tilespmem:s15], [sflag:$0x2] =	stream.linear.gather [hbm4b:s28+s2], $0x80, $0x38;
	[tilespmem:$0x10800] =	vst v63  }
0x31f: {  	s18 =	sadd.s32 s4, s29;
	s19 =	sand.u32 $0x1FFFFFF0, s30;
	s20 =	spop (v2sf)  }
0x320: {  	[tilespmem:s12], [sflag:$0x2] =	stream.linear.gather [hbm4b:s18+s2], $0x80, $0x38;
	[tilespmem:$0x10800] =	vst v63  }
0x321: {  	s21 =	sadd.s32 s4, s19;
	s22 =	sand.u32 $0x1FFFFFF0, s20;
	s23 =	spop (v2sf)  }
0x322: {  	[tilespmem:s13], [sflag:$0x2] =	stream.linear.gather [hbm4b:s21+s2], $0x80, $0x38;
	[tilespmem:$0x10800] =	vst v63  }
0x323: {  	s24 =	sadd.s32 s4, s22;
	s25 =	sand.u32 $0x1FFFFFF0, s23;
	s26 =	spop (v2sf)  }
0x324: {  	[tilespmem:s9], [sflag:$0x2] =	stream.linear.gather [hbm4b:s24+s2], $0x80, $0x38;
	[tilespmem:$0x10800] =	vst v63  }
0x325: {  	s28 =	sadd.s32 s4, s25;
	s29 =	sand.u32 $0x1FFFFFF0, s26;
	s30 =	spop (v2sf)  }
0x326: {  	[tilespmem:s10], [sflag:$0x2] =	stream.linear.gather [hbm4b:s28+s2], $0x80, $0x38;
	[tilespmem:$0x10800] =	vst v63  }
0x327: {  	s12 =	sadd.s32 s4, s29;
	s13 =	sand.u32 $0x1FFFFFF0, s30;
	s15 =	spop (v2sf)  }
0x328: {  	[tilespmem:s11], [sflag:$0x2] =	stream.linear.gather [hbm4b:s12+s2], $0x80, $0x38;
	[tilespmem:$0x10800] =	vst v63  }
0x329: {  	s16 =	sadd.s32 s4, s13;
	s18 =	sand.u32 $0x1FFFFFF0, s15;
	s19 =	spop (v2sf)  }
0x32a: {  	[tilespmem:s6], [sflag:$0x2] =	stream.linear.gather [hbm4b:s16+s2], $0x80, $0x38;
	[tilespmem:$0x10800] =	vst v63  }
0x32b: {  	s20 =	sadd.s32 s4, s18;
	s21 =	sand.u32 $0x1FFFFFF0, s19;
	s22 =	spop (v2sf)  }
0x32c: {  	[tilespmem:s5], [sflag:$0x2] =	stream.linear.gather [hbm4b:s20+s2], $0x80, $0x38;
	[tilespmem:$0x10800] =	vst v63  }
0x32d: {  	s23 =	sadd.s32 s4, s21;
	s24 =	sand.u32 $0x1FFFFFF0, s22;
	s25 =	spop (v2sf)  }
0x32e: {  	[tilespmem:s1], [sflag:$0x2] =	stream.linear.gather [hbm4b:s23+s2], $0x80, $0x38;
	[tilespmem:$0x10800] =	vst v63  }
0x32f: {  	s26 =	sadd.s32 $0x8F00, s0;
	s28 =	sadd.s32 s4, s24;
	s29 =	sand.u32 $0x1FFFFFF0, s25  }
0x330: {  	[tilespmem:s26], [sflag:$0x2] =	stream.linear.gather [hbm4b:s28+s2], $0x80, $0x38;
	[tilespmem:$0x10800] =	vst v63  }
0x331: {  	s0 =	sadd.s32 $0x8F80, s0;
	s30 =	sadd.s32 s4, s29  }
0x332: {  	[tilespmem:s0], [sflag:$0x2] =	stream.linear.gather [hbm4b:s30+s2], $0x80, $0x38;
	[tilespmem:$0x10800] =	vst v63  }
0x333: {  	_ =	swait.ge [sflag:s14], $0x80  }
0x334: {  	[sflag:s14] =	ssyncset.done $0x0  }
0x335: {  	[sflag:s14] =	ssyncadd.s32 $0xFFFFFF80  }
0x336: {  	_ =	swait.ge [sflag:s14], $0x80  }
0x337: {  	[sflag:s14] =	ssyncset.done $0x0  }
0x338: {  	[sflag:s14] =	ssyncadd.s32 $0xFFFFFF80  }
0x339: {  	_ =	swait.ge [sflag:s14], $0x80  }
0x33a: {  	[sflag:s14] =	ssyncset.done $0x0  }
0x33b: {  	[sflag:s14] =	ssyncadd.s32 $0xFFFFFF80  }
0x33c: {  	_ =	swait.ge [sflag:s14], $0x80  }
0x33d: {  	[sflag:s14] =	ssyncset.done $0x0  }
0x33e: {  	[sflag:s14] =	ssyncadd.s32 $0xFFFFFF80  }
0x33f: {  	_ =	swait.ge [sflag:s14], $0x80  }
0x340: {  	[sflag:s14] =	ssyncset.done $0x0  }
0x341: {  	[sflag:s14] =	ssyncadd.s32 $0xFFFFFF80  }
0x342: {  	_ =	swait.ge [sflag:s14], $0x80  }
0x343: {  	[sflag:s14] =	ssyncset.done $0x0  }
0x344: {  	[sflag:s14] =	ssyncadd.s32 $0xFFFFFF80  }
0x345: {  	_ =	swait.ge [sflag:s14], $0x80  }
0x346: {  	[sflag:s14] =	ssyncset.done $0x0  }
0x347: {  	[sflag:s14] =	ssyncadd.s32 $0xFFFFFF80  }
0x348: {  	_ =	swait.ge [sflag:s14], $0x80  }
0x349: {  	[sflag:s14] =	ssyncset.done $0x0  }
0x34a: {  	[sflag:s14] =	ssyncadd.s32 $0xFFFFFF80  }
0x34b: {  	_ =	swait.ge [sflag:s14], $0x80  }
0x34c: {  	[sflag:s14] =	ssyncset.done $0x0  }
0x34d: {  	[sflag:s14] =	ssyncadd.s32 $0xFFFFFF80  }
0x34e: {  	_ =	swait.ge [sflag:s14], $0x80  }
0x34f: {  	[sflag:s14] =	ssyncset.done $0x0  }
0x350: {  	[sflag:s14] =	ssyncadd.s32 $0xFFFFFF80  }
0x351: {  	_ =	swait.ge [sflag:s14], $0x80  }
0x352: {  	[sflag:s14] =	ssyncset.done $0x0  }
0x353: {  	[sflag:s14] =	ssyncadd.s32 $0xFFFFFF80  }
0x354: {  	_ =	swait.ge [sflag:s14], $0x80  }
0x355: {  	[sflag:s14] =	ssyncset.done $0x0  }
0x356: {  	[sflag:s14] =	ssyncadd.s32 $0xFFFFFF80  }
0x357: {  	_ =	swait.ge [sflag:s14], $0x80  }
0x358: {  	[sflag:s14] =	ssyncset.done $0x0  }
0x359: {  	[sflag:s14] =	ssyncadd.s32 $0xFFFFFF80  }
0x35a: {  	_ =	swait.ge [sflag:s14], $0x80  }
0x35b: {  	[sflag:s14] =	ssyncset.done $0x0  }
0x35c: {  	[sflag:s14] =	ssyncadd.s32 $0xFFFFFF80  }
0x35d: {  	_ =	swait.ge [sflag:s14], $0x80  }
0x35e: {  	[sflag:s14] =	ssyncset.done $0x0  }
0x35f: {  	[sflag:s14] =	ssyncadd.s32 $0xFFFFFF80  }
0x360: {  	_ =	swait.ge [sflag:s14], $0x80  }
0x361: {  	s0 =	simm.s32 $0xF;
	[sflag:s14] =	ssyncset.done $0x0  }
.LBB2_18:
0x362: {  	p0 =	sne.s32 s0, $0x1;
	s0 =	sadd.s32 $0xFFFFFFFF, s0;
	[sflag:s14] =	ssyncadd.s32 $0xFFFFFF80  }
0x363: {  	_ =	swait.ge [sflag:s14], $0x80  }
0x364: {  	[sflag:s14] =	ssyncset.done $0x0  }
0x365: {  	[sflag:s14] =	ssyncadd.s32 $0xFFFFFF80  }
0x366: {  	_ =	swait.ge [sflag:s14], $0x80  }
0x367: {  	[sflag:s14] =	ssyncset.done $0x0  }
0x368: {  	[sflag:s14] =	ssyncadd.s32 $0xFFFFFF80  }
0x369: {  	_ =	swait.ge [sflag:s14], $0x80  }
0x36a: {  	[sflag:s14] =	ssyncset.done $0x0  }
0x36b: {  	[sflag:s14] =	ssyncadd.s32 $0xFFFFFF80  }
0x36c: {  	_ =	swait.ge [sflag:s14], $0x80  }
0x36d: {  	[sflag:s14] =	ssyncset.done $0x0  }
0x36e: {  	[sflag:s14] =	ssyncadd.s32 $0xFFFFFF80  }
0x36f: {  	_ =	swait.ge [sflag:s14], $0x80  }
0x370: {  	[sflag:s14] =	ssyncset.done $0x0  }
0x371: {  	[sflag:s14] =	ssyncadd.s32 $0xFFFFFF80  }
0x372: {  	_ =	swait.ge [sflag:s14], $0x80  }
0x373: {  	[sflag:s14] =	ssyncset.done $0x0  }
0x374: {  	[sflag:s14] =	ssyncadd.s32 $0xFFFFFF80  }
0x375: {  	_ =	swait.ge [sflag:s14], $0x80  }
0x376: {  	[sflag:s14] =	ssyncset.done $0x0  }
0x377: {  	[sflag:s14] =	ssyncadd.s32 $0xFFFFFF80  }
0x378: {  	_ =	swait.ge [sflag:s14], $0x80  }
0x379: {  	[sflag:s14] =	ssyncset.done $0x0  }
0x37a: {  	[sflag:s14] =	ssyncadd.s32 $0xFFFFFF80  }
0x37b: {  	_ =	swait.ge [sflag:s14], $0x80  }
0x37c: {  	[sflag:s14] =	ssyncset.done $0x0  }
0x37d: {  	[sflag:s14] =	ssyncadd.s32 $0xFFFFFF80  }
0x37e: {  	_ =	swait.ge [sflag:s14], $0x80  }
0x37f: {  	[sflag:s14] =	ssyncset.done $0x0  }
0x380: {  	[sflag:s14] =	ssyncadd.s32 $0xFFFFFF80  }
0x381: {  	_ =	swait.ge [sflag:s14], $0x80  }
0x382: {  	[sflag:s14] =	ssyncset.done $0x0  }
0x383: {  	[sflag:s14] =	ssyncadd.s32 $0xFFFFFF80  }
0x384: {  	_ =	swait.ge [sflag:s14], $0x80  }
0x385: {  	[sflag:s14] =	ssyncset.done $0x0  }
0x386: {  	[sflag:s14] =	ssyncadd.s32 $0xFFFFFF80  }
0x387: {  	_ =	swait.ge [sflag:s14], $0x80  }
0x388: {  	[sflag:s14] =	ssyncset.done $0x0  }
0x389: {  	[sflag:s14] =	ssyncadd.s32 $0xFFFFFF80  }
0x38a: {  	_ =	swait.ge [sflag:s14], $0x80  }
0x38b: {  	[sflag:s14] =	ssyncset.done $0x0  }
0x38c: {  	[sflag:s14] =	ssyncadd.s32 $0xFFFFFF80  }
.Ltmp8:
0x38d: {  	_ =	swait.ge [sflag:s14], $0x80;
	(pc) =	sbr.rel @p0 .LBB2_18-.Ltmp8, $4  }
0x38e: {  	[sflag:s14] =	ssyncset.done $0x0  }
0x38f: {  	[sflag:s14] =	ssyncadd.s32 $0xFFFFFF80  }
0x390: {  	_ =	swait.ge [sflag:s14], $0x80  }
0x391: {  	[sflag:s14] =	ssyncset.done $0x0  }
0x392: {  	[sflag:s14] =	ssyncadd.s32 $0xFFFFFF80  }
0x393: {  	s0 =	simm.s32 $0x0;
	s1 =	rddreg [dreg:$0x5];
	s5 =	simm.s32 $0x3  }
0x394: {  	[hbm4b:s1+s0] =	stream.linear.scatter [tilespmem:s31], [sflag:$0x3], $0x8000, $0x38;
	[tilespmem:$0x10800] =	vst v63  }
0x395: {  	_ =	swait.ge [sflag:s5], $0x8000  }
0x396: {  	s11 =	sand.u32 $0x70, s0;
	s0 =	sand.u32 $0x200, s0;
	[sflag:s5] =	ssyncset.done $0x0  }
0x397: {  	s0 =	sor.u32 s11, s0;
	[sflag:s5] =	ssyncadd.s32 $0xFFFF8000  }
0x398: {  	v0 =	vld [tilespmem:s0+$0x100];
	_ =	sdelay $0x4  }
0x399: {  	v0 =	vshll.u32 v0, $0x4  }
0x39a: {  	(v2sf) =	vpush v0, $0x0  }
0x39b: {  	(v2sf) =	vpush v0, $0x1  }
0x39c: {  	(v2sf) =	vpush v0, $0x2  }
0x39d: {  	(v2sf) =	vpush v0, $0x3  }
0x39e: {  	(v2sf) =	vpush v0, $0x4;
	_ =	sdelay $0x6  }
0x39f: {  	(v2sf) =	vpush v0, $0x5  }
0x3a0: {  	s20 =	simm.s32 $0x2000  }
0x3a1: {  	s21 =	simm.s32 $0x10;
	s22 =	simm.s32 $0x40;
	s24 =	simm.s32 $0x4000;
	(v2sf) =	vpush v0, $0x6  }
0x3a2: {  	s25 =	simm.s32 $0x20;
	s23 =	simm.s32 $0x0;
	s26 =	simm.s32 $0x80  }
0x3a3: {  	s12 =	simm.s32 $0x880;
	s28 =	simm.s32 $0xE80;
	(v2sf) =	vpush v0, $0x7;
	s7 =	spop (v2sf)  }
0x3a4: {  	s6 =	simm.s32 $0x800;
	s30 =	simm.s32 $0xD80;
	s9 =	spop (v2sf)  }
0x3a5: {  	s29 =	simm.s32 $0xE00;
	s8 =	simm.s32 $0x900;
	s15 =	spop (v2sf)  }
0x3a6: {  	s1 =	simm.s32 $0xC80;
	s7 =	sand.u32 $0x1FFFFFF0, s7;
	s10 =	spop (v2sf)  }
0x3a7: {  	s5 =	simm.s32 $0xC00;
	s7 =	sadd.s32 s4, s7;
	s19 =	spop (v2sf);
	(v2sf) =	vpush v0, $0x8  }
0x3a8: {  	[tilespmem:s6], [sflag:$0x1] =	stream.linear.gather [hbm4b:s7+s2], $0x80, $0x38;
	[tilespmem:$0x10800] =	vst v63  }
0x3a9: {  	s0 =	simm.s32 $0xF80;
	s13 =	sand.u32 $0x1FFFFFF0, s9;
	s6 =	simm.s32 $0x980;
	(v2sf) =	vpush v0, $0x9  }
0x3aa: {  	s7 =	sadd.s32 s4, s13;
	s9 =	sand.u32 $0x1FFFFFF0, s15;
	s18 =	sand.u32 $0x1FFFFFF0, s10  }
0x3ab: {  	[tilespmem:s12], [sflag:$0x1] =	stream.linear.gather [hbm4b:s7+s2], $0x80, $0x38;
	(v2sf) =	vpush v0, $0xA;
	[tilespmem:$0x10800] =	vst v63  }
0x3ac: {  	s13 =	simm.s32 $0xA00;
	s16 =	sadd.s32 s4, s9;
	s10 =	sadd.s32 s4, s18  }
0x3ad: {  	[tilespmem:s8], [sflag:$0x1] =	stream.linear.gather [hbm4b:s16+s2], $0x80, $0x38;
	(v2sf) =	vpush v0, $0xB;
	[tilespmem:$0x10800] =	vst v63  }
0x3ae: {  	s11 =	sand.u32 $0x1FFFFFF0, s19;
	s12 =	spop (v2sf);
	s18 =	simm.s32 $0xA80  }
0x3af: {  	(v2sf) =	vpush v0, $0xC;
	[tilespmem:s6], [sflag:$0x1] =	stream.linear.gather [hbm4b:s10+s2], $0x80, $0x38;
	[tilespmem:$0x10800] =	vst v63  }
0x3b0: {  	s15 =	sadd.s32 s4, s11;
	s19 =	spop (v2sf);
	s16 =	sand.u32 $0x1FFFFFF0, s12  }
0x3b1: {  	(v2sf) =	vpush v0, $0xD;
	[tilespmem:s13], [sflag:$0x1] =	stream.linear.gather [hbm4b:s15+s2], $0x80, $0x38;
	[tilespmem:$0x10800] =	vst v63  }
0x3b2: {  	s8 =	simm.s32 $0xB00;
	s11 =	spop (v2sf);
	s7 =	sadd.s32 s4, s16  }
0x3b3: {  	(v2sf) =	vpush v0, $0xE;
	[tilespmem:s18], [sflag:$0x1] =	stream.linear.gather [hbm4b:s7+s2], $0x80, $0x38;
	[tilespmem:$0x10800] =	vst v63  }
0x3b4: {  	s6 =	simm.s32 $0xD00;
	s10 =	sand.u32 $0x1FFFFFF0, s19;
	(v2sf) =	vpush v0, $0xF;
	s7 =	simm.s32 $0xB80  }
.LBB2_20:
0x3b5: {  	s10 =	sadd.s32 s4, s10  }
0x3b6: {  	s11 =	sand.u32 $0x1FFFFFF0, s11;
	s12 =	spop (v2sf);
	s9 =	smov.u32 s24  }
0x3b7: {  	[tilespmem:s8], [sflag:$0x1] =	stream.linear.gather [hbm4b:s10+s2], $0x80, $0x38;
	[tilespmem:$0x10800] =	vst v63  }
0x3b8: {  	s8 =	sadd.s32 s4, s11;
	s10 =	sand.u32 $0x1FFFFFF0, s12;
	s11 =	spop (v2sf)  }
0x3b9: {  	[tilespmem:s7], [sflag:$0x1] =	stream.linear.gather [hbm4b:s8+s2], $0x80, $0x38;
	[tilespmem:$0x10800] =	vst v63  }
0x3ba: {  	s7 =	sadd.s32 s4, s10;
	s8 =	sand.u32 $0x1FFFFFF0, s11;
	s10 =	spop (v2sf)  }
0x3bb: {  	[tilespmem:s5], [sflag:$0x1] =	stream.linear.gather [hbm4b:s7+s2], $0x80, $0x38;
	[tilespmem:$0x10800] =	vst v63  }
0x3bc: {  	s5 =	sadd.s32 s4, s8;
	s7 =	sand.u32 $0x1FFFFFF0, s10;
	s8 =	spop (v2sf)  }
0x3bd: {  	[tilespmem:s1], [sflag:$0x1] =	stream.linear.gather [hbm4b:s5+s2], $0x80, $0x38;
	[tilespmem:$0x10800] =	vst v63  }
0x3be: {  	s1 =	sadd.s32 s4, s7;
	s5 =	sand.u32 $0x1FFFFFF0, s8;
	s7 =	spop (v2sf)  }
0x3bf: {  	[tilespmem:s6], [sflag:$0x1] =	stream.linear.gather [hbm4b:s1+s2], $0x80, $0x38;
	[tilespmem:$0x10800] =	vst v63  }
0x3c0: {  	s1 =	sadd.s32 s4, s5;
	s5 =	sand.u32 $0x1FFFFFF0, s7;
	s6 =	spop (v2sf)  }
0x3c1: {  	[tilespmem:s30], [sflag:$0x1] =	stream.linear.gather [hbm4b:s1+s2], $0x80, $0x38;
	[tilespmem:$0x10800] =	vst v63  }
0x3c2: {  	s1 =	sadd.s32 s4, s5;
	s5 =	sand.u32 $0x1FFFFFF0, s6;
	s6 =	spop (v2sf)  }
0x3c3: {  	[tilespmem:s29], [sflag:$0x1] =	stream.linear.gather [hbm4b:s1+s2], $0x80, $0x38;
	[tilespmem:$0x10800] =	vst v63  }
0x3c4: {  	s1 =	sadd.s32 s4, s5;
	s5 =	sand.u32 $0x1FFFFFF0, s6;
	s6 =	spop (v2sf)  }
0x3c5: {  	[tilespmem:s28], [sflag:$0x1] =	stream.linear.gather [hbm4b:s1+s2], $0x80, $0x38;
	[tilespmem:$0x10800] =	vst v63  }
0x3c6: {  	s5 =	sadd.s32 s4, s5;
	s1 =	sadd.s32 $0xF00, s23;
	s6 =	sand.u32 $0x1FFFFFF0, s6  }
0x3c7: {  	[tilespmem:s1], [sflag:$0x1] =	stream.linear.gather [hbm4b:s5+s2], $0x80, $0x38;
	[tilespmem:$0x10800] =	vst v63  }
0x3c8: {  	s6 =	sadd.s32 s4, s6;
	s1 =	sand.u32 $0x70, s21;
	s5 =	sand.u32 $0x200, s22  }
0x3c9: {  	[tilespmem:s0], [sflag:$0x1] =	stream.linear.gather [hbm4b:s6+s2], $0x80, $0x38;
	[tilespmem:$0x10800] =	vst v63  }
0x3ca: {  	p0 =	sne.s32 s24, $0x1E000;
	s24 =	sadd.s32 $0x2000, s24;
	s0 =	sor.u32 s1, s5  }
0x3cb: {  	s21 =	smov.u32 s25;
	s22 =	smov.u32 s26;
	v0 =	vld [tilespmem:s0+$0x100];
	_ =	sdelay $0x4  }
0x3cc: {  	s23 =	sshra.s32 s20, $0x2;
	s20 =	smov.u32 s9;
	s25 =	sadd.s32 $0x10, s25;
	v0 =	vshll.u32 v0, $0x4  }
0x3cd: {  	s10 =	sadd.s32 $0x880, s23;
	s28 =	sadd.s32 $0xE80, s23;
	s26 =	sadd.s32 $0x40, s26;
	(v2sf) =	vpush v0, $0x0  }
0x3ce: {  	s11 =	sadd.s32 $0x800, s23;
	s30 =	sadd.s32 $0xD80, s23;
	s29 =	sadd.s32 $0xE00, s23;
	(v2sf) =	vpush v0, $0x1  }
0x3cf: {  	s5 =	sadd.s32 $0xC00, s23;
	s1 =	sadd.s32 $0xC80, s23;
	s6 =	sadd.s32 $0xD00, s23;
	(v2sf) =	vpush v0, $0x2  }
0x3d0: {  	s8 =	sadd.s32 $0xB00, s23;
	s7 =	sadd.s32 $0xB80, s23  }
0x3d1: {  	s9 =	sadd.s32 $0xA80, s23;
	(v2sf) =	vpush v0, $0x3  }
0x3d2: {  	s12 =	sadd.s32 $0xA00, s23  }
0x3d3: {  	(v2sf) =	vpush v0, $0x4  }
0x3d4: {  	s0 =	sadd.s32 $0xF80, s23  }
0x3d5: {  	(v2sf) =	vpush v0, $0x5;
	_ =	sdelay $0x1  }
0x3d6: {  	s13 =	sadd.s32 $0x900, s23;
	(v2sf) =	vpush v0, $0x6;
	_ =	sdelay $0x1  }
0x3d7: {  	s15 =	sadd.s32 $0x980, s23;
	(v2sf) =	vpush v0, $0x7;
	_ =	sdelay $0x1  }
0x3d8: {  	(v2sf) =	vpush v0, $0x8  }
0x3d9: {  	s16 =	spop (v2sf)  }
0x3da: {  	s16 =	sand.u32 $0x1FFFFFF0, s16;
	s18 =	spop (v2sf);
	(v2sf) =	vpush v0, $0x9  }
0x3db: {  	s16 =	sadd.s32 s4, s16;
	s18 =	sand.u32 $0x1FFFFFF0, s18;
	s19 =	spop (v2sf)  }
0x3dc: {  	[tilespmem:s11], [sflag:$0x1] =	stream.linear.gather [hbm4b:s16+s2], $0x80, $0x38;
	(v2sf) =	vpush v0, $0xA;
	[tilespmem:$0x10800] =	vst v63  }
0x3dd: {  	s11 =	sadd.s32 s4, s18;
	s16 =	sand.u32 $0x1FFFFFF0, s19;
	s18 =	spop (v2sf)  }
0x3de: {  	[tilespmem:s10], [sflag:$0x1] =	stream.linear.gather [hbm4b:s11+s2], $0x80, $0x38;
	(v2sf) =	vpush v0, $0xB;
	[tilespmem:$0x10800] =	vst v63  }
0x3df: {  	s10 =	sadd.s32 s4, s16;
	s11 =	sand.u32 $0x1FFFFFF0, s18;
	s16 =	spop (v2sf)  }
0x3e0: {  	[tilespmem:s13], [sflag:$0x1] =	stream.linear.gather [hbm4b:s10+s2], $0x80, $0x38;
	(v2sf) =	vpush v0, $0xC;
	[tilespmem:$0x10800] =	vst v63  }
0x3e1: {  	s10 =	sadd.s32 s4, s11;
	s11 =	sand.u32 $0x1FFFFFF0, s16;
	s13 =	spop (v2sf)  }
0x3e2: {  	[tilespmem:s15], [sflag:$0x1] =	stream.linear.gather [hbm4b:s10+s2], $0x80, $0x38;
	[tilespmem:$0x10800] =	vst v63  }
.Ltmp9:
0x3e3: {  	(v2sf) =	vpush v0, $0xD;
	(pc) =	sbr.rel @p0 .LBB2_20-.Ltmp9, $4  }
0x3e4: {  	s10 =	sadd.s32 s4, s11;
	s11 =	sand.u32 $0x1FFFFFF0, s13;
	s13 =	spop (v2sf)  }
0x3e5: {  	[tilespmem:s12], [sflag:$0x1] =	stream.linear.gather [hbm4b:s10+s2], $0x80, $0x38;
	(v2sf) =	vpush v0, $0xE;
	[tilespmem:$0x10800] =	vst v63  }
0x3e6: {  	s12 =	sadd.s32 s4, s11;
	s10 =	sand.u32 $0x1FFFFFF0, s13;
	s11 =	spop (v2sf)  }
0x3e7: {  	[tilespmem:s9], [sflag:$0x1] =	stream.linear.gather [hbm4b:s12+s2], $0x80, $0x38;
	(v2sf) =	vpush v0, $0xF;
	[tilespmem:$0x10800] =	vst v63  }
0x3e8: {  	s9 =	sadd.s32 s4, s10;
	s25 =	sand.u32 $0x1FFFFFF0, s11;
	s26 =	spop (v2sf)  }
0x3e9: {  	[tilespmem:s8], [sflag:$0x1] =	stream.linear.gather [hbm4b:s9+s2], $0x80, $0x38;
	[tilespmem:$0x10800] =	vst v63  }
0x3ea: {  	s12 =	sadd.s32 s4, s25;
	s15 =	spop (v2sf)  }
0x3eb: {  	[tilespmem:s7], [sflag:$0x1] =	stream.linear.gather [hbm4b:s12+s2], $0x80, $0x38;
	[tilespmem:$0x10800] =	vst v63  }
0x3ec: {  	s13 =	sand.u32 $0x1FFFFFF0, s26;
	s18 =	sand.u32 $0x1FFFFFF0, s15;
	s19 =	spop (v2sf)  }
0x3ed: {  	s16 =	sadd.s32 s4, s13;
	s24 =	sadd.s32 s4, s18;
	s25 =	sand.u32 $0x1FFFFFF0, s19  }
0x3ee: {  	[tilespmem:s5], [sflag:$0x1] =	stream.linear.gather [hbm4b:s16+s2], $0x80, $0x38;
	[tilespmem:$0x10800] =	vst v63  }
0x3ef: {  	s26 =	spop (v2sf);
	s5 =	sadd.s32 s4, s25;
	s25 =	sand.u32 $0x70, s21  }
0x3f0: {  	[tilespmem:s1], [sflag:$0x1] =	stream.linear.gather [hbm4b:s24+s2], $0x80, $0x38;
	[tilespmem:$0x10800] =	vst v63  }
0x3f1: {  	s7 =	sand.u32 $0x1FFFFFF0, s26;
	s26 =	sand.u32 $0x200, s22;
	s8 =	spop (v2sf)  }
0x3f2: {  	[tilespmem:s6], [sflag:$0x1] =	stream.linear.gather [hbm4b:s5+s2], $0x80, $0x38;
	[tilespmem:$0x10800] =	vst v63  }
0x3f3: {  	s9 =	sadd.s32 s4, s7;
	s10 =	sand.u32 $0x1FFFFFF0, s8;
	s11 =	spop (v2sf)  }
0x3f4: {  	[tilespmem:s30], [sflag:$0x1] =	stream.linear.gather [hbm4b:s9+s2], $0x80, $0x38;
	[tilespmem:$0x10800] =	vst v63  }
0x3f5: {  	s12 =	sadd.s32 s4, s10;
	s13 =	sand.u32 $0x1FFFFFF0, s11;
	s15 =	spop (v2sf)  }
0x3f6: {  	[tilespmem:s29], [sflag:$0x1] =	stream.linear.gather [hbm4b:s12+s2], $0x80, $0x38;
	[tilespmem:$0x10800] =	vst v63  }
0x3f7: {  	s16 =	sadd.s32 s4, s13;
	s18 =	sand.u32 $0x1FFFFFF0, s15;
	s19 =	spop (v2sf)  }
0x3f8: {  	[tilespmem:s28], [sflag:$0x1] =	stream.linear.gather [hbm4b:s16+s2], $0x80, $0x38;
	[tilespmem:$0x10800] =	vst v63  }
0x3f9: {  	s24 =	sadd.s32 $0xF00, s23;
	s5 =	sadd.s32 s4, s18;
	s6 =	sand.u32 $0x1FFFFFF0, s19  }
0x3fa: {  	[tilespmem:s24], [sflag:$0x1] =	stream.linear.gather [hbm4b:s5+s2], $0x80, $0x38;
	[tilespmem:$0x10800] =	vst v63  }
0x3fb: {  	s28 =	sor.u32 s25, s26;
	s6 =	sadd.s32 s4, s6  }
0x3fc: {  	[tilespmem:s0], [sflag:$0x1] =	stream.linear.gather [hbm4b:s6+s2], $0x80, $0x38;
	[tilespmem:$0x10800] =	vst v63  }
0x3fd: {  	v0 =	vld [tilespmem:s28+$0x100];
	_ =	sdelay $0x4  }
0x3fe: {  	v0 =	vshll.u32 v0, $0x4  }
0x3ff: {  	(v2sf) =	vpush v0, $0x0  }
0x400: {  	(v2sf) =	vpush v0, $0x1  }
0x401: {  	(v2sf) =	vpush v0, $0x2;
	_ =	sdelay $0x1  }
0x402: {  	(v2sf) =	vpush v0, $0x3;
	_ =	sdelay $0x1  }
0x403: {  	(v2sf) =	vpush v0, $0x4;
	_ =	sdelay $0x1  }
0x404: {  	(v2sf) =	vpush v0, $0x5;
	_ =	sdelay $0x1  }
0x405: {  	s0 =	sshra.s32 s20, $0x2;
	(v2sf) =	vpush v0, $0x6  }
0x406: {  	s29 =	sadd.s32 $0x880, s0;
	s1 =	sadd.s32 $0xE80, s0  }
0x407: {  	s30 =	sadd.s32 $0x800, s0;
	s6 =	sadd.s32 $0xD80, s0;
	s5 =	sadd.s32 $0xE00, s0;
	(v2sf) =	vpush v0, $0x7  }
0x408: {  	s9 =	sadd.s32 $0xC00, s0;
	s10 =	sadd.s32 $0xC80, s0;
	s11 =	sadd.s32 $0xD00, s0  }
0x409: {  	s12 =	sadd.s32 $0xB00, s0;
	s13 =	sadd.s32 $0xB80, s0;
	s15 =	sadd.s32 $0xA80, s0;
	(v2sf) =	vpush v0, $0x8  }
0x40a: {  	s16 =	sadd.s32 $0xA00, s0;
	s18 =	sadd.s32 $0x900, s0;
	s19 =	spop (v2sf)  }
0x40b: {  	s20 =	sadd.s32 $0x980, s0;
	(v2sf) =	vpush v0, $0x9;
	s19 =	sand.u32 $0x1FFFFFF0, s19;
	s22 =	spop (v2sf)  }
0x40c: {  	s19 =	sadd.s32 s4, s19;
	s21 =	sand.u32 $0x1FFFFFF0, s22;
	s23 =	spop (v2sf)  }
0x40d: {  	(v2sf) =	vpush v0, $0xA;
	[tilespmem:s30], [sflag:$0x1] =	stream.linear.gather [hbm4b:s19+s2], $0x80, $0x38;
	[tilespmem:$0x10800] =	vst v63  }
0x40e: {  	s24 =	sadd.s32 s4, s21;
	s25 =	sand.u32 $0x1FFFFFF0, s23;
	s26 =	spop (v2sf)  }
0x40f: {  	(v2sf) =	vpush v0, $0xB;
	[tilespmem:s29], [sflag:$0x1] =	stream.linear.gather [hbm4b:s24+s2], $0x80, $0x38;
	[tilespmem:$0x10800] =	vst v63  }
0x410: {  	s28 =	sadd.s32 s4, s25;
	s30 =	spop (v2sf);
	s29 =	sand.u32 $0x1FFFFFF0, s26  }
0x411: {  	(v2sf) =	vpush v0, $0xC;
	[tilespmem:s18], [sflag:$0x1] =	stream.linear.gather [hbm4b:s28+s2], $0x80, $0x38;
	[tilespmem:$0x10800] =	vst v63  }
0x412: {  	s22 =	sand.u32 $0x1FFFFFF0, s30;
	s23 =	spop (v2sf);
	s21 =	sadd.s32 s4, s29  }
0x413: {  	(v2sf) =	vpush v0, $0xD;
	[tilespmem:s20], [sflag:$0x1] =	stream.linear.gather [hbm4b:s21+s2], $0x80, $0x38;
	[tilespmem:$0x10800] =	vst v63  }
0x414: {  	s24 =	sadd.s32 s4, s22;
	s25 =	sand.u32 $0x1FFFFFF0, s23;
	s26 =	spop (v2sf)  }
0x415: {  	(v2sf) =	vpush v0, $0xE;
	[tilespmem:s16], [sflag:$0x1] =	stream.linear.gather [hbm4b:s24+s2], $0x80, $0x38;
	[tilespmem:$0x10800] =	vst v63  }
0x416: {  	s28 =	sadd.s32 s4, s25;
	s29 =	sand.u32 $0x1FFFFFF0, s26;
	s30 =	spop (v2sf)  }
0x417: {  	(v2sf) =	vpush v0, $0xF;
	[tilespmem:s15], [sflag:$0x1] =	stream.linear.gather [hbm4b:s28+s2], $0x80, $0x38;
	[tilespmem:$0x10800] =	vst v63  }
0x418: {  	s18 =	sadd.s32 s4, s29;
	s19 =	sand.u32 $0x1FFFFFF0, s30;
	s20 =	spop (v2sf)  }
0x419: {  	[tilespmem:s12], [sflag:$0x1] =	stream.linear.gather [hbm4b:s18+s2], $0x80, $0x38;
	[tilespmem:$0x10800] =	vst v63  }
0x41a: {  	s21 =	sadd.s32 s4, s19;
	s22 =	sand.u32 $0x1FFFFFF0, s20;
	s23 =	spop (v2sf)  }
0x41b: {  	[tilespmem:s13], [sflag:$0x1] =	stream.linear.gather [hbm4b:s21+s2], $0x80, $0x38;
	[tilespmem:$0x10800] =	vst v63  }
0x41c: {  	s24 =	sadd.s32 s4, s22;
	s25 =	sand.u32 $0x1FFFFFF0, s23;
	s26 =	spop (v2sf)  }
0x41d: {  	[tilespmem:s9], [sflag:$0x1] =	stream.linear.gather [hbm4b:s24+s2], $0x80, $0x38;
	[tilespmem:$0x10800] =	vst v63  }
0x41e: {  	s28 =	sadd.s32 s4, s25;
	s29 =	sand.u32 $0x1FFFFFF0, s26;
	s30 =	spop (v2sf)  }
0x41f: {  	[tilespmem:s10], [sflag:$0x1] =	stream.linear.gather [hbm4b:s28+s2], $0x80, $0x38;
	[tilespmem:$0x10800] =	vst v63  }
0x420: {  	s12 =	sadd.s32 s4, s29;
	s13 =	sand.u32 $0x1FFFFFF0, s30;
	s15 =	spop (v2sf)  }
0x421: {  	[tilespmem:s11], [sflag:$0x1] =	stream.linear.gather [hbm4b:s12+s2], $0x80, $0x38;
	[tilespmem:$0x10800] =	vst v63  }
0x422: {  	s16 =	sadd.s32 s4, s13;
	s18 =	sand.u32 $0x1FFFFFF0, s15;
	s19 =	spop (v2sf)  }
0x423: {  	[tilespmem:s6], [sflag:$0x1] =	stream.linear.gather [hbm4b:s16+s2], $0x80, $0x38;
	[tilespmem:$0x10800] =	vst v63  }
0x424: {  	s20 =	sadd.s32 s4, s18;
	s21 =	sand.u32 $0x1FFFFFF0, s19;
	s22 =	spop (v2sf)  }
0x425: {  	[tilespmem:s5], [sflag:$0x1] =	stream.linear.gather [hbm4b:s20+s2], $0x80, $0x38;
	[tilespmem:$0x10800] =	vst v63  }
0x426: {  	s23 =	sadd.s32 s4, s21;
	s24 =	sand.u32 $0x1FFFFFF0, s22;
	s25 =	spop (v2sf)  }
0x427: {  	[tilespmem:s1], [sflag:$0x1] =	stream.linear.gather [hbm4b:s23+s2], $0x80, $0x38;
	[tilespmem:$0x10800] =	vst v63  }
0x428: {  	s26 =	sadd.s32 $0xF00, s0;
	s28 =	sadd.s32 s4, s24;
	s29 =	sand.u32 $0x1FFFFFF0, s25  }
0x429: {  	[tilespmem:s26], [sflag:$0x1] =	stream.linear.gather [hbm4b:s28+s2], $0x80, $0x38;
	[tilespmem:$0x10800] =	vst v63  }
0x42a: {  	s0 =	sadd.s32 $0xF80, s0;
	s30 =	sadd.s32 s4, s29  }
0x42b: {  	[tilespmem:s0], [sflag:$0x1] =	stream.linear.gather [hbm4b:s30+s2], $0x80, $0x38;
	[tilespmem:$0x10800] =	vst v63  }
0x42c: {  	_ =	swait.ge [sflag:s17], $0x80  }
0x42d: {  	[sflag:s17] =	ssyncset.done $0x0  }
0x42e: {  	[sflag:s17] =	ssyncadd.s32 $0xFFFFFF80  }
0x42f: {  	_ =	swait.ge [sflag:s17], $0x80  }
0x430: {  	[sflag:s17] =	ssyncset.done $0x0  }
0x431: {  	[sflag:s17] =	ssyncadd.s32 $0xFFFFFF80  }
0x432: {  	_ =	swait.ge [sflag:s17], $0x80  }
0x433: {  	[sflag:s17] =	ssyncset.done $0x0  }
0x434: {  	[sflag:s17] =	ssyncadd.s32 $0xFFFFFF80  }
0x435: {  	_ =	swait.ge [sflag:s17], $0x80  }
0x436: {  	[sflag:s17] =	ssyncset.done $0x0  }
0x437: {  	[sflag:s17] =	ssyncadd.s32 $0xFFFFFF80  }
0x438: {  	_ =	swait.ge [sflag:s17], $0x80  }
0x439: {  	[sflag:s17] =	ssyncset.done $0x0  }
0x43a: {  	[sflag:s17] =	ssyncadd.s32 $0xFFFFFF80  }
0x43b: {  	_ =	swait.ge [sflag:s17], $0x80  }
0x43c: {  	[sflag:s17] =	ssyncset.done $0x0  }
0x43d: {  	[sflag:s17] =	ssyncadd.s32 $0xFFFFFF80  }
0x43e: {  	_ =	swait.ge [sflag:s17], $0x80  }
0x43f: {  	[sflag:s17] =	ssyncset.done $0x0  }
0x440: {  	[sflag:s17] =	ssyncadd.s32 $0xFFFFFF80  }
0x441: {  	_ =	swait.ge [sflag:s17], $0x80  }
0x442: {  	[sflag:s17] =	ssyncset.done $0x0  }
0x443: {  	[sflag:s17] =	ssyncadd.s32 $0xFFFFFF80  }
0x444: {  	_ =	swait.ge [sflag:s17], $0x80  }
0x445: {  	[sflag:s17] =	ssyncset.done $0x0  }
0x446: {  	[sflag:s17] =	ssyncadd.s32 $0xFFFFFF80  }
0x447: {  	_ =	swait.ge [sflag:s17], $0x80  }
0x448: {  	[sflag:s17] =	ssyncset.done $0x0  }
0x449: {  	[sflag:s17] =	ssyncadd.s32 $0xFFFFFF80  }
0x44a: {  	_ =	swait.ge [sflag:s17], $0x80  }
0x44b: {  	[sflag:s17] =	ssyncset.done $0x0  }
0x44c: {  	[sflag:s17] =	ssyncadd.s32 $0xFFFFFF80  }
0x44d: {  	_ =	swait.ge [sflag:s17], $0x80  }
0x44e: {  	[sflag:s17] =	ssyncset.done $0x0  }
0x44f: {  	[sflag:s17] =	ssyncadd.s32 $0xFFFFFF80  }
0x450: {  	_ =	swait.ge [sflag:s17], $0x80  }
0x451: {  	[sflag:s17] =	ssyncset.done $0x0  }
0x452: {  	[sflag:s17] =	ssyncadd.s32 $0xFFFFFF80  }
0x453: {  	_ =	swait.ge [sflag:s17], $0x80  }
0x454: {  	[sflag:s17] =	ssyncset.done $0x0  }
0x455: {  	[sflag:s17] =	ssyncadd.s32 $0xFFFFFF80  }
0x456: {  	_ =	swait.ge [sflag:s17], $0x80  }
0x457: {  	[sflag:s17] =	ssyncset.done $0x0  }
0x458: {  	[sflag:s17] =	ssyncadd.s32 $0xFFFFFF80  }
0x459: {  	_ =	swait.ge [sflag:s17], $0x80  }
0x45a: {  	s0 =	simm.s32 $0xF;
	[sflag:s17] =	ssyncset.done $0x0  }
.LBB2_22:
0x45b: {  	p0 =	sne.s32 s0, $0x1;
	s0 =	sadd.s32 $0xFFFFFFFF, s0;
	[sflag:s17] =	ssyncadd.s32 $0xFFFFFF80  }
0x45c: {  	_ =	swait.ge [sflag:s17], $0x80  }
0x45d: {  	[sflag:s17] =	ssyncset.done $0x0  }
0x45e: {  	[sflag:s17] =	ssyncadd.s32 $0xFFFFFF80  }
0x45f: {  	_ =	swait.ge [sflag:s17], $0x80  }
0x460: {  	[sflag:s17] =	ssyncset.done $0x0  }
0x461: {  	[sflag:s17] =	ssyncadd.s32 $0xFFFFFF80  }
0x462: {  	_ =	swait.ge [sflag:s17], $0x80  }
0x463: {  	[sflag:s17] =	ssyncset.done $0x0  }
0x464: {  	[sflag:s17] =	ssyncadd.s32 $0xFFFFFF80  }
0x465: {  	_ =	swait.ge [sflag:s17], $0x80  }
0x466: {  	[sflag:s17] =	ssyncset.done $0x0  }
0x467: {  	[sflag:s17] =	ssyncadd.s32 $0xFFFFFF80  }
0x468: {  	_ =	swait.ge [sflag:s17], $0x80  }
0x469: {  	[sflag:s17] =	ssyncset.done $0x0  }
0x46a: {  	[sflag:s17] =	ssyncadd.s32 $0xFFFFFF80  }
0x46b: {  	_ =	swait.ge [sflag:s17], $0x80  }
0x46c: {  	[sflag:s17] =	ssyncset.done $0x0  }
0x46d: {  	[sflag:s17] =	ssyncadd.s32 $0xFFFFFF80  }
0x46e: {  	_ =	swait.ge [sflag:s17], $0x80  }
0x46f: {  	[sflag:s17] =	ssyncset.done $0x0  }
0x470: {  	[sflag:s17] =	ssyncadd.s32 $0xFFFFFF80  }
0x471: {  	_ =	swait.ge [sflag:s17], $0x80  }
0x472: {  	[sflag:s17] =	ssyncset.done $0x0  }
0x473: {  	[sflag:s17] =	ssyncadd.s32 $0xFFFFFF80  }
0x474: {  	_ =	swait.ge [sflag:s17], $0x80  }
0x475: {  	[sflag:s17] =	ssyncset.done $0x0  }
0x476: {  	[sflag:s17] =	ssyncadd.s32 $0xFFFFFF80  }
0x477: {  	_ =	swait.ge [sflag:s17], $0x80  }
0x478: {  	[sflag:s17] =	ssyncset.done $0x0  }
0x479: {  	[sflag:s17] =	ssyncadd.s32 $0xFFFFFF80  }
0x47a: {  	_ =	swait.ge [sflag:s17], $0x80  }
0x47b: {  	[sflag:s17] =	ssyncset.done $0x0  }
0x47c: {  	[sflag:s17] =	ssyncadd.s32 $0xFFFFFF80  }
0x47d: {  	_ =	swait.ge [sflag:s17], $0x80  }
0x47e: {  	[sflag:s17] =	ssyncset.done $0x0  }
0x47f: {  	[sflag:s17] =	ssyncadd.s32 $0xFFFFFF80  }
0x480: {  	_ =	swait.ge [sflag:s17], $0x80  }
0x481: {  	[sflag:s17] =	ssyncset.done $0x0  }
0x482: {  	[sflag:s17] =	ssyncadd.s32 $0xFFFFFF80  }
0x483: {  	_ =	swait.ge [sflag:s17], $0x80  }
0x484: {  	[sflag:s17] =	ssyncset.done $0x0  }
0x485: {  	[sflag:s17] =	ssyncadd.s32 $0xFFFFFF80  }
.Ltmp10:
0x486: {  	_ =	swait.ge [sflag:s17], $0x80;
	(pc) =	sbr.rel @p0 .LBB2_22-.Ltmp10, $4  }
0x487: {  	[sflag:s17] =	ssyncset.done $0x0  }
0x488: {  	[sflag:s17] =	ssyncadd.s32 $0xFFFFFF80  }
0x489: {  	_ =	swait.ge [sflag:s17], $0x80  }
0x48a: {  	[sflag:s17] =	ssyncset.done $0x0  }
0x48b: {  	[sflag:s17] =	ssyncadd.s32 $0xFFFFFF80;
	s0 =	simm.s32 $0x0  }
0x48c: {  	s1 =	rddreg [dreg:$0x6];
	s5 =	simm.s32 $0x8800;
	s10 =	simm.s32 $0x3  }
0x48d: {  	[hbm4b:s1+s0] =	stream.linear.scatter [tilespmem:s5], [sflag:$0x3], $0x8000, $0x38;
	[tilespmem:$0x10800] =	vst v63  }
0x48e: {  	_ =	swait.ge [sflag:s10], $0x8000  }
0x48f: {  	s11 =	sand.u32 $0x70, s0;
	s0 =	sand.u32 $0x200, s0;
	[sflag:s10] =	ssyncset.done $0x0  }
0x490: {  	s0 =	sor.u32 s11, s0;
	[sflag:s10] =	ssyncadd.s32 $0xFFFF8000  }
0x491: {  	v0 =	vld [tilespmem:s0+$0x500];
	_ =	sdelay $0x4  }
0x492: {  	v0 =	vshll.u32 v0, $0x4  }
0x493: {  	(v2sf) =	vpush v0, $0x0  }
0x494: {  	(v2sf) =	vpush v0, $0x1  }
0x495: {  	(v2sf) =	vpush v0, $0x2  }
0x496: {  	(v2sf) =	vpush v0, $0x3  }
0x497: {  	(v2sf) =	vpush v0, $0x4;
	_ =	sdelay $0x6  }
0x498: {  	(v2sf) =	vpush v0, $0x5  }
0x499: {  	s20 =	simm.s32 $0x2000  }
0x49a: {  	s21 =	simm.s32 $0x10;
	s22 =	simm.s32 $0x40;
	s24 =	simm.s32 $0x4000;
	(v2sf) =	vpush v0, $0x6  }
0x49b: {  	s25 =	simm.s32 $0x20;
	s23 =	simm.s32 $0x0;
	s26 =	simm.s32 $0x80  }
0x49c: {  	s12 =	simm.s32 $0x8880;
	s28 =	simm.s32 $0x8E80;
	(v2sf) =	vpush v0, $0x7;
	s7 =	spop (v2sf)  }
0x49d: {  	s6 =	simm.s32 $0x8800;
	s30 =	simm.s32 $0x8D80;
	s9 =	spop (v2sf)  }
0x49e: {  	s29 =	simm.s32 $0x8E00;
	s8 =	simm.s32 $0x8900;
	s15 =	spop (v2sf)  }
0x49f: {  	s5 =	simm.s32 $0x8C00;
	s7 =	sand.u32 $0x1FFFFFF0, s7;
	s10 =	spop (v2sf)  }
0x4a0: {  	s1 =	simm.s32 $0x8C80;
	s7 =	sadd.s32 s4, s7;
	s19 =	spop (v2sf);
	(v2sf) =	vpush v0, $0x8  }
0x4a1: {  	[tilespmem:s6], [sflag:$0x2] =	stream.linear.gather [hbm4b:s7+s2], $0x80, $0x38;
	[tilespmem:$0x10800] =	vst v63  }
0x4a2: {  	s0 =	simm.s32 $0x8F80;
	s13 =	sand.u32 $0x1FFFFFF0, s9;
	s6 =	simm.s32 $0x8980;
	(v2sf) =	vpush v0, $0x9  }
0x4a3: {  	s7 =	sadd.s32 s4, s13;
	s9 =	sand.u32 $0x1FFFFFF0, s15;
	s18 =	sand.u32 $0x1FFFFFF0, s10  }
0x4a4: {  	[tilespmem:s12], [sflag:$0x2] =	stream.linear.gather [hbm4b:s7+s2], $0x80, $0x38;
	(v2sf) =	vpush v0, $0xA;
	[tilespmem:$0x10800] =	vst v63  }
0x4a5: {  	s13 =	simm.s32 $0x8A00;
	s16 =	sadd.s32 s4, s9;
	s10 =	sadd.s32 s4, s18  }
0x4a6: {  	[tilespmem:s8], [sflag:$0x2] =	stream.linear.gather [hbm4b:s16+s2], $0x80, $0x38;
	(v2sf) =	vpush v0, $0xB;
	[tilespmem:$0x10800] =	vst v63  }
0x4a7: {  	s11 =	sand.u32 $0x1FFFFFF0, s19;
	s12 =	spop (v2sf);
	s18 =	simm.s32 $0x8A80  }
0x4a8: {  	(v2sf) =	vpush v0, $0xC;
	[tilespmem:s6], [sflag:$0x2] =	stream.linear.gather [hbm4b:s10+s2], $0x80, $0x38;
	[tilespmem:$0x10800] =	vst v63  }
0x4a9: {  	s15 =	sadd.s32 s4, s11;
	s19 =	spop (v2sf);
	s16 =	sand.u32 $0x1FFFFFF0, s12  }
0x4aa: {  	(v2sf) =	vpush v0, $0xD;
	[tilespmem:s13], [sflag:$0x2] =	stream.linear.gather [hbm4b:s15+s2], $0x80, $0x38;
	[tilespmem:$0x10800] =	vst v63  }
0x4ab: {  	s8 =	simm.s32 $0x8B00;
	s11 =	spop (v2sf);
	s7 =	sadd.s32 s4, s16  }
0x4ac: {  	(v2sf) =	vpush v0, $0xE;
	[tilespmem:s18], [sflag:$0x2] =	stream.linear.gather [hbm4b:s7+s2], $0x80, $0x38;
	[tilespmem:$0x10800] =	vst v63  }
0x4ad: {  	s6 =	simm.s32 $0x8D00;
	s10 =	sand.u32 $0x1FFFFFF0, s19;
	(v2sf) =	vpush v0, $0xF;
	s7 =	simm.s32 $0x8B80  }
.LBB2_24:
0x4ae: {  	s10 =	sadd.s32 s4, s10  }
0x4af: {  	s11 =	sand.u32 $0x1FFFFFF0, s11;
	s12 =	spop (v2sf);
	s9 =	smov.u32 s24  }
0x4b0: {  	[tilespmem:s8], [sflag:$0x2] =	stream.linear.gather [hbm4b:s10+s2], $0x80, $0x38;
	[tilespmem:$0x10800] =	vst v63  }
0x4b1: {  	s8 =	sadd.s32 s4, s11;
	s10 =	sand.u32 $0x1FFFFFF0, s12;
	s11 =	spop (v2sf)  }
0x4b2: {  	[tilespmem:s7], [sflag:$0x2] =	stream.linear.gather [hbm4b:s8+s2], $0x80, $0x38;
	[tilespmem:$0x10800] =	vst v63  }
0x4b3: {  	s7 =	sadd.s32 s4, s10;
	s8 =	sand.u32 $0x1FFFFFF0, s11;
	s10 =	spop (v2sf)  }
0x4b4: {  	[tilespmem:s5], [sflag:$0x2] =	stream.linear.gather [hbm4b:s7+s2], $0x80, $0x38;
	[tilespmem:$0x10800] =	vst v63  }
0x4b5: {  	s5 =	sadd.s32 s4, s8;
	s7 =	sand.u32 $0x1FFFFFF0, s10;
	s8 =	spop (v2sf)  }
0x4b6: {  	[tilespmem:s1], [sflag:$0x2] =	stream.linear.gather [hbm4b:s5+s2], $0x80, $0x38;
	[tilespmem:$0x10800] =	vst v63  }
0x4b7: {  	s1 =	sadd.s32 s4, s7;
	s5 =	sand.u32 $0x1FFFFFF0, s8;
	s7 =	spop (v2sf)  }
0x4b8: {  	[tilespmem:s6], [sflag:$0x2] =	stream.linear.gather [hbm4b:s1+s2], $0x80, $0x38;
	[tilespmem:$0x10800] =	vst v63  }
0x4b9: {  	s1 =	sadd.s32 s4, s5;
	s5 =	sand.u32 $0x1FFFFFF0, s7;
	s6 =	spop (v2sf)  }
0x4ba: {  	[tilespmem:s30], [sflag:$0x2] =	stream.linear.gather [hbm4b:s1+s2], $0x80, $0x38;
	[tilespmem:$0x10800] =	vst v63  }
0x4bb: {  	s1 =	sadd.s32 s4, s5;
	s5 =	sand.u32 $0x1FFFFFF0, s6;
	s6 =	spop (v2sf)  }
0x4bc: {  	[tilespmem:s29], [sflag:$0x2] =	stream.linear.gather [hbm4b:s1+s2], $0x80, $0x38;
	[tilespmem:$0x10800] =	vst v63  }
0x4bd: {  	s1 =	sadd.s32 s4, s5;
	s5 =	sand.u32 $0x1FFFFFF0, s6;
	s6 =	spop (v2sf)  }
0x4be: {  	[tilespmem:s28], [sflag:$0x2] =	stream.linear.gather [hbm4b:s1+s2], $0x80, $0x38;
	[tilespmem:$0x10800] =	vst v63  }
0x4bf: {  	s5 =	sadd.s32 s4, s5;
	s1 =	sadd.s32 $0x8F00, s23;
	s6 =	sand.u32 $0x1FFFFFF0, s6  }
0x4c0: {  	[tilespmem:s1], [sflag:$0x2] =	stream.linear.gather [hbm4b:s5+s2], $0x80, $0x38;
	[tilespmem:$0x10800] =	vst v63  }
0x4c1: {  	s6 =	sadd.s32 s4, s6;
	s1 =	sand.u32 $0x70, s21;
	s5 =	sand.u32 $0x200, s22  }
0x4c2: {  	[tilespmem:s0], [sflag:$0x2] =	stream.linear.gather [hbm4b:s6+s2], $0x80, $0x38;
	[tilespmem:$0x10800] =	vst v63  }
0x4c3: {  	p0 =	sne.s32 s24, $0x1E000;
	s24 =	sadd.s32 $0x2000, s24;
	s0 =	sor.u32 s1, s5  }
0x4c4: {  	s21 =	smov.u32 s25;
	s22 =	smov.u32 s26;
	v0 =	vld [tilespmem:s0+$0x500];
	_ =	sdelay $0x4  }
0x4c5: {  	s23 =	sshra.s32 s20, $0x2;
	s20 =	smov.u32 s9;
	s25 =	sadd.s32 $0x10, s25;
	v0 =	vshll.u32 v0, $0x4  }
0x4c6: {  	s10 =	sadd.s32 $0x8880, s23;
	s28 =	sadd.s32 $0x8E80, s23;
	s26 =	sadd.s32 $0x40, s26;
	(v2sf) =	vpush v0, $0x0  }
0x4c7: {  	s11 =	sadd.s32 $0x8800, s23;
	s30 =	sadd.s32 $0x8D80, s23;
	s29 =	sadd.s32 $0x8E00, s23;
	(v2sf) =	vpush v0, $0x1  }
0x4c8: {  	s5 =	sadd.s32 $0x8C00, s23;
	s1 =	sadd.s32 $0x8C80, s23;
	s6 =	sadd.s32 $0x8D00, s23;
	(v2sf) =	vpush v0, $0x2  }
0x4c9: {  	s8 =	sadd.s32 $0x8B00, s23;
	s7 =	sadd.s32 $0x8B80, s23  }
0x4ca: {  	s9 =	sadd.s32 $0x8A80, s23;
	(v2sf) =	vpush v0, $0x3  }
0x4cb: {  	s12 =	sadd.s32 $0x8A00, s23  }
0x4cc: {  	(v2sf) =	vpush v0, $0x4  }
0x4cd: {  	s0 =	sadd.s32 $0x8F80, s23  }
0x4ce: {  	(v2sf) =	vpush v0, $0x5;
	_ =	sdelay $0x1  }
0x4cf: {  	s13 =	sadd.s32 $0x8900, s23;
	(v2sf) =	vpush v0, $0x6;
	_ =	sdelay $0x1  }
0x4d0: {  	s15 =	sadd.s32 $0x8980, s23;
	(v2sf) =	vpush v0, $0x7;
	_ =	sdelay $0x1  }
0x4d1: {  	(v2sf) =	vpush v0, $0x8  }
0x4d2: {  	s16 =	spop (v2sf)  }
0x4d3: {  	s16 =	sand.u32 $0x1FFFFFF0, s16;
	s18 =	spop (v2sf);
	(v2sf) =	vpush v0, $0x9  }
0x4d4: {  	s16 =	sadd.s32 s4, s16;
	s18 =	sand.u32 $0x1FFFFFF0, s18;
	s19 =	spop (v2sf)  }
0x4d5: {  	[tilespmem:s11], [sflag:$0x2] =	stream.linear.gather [hbm4b:s16+s2], $0x80, $0x38;
	(v2sf) =	vpush v0, $0xA;
	[tilespmem:$0x10800] =	vst v63  }
0x4d6: {  	s11 =	sadd.s32 s4, s18;
	s16 =	sand.u32 $0x1FFFFFF0, s19;
	s18 =	spop (v2sf)  }
0x4d7: {  	[tilespmem:s10], [sflag:$0x2] =	stream.linear.gather [hbm4b:s11+s2], $0x80, $0x38;
	(v2sf) =	vpush v0, $0xB;
	[tilespmem:$0x10800] =	vst v63  }
0x4d8: {  	s10 =	sadd.s32 s4, s16;
	s11 =	sand.u32 $0x1FFFFFF0, s18;
	s16 =	spop (v2sf)  }
0x4d9: {  	[tilespmem:s13], [sflag:$0x2] =	stream.linear.gather [hbm4b:s10+s2], $0x80, $0x38;
	(v2sf) =	vpush v0, $0xC;
	[tilespmem:$0x10800] =	vst v63  }
0x4da: {  	s10 =	sadd.s32 s4, s11;
	s11 =	sand.u32 $0x1FFFFFF0, s16;
	s13 =	spop (v2sf)  }
0x4db: {  	[tilespmem:s15], [sflag:$0x2] =	stream.linear.gather [hbm4b:s10+s2], $0x80, $0x38;
	[tilespmem:$0x10800] =	vst v63  }
.Ltmp11:
0x4dc: {  	(v2sf) =	vpush v0, $0xD;
	(pc) =	sbr.rel @p0 .LBB2_24-.Ltmp11, $4  }
0x4dd: {  	s10 =	sadd.s32 s4, s11;
	s11 =	sand.u32 $0x1FFFFFF0, s13;
	s13 =	spop (v2sf)  }
0x4de: {  	[tilespmem:s12], [sflag:$0x2] =	stream.linear.gather [hbm4b:s10+s2], $0x80, $0x38;
	(v2sf) =	vpush v0, $0xE;
	[tilespmem:$0x10800] =	vst v63  }
0x4df: {  	s12 =	sadd.s32 s4, s11;
	s10 =	sand.u32 $0x1FFFFFF0, s13;
	s11 =	spop (v2sf)  }
0x4e0: {  	[tilespmem:s9], [sflag:$0x2] =	stream.linear.gather [hbm4b:s12+s2], $0x80, $0x38;
	(v2sf) =	vpush v0, $0xF;
	[tilespmem:$0x10800] =	vst v63  }
0x4e1: {  	s9 =	sadd.s32 s4, s10;
	s25 =	sand.u32 $0x1FFFFFF0, s11;
	s26 =	spop (v2sf)  }
0x4e2: {  	[tilespmem:s8], [sflag:$0x2] =	stream.linear.gather [hbm4b:s9+s2], $0x80, $0x38;
	[tilespmem:$0x10800] =	vst v63  }
0x4e3: {  	s12 =	sadd.s32 s4, s25;
	s15 =	spop (v2sf)  }
0x4e4: {  	[tilespmem:s7], [sflag:$0x2] =	stream.linear.gather [hbm4b:s12+s2], $0x80, $0x38;
	[tilespmem:$0x10800] =	vst v63  }
0x4e5: {  	s13 =	sand.u32 $0x1FFFFFF0, s26;
	s18 =	sand.u32 $0x1FFFFFF0, s15;
	s19 =	spop (v2sf)  }
0x4e6: {  	s16 =	sadd.s32 s4, s13;
	s24 =	sadd.s32 s4, s18;
	s25 =	sand.u32 $0x1FFFFFF0, s19  }
0x4e7: {  	[tilespmem:s5], [sflag:$0x2] =	stream.linear.gather [hbm4b:s16+s2], $0x80, $0x38;
	[tilespmem:$0x10800] =	vst v63  }
0x4e8: {  	s26 =	spop (v2sf);
	s5 =	sadd.s32 s4, s25;
	s25 =	sand.u32 $0x70, s21  }
0x4e9: {  	[tilespmem:s1], [sflag:$0x2] =	stream.linear.gather [hbm4b:s24+s2], $0x80, $0x38;
	[tilespmem:$0x10800] =	vst v63  }
0x4ea: {  	s7 =	sand.u32 $0x1FFFFFF0, s26;
	s26 =	sand.u32 $0x200, s22;
	s8 =	spop (v2sf)  }
0x4eb: {  	[tilespmem:s6], [sflag:$0x2] =	stream.linear.gather [hbm4b:s5+s2], $0x80, $0x38;
	[tilespmem:$0x10800] =	vst v63  }
0x4ec: {  	s9 =	sadd.s32 s4, s7;
	s10 =	sand.u32 $0x1FFFFFF0, s8;
	s11 =	spop (v2sf)  }
0x4ed: {  	[tilespmem:s30], [sflag:$0x2] =	stream.linear.gather [hbm4b:s9+s2], $0x80, $0x38;
	[tilespmem:$0x10800] =	vst v63  }
0x4ee: {  	s12 =	sadd.s32 s4, s10;
	s13 =	sand.u32 $0x1FFFFFF0, s11;
	s15 =	spop (v2sf)  }
0x4ef: {  	[tilespmem:s29], [sflag:$0x2] =	stream.linear.gather [hbm4b:s12+s2], $0x80, $0x38;
	[tilespmem:$0x10800] =	vst v63  }
0x4f0: {  	s16 =	sadd.s32 s4, s13;
	s18 =	sand.u32 $0x1FFFFFF0, s15;
	s19 =	spop (v2sf)  }
0x4f1: {  	[tilespmem:s28], [sflag:$0x2] =	stream.linear.gather [hbm4b:s16+s2], $0x80, $0x38;
	[tilespmem:$0x10800] =	vst v63  }
0x4f2: {  	s24 =	sadd.s32 $0x8F00, s23;
	s5 =	sadd.s32 s4, s18;
	s6 =	sand.u32 $0x1FFFFFF0, s19  }
0x4f3: {  	[tilespmem:s24], [sflag:$0x2] =	stream.linear.gather [hbm4b:s5+s2], $0x80, $0x38;
	[tilespmem:$0x10800] =	vst v63  }
0x4f4: {  	s28 =	sor.u32 s25, s26;
	s6 =	sadd.s32 s4, s6  }
0x4f5: {  	[tilespmem:s0], [sflag:$0x2] =	stream.linear.gather [hbm4b:s6+s2], $0x80, $0x38;
	[tilespmem:$0x10800] =	vst v63  }
0x4f6: {  	v0 =	vld [tilespmem:s28+$0x500];
	_ =	sdelay $0x4  }
0x4f7: {  	v0 =	vshll.u32 v0, $0x4  }
0x4f8: {  	(v2sf) =	vpush v0, $0x0  }
0x4f9: {  	(v2sf) =	vpush v0, $0x1  }
0x4fa: {  	(v2sf) =	vpush v0, $0x2;
	_ =	sdelay $0x1  }
0x4fb: {  	(v2sf) =	vpush v0, $0x3;
	_ =	sdelay $0x1  }
0x4fc: {  	(v2sf) =	vpush v0, $0x4;
	_ =	sdelay $0x1  }
0x4fd: {  	(v2sf) =	vpush v0, $0x5;
	_ =	sdelay $0x1  }
0x4fe: {  	s0 =	sshra.s32 s20, $0x2;
	(v2sf) =	vpush v0, $0x6  }
0x4ff: {  	s29 =	sadd.s32 $0x8880, s0;
	s1 =	sadd.s32 $0x8E80, s0  }
0x500: {  	s30 =	sadd.s32 $0x8800, s0;
	s6 =	sadd.s32 $0x8D80, s0;
	s5 =	sadd.s32 $0x8E00, s0;
	(v2sf) =	vpush v0, $0x7  }
0x501: {  	s9 =	sadd.s32 $0x8C00, s0;
	s10 =	sadd.s32 $0x8C80, s0;
	s11 =	sadd.s32 $0x8D00, s0  }
0x502: {  	s12 =	sadd.s32 $0x8B00, s0;
	s13 =	sadd.s32 $0x8B80, s0;
	s15 =	sadd.s32 $0x8A80, s0;
	(v2sf) =	vpush v0, $0x8  }
0x503: {  	s16 =	sadd.s32 $0x8A00, s0;
	s18 =	sadd.s32 $0x8900, s0;
	s19 =	spop (v2sf)  }
0x504: {  	s20 =	sadd.s32 $0x8980, s0;
	(v2sf) =	vpush v0, $0x9;
	s19 =	sand.u32 $0x1FFFFFF0, s19;
	s22 =	spop (v2sf)  }
0x505: {  	s19 =	sadd.s32 s4, s19;
	s21 =	sand.u32 $0x1FFFFFF0, s22;
	s23 =	spop (v2sf)  }
0x506: {  	(v2sf) =	vpush v0, $0xA;
	[tilespmem:s30], [sflag:$0x2] =	stream.linear.gather [hbm4b:s19+s2], $0x80, $0x38;
	[tilespmem:$0x10800] =	vst v63  }
0x507: {  	s24 =	sadd.s32 s4, s21;
	s25 =	sand.u32 $0x1FFFFFF0, s23;
	s26 =	spop (v2sf)  }
0x508: {  	(v2sf) =	vpush v0, $0xB;
	[tilespmem:s29], [sflag:$0x2] =	stream.linear.gather [hbm4b:s24+s2], $0x80, $0x38;
	[tilespmem:$0x10800] =	vst v63  }
0x509: {  	s28 =	sadd.s32 s4, s25;
	s30 =	spop (v2sf);
	s29 =	sand.u32 $0x1FFFFFF0, s26  }
0x50a: {  	(v2sf) =	vpush v0, $0xC;
	[tilespmem:s18], [sflag:$0x2] =	stream.linear.gather [hbm4b:s28+s2], $0x80, $0x38;
	[tilespmem:$0x10800] =	vst v63  }
0x50b: {  	s22 =	sand.u32 $0x1FFFFFF0, s30;
	s23 =	spop (v2sf);
	s21 =	sadd.s32 s4, s29  }
0x50c: {  	(v2sf) =	vpush v0, $0xD;
	[tilespmem:s20], [sflag:$0x2] =	stream.linear.gather [hbm4b:s21+s2], $0x80, $0x38;
	[tilespmem:$0x10800] =	vst v63  }
0x50d: {  	s24 =	sadd.s32 s4, s22;
	s25 =	sand.u32 $0x1FFFFFF0, s23;
	s26 =	spop (v2sf)  }
0x50e: {  	(v2sf) =	vpush v0, $0xE;
	[tilespmem:s16], [sflag:$0x2] =	stream.linear.gather [hbm4b:s24+s2], $0x80, $0x38;
	[tilespmem:$0x10800] =	vst v63  }
0x50f: {  	s28 =	sadd.s32 s4, s25;
	s29 =	sand.u32 $0x1FFFFFF0, s26;
	s30 =	spop (v2sf)  }
0x510: {  	(v2sf) =	vpush v0, $0xF;
	[tilespmem:s15], [sflag:$0x2] =	stream.linear.gather [hbm4b:s28+s2], $0x80, $0x38;
	[tilespmem:$0x10800] =	vst v63  }
0x511: {  	s18 =	sadd.s32 s4, s29;
	s19 =	sand.u32 $0x1FFFFFF0, s30;
	s20 =	spop (v2sf)  }
0x512: {  	[tilespmem:s12], [sflag:$0x2] =	stream.linear.gather [hbm4b:s18+s2], $0x80, $0x38;
	[tilespmem:$0x10800] =	vst v63  }
0x513: {  	s21 =	sadd.s32 s4, s19;
	s22 =	sand.u32 $0x1FFFFFF0, s20;
	s23 =	spop (v2sf)  }
0x514: {  	[tilespmem:s13], [sflag:$0x2] =	stream.linear.gather [hbm4b:s21+s2], $0x80, $0x38;
	[tilespmem:$0x10800] =	vst v63  }
0x515: {  	s24 =	sadd.s32 s4, s22;
	s25 =	sand.u32 $0x1FFFFFF0, s23;
	s26 =	spop (v2sf)  }
0x516: {  	[tilespmem:s9], [sflag:$0x2] =	stream.linear.gather [hbm4b:s24+s2], $0x80, $0x38;
	[tilespmem:$0x10800] =	vst v63  }
0x517: {  	s28 =	sadd.s32 s4, s25;
	s29 =	sand.u32 $0x1FFFFFF0, s26;
	s30 =	spop (v2sf)  }
0x518: {  	[tilespmem:s10], [sflag:$0x2] =	stream.linear.gather [hbm4b:s28+s2], $0x80, $0x38;
	[tilespmem:$0x10800] =	vst v63  }
0x519: {  	s12 =	sadd.s32 s4, s29;
	s13 =	sand.u32 $0x1FFFFFF0, s30;
	s15 =	spop (v2sf)  }
0x51a: {  	[tilespmem:s11], [sflag:$0x2] =	stream.linear.gather [hbm4b:s12+s2], $0x80, $0x38;
	[tilespmem:$0x10800] =	vst v63  }
0x51b: {  	s16 =	sadd.s32 s4, s13;
	s18 =	sand.u32 $0x1FFFFFF0, s15;
	s19 =	spop (v2sf)  }
0x51c: {  	[tilespmem:s6], [sflag:$0x2] =	stream.linear.gather [hbm4b:s16+s2], $0x80, $0x38;
	[tilespmem:$0x10800] =	vst v63  }
0x51d: {  	s20 =	sadd.s32 s4, s18;
	s21 =	sand.u32 $0x1FFFFFF0, s19;
	s22 =	spop (v2sf)  }
0x51e: {  	[tilespmem:s5], [sflag:$0x2] =	stream.linear.gather [hbm4b:s20+s2], $0x80, $0x38;
	[tilespmem:$0x10800] =	vst v63  }
0x51f: {  	s23 =	sadd.s32 s4, s21;
	s24 =	sand.u32 $0x1FFFFFF0, s22;
	s25 =	spop (v2sf)  }
0x520: {  	[tilespmem:s1], [sflag:$0x2] =	stream.linear.gather [hbm4b:s23+s2], $0x80, $0x38;
	[tilespmem:$0x10800] =	vst v63  }
0x521: {  	s26 =	sadd.s32 $0x8F00, s0;
	s28 =	sadd.s32 s4, s24;
	s29 =	sand.u32 $0x1FFFFFF0, s25  }
0x522: {  	[tilespmem:s26], [sflag:$0x2] =	stream.linear.gather [hbm4b:s28+s2], $0x80, $0x38;
	[tilespmem:$0x10800] =	vst v63  }
0x523: {  	s0 =	sadd.s32 $0x8F80, s0;
	s30 =	sadd.s32 s4, s29  }
0x524: {  	[tilespmem:s0], [sflag:$0x2] =	stream.linear.gather [hbm4b:s30+s2], $0x80, $0x38;
	[tilespmem:$0x10800] =	vst v63  }
0x525: {  	_ =	swait.ge [sflag:s14], $0x80  }
0x526: {  	[sflag:s14] =	ssyncset.done $0x0  }
0x527: {  	[sflag:s14] =	ssyncadd.s32 $0xFFFFFF80  }
0x528: {  	_ =	swait.ge [sflag:s14], $0x80  }
0x529: {  	[sflag:s14] =	ssyncset.done $0x0  }
0x52a: {  	[sflag:s14] =	ssyncadd.s32 $0xFFFFFF80  }
0x52b: {  	_ =	swait.ge [sflag:s14], $0x80  }
0x52c: {  	[sflag:s14] =	ssyncset.done $0x0  }
0x52d: {  	[sflag:s14] =	ssyncadd.s32 $0xFFFFFF80  }
0x52e: {  	_ =	swait.ge [sflag:s14], $0x80  }
0x52f: {  	[sflag:s14] =	ssyncset.done $0x0  }
0x530: {  	[sflag:s14] =	ssyncadd.s32 $0xFFFFFF80  }
0x531: {  	_ =	swait.ge [sflag:s14], $0x80  }
0x532: {  	[sflag:s14] =	ssyncset.done $0x0  }
0x533: {  	[sflag:s14] =	ssyncadd.s32 $0xFFFFFF80  }
0x534: {  	_ =	swait.ge [sflag:s14], $0x80  }
0x535: {  	[sflag:s14] =	ssyncset.done $0x0  }
0x536: {  	[sflag:s14] =	ssyncadd.s32 $0xFFFFFF80  }
0x537: {  	_ =	swait.ge [sflag:s14], $0x80  }
0x538: {  	[sflag:s14] =	ssyncset.done $0x0  }
0x539: {  	[sflag:s14] =	ssyncadd.s32 $0xFFFFFF80  }
0x53a: {  	_ =	swait.ge [sflag:s14], $0x80  }
0x53b: {  	[sflag:s14] =	ssyncset.done $0x0  }
0x53c: {  	[sflag:s14] =	ssyncadd.s32 $0xFFFFFF80  }
0x53d: {  	_ =	swait.ge [sflag:s14], $0x80  }
0x53e: {  	[sflag:s14] =	ssyncset.done $0x0  }
0x53f: {  	[sflag:s14] =	ssyncadd.s32 $0xFFFFFF80  }
0x540: {  	_ =	swait.ge [sflag:s14], $0x80  }
0x541: {  	[sflag:s14] =	ssyncset.done $0x0  }
0x542: {  	[sflag:s14] =	ssyncadd.s32 $0xFFFFFF80  }
0x543: {  	_ =	swait.ge [sflag:s14], $0x80  }
0x544: {  	[sflag:s14] =	ssyncset.done $0x0  }
0x545: {  	[sflag:s14] =	ssyncadd.s32 $0xFFFFFF80  }
0x546: {  	_ =	swait.ge [sflag:s14], $0x80  }
0x547: {  	[sflag:s14] =	ssyncset.done $0x0  }
0x548: {  	[sflag:s14] =	ssyncadd.s32 $0xFFFFFF80  }
0x549: {  	_ =	swait.ge [sflag:s14], $0x80  }
0x54a: {  	[sflag:s14] =	ssyncset.done $0x0  }
0x54b: {  	[sflag:s14] =	ssyncadd.s32 $0xFFFFFF80  }
0x54c: {  	_ =	swait.ge [sflag:s14], $0x80  }
0x54d: {  	[sflag:s14] =	ssyncset.done $0x0  }
0x54e: {  	[sflag:s14] =	ssyncadd.s32 $0xFFFFFF80  }
0x54f: {  	_ =	swait.ge [sflag:s14], $0x80  }
0x550: {  	[sflag:s14] =	ssyncset.done $0x0  }
0x551: {  	[sflag:s14] =	ssyncadd.s32 $0xFFFFFF80  }
0x552: {  	_ =	swait.ge [sflag:s14], $0x80  }
0x553: {  	s0 =	simm.s32 $0xF;
	[sflag:s14] =	ssyncset.done $0x0  }
.LBB2_26:
0x554: {  	p0 =	sne.s32 s0, $0x1;
	s0 =	sadd.s32 $0xFFFFFFFF, s0;
	[sflag:s14] =	ssyncadd.s32 $0xFFFFFF80  }
0x555: {  	_ =	swait.ge [sflag:s14], $0x80  }
0x556: {  	[sflag:s14] =	ssyncset.done $0x0  }
0x557: {  	[sflag:s14] =	ssyncadd.s32 $0xFFFFFF80  }
0x558: {  	_ =	swait.ge [sflag:s14], $0x80  }
0x559: {  	[sflag:s14] =	ssyncset.done $0x0  }
0x55a: {  	[sflag:s14] =	ssyncadd.s32 $0xFFFFFF80  }
0x55b: {  	_ =	swait.ge [sflag:s14], $0x80  }
0x55c: {  	[sflag:s14] =	ssyncset.done $0x0  }
0x55d: {  	[sflag:s14] =	ssyncadd.s32 $0xFFFFFF80  }
0x55e: {  	_ =	swait.ge [sflag:s14], $0x80  }
0x55f: {  	[sflag:s14] =	ssyncset.done $0x0  }
0x560: {  	[sflag:s14] =	ssyncadd.s32 $0xFFFFFF80  }
0x561: {  	_ =	swait.ge [sflag:s14], $0x80  }
0x562: {  	[sflag:s14] =	ssyncset.done $0x0  }
0x563: {  	[sflag:s14] =	ssyncadd.s32 $0xFFFFFF80  }
0x564: {  	_ =	swait.ge [sflag:s14], $0x80  }
0x565: {  	[sflag:s14] =	ssyncset.done $0x0  }
0x566: {  	[sflag:s14] =	ssyncadd.s32 $0xFFFFFF80  }
0x567: {  	_ =	swait.ge [sflag:s14], $0x80  }
0x568: {  	[sflag:s14] =	ssyncset.done $0x0  }
0x569: {  	[sflag:s14] =	ssyncadd.s32 $0xFFFFFF80  }
0x56a: {  	_ =	swait.ge [sflag:s14], $0x80  }
0x56b: {  	[sflag:s14] =	ssyncset.done $0x0  }
0x56c: {  	[sflag:s14] =	ssyncadd.s32 $0xFFFFFF80  }
0x56d: {  	_ =	swait.ge [sflag:s14], $0x80  }
0x56e: {  	[sflag:s14] =	ssyncset.done $0x0  }
0x56f: {  	[sflag:s14] =	ssyncadd.s32 $0xFFFFFF80  }
0x570: {  	_ =	swait.ge [sflag:s14], $0x80  }
0x571: {  	[sflag:s14] =	ssyncset.done $0x0  }
0x572: {  	[sflag:s14] =	ssyncadd.s32 $0xFFFFFF80  }
0x573: {  	_ =	swait.ge [sflag:s14], $0x80  }
0x574: {  	[sflag:s14] =	ssyncset.done $0x0  }
0x575: {  	[sflag:s14] =	ssyncadd.s32 $0xFFFFFF80  }
0x576: {  	_ =	swait.ge [sflag:s14], $0x80  }
0x577: {  	[sflag:s14] =	ssyncset.done $0x0  }
0x578: {  	[sflag:s14] =	ssyncadd.s32 $0xFFFFFF80  }
0x579: {  	_ =	swait.ge [sflag:s14], $0x80  }
0x57a: {  	[sflag:s14] =	ssyncset.done $0x0  }
0x57b: {  	[sflag:s14] =	ssyncadd.s32 $0xFFFFFF80  }
0x57c: {  	_ =	swait.ge [sflag:s14], $0x80  }
0x57d: {  	[sflag:s14] =	ssyncset.done $0x0  }
0x57e: {  	[sflag:s14] =	ssyncadd.s32 $0xFFFFFF80  }
.Ltmp12:
0x57f: {  	_ =	swait.ge [sflag:s14], $0x80;
	(pc) =	sbr.rel @p0 .LBB2_26-.Ltmp12, $4  }
0x580: {  	[sflag:s14] =	ssyncset.done $0x0  }
0x581: {  	[sflag:s14] =	ssyncadd.s32 $0xFFFFFF80  }
0x582: {  	_ =	swait.ge [sflag:s14], $0x80  }
0x583: {  	[sflag:s14] =	ssyncset.done $0x0  }
0x584: {  	[sflag:s14] =	ssyncadd.s32 $0xFFFFFF80;
	s0 =	rddreg [dreg:$0x7]  }
0x585: {  	[hbm4b:s0+s2] =	stream.linear.scatter [tilespmem:s31], [sflag:$0x3], $0x8000, $0x38;
	[tilespmem:$0x10800] =	vst v63  }
0x586: {  	s31 =	simm.s32 $0x3  }
0x587: {  	_ =	swait.ge [sflag:s31], $0x8000  }
0x588: {  	[sflag:s31] =	ssyncset.done $0x0  }
0x589: {  	[sflag:s31] =	ssyncadd.s32 $0xFFFF8000  }
0x58a: {  	_ =	swait.ge [sflag:s17], $0x80  }
0x58b: {  	[sflag:s17] =	ssyncset.done $0x0  }
0x58c: {  	[sflag:s17] =	ssyncadd.s32 $0xFFFFFF80  }
0x58d: {  	_ =	swait.ge [sflag:s17], $0x80  }
0x58e: {  	[sflag:s17] =	ssyncset.done $0x0  }
0x58f: {  	[sflag:s17] =	ssyncadd.s32 $0xFFFFFF80  }
0x590: {  	_ =	swait.ge [sflag:s17], $0x80  }
0x591: {  	[sflag:s17] =	ssyncset.done $0x0  }
0x592: {  	[sflag:s17] =	ssyncadd.s32 $0xFFFFFF80  }
0x593: {  	_ =	swait.ge [sflag:s17], $0x80  }
0x594: {  	[sflag:s17] =	ssyncset.done $0x0  }
0x595: {  	[sflag:s17] =	ssyncadd.s32 $0xFFFFFF80  }
0x596: {  	_ =	swait.ge [sflag:s17], $0x80  }
0x597: {  	[sflag:s17] =	ssyncset.done $0x0  }
0x598: {  	[sflag:s17] =	ssyncadd.s32 $0xFFFFFF80  }
0x599: {  	_ =	swait.ge [sflag:s17], $0x80  }
0x59a: {  	[sflag:s17] =	ssyncset.done $0x0  }
0x59b: {  	[sflag:s17] =	ssyncadd.s32 $0xFFFFFF80  }
0x59c: {  	_ =	swait.ge [sflag:s17], $0x80  }
0x59d: {  	[sflag:s17] =	ssyncset.done $0x0  }
0x59e: {  	[sflag:s17] =	ssyncadd.s32 $0xFFFFFF80  }
0x59f: {  	_ =	swait.ge [sflag:s17], $0x80  }
0x5a0: {  	[sflag:s17] =	ssyncset.done $0x0  }
0x5a1: {  	[sflag:s17] =	ssyncadd.s32 $0xFFFFFF80  }
0x5a2: {  	_ =	swait.ge [sflag:s17], $0x80  }
0x5a3: {  	[sflag:s17] =	ssyncset.done $0x0  }
0x5a4: {  	[sflag:s17] =	ssyncadd.s32 $0xFFFFFF80  }
0x5a5: {  	_ =	swait.ge [sflag:s17], $0x80  }
0x5a6: {  	[sflag:s17] =	ssyncset.done $0x0  }
0x5a7: {  	[sflag:s17] =	ssyncadd.s32 $0xFFFFFF80  }
0x5a8: {  	_ =	swait.ge [sflag:s17], $0x80  }
0x5a9: {  	[sflag:s17] =	ssyncset.done $0x0  }
0x5aa: {  	[sflag:s17] =	ssyncadd.s32 $0xFFFFFF80  }
0x5ab: {  	_ =	swait.ge [sflag:s17], $0x80  }
0x5ac: {  	[sflag:s17] =	ssyncset.done $0x0  }
0x5ad: {  	[sflag:s17] =	ssyncadd.s32 $0xFFFFFF80  }
0x5ae: {  	_ =	swait.ge [sflag:s17], $0x80  }
0x5af: {  	[sflag:s17] =	ssyncset.done $0x0  }
0x5b0: {  	[sflag:s17] =	ssyncadd.s32 $0xFFFFFF80  }
0x5b1: {  	_ =	swait.ge [sflag:s17], $0x80  }
0x5b2: {  	[sflag:s17] =	ssyncset.done $0x0  }
0x5b3: {  	[sflag:s17] =	ssyncadd.s32 $0xFFFFFF80  }
0x5b4: {  	_ =	swait.ge [sflag:s17], $0x80  }
0x5b5: {  	[sflag:s17] =	ssyncset.done $0x0  }
0x5b6: {  	[sflag:s17] =	ssyncadd.s32 $0xFFFFFF80  }
0x5b7: {  	_ =	swait.ge [sflag:s17], $0x80  }
0x5b8: {  	s0 =	simm.s32 $0xF;
	[sflag:s17] =	ssyncset.done $0x0;
	s5 =	rddreg [dreg:$0xa]  }
.LBB2_28:
0x5b9: {  	p0 =	sne.s32 s0, $0x1;
	s0 =	sadd.s32 $0xFFFFFFFF, s0;
	[sflag:s17] =	ssyncadd.s32 $0xFFFFFF80  }
0x5ba: {  	_ =	swait.ge [sflag:s17], $0x80  }
0x5bb: {  	[sflag:s17] =	ssyncset.done $0x0  }
0x5bc: {  	[sflag:s17] =	ssyncadd.s32 $0xFFFFFF80  }
0x5bd: {  	_ =	swait.ge [sflag:s17], $0x80  }
0x5be: {  	[sflag:s17] =	ssyncset.done $0x0  }
0x5bf: {  	[sflag:s17] =	ssyncadd.s32 $0xFFFFFF80  }
0x5c0: {  	_ =	swait.ge [sflag:s17], $0x80  }
0x5c1: {  	[sflag:s17] =	ssyncset.done $0x0  }
0x5c2: {  	[sflag:s17] =	ssyncadd.s32 $0xFFFFFF80  }
0x5c3: {  	_ =	swait.ge [sflag:s17], $0x80  }
0x5c4: {  	[sflag:s17] =	ssyncset.done $0x0  }
0x5c5: {  	[sflag:s17] =	ssyncadd.s32 $0xFFFFFF80  }
0x5c6: {  	_ =	swait.ge [sflag:s17], $0x80  }
0x5c7: {  	[sflag:s17] =	ssyncset.done $0x0  }
0x5c8: {  	[sflag:s17] =	ssyncadd.s32 $0xFFFFFF80  }
0x5c9: {  	_ =	swait.ge [sflag:s17], $0x80  }
0x5ca: {  	[sflag:s17] =	ssyncset.done $0x0  }
0x5cb: {  	[sflag:s17] =	ssyncadd.s32 $0xFFFFFF80  }
0x5cc: {  	_ =	swait.ge [sflag:s17], $0x80  }
0x5cd: {  	[sflag:s17] =	ssyncset.done $0x0  }
0x5ce: {  	[sflag:s17] =	ssyncadd.s32 $0xFFFFFF80  }
0x5cf: {  	_ =	swait.ge [sflag:s17], $0x80  }
0x5d0: {  	[sflag:s17] =	ssyncset.done $0x0  }
0x5d1: {  	[sflag:s17] =	ssyncadd.s32 $0xFFFFFF80  }
0x5d2: {  	_ =	swait.ge [sflag:s17], $0x80  }
0x5d3: {  	[sflag:s17] =	ssyncset.done $0x0  }
0x5d4: {  	[sflag:s17] =	ssyncadd.s32 $0xFFFFFF80  }
0x5d5: {  	_ =	swait.ge [sflag:s17], $0x80  }
0x5d6: {  	[sflag:s17] =	ssyncset.done $0x0  }
0x5d7: {  	[sflag:s17] =	ssyncadd.s32 $0xFFFFFF80  }
0x5d8: {  	_ =	swait.ge [sflag:s17], $0x80  }
0x5d9: {  	[sflag:s17] =	ssyncset.done $0x0  }
0x5da: {  	[sflag:s17] =	ssyncadd.s32 $0xFFFFFF80  }
0x5db: {  	_ =	swait.ge [sflag:s17], $0x80  }
0x5dc: {  	[sflag:s17] =	ssyncset.done $0x0  }
0x5dd: {  	[sflag:s17] =	ssyncadd.s32 $0xFFFFFF80  }
0x5de: {  	_ =	swait.ge [sflag:s17], $0x80  }
0x5df: {  	[sflag:s17] =	ssyncset.done $0x0  }
0x5e0: {  	[sflag:s17] =	ssyncadd.s32 $0xFFFFFF80  }
0x5e1: {  	_ =	swait.ge [sflag:s17], $0x80  }
0x5e2: {  	[sflag:s17] =	ssyncset.done $0x0  }
0x5e3: {  	[sflag:s17] =	ssyncadd.s32 $0xFFFFFF80  }
.Ltmp13:
0x5e4: {  	_ =	swait.ge [sflag:s17], $0x80;
	(pc) =	sbr.rel @p0 .LBB2_28-.Ltmp13, $4  }
0x5e5: {  	[sflag:s17] =	ssyncset.done $0x0  }
0x5e6: {  	[sflag:s17] =	ssyncadd.s32 $0xFFFFFF80  }
0x5e7: {  	_ =	swait.ge [sflag:s17], $0x80  }
0x5e8: {  	[sflag:s17] =	ssyncset.done $0x0  }
0x5e9: {  	[sflag:s17] =	ssyncadd.s32 $0xFFFFFF80  }
0x5ea: {  	s0 =	rddreg [dreg:$0x8];
	s1 =	simm.s32 $0x8800;
	s30 =	simm.s32 $0x3  }
0x5eb: {  	[hbm4b:s0+s2] =	stream.linear.scatter [tilespmem:s1], [sflag:$0x3], $0x8000, $0x38;
	[tilespmem:$0x10800] =	vst v63  }
0x5ec: {  	_ =	swait.ge [sflag:s30], $0x8000  }
0x5ed: {  	s5 =	sadd.s32 $0x1, s5;
	s31 =	rddreg [dreg:$0x9]  }
0x5ee: {  	p0 =	sne.s32 s5, s31  }
.Ltmp14:
0x5ef: {  	_ = 	snop;
	(pc) =	sbr.rel @p0 .LBB2_1-.Ltmp14, $4  }
.Ltmp15:
0x5f0: {  	_ = 	snop;
	(pc) =	sbr.rel @!p0 .LBB2_30-.Ltmp15, $4  }
0x5f1: {  	_ = 	snop  }
0x5f2: {  	[sflag:s30] =	ssyncset.done $0x0  }
0x5f3: {  	[sflag:s30] =	ssyncadd.s32 $0xFFFF8000  }
0x5f4: {  	_ = 	snop  }
.LBB2_4:
.Ltmp16:
0x5f5: {  	(pc) =	sbr.rel .LBB2_9-.Ltmp16, $2  }
0x5f6: {  	_ =	sdelay $0x2  }
0x5f7: {  	s22 =	simm.s32 $0x0;
	s21 =	simm.s32 $0x0  }
.LBB2_6:
.Ltmp17:
0x5f8: {  	(pc) =	sbr.rel .LBB2_9-.Ltmp17, $2  }
0x5f9: {  	_ =	sdelay $0x2  }
0x5fa: {  	s20 =	simm.s32 $0x10  }
.LBB2_30:
0x5fb: {  	_ =	sfence.sel $0x180000  }
0x5fc: {  	[bflag:$0x0] =	sbarrier.arrive $0xFFFF  }
0x5fd: {  	_ =	strace $0x90000047  }
0x5fe: {  	s0 =	stileid.u32;
	[bflag:$0x2] =	sbarrier.arrive $0xFFFF  }
0x5ff: {  	p0 =	sne.s32 s0, $0x0;
	s0 =	rddreg [dreg:$0x1]  }
0x600: {  	s0 =	sadd.s32 @!p0 $0x100000, s0  }
0x601: {  	[sflag:s0] =	ssyncadd.tile.s32 @!p0 $0x1;
	_ =	shalt  }
.Lfunc_end2:
_tile_overlayer_lowered:
.L_overlay_start_2:
0x602: {  	(tag) =	ssettag $0x2  }
0x603: {  	s0 =	rddreg [dreg:$0x0];
	s2 =	stileid.u32  }
0x604: {  	s1 =	rddreg [dreg:$0x1];
	p0 =	sne.s32 s2, $0x0  }
0x605: {  	s3 =	rddreg [dreg:$0x2];
	[bflag:$0x3] =	sbarrier.arrive $0xFFFF;
	s2 =	simm.s32 @!p0 $0x1C04  }
0x606: {  	[timem:s3], [sflag:s2] =	dma.local @!p0 [hbm:s0], s1  }
0x607: {  	s0 =	simm.s32 @!p0 $0x4  }
0x608: {  	_ =	swait.ge @!p0 [sflag:s0], s1  }
0x609: {  	s1 =	ssub.s32 @!p0 $0x0, s1;
	[sflag:s0] =	ssyncset.done @!p0 $0x0  }
0x60a: {  	[sflag:s0] =	ssyncadd.s32 @!p0 s1  }
0x60b: {  	[bflag:$0x3] =	sbarrier.arrive $0xFFFF  }
0x60c: {  	_ =	shalt  }

</sc_bundles>
